<compile_context>
chip_gen: v7x
topology: tpu7x:2x2x1
jax: 0.10.2.dev20260603
libtpu: 0.0.44.dev20260713+nightly
codegen_flags: <defaults>
</compile_context>

<pallas_src>
import functools

import jax
import jax.numpy as jnp
from jax import lax
from jax.experimental import pallas as pl
from jax.experimental.pallas import tpu as pltpu
from jax.experimental.pallas import tpu_sc as plsc

B, N, S, D, C = 16, 50000, 1024, 6, 20
BS = B * S
NW = 32
BPW = BS // NW
LANES = 16

Nb = 8192
NBLK = -(-N // Nb)
BH = B



def _sc_gather(idx_flat, vm_flat, pc_flat, vl_flat):
    mesh = plsc.VectorSubcoreMesh(core_axis_name="c", subcore_axis_name="s")

    @functools.partial(
        pl.kernel,
        out_type=jax.ShapeDtypeStruct((4 * BS,), jnp.float32),
        mesh=mesh,
        scratch_types=(
            pltpu.VMEM((BPW,), jnp.int32),
            pltpu.VMEM((BPW,), jnp.int32),
            pltpu.VMEM((BPW,), jnp.int32),
            pltpu.VMEM((BPW,), jnp.float32),
            pltpu.VMEM((3 * BPW,), jnp.int32),
            pltpu.VMEM((3 * BPW,), jnp.float32),
            pltpu.VMEM((3 * BPW,), jnp.float32),
            pltpu.SemaphoreType.DMA,
            pltpu.SemaphoreType.DMA,
            pltpu.SemaphoreType.DMA,
        ),
    )
    def k(idx_hbm, vm_hbm, pc_hbm, vl_hbm, mg_out,
          idx_v, im_v, vmg_v, mf_v, ind3_v, pcg_v, vlg_v, sem0, sem1, sem2):
        wid = lax.axis_index("s") * 2 + lax.axis_index("c")
        base = wid * BPW
        pltpu.sync_copy(idx_hbm.at[pl.ds(base, BPW)], idx_v)
        b = base // S
        for i in range(BPW // LANES):
            sl = pl.ds(i * LANES, LANES)
            im_v[sl] = idx_v[sl] + b * N
        for c in range(3):
            off = (c * B + b) * N
            for i in range(BPW // LANES):
                sl = pl.ds(c * BPW + i * LANES, LANES)
                ind3_v[sl] = idx_v[pl.ds(i * LANES, LANES)] + off
        cp0 = pltpu.async_copy(vm_hbm.at[im_v], vmg_v, sem0)
        cp1 = pltpu.async_copy(pc_hbm.at[ind3_v], pcg_v, sem1)
        cp2 = pltpu.async_copy(vl_hbm.at[ind3_v], vlg_v, sem2)
        s0 = base - b * S
        cp0.wait()
        for i in range(BPW // LANES):
            sl = pl.ds(i * LANES, LANES)
            mf_v[sl] = vmg_v[sl].astype(jnp.float32)
        pltpu.sync_copy(mf_v, mg_out.at[pl.ds((b * 4 + 3) * S + s0, BPW)])
        cp1.wait()
        cp2.wait()
        for i in range(3 * BPW // LANES):
            sl = pl.ds(i * LANES, LANES)
            pcg_v[sl] = pcg_v[sl] + vlg_v[sl]
        for c in range(3):
            pltpu.sync_copy(pcg_v.at[pl.ds(c * BPW, BPW)],
                            mg_out.at[pl.ds((b * 4 + c) * S + s0, BPW)])

    return k(idx_flat, vm_flat, pc_flat, vl_flat)



def _votes_body(p0_ref, p1_ref, p2_ref, p3_ref, mg_ref, out_ref):
    m = mg_ref[:, 3, :]
    g = mg_ref[:, 0:3, :]
    inv = 1.0 - m
    den1 = jnp.sum(m, axis=1, keepdims=True)
    den2 = jnp.sum(inv, axis=1, keepdims=True) + 1e-5
    shift = (lax.broadcasted_iota(jnp.int32, (B, 3, S), 1) == 2).astype(
        jnp.float32)
    acc = jnp.float32(0.0)
    for p_ref in (p0_ref, p1_ref, p2_ref, p3_ref):
        p = p_ref[...]
        err = jnp.sum(jnp.abs(p - g), axis=1)
        erro = jnp.sum(jnp.abs(p + shift), axis=1)
        num1 = jnp.sum(m * err, axis=1, keepdims=True)
        num2 = jnp.sum(inv * erro, axis=1, keepdims=True)
        acc = acc + jnp.sum(num1 / den1 + num2 / den2)
    out_ref[0, 0] = acc / B


def _votes_pallas(p0, p1, p2, p3, mg4):
    return pl.pallas_call(
        _votes_body,
        in_specs=[
            pl.BlockSpec((B, 3, S), lambda: (0, 0, 0)),
            pl.BlockSpec((B, 3, S), lambda: (0, 0, 0)),
            pl.BlockSpec((B, 3, S), lambda: (0, 0, 0)),
            pl.BlockSpec((B, 3, S), lambda: (0, 0, 0)),
            pl.BlockSpec((B, 4, S), lambda: (0, 0, 0)),
        ],
        out_specs=pl.BlockSpec(memory_space=pltpu.SMEM),
        out_shape=jax.ShapeDtypeStruct((1, 1), jnp.float32),
    )(p0, p1, p2, p3, mg4)



def _ce_tile(x, lbl):
    lse = jnp.log(jnp.sum(jnp.exp(x), axis=0, keepdims=True))
    iota_c = lax.broadcasted_iota(jnp.int32, x.shape, 0)
    sel = jnp.where(iota_c == lbl[None], x, 0.0)
    return jnp.sum(lse) - jnp.sum(sel)


def _ce_body(x_ref, lbl_ref, out_ref):
    j = pl.program_id(0)
    lbl = lbl_ref[...]

    @pl.when(j == 0)
    def _():
        out_ref[0, 0] = 0.0

    @pl.when(j < NBLK - 1)
    def _():
        out_ref[0, 0] += _ce_tile(x_ref[...], lbl)

    @pl.when(j == NBLK - 1)
    def _():
        ntail = N - (NBLK - 1) * Nb
        x = x_ref[:, :, :ntail]
        tile = _ce_tile(x, lbl[:, :ntail])
        out_ref[0, 0] = (out_ref[0, 0] + tile) / (B * N)


def _ce_pallas(logits_t, labels):
    return pl.pallas_call(
        _ce_body,
        grid=(NBLK,),
        in_specs=[
            pl.BlockSpec((C, BH, Nb), lambda j: (0, 0, j)),
            pl.BlockSpec((BH, Nb), lambda j: (0, j)),
        ],
        out_specs=pl.BlockSpec(memory_space=pltpu.SMEM),
        out_shape=jax.ShapeDtypeStruct((1, 1), jnp.float32),
    )(logits_t, labels)



def kernel(sample_indices, vote_mask, point_mask, point_clouds, vote_label,
           point_cls_label, predicted_seeds_0, predicted_seeds_1,
           predicted_seeds_2, predicted_seeds_3, seed_part_logits, epoch):
    del point_mask, epoch
    mg = _sc_gather(
        sample_indices.reshape(BS).astype(jnp.int32),
        vote_mask.reshape(B * N).astype(jnp.int32),
        point_clouds.transpose(2, 0, 1)[:3].reshape(3 * B * N),
        vote_label.transpose(2, 0, 1).reshape(3 * B * N))

    votes = _votes_pallas(
        predicted_seeds_0.transpose(0, 3, 1, 2).reshape(B, 3, S),
        predicted_seeds_1.transpose(0, 3, 1, 2).reshape(B, 3, S),
        predicted_seeds_2.transpose(0, 3, 1, 2).reshape(B, 3, S),
        predicted_seeds_3.transpose(0, 3, 1, 2).reshape(B, 3, S),
        mg.reshape(B, 4, S))

    ce = _ce_pallas(seed_part_logits.transpose(2, 0, 1),
                    point_cls_label.astype(jnp.int32))

    return votes[0, 0] + ce[0, 0]

# --- scband reference (transcript-rebuilt; emitter-appended) ---
"""Pipeline reference for scband-seg-loss-21947282883125 (READ-ONLY COPY).

The authoritative reference and input builder live on the scoring server;
editing this copy changes nothing except your own understanding.
"""

import jax, jax.numpy as jnp
import numpy as np

SEG_WEIGHT = 1.0
ONLY_LAST = False
LTYPE = 'l1'
EN = 4


def setup_inputs(seed: int = 0) -> dict:
    key = jax.random.key(seed)
    ks = jax.random.split(key, 12)
    B, N, S, D, C = 16, 50000, 1024, 6, 20
    inp = {}
    inp['sample_indices'] = jax.random.randint(ks[0], (B, S), 0, N)
    inp['vote_mask'] = jax.random.randint(ks[1], (B, N), 0, 2)
    inp['point_mask'] = jax.random.randint(ks[2], (B, N), 0, 2)
    inp['point_clouds'] = jax.random.normal(ks[3], (B, N, D), dtype=jnp.float32)
    inp['vote_label'] = jax.random.normal(ks[4], (B, N, 3), dtype=jnp.float32)
    inp['point_cls_label'] = jax.random.randint(ks[5], (B, N), 0, C)
    inp['predicted_seeds_0'] = jax.random.normal(ks[6], (B, 1, S, 3), dtype=jnp.float32)
    inp['predicted_seeds_1'] = jax.random.normal(ks[7], (B, 1, S, 3), dtype=jnp.float32)
    inp['predicted_seeds_2'] = jax.random.normal(ks[8], (B, 1, S, 3), dtype=jnp.float32)
    inp['predicted_seeds_3'] = jax.random.normal(ks[9], (B, 1, S, 3), dtype=jnp.float32)
    inp['seed_part_logits'] = jax.random.normal(ks[10], (B, N, C), dtype=jnp.float32)
    inp['epoch'] = 0
    return inp


def reference(sample_indices, vote_mask, point_mask, point_clouds, vote_label, point_cls_label, predicted_seeds_0, predicted_seeds_1, predicted_seeds_2, predicted_seeds_3, seed_part_logits, epoch):
    preds = [predicted_seeds_0, predicted_seeds_1, predicted_seeds_2, predicted_seeds_3]
    # gather masks along point dim with sampled seed indices
    seed_gt_votes_mask = jnp.take_along_axis(vote_mask, sample_indices, axis=1).astype(jnp.float32)
    point_gt_mask = jnp.take_along_axis(point_mask, sample_indices, axis=1).astype(jnp.float32).reshape(-1).astype(jnp.int32)  # computed in original forward, unused downstream
    idx = sample_indices[..., None]
    pc_g = jnp.take_along_axis(point_clouds, jnp.tile(idx, (1, 1, point_clouds.shape[-1])), axis=1)[..., :3]
    vl_g = jnp.take_along_axis(vote_label, jnp.tile(idx, (1, 1, vote_label.shape[-1])), axis=1)[..., :3]
    seed_gt_votes = pc_g + vl_g
    weights = np.linspace(1, 1, EN)
    other_target = jnp.array([0.0, 0.0, -1.0], dtype=jnp.float32).reshape(1, 1, 3)
    votes_loss = 0.0
    start = EN - 1 if ONLY_LAST else 0
    for i in range(start, EN):
        p = preds[i].sum(1)
        delta = p - seed_gt_votes
        if LTYPE == 'l1':
            error = jnp.abs(delta).sum(-1)
            error_other = jnp.abs(p - other_target).sum(-1)
        else:
            error = (delta ** 2).sum(-1)
            error_other = ((p - other_target) ** 2).sum(-1)
        c_vote_loss = weights[i] * (1 * (seed_gt_votes_mask * error).sum(-1) / seed_gt_votes_mask.sum(-1) + 1 * ((-seed_gt_votes_mask + 1) * error_other).sum(-1) / ((-seed_gt_votes_mask + 1).sum(-1) + 1e-05)).mean()
        votes_loss = votes_loss + c_vote_loss
    logits = seed_part_logits.reshape(-1, seed_part_logits.shape[-1])
    tgt = point_cls_label.reshape(-1).astype(jnp.int32)
    logp = jax.nn.log_softmax(logits, axis=-1)
    point_part_loss = -jnp.take_along_axis(logp, tgt[:, None], axis=1).squeeze(-1).mean()
    total_loss = votes_loss + SEG_WEIGHT * point_part_loss
    return total_loss


if False:  # reference __main__ guard neutralized (emitter)
    out = reference(**setup_inputs())
    print(out)

if __name__ == "__main__":
    import jax
    _d = setup_inputs()
    print(jax.jit(kernel)(*tuple(_d.values())))

</pallas_src>

<mosaic_0001>
#map = affine_map<(d0, d1) -> (0)>
module attributes {stable_mosaic.version = 14 : i64} {
  func.func @k(%arg0: i32, %arg1: i32, %arg2: memref<16384xi32, #tpu.memory_space<hbm>>, %arg3: memref<800000xi32, #tpu.memory_space<hbm>>, %arg4: memref<2400000xf32, #tpu.memory_space<hbm>>, %arg5: memref<2400000xf32, #tpu.memory_space<hbm>>, %arg6: memref<65536xf32, #tpu.memory_space<hbm>>, %arg7: memref<512xi32, #tpu.memory_space<vmem>>, %arg8: memref<512xi32, #tpu.memory_space<vmem>>, %arg9: memref<512xi32, #tpu.memory_space<vmem>>, %arg10: memref<512xf32, #tpu.memory_space<vmem>>, %arg11: memref<1536xi32, #tpu.memory_space<vmem>>, %arg12: memref<1536xf32, #tpu.memory_space<vmem>>, %arg13: memref<1536xf32, #tpu.memory_space<vmem>>, %arg14: memref<!tpu.dma_semaphore, #tpu.memory_space<semaphore_mem>>, %arg15: memref<!tpu.dma_semaphore, #tpu.memory_space<semaphore_mem>>, %arg16: memref<!tpu.dma_semaphore, #tpu.memory_space<semaphore_mem>>) attributes {dimension_semantics = [#tpu.dimension_semantics<core_parallel>, #tpu.dimension_semantics<subcore_parallel>], iteration_bounds = array<i64: 2, 16>, scalar_prefetch = 0 : i64, scratch_operands = 10 : i64, tpu.core_type = #tpu.core_type<sc_vector_subcore>, window_params = [{transform_indices = #map}, {transform_indices = #map}, {transform_indices = #map}, {transform_indices = #map}, {transform_indices = #map}]} {
    %mul3A = arith.constant 2 : i32
    %mul3A_0 = arith.muli %arg1, %mul3A : i32
    %add3A = arith.addi %mul3A_0, %arg0 : i32
    %mul3A_1 = arith.constant 512 : i32
    %mul3A_2 = arith.muli %add3A, %mul3A_1 : i32
    "tpu.region"() ({
      %run_scoped3A = tpu.sem_alloc : memref<!tpu.dma_semaphore, #tpu.memory_space<semaphore_mem>>
      %dma_start3A_2597 = tpu.memref_slice %arg2[%mul3A_2] : memref<16384xi32, #tpu.memory_space<hbm>> -> memref<512xi32, #tpu.memory_space<hbm>>
      %dma_start3A_2598 = tpu.memref_slice %arg2[%mul3A_2] : memref<16384xi32, #tpu.memory_space<hbm>> -> memref<512xi32, #tpu.memory_space<hbm>>
      tpu.enqueue_dma source(%dma_start3A_2598 : memref<512xi32, #tpu.memory_space<hbm>>) target(%arg7 : memref<512xi32, #tpu.memory_space<vmem>>) target_semaphore(%run_scoped3A : memref<!tpu.dma_semaphore, #tpu.memory_space<semaphore_mem>>)
      %dma_wait3A_2599 = tpu.memref_slice %arg2[%mul3A_2] : memref<16384xi32, #tpu.memory_space<hbm>> -> memref<512xi32, #tpu.memory_space<hbm>>
      %dma_wait3A_2600 = tpu.memref_slice %arg2[%mul3A_2] : memref<16384xi32, #tpu.memory_space<hbm>> -> memref<512xi32, #tpu.memory_space<hbm>>
      tpu.wait_dma2 semaphore(%run_scoped3A : memref<!tpu.dma_semaphore, #tpu.memory_space<semaphore_mem>>) src(%dma_wait3A_2600 : memref<512xi32, #tpu.memory_space<hbm>>) dst(%arg7 : memref<512xi32, #tpu.memory_space<vmem>>)
      tpu.yield
    }) : () -> ()
    %jit3A = arith.constant 1024 : i32
    %div3A = arith.divsi %mul3A_2, %jit3A : i32
    %sign3A = arith.constant 0 : i32
    %sign3A_3 = arith.cmpi sgt, %mul3A_2, %sign3A : i32
    %sign3A_4 = arith.extui %sign3A_3 : i1 to i32
    %sign3A_5 = arith.constant 0 : i32
    %sign3A_6 = arith.cmpi slt, %mul3A_2, %sign3A_5 : i32
    %sign3A_7 = arith.extui %sign3A_6 : i1 to i32
    %sign3A_8 = arith.subi %sign3A_4, %sign3A_7 : i32
    %sign3A_9 = arith.constant 0 : i32
    %sign3A_10 = arith.cmpi sgt, %jit3A, %sign3A_9 : i32
    %sign3A_11 = arith.extui %sign3A_10 : i1 to i32
    %sign3A_12 = arith.constant 0 : i32
    %sign3A_13 = arith.cmpi slt, %jit3A, %sign3A_12 : i32
    %sign3A_14 = arith.extui %sign3A_13 : i1 to i32
    %sign3A_15 = arith.subi %sign3A_11, %sign3A_14 : i32
    %ne3A = arith.cmpi ne, %sign3A_8, %sign3A_15 : i32
    %rem3A = arith.remsi %mul3A_2, %jit3A : i32
    %ne3A_16 = arith.constant 0 : i32
    %ne3A_17 = arith.cmpi ne, %rem3A, %ne3A_16 : i32
    %and3A = arith.andi %ne3A, %ne3A_17 : i1
    %sub3A = arith.constant 1 : i32
    %sub3A_18 = arith.subi %div3A, %sub3A : i32
    %select_n3A = arith.select %and3A, %sub3A_18, %div3A : i32
    %get3A = arith.constant 0 : index
    %get3A_19 = tpu.vector_load %arg7[%get3A] {strides = array<i32>} : memref<512xi32, #tpu.memory_space<vmem>>, vector<16xi32>,
    %get3A_20 = vector.shape_cast %get3A_19 : vector<16xi32> to vector<16xi32>
    %mul3A_21 = arith.constant 50000 : i32
    %mul3A_22 = arith.muli %select_n3A, %mul3A_21 : i32
    %add3A_23 = vector.broadcast %mul3A_22 : i32 to vector<16xi32>
    %add3A_24 = arith.addi %get3A_20, %add3A_23 : vector<16xi32>
    %swap3A = arith.constant 0 : index
    %swap3A_25 = tpu.vector_load %arg8[%swap3A] {strides = array<i32>} : memref<512xi32, #tpu.memory_space<vmem>>, vector<16xi32>,
    %swap3A_26 = vector.shape_cast %swap3A_25 : vector<16xi32> to vector<16xi32>
    %swap3A_27 = vector.shape_cast %add3A_24 : vector<16xi32> to vector<16xi32>
    tpu.vector_store %arg8[%swap3A], %swap3A_27 {strides = array<i32>} : memref<512xi32, #tpu.memory_space<vmem>>, vector<16xi32>,
    %get3A_28 = arith.constant 16 : index
    %get3A_29 = tpu.vector_load %arg7[%get3A_28] {strides = array<i32>} : memref<512xi32, #tpu.memory_space<vmem>>, vector<16xi32>,
    %get3A_30 = vector.shape_cast %get3A_29 : vector<16xi32> to vector<16xi32>
    %mul3A_31 = arith.constant 50000 : i32
    %mul3A_32 = arith.muli %select_n3A, %mul3A_31 : i32
    %add3A_33 = vector.broadcast %mul3A_32 : i32 to vector<16xi32>
    %add3A_34 = arith.addi %get3A_30, %add3A_33 : vector<16xi32>
    %swap3A_35 = arith.constant 16 : index
    %swap3A_36 = tpu.vector_load %arg8[%swap3A_35] {strides = array<i32>} : memref<512xi32, #tpu.memory_space<vmem>>, vector<16xi32>,
    %swap3A_37 = vector.shape_cast %swap3A_36 : vector<16xi32> to vector<16xi32>
    %swap3A_38 = vector.shape_cast %add3A_34 : vector<16xi32> to vector<16xi32>
    tpu.vector_store %arg8[%swap3A_35], %swap3A_38 {strides = array<i32>} : memref<512xi32, #tpu.memory_space<vmem>>, vector<16xi32>,
    %get3A_39 = arith.constant 32 : index
    %get3A_40 = tpu.vector_load %arg7[%get3A_39] {strides = array<i32>} : memref<512xi32, #tpu.memory_space<vmem>>, vector<16xi32>,
    %get3A_41 = vector.shape_cast %get3A_40 : vector<16xi32> to vector<16xi32>
    %mul3A_42 = arith.constant 50000 : i32
    %mul3A_43 = arith.muli %select_n3A, %mul3A_42 : i32
    %add3A_44 = vector.broadcast %mul3A_43 : i32 to vector<16xi32>
    %add3A_45 = arith.addi %get3A_41, %add3A_44 : vector<16xi32>
    %swap3A_46 = arith.constant 32 : index
    %swap3A_47 = tpu.vector_load %arg8[%swap3A_46] {strides = array<i32>} : memref<512xi32, #tpu.memory_space<vmem>>, vector<16xi32>,
    %swap3A_48 = vector.shape_cast %swap3A_47 : vector<16xi32> to vector<16xi32>
    %swap3A_49 = vector.shape_cast %add3A_45 : vector<16xi32> to vector<16xi32>
    tpu.vector_store %arg8[%swap3A_46], %swap3A_49 {strides = array<i32>} : memref<512xi32, #tpu.memory_space<vmem>>, vector<16xi32>,
    %get3A_50 = arith.constant 48 : index
    %get3A_51 = tpu.vector_load %arg7[%get3A_50] {strides = array<i32>} : memref<512xi32, #tpu.memory_space<vmem>>, vector<16xi32>,
    %get3A_52 = vector.shape_cast %get3A_51 : vector<16xi32> to vector<16xi32>
    %mul3A_53 = arith.constant 50000 : i32
    %mul3A_54 = arith.muli %select_n3A, %mul3A_53 : i32
    %add3A_55 = vector.broadcast %mul3A_54 : i32 to vector<16xi32>
    %add3A_56 = arith.addi %get3A_52, %add3A_55 : vector<16xi32>
    %swap3A_57 = arith.constant 48 : index
    %swap3A_58 = tpu.vector_load %arg8[%swap3A_57] {strides = array<i32>} : memref<512xi32, #tpu.memory_space<vmem>>, vector<16xi32>,
    %swap3A_59 = vector.shape_cast %swap3A_58 : vector<16xi32> to vector<16xi32>
    %swap3A_60 = vector.shape_cast %add3A_56 : vector<16xi32> to vector<16xi32>
    tpu.vector_store %arg8[%swap3A_57], %swap3A_60 {strides = array<i32>} : memref<512xi32, #tpu.memory_space<vmem>>, vector<16xi32>,
    %get3A_61 = arith.constant 64 : index
    %get3A_62 = tpu.vector_load %arg7[%get3A_61] {strides = array<i32>} : memref<512xi32, #tpu.memory_space<vmem>>, vector<16xi32>,
    %get3A_63 = vector.shape_cast %get3A_62 : vector<16xi32> to vector<16xi32>
    %mul3A_64 = arith.constant 50000 : i32
    %mul3A_65 = arith.muli %select_n3A, %mul3A_64 : i32
    %add3A_66 = vector.broadcast %mul3A_65 : i32 to vector<16xi32>
    %add3A_67 = arith.addi %get3A_63, %add3A_66 : vector<16xi32>
    %swap3A_68 = arith.constant 64 : index
    %swap3A_69 = tpu.vector_load %arg8[%swap3A_68] {strides = array<i32>} : memref<512xi32, #tpu.memory_space<vmem>>, vector<16xi32>,
    %swap3A_70 = vector.shape_cast %swap3A_69 : vector<16xi32> to vector<16xi32>
    %swap3A_71 = vector.shape_cast %add3A_67 : vector<16xi32> to vector<16xi32>
    tpu.vector_store %arg8[%swap3A_68], %swap3A_71 {strides = array<i32>} : memref<512xi32, #tpu.memory_space<vmem>>, vector<16xi32>,
    %get3A_72 = arith.constant 80 : index
    %get3A_73 = tpu.vector_load %arg7[%get3A_72] {strides = array<i32>} : memref<512xi32, #tpu.memory_space<vmem>>, vector<16xi32>,
    %get3A_74 = vector.shape_cast %get3A_73 : vector<16xi32> to vector<16xi32>
    %mul3A_75 = arith.constant 50000 : i32
    %mul3A_76 = arith.muli %select_n3A, %mul3A_75 : i32
    %add3A_77 = vector.broadcast %mul3A_76 : i32 to vector<16xi32>
    %add3A_78 = arith.addi %get3A_74, %add3A_77 : vector<16xi32>
    %swap3A_79 = arith.constant 80 : index
    %swap3A_80 = tpu.vector_load %arg8[%swap3A_79] {strides = array<i32>} : memref<512xi32, #tpu.memory_space<vmem>>, vector<16xi32>,
    %swap3A_81 = vector.shape_cast %swap3A_80 : vector<16xi32> to vector<16xi32>
    %swap3A_82 = vector.shape_cast %add3A_78 : vector<16xi32> to vector<16xi32>
    tpu.vector_store %arg8[%swap3A_79], %swap3A_82 {strides = array<i32>} : memref<512xi32, #tpu.memory_space<vmem>>, vector<16xi32>,
    %get3A_83 = arith.constant 96 : index
    %get3A_84 = tpu.vector_load %arg7[%get3A_83] {strides = array<i32>} : memref<512xi32, #tpu.memory_space<vmem>>, vector<16xi32>,
    %get3A_85 = vector.shape_cast %get3A_84 : vector<16xi32> to vector<16xi32>
    %mul3A_86 = arith.constant 50000 : i32
    %mul3A_87 = arith.muli %select_n3A, %mul3A_86 : i32
    %add3A_88 = vector.broadcast %mul3A_87 : i32 to vector<16xi32>
    %add3A_89 = arith.addi %get3A_85, %add3A_88 : vector<16xi32>
    %swap3A_90 = arith.constant 96 : index
    %swap3A_91 = tpu.vector_load %arg8[%swap3A_90] {strides = array<i32>} : memref<512xi32, #tpu.memory_space<vmem>>, vector<16xi32>,
    %swap3A_92 = vector.shape_cast %swap3A_91 : vector<16xi32> to vector<16xi32>
    %swap3A_93 = vector.shape_cast %add3A_89 : vector<16xi32> to vector<16xi32>
    tpu.vector_store %arg8[%swap3A_90], %swap3A_93 {strides = array<i32>} : memref<512xi32, #tpu.memory_space<vmem>>, vector<16xi32>,
    %get3A_94 = arith.constant 112 : index
    %get3A_95 = tpu.vector_load %arg7[%get3A_94] {strides = array<i32>} : memref<512xi32, #tpu.memory_space<vmem>>, vector<16xi32>,
    %get3A_96 = vector.shape_cast %get3A_95 : vector<16xi32> to vector<16xi32>
    %mul3A_97 = arith.constant 50000 : i32
    %mul3A_98 = arith.muli %select_n3A, %mul3A_97 : i32
    %add3A_99 = vector.broadcast %mul3A_98 : i32 to vector<16xi32>
    %add3A_100 = arith.addi %get3A_96, %add3A_99 : vector<16xi32>
    %swap3A_101 = arith.constant 112 : index
    %swap3A_102 = tpu.vector_load %arg8[%swap3A_101] {strides = array<i32>} : memref<512xi32, #tpu.memory_space<vmem>>, vector<16xi32>,
    %swap3A_103 = vector.shape_cast %swap3A_102 : vector<16xi32> to vector<16xi32>
    %swap3A_104 = vector.shape_cast %add3A_100 : vector<16xi32> to vector<16xi32>
    tpu.vector_store %arg8[%swap3A_101], %swap3A_104 {strides = array<i32>} : memref<512xi32, #tpu.memory_space<vmem>>, vector<16xi32>,
    %get3A_105 = arith.constant 128 : index
    %get3A_106 = tpu.vector_load %arg7[%get3A_105] {strides = array<i32>} : memref<512xi32, #tpu.memory_space<vmem>>, vector<16xi32>,
    %get3A_107 = vector.shape_cast %get3A_106 : vector<16xi32> to vector<16xi32>
    %mul3A_108 = arith.constant 50000 : i32
    %mul3A_109 = arith.muli %select_n3A, %mul3A_108 : i32
    %add3A_110 = vector.broadcast %mul3A_109 : i32 to vector<16xi32>
    %add3A_111 = arith.addi %get3A_107, %add3A_110 : vector<16xi32>
    %swap3A_112 = arith.constant 128 : index
    %swap3A_113 = tpu.vector_load %arg8[%swap3A_112] {strides = array<i32>} : memref<512xi32, #tpu.memory_space<vmem>>, vector<16xi32>,
    %swap3A_114 = vector.shape_cast %swap3A_113 : vector<16xi32> to vector<16xi32>
    %swap3A_115 = vector.shape_cast %add3A_111 : vector<16xi32> to vector<16xi32>
    tpu.vector_store %arg8[%swap3A_112], %swap3A_115 {strides = array<i32>} : memref<512xi32, #tpu.memory_space<vmem>>, vector<16xi32>,
    %get3A_116 = arith.constant 144 : index
    %get3A_117 = tpu.vector_load %arg7[%get3A_116] {strides = array<i32>} : memref<512xi32, #tpu.memory_space<vmem>>, vector<16xi32>,
    %get3A_118 = vector.shape_cast %get3A_117 : vector<16xi32> to vector<16xi32>
    %mul3A_119 = arith.constant 50000 : i32
    %mul3A_120 = arith.muli %select_n3A, %mul3A_119 : i32
    %add3A_121 = vector.broadcast %mul3A_120 : i32 to vector<16xi32>
    %add3A_122 = arith.addi %get3A_118, %add3A_121 : vector<16xi32>
    %swap3A_123 = arith.constant 144 : index
    %swap3A_124 = tpu.vector_load %arg8[%swap3A_123] {strides = array<i32>} : memref<512xi32, #tpu.memory_space<vmem>>, vector<16xi32>,
    %swap3A_125 = vector.shape_cast %swap3A_124 : vector<16xi32> to vector<16xi32>
    %swap3A_126 = vector.shape_cast %add3A_122 : vector<16xi32> to vector<16xi32>
    tpu.vector_store %arg8[%swap3A_123], %swap3A_126 {strides = array<i32>} : memref<512xi32, #tpu.memory_space<vmem>>, vector<16xi32>,
    %get3A_127 = arith.constant 160 : index
    %get3A_128 = tpu.vector_load %arg7[%get3A_127] {strides = array<i32>} : memref<512xi32, #tpu.memory_space<vmem>>, vector<16xi32>,
    %get3A_129 = vector.shape_cast %get3A_128 : vector<16xi32> to vector<16xi32>
    %mul3A_130 = arith.constant 50000 : i32
    %mul3A_131 = arith.muli %select_n3A, %mul3A_130 : i32
    %add3A_132 = vector.broadcast %mul3A_131 : i32 to vector<16xi32>
    %add3A_133 = arith.addi %get3A_129, %add3A_132 : vector<16xi32>
    %swap3A_134 = arith.constant 160 : index
    %swap3A_135 = tpu.vector_load %arg8[%swap3A_134] {strides = array<i32>} : memref<512xi32, #tpu.memory_space<vmem>>, vector<16xi32>,
    %swap3A_136 = vector.shape_cast %swap3A_135 : vector<16xi32> to vector<16xi32>
    %swap3A_137 = vector.shape_cast %add3A_133 : vector<16xi32> to vector<16xi32>
    tpu.vector_store %arg8[%swap3A_134], %swap3A_137 {strides = array<i32>} : memref<512xi32, #tpu.memory_space<vmem>>, vector<16xi32>,
    %get3A_138 = arith.constant 176 : index
    %get3A_139 = tpu.vector_load %arg7[%get3A_138] {strides = array<i32>} : memref<512xi32, #tpu.memory_space<vmem>>, vector<16xi32>,
    %get3A_140 = vector.shape_cast %get3A_139 : vector<16xi32> to vector<16xi32>
    %mul3A_141 = arith.constant 50000 : i32
    %mul3A_142 = arith.muli %select_n3A, %mul3A_141 : i32
    %add3A_143 = vector.broadcast %mul3A_142 : i32 to vector<16xi32>
    %add3A_144 = arith.addi %get3A_140, %add3A_143 : vector<16xi32>
    %swap3A_145 = arith.constant 176 : index
    %swap3A_146 = tpu.vector_load %arg8[%swap3A_145] {strides = array<i32>} : memref<512xi32, #tpu.memory_space<vmem>>, vector<16xi32>,
    %swap3A_147 = vector.shape_cast %swap3A_146 : vector<16xi32> to vector<16xi32>
    %swap3A_148 = vector.shape_cast %add3A_144 : vector<16xi32> to vector<16xi32>
    tpu.vector_store %arg8[%swap3A_145], %swap3A_148 {strides = array<i32>} : memref<512xi32, #tpu.memory_space<vmem>>, vector<16xi32>,
    %get3A_149 = arith.constant 192 : index
    %get3A_150 = tpu.vector_load %arg7[%get3A_149] {strides = array<i32>} : memref<512xi32, #tpu.memory_space<vmem>>, vector<16xi32>,
    %get3A_151 = vector.shape_cast %get3A_150 : vector<16xi32> to vector<16xi32>
    %mul3A_152 = arith.constant 50000 : i32
    %mul3A_153 = arith.muli %select_n3A, %mul3A_152 : i32
    %add3A_154 = vector.broadcast %mul3A_153 : i32 to vector<16xi32>
    %add3A_155 = arith.addi %get3A_151, %add3A_154 : vector<16xi32>
    %swap3A_156 = arith.constant 192 : index
    %swap3A_157 = tpu.vector_load %arg8[%swap3A_156] {strides = array<i32>} : memref<512xi32, #tpu.memory_space<vmem>>, vector<16xi32>,
    %swap3A_158 = vector.shape_cast %swap3A_157 : vector<16xi32> to vector<16xi32>
    %swap3A_159 = vector.shape_cast %add3A_155 : vector<16xi32> to vector<16xi32>
    tpu.vector_store %arg8[%swap3A_156], %swap3A_159 {strides = array<i32>} : memref<512xi32, #tpu.memory_space<vmem>>, vector<16xi32>,
    %get3A_160 = arith.constant 208 : index
    %get3A_161 = tpu.vector_load %arg7[%get3A_160] {strides = array<i32>} : memref<512xi32, #tpu.memory_space<vmem>>, vector<16xi32>,
    %get3A_162 = vector.shape_cast %get3A_161 : vector<16xi32> to vector<16xi32>
    %mul3A_163 = arith.constant 50000 : i32
    %mul3A_164 = arith.muli %select_n3A, %mul3A_163 : i32
    %add3A_165 = vector.broadcast %mul3A_164 : i32 to vector<16xi32>
    %add3A_166 = arith.addi %get3A_162, %add3A_165 : vector<16xi32>
    %swap3A_167 = arith.constant 208 : index
    %swap3A_168 = tpu.vector_load %arg8[%swap3A_167] {strides = array<i32>} : memref<512xi32, #tpu.memory_space<vmem>>, vector<16xi32>,
    %swap3A_169 = vector.shape_cast %swap3A_168 : vector<16xi32> to vector<16xi32>
    %swap3A_170 = vector.shape_cast %add3A_166 : vector<16xi32> to vector<16xi32>
    tpu.vector_store %arg8[%swap3A_167], %swap3A_170 {strides = array<i32>} : memref<512xi32, #tpu.memory_space<vmem>>, vector<16xi32>,
    %get3A_171 = arith.constant 224 : index
    %get3A_172 = tpu.vector_load %arg7[%get3A_171] {strides = array<i32>} : memref<512xi32, #tpu.memory_space<vmem>>, vector<16xi32>,
    %get3A_173 = vector.shape_cast %get3A_172 : vector<16xi32> to vector<16xi32>
    %mul3A_174 = arith.constant 50000 : i32
    %mul3A_175 = arith.muli %select_n3A, %mul3A_174 : i32
    %add3A_176 = vector.broadcast %mul3A_175 : i32 to vector<16xi32>
    %add3A_177 = arith.addi %get3A_173, %add3A_176 : vector<16xi32>
    %swap3A_178 = arith.constant 224 : index
    %swap3A_179 = tpu.vector_load %arg8[%swap3A_178] {strides = array<i32>} : memref<512xi32, #tpu.memory_space<vmem>>, vector<16xi32>,
    %swap3A_180 = vector.shape_cast %swap3A_179 : vector<16xi32> to vector<16xi32>
    %swap3A_181 = vector.shape_cast %add3A_177 : vector<16xi32> to vector<16xi32>
    tpu.vector_store %arg8[%swap3A_178], %swap3A_181 {strides = array<i32>} : memref<512xi32, #tpu.memory_space<vmem>>, vector<16xi32>,
    %get3A_182 = arith.constant 240 : index
    %get3A_183 = tpu.vector_load %arg7[%get3A_182] {strides = array<i32>} : memref<512xi32, #tpu.memory_space<vmem>>, vector<16xi32>,
    %get3A_184 = vector.shape_cast %get3A_183 : vector<16xi32> to vector<16xi32>
    %mul3A_185 = arith.constant 50000 : i32
    %mul3A_186 = arith.muli %select_n3A, %mul3A_185 : i32
    %add3A_187 = vector.broadcast %mul3A_186 : i32 to vector<16xi32>
    %add3A_188 = arith.addi %get3A_184, %add3A_187 : vector<16xi32>
    %swap3A_189 = arith.constant 240 : index
    %swap3A_190 = tpu.vector_load %arg8[%swap3A_189] {strides = array<i32>} : memref<512xi32, #tpu.memory_space<vmem>>, vector<16xi32>,
    %swap3A_191 = vector.shape_cast %swap3A_190 : vector<16xi32> to vector<16xi32>
    %swap3A_192 = vector.shape_cast %add3A_188 : vector<16xi32> to vector<16xi32>
    tpu.vector_store %arg8[%swap3A_189], %swap3A_192 {strides = array<i32>} : memref<512xi32, #tpu.memory_space<vmem>>, vector<16xi32>,
    %get3A_193 = arith.constant 256 : index
    %get3A_194 = tpu.vector_load %arg7[%get3A_193] {strides = array<i32>} : memref<512xi32, #tpu.memory_space<vmem>>, vector<16xi32>,
    %get3A_195 = vector.shape_cast %get3A_194 : vector<16xi32> to vector<16xi32>
    %mul3A_196 = arith.constant 50000 : i32
    %mul3A_197 = arith.muli %select_n3A, %mul3A_196 : i32
    %add3A_198 = vector.broadcast %mul3A_197 : i32 to vector<16xi32>
    %add3A_199 = arith.addi %get3A_195, %add3A_198 : vector<16xi32>
    %swap3A_200 = arith.constant 256 : index
    %swap3A_201 = tpu.vector_load %arg8[%swap3A_200] {strides = array<i32>} : memref<512xi32, #tpu.memory_space<vmem>>, vector<16xi32>,
    %swap3A_202 = vector.shape_cast %swap3A_201 : vector<16xi32> to vector<16xi32>
    %swap3A_203 = vector.shape_cast %add3A_199 : vector<16xi32> to vector<16xi32>
    tpu.vector_store %arg8[%swap3A_200], %swap3A_203 {strides = array<i32>} : memref<512xi32, #tpu.memory_space<vmem>>, vector<16xi32>,
    %get3A_204 = arith.constant 272 : index
    %get3A_205 = tpu.vector_load %arg7[%get3A_204] {strides = array<i32>} : memref<512xi32, #tpu.memory_space<vmem>>, vector<16xi32>,
    %get3A_206 = vector.shape_cast %get3A_205 : vector<16xi32> to vector<16xi32>
    %mul3A_207 = arith.constant 50000 : i32
    %mul3A_208 = arith.muli %select_n3A, %mul3A_207 : i32
    %add3A_209 = vector.broadcast %mul3A_208 : i32 to vector<16xi32>
    %add3A_210 = arith.addi %get3A_206, %add3A_209 : vector<16xi32>
    %swap3A_211 = arith.constant 272 : index
    %swap3A_212 = tpu.vector_load %arg8[%swap3A_211] {strides = array<i32>} : memref<512xi32, #tpu.memory_space<vmem>>, vector<16xi32>,
    %swap3A_213 = vector.shape_cast %swap3A_212 : vector<16xi32> to vector<16xi32>
    %swap3A_214 = vector.shape_cast %add3A_210 : vector<16xi32> to vector<16xi32>
    tpu.vector_store %arg8[%swap3A_211], %swap3A_214 {strides = array<i32>} : memref<512xi32, #tpu.memory_space<vmem>>, vector<16xi32>,
    %get3A_215 = arith.constant 288 : index
    %get3A_216 = tpu.vector_load %arg7[%get3A_215] {strides = array<i32>} : memref<512xi32, #tpu.memory_space<vmem>>, vector<16xi32>,
    %get3A_217 = vector.shape_cast %get3A_216 : vector<16xi32> to vector<16xi32>
    %mul3A_218 = arith.constant 50000 : i32
    %mul3A_219 = arith.muli %select_n3A, %mul3A_218 : i32
    %add3A_220 = vector.broadcast %mul3A_219 : i32 to vector<16xi32>
    %add3A_221 = arith.addi %get3A_217, %add3A_220 : vector<16xi32>
    %swap3A_222 = arith.constant 288 : index
    %swap3A_223 = tpu.vector_load %arg8[%swap3A_222] {strides = array<i32>} : memref<512xi32, #tpu.memory_space<vmem>>, vector<16xi32>,
    %swap3A_224 = vector.shape_cast %swap3A_223 : vector<16xi32> to vector<16xi32>
    %swap3A_225 = vector.shape_cast %add3A_221 : vector<16xi32> to vector<16xi32>
    tpu.vector_store %arg8[%swap3A_222], %swap3A_225 {strides = array<i32>} : memref<512xi32, #tpu.memory_space<vmem>>, vector<16xi32>,
    %get3A_226 = arith.constant 304 : index
    %get3A_227 = tpu.vector_load %arg7[%get3A_226] {strides = array<i32>} : memref<512xi32, #tpu.memory_space<vmem>>, vector<16xi32>,
    %get3A_228 = vector.shape_cast %get3A_227 : vector<16xi32> to vector<16xi32>
    %mul3A_229 = arith.constant 50000 : i32
    %mul3A_230 = arith.muli %select_n3A, %mul3A_229 : i32
    %add3A_231 = vector.broadcast %mul3A_230 : i32 to vector<16xi32>
    %add3A_232 = arith.addi %get3A_228, %add3A_231 : vector<16xi32>
    %swap3A_233 = arith.constant 304 : index
    %swap3A_234 = tpu.vector_load %arg8[%swap3A_233] {strides = array<i32>} : memref<512xi32, #tpu.memory_space<vmem>>, vector<16xi32>,
    %swap3A_235 = vector.shape_cast %swap3A_234 : vector<16xi32> to vector<16xi32>
    %swap3A_236 = vector.shape_cast %add3A_232 : vector<16xi32> to vector<16xi32>
    tpu.vector_store %arg8[%swap3A_233], %swap3A_236 {strides = array<i32>} : memref<512xi32, #tpu.memory_space<vmem>>, vector<16xi32>,
    %get3A_237 = arith.constant 320 : index
    %get3A_238 = tpu.vector_load %arg7[%get3A_237] {strides = array<i32>} : memref<512xi32, #tpu.memory_space<vmem>>, vector<16xi32>,
    %get3A_239 = vector.shape_cast %get3A_238 : vector<16xi32> to vector<16xi32>
    %mul3A_240 = arith.constant 50000 : i32
    %mul3A_241 = arith.muli %select_n3A, %mul3A_240 : i32
    %add3A_242 = vector.broadcast %mul3A_241 : i32 to vector<16xi32>
    %add3A_243 = arith.addi %get3A_239, %add3A_242 : vector<16xi32>
    %swap3A_244 = arith.constant 320 : index
    %swap3A_245 = tpu.vector_load %arg8[%swap3A_244] {strides = array<i32>} : memref<512xi32, #tpu.memory_space<vmem>>, vector<16xi32>,
    %swap3A_246 = vector.shape_cast %swap3A_245 : vector<16xi32> to vector<16xi32>
    %swap3A_247 = vector.shape_cast %add3A_243 : vector<16xi32> to vector<16xi32>
    tpu.vector_store %arg8[%swap3A_244], %swap3A_247 {strides = array<i32>} : memref<512xi32, #tpu.memory_space<vmem>>, vector<16xi32>,
    %get3A_248 = arith.constant 336 : index
    %get3A_249 = tpu.vector_load %arg7[%get3A_248] {strides = array<i32>} : memref<512xi32, #tpu.memory_space<vmem>>, vector<16xi32>,
    %get3A_250 = vector.shape_cast %get3A_249 : vector<16xi32> to vector<16xi32>
    %mul3A_251 = arith.constant 50000 : i32
    %mul3A_252 = arith.muli %select_n3A, %mul3A_251 : i32
    %add3A_253 = vector.broadcast %mul3A_252 : i32 to vector<16xi32>
    %add3A_254 = arith.addi %get3A_250, %add3A_253 : vector<16xi32>
    %swap3A_255 = arith.constant 336 : index
    %swap3A_256 = tpu.vector_load %arg8[%swap3A_255] {strides = array<i32>} : memref<512xi32, #tpu.memory_space<vmem>>, vector<16xi32>,
    %swap3A_257 = vector.shape_cast %swap3A_256 : vector<16xi32> to vector<16xi32>
    %swap3A_258 = vector.shape_cast %add3A_254 : vector<16xi32> to vector<16xi32>
    tpu.vector_store %arg8[%swap3A_255], %swap3A_258 {strides = array<i32>} : memref<512xi32, #tpu.memory_space<vmem>>, vector<16xi32>,
    %get3A_259 = arith.constant 352 : index
    %get3A_260 = tpu.vector_load %arg7[%get3A_259] {strides = array<i32>} : memref<512xi32, #tpu.memory_space<vmem>>, vector<16xi32>,
    %get3A_261 = vector.shape_cast %get3A_260 : vector<16xi32> to vector<16xi32>
    %mul3A_262 = arith.constant 50000 : i32
    %mul3A_263 = arith.muli %select_n3A, %mul3A_262 : i32
    %add3A_264 = vector.broadcast %mul3A_263 : i32 to vector<16xi32>
    %add3A_265 = arith.addi %get3A_261, %add3A_264 : vector<16xi32>
    %swap3A_266 = arith.constant 352 : index
    %swap3A_267 = tpu.vector_load %arg8[%swap3A_266] {strides = array<i32>} : memref<512xi32, #tpu.memory_space<vmem>>, vector<16xi32>,
    %swap3A_268 = vector.shape_cast %swap3A_267 : vector<16xi32> to vector<16xi32>
    %swap3A_269 = vector.shape_cast %add3A_265 : vector<16xi32> to vector<16xi32>
    tpu.vector_store %arg8[%swap3A_266], %swap3A_269 {strides = array<i32>} : memref<512xi32, #tpu.memory_space<vmem>>, vector<16xi32>,
    %get3A_270 = arith.constant 368 : index
    %get3A_271 = tpu.vector_load %arg7[%get3A_270] {strides = array<i32>} : memref<512xi32, #tpu.memory_space<vmem>>, vector<16xi32>,
    %get3A_272 = vector.shape_cast %get3A_271 : vector<16xi32> to vector<16xi32>
    %mul3A_273 = arith.constant 50000 : i32
    %mul3A_274 = arith.muli %select_n3A, %mul3A_273 : i32
    %add3A_275 = vector.broadcast %mul3A_274 : i32 to vector<16xi32>
    %add3A_276 = arith.addi %get3A_272, %add3A_275 : vector<16xi32>
    %swap3A_277 = arith.constant 368 : index
    %swap3A_278 = tpu.vector_load %arg8[%swap3A_277] {strides = array<i32>} : memref<512xi32, #tpu.memory_space<vmem>>, vector<16xi32>,
    %swap3A_279 = vector.shape_cast %swap3A_278 : vector<16xi32> to vector<16xi32>
    %swap3A_280 = vector.shape_cast %add3A_276 : vector<16xi32> to vector<16xi32>
    tpu.vector_store %arg8[%swap3A_277], %swap3A_280 {strides = array<i32>} : memref<512xi32, #tpu.memory_space<vmem>>, vector<16xi32>,
    %get3A_281 = arith.constant 384 : index
    %get3A_282 = tpu.vector_load %arg7[%get3A_281] {strides = array<i32>} : memref<512xi32, #tpu.memory_space<vmem>>, vector<16xi32>,
    %get3A_283 = vector.shape_cast %get3A_282 : vector<16xi32> to vector<16xi32>
    %mul3A_284 = arith.constant 50000 : i32
    %mul3A_285 = arith.muli %select_n3A, %mul3A_284 : i32
    %add3A_286 = vector.broadcast %mul3A_285 : i32 to vector<16xi32>
    %add3A_287 = arith.addi %get3A_283, %add3A_286 : vector<16xi32>
    %swap3A_288 = arith.constant 384 : index
    %swap3A_289 = tpu.vector_load %arg8[%swap3A_288] {strides = array<i32>} : memref<512xi32, #tpu.memory_space<vmem>>, vector<16xi32>,
    %swap3A_290 = vector.shape_cast %swap3A_289 : vector<16xi32> to vector<16xi32>
    %swap3A_291 = vector.shape_cast %add3A_287 : vector<16xi32> to vector<16xi32>
    tpu.vector_store %arg8[%swap3A_288], %swap3A_291 {strides = array<i32>} : memref<512xi32, #tpu.memory_space<vmem>>, vector<16xi32>,
    %get3A_292 = arith.constant 400 : index
    %get3A_293 = tpu.vector_load %arg7[%get3A_292] {strides = array<i32>} : memref<512xi32, #tpu.memory_space<vmem>>, vector<16xi32>,
    %get3A_294 = vector.shape_cast %get3A_293 : vector<16xi32> to vector<16xi32>
    %mul3A_295 = arith.constant 50000 : i32
    %mul3A_296 = arith.muli %select_n3A, %mul3A_295 : i32
    %add3A_297 = vector.broadcast %mul3A_296 : i32 to vector<16xi32>
    %add3A_298 = arith.addi %get3A_294, %add3A_297 : vector<16xi32>
    %swap3A_299 = arith.constant 400 : index
    %swap3A_300 = tpu.vector_load %arg8[%swap3A_299] {strides = array<i32>} : memref<512xi32, #tpu.memory_space<vmem>>, vector<16xi32>,
    %swap3A_301 = vector.shape_cast %swap3A_300 : vector<16xi32> to vector<16xi32>
    %swap3A_302 = vector.shape_cast %add3A_298 : vector<16xi32> to vector<16xi32>
    tpu.vector_store %arg8[%swap3A_299], %swap3A_302 {strides = array<i32>} : memref<512xi32, #tpu.memory_space<vmem>>, vector<16xi32>,
    %get3A_303 = arith.constant 416 : index
    %get3A_304 = tpu.vector_load %arg7[%get3A_303] {strides = array<i32>} : memref<512xi32, #tpu.memory_space<vmem>>, vector<16xi32>,
    %get3A_305 = vector.shape_cast %get3A_304 : vector<16xi32> to vector<16xi32>
    %mul3A_306 = arith.constant 50000 : i32
    %mul3A_307 = arith.muli %select_n3A, %mul3A_306 : i32
    %add3A_308 = vector.broadcast %mul3A_307 : i32 to vector<16xi32>
    %add3A_309 = arith.addi %get3A_305, %add3A_308 : vector<16xi32>
    %swap3A_310 = arith.constant 416 : index
    %swap3A_311 = tpu.vector_load %arg8[%swap3A_310] {strides = array<i32>} : memref<512xi32, #tpu.memory_space<vmem>>, vector<16xi32>,
    %swap3A_312 = vector.shape_cast %swap3A_311 : vector<16xi32> to vector<16xi32>
    %swap3A_313 = vector.shape_cast %add3A_309 : vector<16xi32> to vector<16xi32>
    tpu.vector_store %arg8[%swap3A_310], %swap3A_313 {strides = array<i32>} : memref<512xi32, #tpu.memory_space<vmem>>, vector<16xi32>,
    %get3A_314 = arith.constant 432 : index
    %get3A_315 = tpu.vector_load %arg7[%get3A_314] {strides = array<i32>} : memref<512xi32, #tpu.memory_space<vmem>>, vector<16xi32>,
    %get3A_316 = vector.shape_cast %get3A_315 : vector<16xi32> to vector<16xi32>
    %mul3A_317 = arith.constant 50000 : i32
    %mul3A_318 = arith.muli %select_n3A, %mul3A_317 : i32
    %add3A_319 = vector.broadcast %mul3A_318 : i32 to vector<16xi32>
    %add3A_320 = arith.addi %get3A_316, %add3A_319 : vector<16xi32>
    %swap3A_321 = arith.constant 432 : index
    %swap3A_322 = tpu.vector_load %arg8[%swap3A_321] {strides = array<i32>} : memref<512xi32, #tpu.memory_space<vmem>>, vector<16xi32>,
    %swap3A_323 = vector.shape_cast %swap3A_322 : vector<16xi32> to vector<16xi32>
    %swap3A_324 = vector.shape_cast %add3A_320 : vector<16xi32> to vector<16xi32>
    tpu.vector_store %arg8[%swap3A_321], %swap3A_324 {strides = array<i32>} : memref<512xi32, #tpu.memory_space<vmem>>, vector<16xi32>,
    %get3A_325 = arith.constant 448 : index
    %get3A_326 = tpu.vector_load %arg7[%get3A_325] {strides = array<i32>} : memref<512xi32, #tpu.memory_space<vmem>>, vector<16xi32>,
    %get3A_327 = vector.shape_cast %get3A_326 : vector<16xi32> to vector<16xi32>
    %mul3A_328 = arith.constant 50000 : i32
    %mul3A_329 = arith.muli %select_n3A, %mul3A_328 : i32
    %add3A_330 = vector.broadcast %mul3A_329 : i32 to vector<16xi32>
    %add3A_331 = arith.addi %get3A_327, %add3A_330 : vector<16xi32>
    %swap3A_332 = arith.constant 448 : index
    %swap3A_333 = tpu.vector_load %arg8[%swap3A_332] {strides = array<i32>} : memref<512xi32, #tpu.memory_space<vmem>>, vector<16xi32>,
    %swap3A_334 = vector.shape_cast %swap3A_333 : vector<16xi32> to vector<16xi32>
    %swap3A_335 = vector.shape_cast %add3A_331 : vector<16xi32> to vector<16xi32>
    tpu.vector_store %arg8[%swap3A_332], %swap3A_335 {strides = array<i32>} : memref<512xi32, #tpu.memory_space<vmem>>, vector<16xi32>,
    %get3A_336 = arith.constant 464 : index
    %get3A_337 = tpu.vector_load %arg7[%get3A_336] {strides = array<i32>} : memref<512xi32, #tpu.memory_space<vmem>>, vector<16xi32>,
    %get3A_338 = vector.shape_cast %get3A_337 : vector<16xi32> to vector<16xi32>
    %mul3A_339 = arith.constant 50000 : i32
    %mul3A_340 = arith.muli %select_n3A, %mul3A_339 : i32
    %add3A_341 = vector.broadcast %mul3A_340 : i32 to vector<16xi32>
    %add3A_342 = arith.addi %get3A_338, %add3A_341 : vector<16xi32>
    %swap3A_343 = arith.constant 464 : index
    %swap3A_344 = tpu.vector_load %arg8[%swap3A_343] {strides = array<i32>} : memref<512xi32, #tpu.memory_space<vmem>>, vector<16xi32>,
    %swap3A_345 = vector.shape_cast %swap3A_344 : vector<16xi32> to vector<16xi32>
    %swap3A_346 = vector.shape_cast %add3A_342 : vector<16xi32> to vector<16xi32>
    tpu.vector_store %arg8[%swap3A_343], %swap3A_346 {strides = array<i32>} : memref<512xi32, #tpu.memory_space<vmem>>, vector<16xi32>,
    %get3A_347 = arith.constant 480 : index
    %get3A_348 = tpu.vector_load %arg7[%get3A_347] {strides = array<i32>} : memref<512xi32, #tpu.memory_space<vmem>>, vector<16xi32>,
    %get3A_349 = vector.shape_cast %get3A_348 : vector<16xi32> to vector<16xi32>
    %mul3A_350 = arith.constant 50000 : i32
    %mul3A_351 = arith.muli %select_n3A, %mul3A_350 : i32
    %add3A_352 = vector.broadcast %mul3A_351 : i32 to vector<16xi32>
    %add3A_353 = arith.addi %get3A_349, %add3A_352 : vector<16xi32>
    %swap3A_354 = arith.constant 480 : index
    %swap3A_355 = tpu.vector_load %arg8[%swap3A_354] {strides = array<i32>} : memref<512xi32, #tpu.memory_space<vmem>>, vector<16xi32>,
    %swap3A_356 = vector.shape_cast %swap3A_355 : vector<16xi32> to vector<16xi32>
    %swap3A_357 = vector.shape_cast %add3A_353 : vector<16xi32> to vector<16xi32>
    tpu.vector_store %arg8[%swap3A_354], %swap3A_357 {strides = array<i32>} : memref<512xi32, #tpu.memory_space<vmem>>, vector<16xi32>,
    %get3A_358 = arith.constant 496 : index
    %get3A_359 = tpu.vector_load %arg7[%get3A_358] {strides = array<i32>} : memref<512xi32, #tpu.memory_space<vmem>>, vector<16xi32>,
    %get3A_360 = vector.shape_cast %get3A_359 : vector<16xi32> to vector<16xi32>
    %mul3A_361 = arith.constant 50000 : i32
    %mul3A_362 = arith.muli %select_n3A, %mul3A_361 : i32
    %add3A_363 = vector.broadcast %mul3A_362 : i32 to vector<16xi32>
    %add3A_364 = arith.addi %get3A_360, %add3A_363 : vector<16xi32>
    %swap3A_365 = arith.constant 496 : index
    %swap3A_366 = tpu.vector_load %arg8[%swap3A_365] {strides = array<i32>} : memref<512xi32, #tpu.memory_space<vmem>>, vector<16xi32>,
    %swap3A_367 = vector.shape_cast %swap3A_366 : vector<16xi32> to vector<16xi32>
    %swap3A_368 = vector.shape_cast %add3A_364 : vector<16xi32> to vector<16xi32>
    tpu.vector_store %arg8[%swap3A_365], %swap3A_368 {strides = array<i32>} : memref<512xi32, #tpu.memory_space<vmem>>, vector<16xi32>,
    %add3A_369 = arith.constant 0 : i32
    %add3A_370 = arith.addi %add3A_369, %select_n3A : i32
    %mul3A_371 = arith.constant 50000 : i32
    %mul3A_372 = arith.muli %add3A_370, %mul3A_371 : i32
    %get3A_373 = arith.constant 0 : index
    %get3A_374 = tpu.vector_load %arg7[%get3A_373] {strides = array<i32>} : memref<512xi32, #tpu.memory_space<vmem>>, vector<16xi32>,
    %get3A_375 = vector.shape_cast %get3A_374 : vector<16xi32> to vector<16xi32>
    %add3A_376 = vector.broadcast %mul3A_372 : i32 to vector<16xi32>
    %add3A_377 = arith.addi %get3A_375, %add3A_376 : vector<16xi32>
    %swap3A_378 = arith.constant 0 : index
    %swap3A_379 = tpu.vector_load %arg11[%swap3A_378] {strides = array<i32>} : memref<1536xi32, #tpu.memory_space<vmem>>, vector<16xi32>,
    %swap3A_380 = vector.shape_cast %swap3A_379 : vector<16xi32> to vector<16xi32>
    %swap3A_381 = vector.shape_cast %add3A_377 : vector<16xi32> to vector<16xi32>
    tpu.vector_store %arg11[%swap3A_378], %swap3A_381 {strides = array<i32>} : memref<1536xi32, #tpu.memory_space<vmem>>, vector<16xi32>,
    %get3A_382 = arith.constant 16 : index
    %get3A_383 = tpu.vector_load %arg7[%get3A_382] {strides = array<i32>} : memref<512xi32, #tpu.memory_space<vmem>>, vector<16xi32>,
    %get3A_384 = vector.shape_cast %get3A_383 : vector<16xi32> to vector<16xi32>
    %add3A_385 = vector.broadcast %mul3A_372 : i32 to vector<16xi32>
    %add3A_386 = arith.addi %get3A_384, %add3A_385 : vector<16xi32>
    %swap3A_387 = arith.constant 16 : index
    %swap3A_388 = tpu.vector_load %arg11[%swap3A_387] {strides = array<i32>} : memref<1536xi32, #tpu.memory_space<vmem>>, vector<16xi32>,
    %swap3A_389 = vector.shape_cast %swap3A_388 : vector<16xi32> to vector<16xi32>
    %swap3A_390 = vector.shape_cast %add3A_386 : vector<16xi32> to vector<16xi32>
    tpu.vector_store %arg11[%swap3A_387], %swap3A_390 {strides = array<i32>} : memref<1536xi32, #tpu.memory_space<vmem>>, vector<16xi32>,
    %get3A_391 = arith.constant 32 : index
    %get3A_392 = tpu.vector_load %arg7[%get3A_391] {strides = array<i32>} : memref<512xi32, #tpu.memory_space<vmem>>, vector<16xi32>,
    %get3A_393 = vector.shape_cast %get3A_392 : vector<16xi32> to vector<16xi32>
    %add3A_394 = vector.broadcast %mul3A_372 : i32 to vector<16xi32>
    %add3A_395 = arith.addi %get3A_393, %add3A_394 : vector<16xi32>
    %swap3A_396 = arith.constant 32 : index
    %swap3A_397 = tpu.vector_load %arg11[%swap3A_396] {strides = array<i32>} : memref<1536xi32, #tpu.memory_space<vmem>>, vector<16xi32>,
    %swap3A_398 = vector.shape_cast %swap3A_397 : vector<16xi32> to vector<16xi32>
    %swap3A_399 = vector.shape_cast %add3A_395 : vector<16xi32> to vector<16xi32>
    tpu.vector_store %arg11[%swap3A_396], %swap3A_399 {strides = array<i32>} : memref<1536xi32, #tpu.memory_space<vmem>>, vector<16xi32>,
    %get3A_400 = arith.constant 48 : index
    %get3A_401 = tpu.vector_load %arg7[%get3A_400] {strides = array<i32>} : memref<512xi32, #tpu.memory_space<vmem>>, vector<16xi32>,
    %get3A_402 = vector.shape_cast %get3A_401 : vector<16xi32> to vector<16xi32>
    %add3A_403 = vector.broadcast %mul3A_372 : i32 to vector<16xi32>
    %add3A_404 = arith.addi %get3A_402, %add3A_403 : vector<16xi32>
    %swap3A_405 = arith.constant 48 : index
    %swap3A_406 = tpu.vector_load %arg11[%swap3A_405] {strides = array<i32>} : memref<1536xi32, #tpu.memory_space<vmem>>, vector<16xi32>,
    %swap3A_407 = vector.shape_cast %swap3A_406 : vector<16xi32> to vector<16xi32>
    %swap3A_408 = vector.shape_cast %add3A_404 : vector<16xi32> to vector<16xi32>
    tpu.vector_store %arg11[%swap3A_405], %swap3A_408 {strides = array<i32>} : memref<1536xi32, #tpu.memory_space<vmem>>, vector<16xi32>,
    %get3A_409 = arith.constant 64 : index
    %get3A_410 = tpu.vector_load %arg7[%get3A_409] {strides = array<i32>} : memref<512xi32, #tpu.memory_space<vmem>>, vector<16xi32>,
    %get3A_411 = vector.shape_cast %get3A_410 : vector<16xi32> to vector<16xi32>
    %add3A_412 = vector.broadcast %mul3A_372 : i32 to vector<16xi32>
    %add3A_413 = arith.addi %get3A_411, %add3A_412 : vector<16xi32>
    %swap3A_414 = arith.constant 64 : index
    %swap3A_415 = tpu.vector_load %arg11[%swap3A_414] {strides = array<i32>} : memref<1536xi32, #tpu.memory_space<vmem>>, vector<16xi32>,
    %swap3A_416 = vector.shape_cast %swap3A_415 : vector<16xi32> to vector<16xi32>
    %swap3A_417 = vector.shape_cast %add3A_413 : vector<16xi32> to vector<16xi32>
    tpu.vector_store %arg11[%swap3A_414], %swap3A_417 {strides = array<i32>} : memref<1536xi32, #tpu.memory_space<vmem>>, vector<16xi32>,
    %get3A_418 = arith.constant 80 : index
    %get3A_419 = tpu.vector_load %arg7[%get3A_418] {strides = array<i32>} : memref<512xi32, #tpu.memory_space<vmem>>, vector<16xi32>,
    %get3A_420 = vector.shape_cast %get3A_419 : vector<16xi32> to vector<16xi32>
    %add3A_421 = vector.broadcast %mul3A_372 : i32 to vector<16xi32>
    %add3A_422 = arith.addi %get3A_420, %add3A_421 : vector<16xi32>
    %swap3A_423 = arith.constant 80 : index
    %swap3A_424 = tpu.vector_load %arg11[%swap3A_423] {strides = array<i32>} : memref<1536xi32, #tpu.memory_space<vmem>>, vector<16xi32>,
    %swap3A_425 = vector.shape_cast %swap3A_424 : vector<16xi32> to vector<16xi32>
    %swap3A_426 = vector.shape_cast %add3A_422 : vector<16xi32> to vector<16xi32>
    tpu.vector_store %arg11[%swap3A_423], %swap3A_426 {strides = array<i32>} : memref<1536xi32, #tpu.memory_space<vmem>>, vector<16xi32>,
    %get3A_427 = arith.constant 96 : index
    %get3A_428 = tpu.vector_load %arg7[%get3A_427] {strides = array<i32>} : memref<512xi32, #tpu.memory_space<vmem>>, vector<16xi32>,
    %get3A_429 = vector.shape_cast %get3A_428 : vector<16xi32> to vector<16xi32>
    %add3A_430 = vector.broadcast %mul3A_372 : i32 to vector<16xi32>
    %add3A_431 = arith.addi %get3A_429, %add3A_430 : vector<16xi32>
    %swap3A_432 = arith.constant 96 : index
    %swap3A_433 = tpu.vector_load %arg11[%swap3A_432] {strides = array<i32>} : memref<1536xi32, #tpu.memory_space<vmem>>, vector<16xi32>,
    %swap3A_434 = vector.shape_cast %swap3A_433 : vector<16xi32> to vector<16xi32>
    %swap3A_435 = vector.shape_cast %add3A_431 : vector<16xi32> to vector<16xi32>
    tpu.vector_store %arg11[%swap3A_432], %swap3A_435 {strides = array<i32>} : memref<1536xi32, #tpu.memory_space<vmem>>, vector<16xi32>,
    %get3A_436 = arith.constant 112 : index
    %get3A_437 = tpu.vector_load %arg7[%get3A_436] {strides = array<i32>} : memref<512xi32, #tpu.memory_space<vmem>>, vector<16xi32>,
    %get3A_438 = vector.shape_cast %get3A_437 : vector<16xi32> to vector<16xi32>
    %add3A_439 = vector.broadcast %mul3A_372 : i32 to vector<16xi32>
    %add3A_440 = arith.addi %get3A_438, %add3A_439 : vector<16xi32>
    %swap3A_441 = arith.constant 112 : index
    %swap3A_442 = tpu.vector_load %arg11[%swap3A_441] {strides = array<i32>} : memref<1536xi32, #tpu.memory_space<vmem>>, vector<16xi32>,
    %swap3A_443 = vector.shape_cast %swap3A_442 : vector<16xi32> to vector<16xi32>
    %swap3A_444 = vector.shape_cast %add3A_440 : vector<16xi32> to vector<16xi32>
    tpu.vector_store %arg11[%swap3A_441], %swap3A_444 {strides = array<i32>} : memref<1536xi32, #tpu.memory_space<vmem>>, vector<16xi32>,
    %get3A_445 = arith.constant 128 : index
    %get3A_446 = tpu.vector_load %arg7[%get3A_445] {strides = array<i32>} : memref<512xi32, #tpu.memory_space<vmem>>, vector<16xi32>,
    %get3A_447 = vector.shape_cast %get3A_446 : vector<16xi32> to vector<16xi32>
    %add3A_448 = vector.broadcast %mul3A_372 : i32 to vector<16xi32>
    %add3A_449 = arith.addi %get3A_447, %add3A_448 : vector<16xi32>
    %swap3A_450 = arith.constant 128 : index
    %swap3A_451 = tpu.vector_load %arg11[%swap3A_450] {strides = array<i32>} : memref<1536xi32, #tpu.memory_space<vmem>>, vector<16xi32>,
    %swap3A_452 = vector.shape_cast %swap3A_451 : vector<16xi32> to vector<16xi32>
    %swap3A_453 = vector.shape_cast %add3A_449 : vector<16xi32> to vector<16xi32>
    tpu.vector_store %arg11[%swap3A_450], %swap3A_453 {strides = array<i32>} : memref<1536xi32, #tpu.memory_space<vmem>>, vector<16xi32>,
    %get3A_454 = arith.constant 144 : index
    %get3A_455 = tpu.vector_load %arg7[%get3A_454] {strides = array<i32>} : memref<512xi32, #tpu.memory_space<vmem>>, vector<16xi32>,
    %get3A_456 = vector.shape_cast %get3A_455 : vector<16xi32> to vector<16xi32>
    %add3A_457 = vector.broadcast %mul3A_372 : i32 to vector<16xi32>
    %add3A_458 = arith.addi %get3A_456, %add3A_457 : vector<16xi32>
    %swap3A_459 = arith.constant 144 : index
    %swap3A_460 = tpu.vector_load %arg11[%swap3A_459] {strides = array<i32>} : memref<1536xi32, #tpu.memory_space<vmem>>, vector<16xi32>,
    %swap3A_461 = vector.shape_cast %swap3A_460 : vector<16xi32> to vector<16xi32>
    %swap3A_462 = vector.shape_cast %add3A_458 : vector<16xi32> to vector<16xi32>
    tpu.vector_store %arg11[%swap3A_459], %swap3A_462 {strides = array<i32>} : memref<1536xi32, #tpu.memory_space<vmem>>, vector<16xi32>,
    %get3A_463 = arith.constant 160 : index
    %get3A_464 = tpu.vector_load %arg7[%get3A_463] {strides = array<i32>} : memref<512xi32, #tpu.memory_space<vmem>>, vector<16xi32>,
    %get3A_465 = vector.shape_cast %get3A_464 : vector<16xi32> to vector<16xi32>
    %add3A_466 = vector.broadcast %mul3A_372 : i32 to vector<16xi32>
    %add3A_467 = arith.addi %get3A_465, %add3A_466 : vector<16xi32>
    %swap3A_468 = arith.constant 160 : index
    %swap3A_469 = tpu.vector_load %arg11[%swap3A_468] {strides = array<i32>} : memref<1536xi32, #tpu.memory_space<vmem>>, vector<16xi32>,
    %swap3A_470 = vector.shape_cast %swap3A_469 : vector<16xi32> to vector<16xi32>
    %swap3A_471 = vector.shape_cast %add3A_467 : vector<16xi32> to vector<16xi32>
    tpu.vector_store %arg11[%swap3A_468], %swap3A_471 {strides = array<i32>} : memref<1536xi32, #tpu.memory_space<vmem>>, vector<16xi32>,
    %get3A_472 = arith.constant 176 : index
    %get3A_473 = tpu.vector_load %arg7[%get3A_472] {strides = array<i32>} : memref<512xi32, #tpu.memory_space<vmem>>, vector<16xi32>,
    %get3A_474 = vector.shape_cast %get3A_473 : vector<16xi32> to vector<16xi32>
    %add3A_475 = vector.broadcast %mul3A_372 : i32 to vector<16xi32>
    %add3A_476 = arith.addi %get3A_474, %add3A_475 : vector<16xi32>
    %swap3A_477 = arith.constant 176 : index
    %swap3A_478 = tpu.vector_load %arg11[%swap3A_477] {strides = array<i32>} : memref<1536xi32, #tpu.memory_space<vmem>>, vector<16xi32>,
    %swap3A_479 = vector.shape_cast %swap3A_478 : vector<16xi32> to vector<16xi32>
    %swap3A_480 = vector.shape_cast %add3A_476 : vector<16xi32> to vector<16xi32>
    tpu.vector_store %arg11[%swap3A_477], %swap3A_480 {strides = array<i32>} : memref<1536xi32, #tpu.memory_space<vmem>>, vector<16xi32>,
    %get3A_481 = arith.constant 192 : index
    %get3A_482 = tpu.vector_load %arg7[%get3A_481] {strides = array<i32>} : memref<512xi32, #tpu.memory_space<vmem>>, vector<16xi32>,
    %get3A_483 = vector.shape_cast %get3A_482 : vector<16xi32> to vector<16xi32>
    %add3A_484 = vector.broadcast %mul3A_372 : i32 to vector<16xi32>
    %add3A_485 = arith.addi %get3A_483, %add3A_484 : vector<16xi32>
    %swap3A_486 = arith.constant 192 : index
    %swap3A_487 = tpu.vector_load %arg11[%swap3A_486] {strides = array<i32>} : memref<1536xi32, #tpu.memory_space<vmem>>, vector<16xi32>,
    %swap3A_488 = vector.shape_cast %swap3A_487 : vector<16xi32> to vector<16xi32>
    %swap3A_489 = vector.shape_cast %add3A_485 : vector<16xi32> to vector<16xi32>
    tpu.vector_store %arg11[%swap3A_486], %swap3A_489 {strides = array<i32>} : memref<1536xi32, #tpu.memory_space<vmem>>, vector<16xi32>,
    %get3A_490 = arith.constant 208 : index
    %get3A_491 = tpu.vector_load %arg7[%get3A_490] {strides = array<i32>} : memref<512xi32, #tpu.memory_space<vmem>>, vector<16xi32>,
    %get3A_492 = vector.shape_cast %get3A_491 : vector<16xi32> to vector<16xi32>
    %add3A_493 = vector.broadcast %mul3A_372 : i32 to vector<16xi32>
    %add3A_494 = arith.addi %get3A_492, %add3A_493 : vector<16xi32>
    %swap3A_495 = arith.constant 208 : index
    %swap3A_496 = tpu.vector_load %arg11[%swap3A_495] {strides = array<i32>} : memref<1536xi32, #tpu.memory_space<vmem>>, vector<16xi32>,
    %swap3A_497 = vector.shape_cast %swap3A_496 : vector<16xi32> to vector<16xi32>
    %swap3A_498 = vector.shape_cast %add3A_494 : vector<16xi32> to vector<16xi32>
    tpu.vector_store %arg11[%swap3A_495], %swap3A_498 {strides = array<i32>} : memref<1536xi32, #tpu.memory_space<vmem>>, vector<16xi32>,
    %get3A_499 = arith.constant 224 : index
    %get3A_500 = tpu.vector_load %arg7[%get3A_499] {strides = array<i32>} : memref<512xi32, #tpu.memory_space<vmem>>, vector<16xi32>,
    %get3A_501 = vector.shape_cast %get3A_500 : vector<16xi32> to vector<16xi32>
    %add3A_502 = vector.broadcast %mul3A_372 : i32 to vector<16xi32>
    %add3A_503 = arith.addi %get3A_501, %add3A_502 : vector<16xi32>
    %swap3A_504 = arith.constant 224 : index
    %swap3A_505 = tpu.vector_load %arg11[%swap3A_504] {strides = array<i32>} : memref<1536xi32, #tpu.memory_space<vmem>>, vector<16xi32>,
    %swap3A_506 = vector.shape_cast %swap3A_505 : vector<16xi32> to vector<16xi32>
    %swap3A_507 = vector.shape_cast %add3A_503 : vector<16xi32> to vector<16xi32>
    tpu.vector_store %arg11[%swap3A_504], %swap3A_507 {strides = array<i32>} : memref<1536xi32, #tpu.memory_space<vmem>>, vector<16xi32>,
    %get3A_508 = arith.constant 240 : index
    %get3A_509 = tpu.vector_load %arg7[%get3A_508] {strides = array<i32>} : memref<512xi32, #tpu.memory_space<vmem>>, vector<16xi32>,
    %get3A_510 = vector.shape_cast %get3A_509 : vector<16xi32> to vector<16xi32>
    %add3A_511 = vector.broadcast %mul3A_372 : i32 to vector<16xi32>
    %add3A_512 = arith.addi %get3A_510, %add3A_511 : vector<16xi32>
    %swap3A_513 = arith.constant 240 : index
    %swap3A_514 = tpu.vector_load %arg11[%swap3A_513] {strides = array<i32>} : memref<1536xi32, #tpu.memory_space<vmem>>, vector<16xi32>,
    %swap3A_515 = vector.shape_cast %swap3A_514 : vector<16xi32> to vector<16xi32>
    %swap3A_516 = vector.shape_cast %add3A_512 : vector<16xi32> to vector<16xi32>
    tpu.vector_store %arg11[%swap3A_513], %swap3A_516 {strides = array<i32>} : memref<1536xi32, #tpu.memory_space<vmem>>, vector<16xi32>,
    %get3A_517 = arith.constant 256 : index
    %get3A_518 = tpu.vector_load %arg7[%get3A_517] {strides = array<i32>} : memref<512xi32, #tpu.memory_space<vmem>>, vector<16xi32>,
    %get3A_519 = vector.shape_cast %get3A_518 : vector<16xi32> to vector<16xi32>
    %add3A_520 = vector.broadcast %mul3A_372 : i32 to vector<16xi32>
    %add3A_521 = arith.addi %get3A_519, %add3A_520 : vector<16xi32>
    %swap3A_522 = arith.constant 256 : index
    %swap3A_523 = tpu.vector_load %arg11[%swap3A_522] {strides = array<i32>} : memref<1536xi32, #tpu.memory_space<vmem>>, vector<16xi32>,
    %swap3A_524 = vector.shape_cast %swap3A_523 : vector<16xi32> to vector<16xi32>
    %swap3A_525 = vector.shape_cast %add3A_521 : vector<16xi32> to vector<16xi32>
    tpu.vector_store %arg11[%swap3A_522], %swap3A_525 {strides = array<i32>} : memref<1536xi32, #tpu.memory_space<vmem>>, vector<16xi32>,
    %get3A_526 = arith.constant 272 : index
    %get3A_527 = tpu.vector_load %arg7[%get3A_526] {strides = array<i32>} : memref<512xi32, #tpu.memory_space<vmem>>, vector<16xi32>,
    %get3A_528 = vector.shape_cast %get3A_527 : vector<16xi32> to vector<16xi32>
    %add3A_529 = vector.broadcast %mul3A_372 : i32 to vector<16xi32>
    %add3A_530 = arith.addi %get3A_528, %add3A_529 : vector<16xi32>
    %swap3A_531 = arith.constant 272 : index
    %swap3A_532 = tpu.vector_load %arg11[%swap3A_531] {strides = array<i32>} : memref<1536xi32, #tpu.memory_space<vmem>>, vector<16xi32>,
    %swap3A_533 = vector.shape_cast %swap3A_532 : vector<16xi32> to vector<16xi32>
    %swap3A_534 = vector.shape_cast %add3A_530 : vector<16xi32> to vector<16xi32>
    tpu.vector_store %arg11[%swap3A_531], %swap3A_534 {strides = array<i32>} : memref<1536xi32, #tpu.memory_space<vmem>>, vector<16xi32>,
    %get3A_535 = arith.constant 288 : index
    %get3A_536 = tpu.vector_load %arg7[%get3A_535] {strides = array<i32>} : memref<512xi32, #tpu.memory_space<vmem>>, vector<16xi32>,
    %get3A_537 = vector.shape_cast %get3A_536 : vector<16xi32> to vector<16xi32>
    %add3A_538 = vector.broadcast %mul3A_372 : i32 to vector<16xi32>
    %add3A_539 = arith.addi %get3A_537, %add3A_538 : vector<16xi32>
    %swap3A_540 = arith.constant 288 : index
    %swap3A_541 = tpu.vector_load %arg11[%swap3A_540] {strides = array<i32>} : memref<1536xi32, #tpu.memory_space<vmem>>, vector<16xi32>,
    %swap3A_542 = vector.shape_cast %swap3A_541 : vector<16xi32> to vector<16xi32>
    %swap3A_543 = vector.shape_cast %add3A_539 : vector<16xi32> to vector<16xi32>
    tpu.vector_store %arg11[%swap3A_540], %swap3A_543 {strides = array<i32>} : memref<1536xi32, #tpu.memory_space<vmem>>, vector<16xi32>,
    %get3A_544 = arith.constant 304 : index
    %get3A_545 = tpu.vector_load %arg7[%get3A_544] {strides = array<i32>} : memref<512xi32, #tpu.memory_space<vmem>>, vector<16xi32>,
    %get3A_546 = vector.shape_cast %get3A_545 : vector<16xi32> to vector<16xi32>
    %add3A_547 = vector.broadcast %mul3A_372 : i32 to vector<16xi32>
    %add3A_548 = arith.addi %get3A_546, %add3A_547 : vector<16xi32>
    %swap3A_549 = arith.constant 304 : index
    %swap3A_550 = tpu.vector_load %arg11[%swap3A_549] {strides = array<i32>} : memref<1536xi32, #tpu.memory_space<vmem>>, vector<16xi32>,
    %swap3A_551 = vector.shape_cast %swap3A_550 : vector<16xi32> to vector<16xi32>
    %swap3A_552 = vector.shape_cast %add3A_548 : vector<16xi32> to vector<16xi32>
    tpu.vector_store %arg11[%swap3A_549], %swap3A_552 {strides = array<i32>} : memref<1536xi32, #tpu.memory_space<vmem>>, vector<16xi32>,
    %get3A_553 = arith.constant 320 : index
    %get3A_554 = tpu.vector_load %arg7[%get3A_553] {strides = array<i32>} : memref<512xi32, #tpu.memory_space<vmem>>, vector<16xi32>,
    %get3A_555 = vector.shape_cast %get3A_554 : vector<16xi32> to vector<16xi32>
    %add3A_556 = vector.broadcast %mul3A_372 : i32 to vector<16xi32>
    %add3A_557 = arith.addi %get3A_555, %add3A_556 : vector<16xi32>
    %swap3A_558 = arith.constant 320 : index
    %swap3A_559 = tpu.vector_load %arg11[%swap3A_558] {strides = array<i32>} : memref<1536xi32, #tpu.memory_space<vmem>>, vector<16xi32>,
    %swap3A_560 = vector.shape_cast %swap3A_559 : vector<16xi32> to vector<16xi32>
    %swap3A_561 = vector.shape_cast %add3A_557 : vector<16xi32> to vector<16xi32>
    tpu.vector_store %arg11[%swap3A_558], %swap3A_561 {strides = array<i32>} : memref<1536xi32, #tpu.memory_space<vmem>>, vector<16xi32>,
    %get3A_562 = arith.constant 336 : index
    %get3A_563 = tpu.vector_load %arg7[%get3A_562] {strides = array<i32>} : memref<512xi32, #tpu.memory_space<vmem>>, vector<16xi32>,
    %get3A_564 = vector.shape_cast %get3A_563 : vector<16xi32> to vector<16xi32>
    %add3A_565 = vector.broadcast %mul3A_372 : i32 to vector<16xi32>
    %add3A_566 = arith.addi %get3A_564, %add3A_565 : vector<16xi32>
    %swap3A_567 = arith.constant 336 : index
    %swap3A_568 = tpu.vector_load %arg11[%swap3A_567] {strides = array<i32>} : memref<1536xi32, #tpu.memory_space<vmem>>, vector<16xi32>,
    %swap3A_569 = vector.shape_cast %swap3A_568 : vector<16xi32> to vector<16xi32>
    %swap3A_570 = vector.shape_cast %add3A_566 : vector<16xi32> to vector<16xi32>
    tpu.vector_store %arg11[%swap3A_567], %swap3A_570 {strides = array<i32>} : memref<1536xi32, #tpu.memory_space<vmem>>, vector<16xi32>,
    %get3A_571 = arith.constant 352 : index
    %get3A_572 = tpu.vector_load %arg7[%get3A_571] {strides = array<i32>} : memref<512xi32, #tpu.memory_space<vmem>>, vector<16xi32>,
    %get3A_573 = vector.shape_cast %get3A_572 : vector<16xi32> to vector<16xi32>
    %add3A_574 = vector.broadcast %mul3A_372 : i32 to vector<16xi32>
    %add3A_575 = arith.addi %get3A_573, %add3A_574 : vector<16xi32>
    %swap3A_576 = arith.constant 352 : index
    %swap3A_577 = tpu.vector_load %arg11[%swap3A_576] {strides = array<i32>} : memref<1536xi32, #tpu.memory_space<vmem>>, vector<16xi32>,
    %swap3A_578 = vector.shape_cast %swap3A_577 : vector<16xi32> to vector<16xi32>
    %swap3A_579 = vector.shape_cast %add3A_575 : vector<16xi32> to vector<16xi32>
    tpu.vector_store %arg11[%swap3A_576], %swap3A_579 {strides = array<i32>} : memref<1536xi32, #tpu.memory_space<vmem>>, vector<16xi32>,
    %get3A_580 = arith.constant 368 : index
    %get3A_581 = tpu.vector_load %arg7[%get3A_580] {strides = array<i32>} : memref<512xi32, #tpu.memory_space<vmem>>, vector<16xi32>,
    %get3A_582 = vector.shape_cast %get3A_581 : vector<16xi32> to vector<16xi32>
    %add3A_583 = vector.broadcast %mul3A_372 : i32 to vector<16xi32>
    %add3A_584 = arith.addi %get3A_582, %add3A_583 : vector<16xi32>
    %swap3A_585 = arith.constant 368 : index
    %swap3A_586 = tpu.vector_load %arg11[%swap3A_585] {strides = array<i32>} : memref<1536xi32, #tpu.memory_space<vmem>>, vector<16xi32>,
    %swap3A_587 = vector.shape_cast %swap3A_586 : vector<16xi32> to vector<16xi32>
    %swap3A_588 = vector.shape_cast %add3A_584 : vector<16xi32> to vector<16xi32>
    tpu.vector_store %arg11[%swap3A_585], %swap3A_588 {strides = array<i32>} : memref<1536xi32, #tpu.memory_space<vmem>>, vector<16xi32>,
    %get3A_589 = arith.constant 384 : index
    %get3A_590 = tpu.vector_load %arg7[%get3A_589] {strides = array<i32>} : memref<512xi32, #tpu.memory_space<vmem>>, vector<16xi32>,
    %get3A_591 = vector.shape_cast %get3A_590 : vector<16xi32> to vector<16xi32>
    %add3A_592 = vector.broadcast %mul3A_372 : i32 to vector<16xi32>
    %add3A_593 = arith.addi %get3A_591, %add3A_592 : vector<16xi32>
    %swap3A_594 = arith.constant 384 : index
    %swap3A_595 = tpu.vector_load %arg11[%swap3A_594] {strides = array<i32>} : memref<1536xi32, #tpu.memory_space<vmem>>, vector<16xi32>,
    %swap3A_596 = vector.shape_cast %swap3A_595 : vector<16xi32> to vector<16xi32>
    %swap3A_597 = vector.shape_cast %add3A_593 : vector<16xi32> to vector<16xi32>
    tpu.vector_store %arg11[%swap3A_594], %swap3A_597 {strides = array<i32>} : memref<1536xi32, #tpu.memory_space<vmem>>, vector<16xi32>,
    %get3A_598 = arith.constant 400 : index
    %get3A_599 = tpu.vector_load %arg7[%get3A_598] {strides = array<i32>} : memref<512xi32, #tpu.memory_space<vmem>>, vector<16xi32>,
    %get3A_600 = vector.shape_cast %get3A_599 : vector<16xi32> to vector<16xi32>
    %add3A_601 = vector.broadcast %mul3A_372 : i32 to vector<16xi32>
    %add3A_602 = arith.addi %get3A_600, %add3A_601 : vector<16xi32>
    %swap3A_603 = arith.constant 400 : index
    %swap3A_604 = tpu.vector_load %arg11[%swap3A_603] {strides = array<i32>} : memref<1536xi32, #tpu.memory_space<vmem>>, vector<16xi32>,
    %swap3A_605 = vector.shape_cast %swap3A_604 : vector<16xi32> to vector<16xi32>
    %swap3A_606 = vector.shape_cast %add3A_602 : vector<16xi32> to vector<16xi32>
    tpu.vector_store %arg11[%swap3A_603], %swap3A_606 {strides = array<i32>} : memref<1536xi32, #tpu.memory_space<vmem>>, vector<16xi32>,
    %get3A_607 = arith.constant 416 : index
    %get3A_608 = tpu.vector_load %arg7[%get3A_607] {strides = array<i32>} : memref<512xi32, #tpu.memory_space<vmem>>, vector<16xi32>,
    %get3A_609 = vector.shape_cast %get3A_608 : vector<16xi32> to vector<16xi32>
    %add3A_610 = vector.broadcast %mul3A_372 : i32 to vector<16xi32>
    %add3A_611 = arith.addi %get3A_609, %add3A_610 : vector<16xi32>
    %swap3A_612 = arith.constant 416 : index
    %swap3A_613 = tpu.vector_load %arg11[%swap3A_612] {strides = array<i32>} : memref<1536xi32, #tpu.memory_space<vmem>>, vector<16xi32>,
    %swap3A_614 = vector.shape_cast %swap3A_613 : vector<16xi32> to vector<16xi32>
    %swap3A_615 = vector.shape_cast %add3A_611 : vector<16xi32> to vector<16xi32>
    tpu.vector_store %arg11[%swap3A_612], %swap3A_615 {strides = array<i32>} : memref<1536xi32, #tpu.memory_space<vmem>>, vector<16xi32>,
    %get3A_616 = arith.constant 432 : index
    %get3A_617 = tpu.vector_load %arg7[%get3A_616] {strides = array<i32>} : memref<512xi32, #tpu.memory_space<vmem>>, vector<16xi32>,
    %get3A_618 = vector.shape_cast %get3A_617 : vector<16xi32> to vector<16xi32>
    %add3A_619 = vector.broadcast %mul3A_372 : i32 to vector<16xi32>
    %add3A_620 = arith.addi %get3A_618, %add3A_619 : vector<16xi32>
    %swap3A_621 = arith.constant 432 : index
    %swap3A_622 = tpu.vector_load %arg11[%swap3A_621] {strides = array<i32>} : memref<1536xi32, #tpu.memory_space<vmem>>, vector<16xi32>,
    %swap3A_623 = vector.shape_cast %swap3A_622 : vector<16xi32> to vector<16xi32>
    %swap3A_624 = vector.shape_cast %add3A_620 : vector<16xi32> to vector<16xi32>
    tpu.vector_store %arg11[%swap3A_621], %swap3A_624 {strides = array<i32>} : memref<1536xi32, #tpu.memory_space<vmem>>, vector<16xi32>,
    %get3A_625 = arith.constant 448 : index
    %get3A_626 = tpu.vector_load %arg7[%get3A_625] {strides = array<i32>} : memref<512xi32, #tpu.memory_space<vmem>>, vector<16xi32>,
    %get3A_627 = vector.shape_cast %get3A_626 : vector<16xi32> to vector<16xi32>
    %add3A_628 = vector.broadcast %mul3A_372 : i32 to vector<16xi32>
    %add3A_629 = arith.addi %get3A_627, %add3A_628 : vector<16xi32>
    %swap3A_630 = arith.constant 448 : index
    %swap3A_631 = tpu.vector_load %arg11[%swap3A_630] {strides = array<i32>} : memref<1536xi32, #tpu.memory_space<vmem>>, vector<16xi32>,
    %swap3A_632 = vector.shape_cast %swap3A_631 : vector<16xi32> to vector<16xi32>
    %swap3A_633 = vector.shape_cast %add3A_629 : vector<16xi32> to vector<16xi32>
    tpu.vector_store %arg11[%swap3A_630], %swap3A_633 {strides = array<i32>} : memref<1536xi32, #tpu.memory_space<vmem>>, vector<16xi32>,
    %get3A_634 = arith.constant 464 : index
    %get3A_635 = tpu.vector_load %arg7[%get3A_634] {strides = array<i32>} : memref<512xi32, #tpu.memory_space<vmem>>, vector<16xi32>,
    %get3A_636 = vector.shape_cast %get3A_635 : vector<16xi32> to vector<16xi32>
    %add3A_637 = vector.broadcast %mul3A_372 : i32 to vector<16xi32>
    %add3A_638 = arith.addi %get3A_636, %add3A_637 : vector<16xi32>
    %swap3A_639 = arith.constant 464 : index
    %swap3A_640 = tpu.vector_load %arg11[%swap3A_639] {strides = array<i32>} : memref<1536xi32, #tpu.memory_space<vmem>>, vector<16xi32>,
    %swap3A_641 = vector.shape_cast %swap3A_640 : vector<16xi32> to vector<16xi32>
    %swap3A_642 = vector.shape_cast %add3A_638 : vector<16xi32> to vector<16xi32>
    tpu.vector_store %arg11[%swap3A_639], %swap3A_642 {strides = array<i32>} : memref<1536xi32, #tpu.memory_space<vmem>>, vector<16xi32>,
    %get3A_643 = arith.constant 480 : index
    %get3A_644 = tpu.vector_load %arg7[%get3A_643] {strides = array<i32>} : memref<512xi32, #tpu.memory_space<vmem>>, vector<16xi32>,
    %get3A_645 = vector.shape_cast %get3A_644 : vector<16xi32> to vector<16xi32>
    %add3A_646 = vector.broadcast %mul3A_372 : i32 to vector<16xi32>
    %add3A_647 = arith.addi %get3A_645, %add3A_646 : vector<16xi32>
    %swap3A_648 = arith.constant 480 : index
    %swap3A_649 = tpu.vector_load %arg11[%swap3A_648] {strides = array<i32>} : memref<1536xi32, #tpu.memory_space<vmem>>, vector<16xi32>,
    %swap3A_650 = vector.shape_cast %swap3A_649 : vector<16xi32> to vector<16xi32>
    %swap3A_651 = vector.shape_cast %add3A_647 : vector<16xi32> to vector<16xi32>
    tpu.vector_store %arg11[%swap3A_648], %swap3A_651 {strides = array<i32>} : memref<1536xi32, #tpu.memory_space<vmem>>, vector<16xi32>,
    %get3A_652 = arith.constant 496 : index
    %get3A_653 = tpu.vector_load %arg7[%get3A_652] {strides = array<i32>} : memref<512xi32, #tpu.memory_space<vmem>>, vector<16xi32>,
    %get3A_654 = vector.shape_cast %get3A_653 : vector<16xi32> to vector<16xi32>
    %add3A_655 = vector.broadcast %mul3A_372 : i32 to vector<16xi32>
    %add3A_656 = arith.addi %get3A_654, %add3A_655 : vector<16xi32>
    %swap3A_657 = arith.constant 496 : index
    %swap3A_658 = tpu.vector_load %arg11[%swap3A_657] {strides = array<i32>} : memref<1536xi32, #tpu.memory_space<vmem>>, vector<16xi32>,
    %swap3A_659 = vector.shape_cast %swap3A_658 : vector<16xi32> to vector<16xi32>
    %swap3A_660 = vector.shape_cast %add3A_656 : vector<16xi32> to vector<16xi32>
    tpu.vector_store %arg11[%swap3A_657], %swap3A_660 {strides = array<i32>} : memref<1536xi32, #tpu.memory_space<vmem>>, vector<16xi32>,
    %add3A_661 = arith.constant 16 : i32
    %add3A_662 = arith.addi %add3A_661, %select_n3A : i32
    %mul3A_663 = arith.constant 50000 : i32
    %mul3A_664 = arith.muli %add3A_662, %mul3A_663 : i32
    %get3A_665 = arith.constant 0 : index
    %get3A_666 = tpu.vector_load %arg7[%get3A_665] {strides = array<i32>} : memref<512xi32, #tpu.memory_space<vmem>>, vector<16xi32>,
    %get3A_667 = vector.shape_cast %get3A_666 : vector<16xi32> to vector<16xi32>
    %add3A_668 = vector.broadcast %mul3A_664 : i32 to vector<16xi32>
    %add3A_669 = arith.addi %get3A_667, %add3A_668 : vector<16xi32>
    %swap3A_670 = arith.constant 512 : index
    %swap3A_671 = tpu.vector_load %arg11[%swap3A_670] {strides = array<i32>} : memref<1536xi32, #tpu.memory_space<vmem>>, vector<16xi32>,
    %swap3A_672 = vector.shape_cast %swap3A_671 : vector<16xi32> to vector<16xi32>
    %swap3A_673 = vector.shape_cast %add3A_669 : vector<16xi32> to vector<16xi32>
    tpu.vector_store %arg11[%swap3A_670], %swap3A_673 {strides = array<i32>} : memref<1536xi32, #tpu.memory_space<vmem>>, vector<16xi32>,
    %get3A_674 = arith.constant 16 : index
    %get3A_675 = tpu.vector_load %arg7[%get3A_674] {strides = array<i32>} : memref<512xi32, #tpu.memory_space<vmem>>, vector<16xi32>,
    %get3A_676 = vector.shape_cast %get3A_675 : vector<16xi32> to vector<16xi32>
    %add3A_677 = vector.broadcast %mul3A_664 : i32 to vector<16xi32>
    %add3A_678 = arith.addi %get3A_676, %add3A_677 : vector<16xi32>
    %swap3A_679 = arith.constant 528 : index
    %swap3A_680 = tpu.vector_load %arg11[%swap3A_679] {strides = array<i32>} : memref<1536xi32, #tpu.memory_space<vmem>>, vector<16xi32>,
    %swap3A_681 = vector.shape_cast %swap3A_680 : vector<16xi32> to vector<16xi32>
    %swap3A_682 = vector.shape_cast %add3A_678 : vector<16xi32> to vector<16xi32>
    tpu.vector_store %arg11[%swap3A_679], %swap3A_682 {strides = array<i32>} : memref<1536xi32, #tpu.memory_space<vmem>>, vector<16xi32>,
    %get3A_683 = arith.constant 32 : index
    %get3A_684 = tpu.vector_load %arg7[%get3A_683] {strides = array<i32>} : memref<512xi32, #tpu.memory_space<vmem>>, vector<16xi32>,
    %get3A_685 = vector.shape_cast %get3A_684 : vector<16xi32> to vector<16xi32>
    %add3A_686 = vector.broadcast %mul3A_664 : i32 to vector<16xi32>
    %add3A_687 = arith.addi %get3A_685, %add3A_686 : vector<16xi32>
    %swap3A_688 = arith.constant 544 : index
    %swap3A_689 = tpu.vector_load %arg11[%swap3A_688] {strides = array<i32>} : memref<1536xi32, #tpu.memory_space<vmem>>, vector<16xi32>,
    %swap3A_690 = vector.shape_cast %swap3A_689 : vector<16xi32> to vector<16xi32>
    %swap3A_691 = vector.shape_cast %add3A_687 : vector<16xi32> to vector<16xi32>
    tpu.vector_store %arg11[%swap3A_688], %swap3A_691 {strides = array<i32>} : memref<1536xi32, #tpu.memory_space<vmem>>, vector<16xi32>,
    %get3A_692 = arith.constant 48 : index
    %get3A_693 = tpu.vector_load %arg7[%get3A_692] {strides = array<i32>} : memref<512xi32, #tpu.memory_space<vmem>>, vector<16xi32>,
    %get3A_694 = vector.shape_cast %get3A_693 : vector<16xi32> to vector<16xi32>
    %add3A_695 = vector.broadcast %mul3A_664 : i32 to vector<16xi32>
    %add3A_696 = arith.addi %get3A_694, %add3A_695 : vector<16xi32>
    %swap3A_697 = arith.constant 560 : index
    %swap3A_698 = tpu.vector_load %arg11[%swap3A_697] {strides = array<i32>} : memref<1536xi32, #tpu.memory_space<vmem>>, vector<16xi32>,
    %swap3A_699 = vector.shape_cast %swap3A_698 : vector<16xi32> to vector<16xi32>
    %swap3A_700 = vector.shape_cast %add3A_696 : vector<16xi32> to vector<16xi32>
    tpu.vector_store %arg11[%swap3A_697], %swap3A_700 {strides = array<i32>} : memref<1536xi32, #tpu.memory_space<vmem>>, vector<16xi32>,
    %get3A_701 = arith.constant 64 : index
    %get3A_702 = tpu.vector_load %arg7[%get3A_701] {strides = array<i32>} : memref<512xi32, #tpu.memory_space<vmem>>, vector<16xi32>,
    %get3A_703 = vector.shape_cast %get3A_702 : vector<16xi32> to vector<16xi32>
    %add3A_704 = vector.broadcast %mul3A_664 : i32 to vector<16xi32>
    %add3A_705 = arith.addi %get3A_703, %add3A_704 : vector<16xi32>
    %swap3A_706 = arith.constant 576 : index
    %swap3A_707 = tpu.vector_load %arg11[%swap3A_706] {strides = array<i32>} : memref<1536xi32, #tpu.memory_space<vmem>>, vector<16xi32>,
    %swap3A_708 = vector.shape_cast %swap3A_707 : vector<16xi32> to vector<16xi32>
    %swap3A_709 = vector.shape_cast %add3A_705 : vector<16xi32> to vector<16xi32>
    tpu.vector_store %arg11[%swap3A_706], %swap3A_709 {strides = array<i32>} : memref<1536xi32, #tpu.memory_space<vmem>>, vector<16xi32>,
    %get3A_710 = arith.constant 80 : index
    %get3A_711 = tpu.vector_load %arg7[%get3A_710] {strides = array<i32>} : memref<512xi32, #tpu.memory_space<vmem>>, vector<16xi32>,
    %get3A_712 = vector.shape_cast %get3A_711 : vector<16xi32> to vector<16xi32>
    %add3A_713 = vector.broadcast %mul3A_664 : i32 to vector<16xi32>
    %add3A_714 = arith.addi %get3A_712, %add3A_713 : vector<16xi32>
    %swap3A_715 = arith.constant 592 : index
    %swap3A_716 = tpu.vector_load %arg11[%swap3A_715] {strides = array<i32>} : memref<1536xi32, #tpu.memory_space<vmem>>, vector<16xi32>,
    %swap3A_717 = vector.shape_cast %swap3A_716 : vector<16xi32> to vector<16xi32>
    %swap3A_718 = vector.shape_cast %add3A_714 : vector<16xi32> to vector<16xi32>
    tpu.vector_store %arg11[%swap3A_715], %swap3A_718 {strides = array<i32>} : memref<1536xi32, #tpu.memory_space<vmem>>, vector<16xi32>,
    %get3A_719 = arith.constant 96 : index
    %get3A_720 = tpu.vector_load %arg7[%get3A_719] {strides = array<i32>} : memref<512xi32, #tpu.memory_space<vmem>>, vector<16xi32>,
    %get3A_721 = vector.shape_cast %get3A_720 : vector<16xi32> to vector<16xi32>
    %add3A_722 = vector.broadcast %mul3A_664 : i32 to vector<16xi32>
    %add3A_723 = arith.addi %get3A_721, %add3A_722 : vector<16xi32>
    %swap3A_724 = arith.constant 608 : index
    %swap3A_725 = tpu.vector_load %arg11[%swap3A_724] {strides = array<i32>} : memref<1536xi32, #tpu.memory_space<vmem>>, vector<16xi32>,
    %swap3A_726 = vector.shape_cast %swap3A_725 : vector<16xi32> to vector<16xi32>
    %swap3A_727 = vector.shape_cast %add3A_723 : vector<16xi32> to vector<16xi32>
    tpu.vector_store %arg11[%swap3A_724], %swap3A_727 {strides = array<i32>} : memref<1536xi32, #tpu.memory_space<vmem>>, vector<16xi32>,
    %get3A_728 = arith.constant 112 : index
    %get3A_729 = tpu.vector_load %arg7[%get3A_728] {strides = array<i32>} : memref<512xi32, #tpu.memory_space<vmem>>, vector<16xi32>,
    %get3A_730 = vector.shape_cast %get3A_729 : vector<16xi32> to vector<16xi32>
    %add3A_731 = vector.broadcast %mul3A_664 : i32 to vector<16xi32>
    %add3A_732 = arith.addi %get3A_730, %add3A_731 : vector<16xi32>
    %swap3A_733 = arith.constant 624 : index
    %swap3A_734 = tpu.vector_load %arg11[%swap3A_733] {strides = array<i32>} : memref<1536xi32, #tpu.memory_space<vmem>>, vector<16xi32>,
    %swap3A_735 = vector.shape_cast %swap3A_734 : vector<16xi32> to vector<16xi32>
    %swap3A_736 = vector.shape_cast %add3A_732 : vector<16xi32> to vector<16xi32>
    tpu.vector_store %arg11[%swap3A_733], %swap3A_736 {strides = array<i32>} : memref<1536xi32, #tpu.memory_space<vmem>>, vector<16xi32>,
    %get3A_737 = arith.constant 128 : index
    %get3A_738 = tpu.vector_load %arg7[%get3A_737] {strides = array<i32>} : memref<512xi32, #tpu.memory_space<vmem>>, vector<16xi32>,
    %get3A_739 = vector.shape_cast %get3A_738 : vector<16xi32> to vector<16xi32>
    %add3A_740 = vector.broadcast %mul3A_664 : i32 to vector<16xi32>
    %add3A_741 = arith.addi %get3A_739, %add3A_740 : vector<16xi32>
    %swap3A_742 = arith.constant 640 : index
    %swap3A_743 = tpu.vector_load %arg11[%swap3A_742] {strides = array<i32>} : memref<1536xi32, #tpu.memory_space<vmem>>, vector<16xi32>,
    %swap3A_744 = vector.shape_cast %swap3A_743 : vector<16xi32> to vector<16xi32>
    %swap3A_745 = vector.shape_cast %add3A_741 : vector<16xi32> to vector<16xi32>
    tpu.vector_store %arg11[%swap3A_742], %swap3A_745 {strides = array<i32>} : memref<1536xi32, #tpu.memory_space<vmem>>, vector<16xi32>,
    %get3A_746 = arith.constant 144 : index
    %get3A_747 = tpu.vector_load %arg7[%get3A_746] {strides = array<i32>} : memref<512xi32, #tpu.memory_space<vmem>>, vector<16xi32>,
    %get3A_748 = vector.shape_cast %get3A_747 : vector<16xi32> to vector<16xi32>
    %add3A_749 = vector.broadcast %mul3A_664 : i32 to vector<16xi32>
    %add3A_750 = arith.addi %get3A_748, %add3A_749 : vector<16xi32>
    %swap3A_751 = arith.constant 656 : index
    %swap3A_752 = tpu.vector_load %arg11[%swap3A_751] {strides = array<i32>} : memref<1536xi32, #tpu.memory_space<vmem>>, vector<16xi32>,
    %swap3A_753 = vector.shape_cast %swap3A_752 : vector<16xi32> to vector<16xi32>
    %swap3A_754 = vector.shape_cast %add3A_750 : vector<16xi32> to vector<16xi32>
    tpu.vector_store %arg11[%swap3A_751], %swap3A_754 {strides = array<i32>} : memref<1536xi32, #tpu.memory_space<vmem>>, vector<16xi32>,
    %get3A_755 = arith.constant 160 : index
    %get3A_756 = tpu.vector_load %arg7[%get3A_755] {strides = array<i32>} : memref<512xi32, #tpu.memory_space<vmem>>, vector<16xi32>,
    %get3A_757 = vector.shape_cast %get3A_756 : vector<16xi32> to vector<16xi32>
    %add3A_758 = vector.broadcast %mul3A_664 : i32 to vector<16xi32>
    %add3A_759 = arith.addi %get3A_757, %add3A_758 : vector<16xi32>
    %swap3A_760 = arith.constant 672 : index
    %swap3A_761 = tpu.vector_load %arg11[%swap3A_760] {strides = array<i32>} : memref<1536xi32, #tpu.memory_space<vmem>>, vector<16xi32>,
    %swap3A_762 = vector.shape_cast %swap3A_761 : vector<16xi32> to vector<16xi32>
    %swap3A_763 = vector.shape_cast %add3A_759 : vector<16xi32> to vector<16xi32>
    tpu.vector_store %arg11[%swap3A_760], %swap3A_763 {strides = array<i32>} : memref<1536xi32, #tpu.memory_space<vmem>>, vector<16xi32>,
    %get3A_764 = arith.constant 176 : index
    %get3A_765 = tpu.vector_load %arg7[%get3A_764] {strides = array<i32>} : memref<512xi32, #tpu.memory_space<vmem>>, vector<16xi32>,
    %get3A_766 = vector.shape_cast %get3A_765 : vector<16xi32> to vector<16xi32>
    %add3A_767 = vector.broadcast %mul3A_664 : i32 to vector<16xi32>
    %add3A_768 = arith.addi %get3A_766, %add3A_767 : vector<16xi32>
    %swap3A_769 = arith.constant 688 : index
    %swap3A_770 = tpu.vector_load %arg11[%swap3A_769] {strides = array<i32>} : memref<1536xi32, #tpu.memory_space<vmem>>, vector<16xi32>,
    %swap3A_771 = vector.shape_cast %swap3A_770 : vector<16xi32> to vector<16xi32>
    %swap3A_772 = vector.shape_cast %add3A_768 : vector<16xi32> to vector<16xi32>
    tpu.vector_store %arg11[%swap3A_769], %swap3A_772 {strides = array<i32>} : memref<1536xi32, #tpu.memory_space<vmem>>, vector<16xi32>,
    %get3A_773 = arith.constant 192 : index
    %get3A_774 = tpu.vector_load %arg7[%get3A_773] {strides = array<i32>} : memref<512xi32, #tpu.memory_space<vmem>>, vector<16xi32>,
    %get3A_775 = vector.shape_cast %get3A_774 : vector<16xi32> to vector<16xi32>
    %add3A_776 = vector.broadcast %mul3A_664 : i32 to vector<16xi32>
    %add3A_777 = arith.addi %get3A_775, %add3A_776 : vector<16xi32>
    %swap3A_778 = arith.constant 704 : index
    %swap3A_779 = tpu.vector_load %arg11[%swap3A_778] {strides = array<i32>} : memref<1536xi32, #tpu.memory_space<vmem>>, vector<16xi32>,
    %swap3A_780 = vector.shape_cast %swap3A_779 : vector<16xi32> to vector<16xi32>
    %swap3A_781 = vector.shape_cast %add3A_777 : vector<16xi32> to vector<16xi32>
    tpu.vector_store %arg11[%swap3A_778], %swap3A_781 {strides = array<i32>} : memref<1536xi32, #tpu.memory_space<vmem>>, vector<16xi32>,
    %get3A_782 = arith.constant 208 : index
    %get3A_783 = tpu.vector_load %arg7[%get3A_782] {strides = array<i32>} : memref<512xi32, #tpu.memory_space<vmem>>, vector<16xi32>,
    %get3A_784 = vector.shape_cast %get3A_783 : vector<16xi32> to vector<16xi32>
    %add3A_785 = vector.broadcast %mul3A_664 : i32 to vector<16xi32>
    %add3A_786 = arith.addi %get3A_784, %add3A_785 : vector<16xi32>
    %swap3A_787 = arith.constant 720 : index
    %swap3A_788 = tpu.vector_load %arg11[%swap3A_787] {strides = array<i32>} : memref<1536xi32, #tpu.memory_space<vmem>>, vector<16xi32>,
    %swap3A_789 = vector.shape_cast %swap3A_788 : vector<16xi32> to vector<16xi32>
    %swap3A_790 = vector.shape_cast %add3A_786 : vector<16xi32> to vector<16xi32>
    tpu.vector_store %arg11[%swap3A_787], %swap3A_790 {strides = array<i32>} : memref<1536xi32, #tpu.memory_space<vmem>>, vector<16xi32>,
    %get3A_791 = arith.constant 224 : index
    %get3A_792 = tpu.vector_load %arg7[%get3A_791] {strides = array<i32>} : memref<512xi32, #tpu.memory_space<vmem>>, vector<16xi32>,
    %get3A_793 = vector.shape_cast %get3A_792 : vector<16xi32> to vector<16xi32>
    %add3A_794 = vector.broadcast %mul3A_664 : i32 to vector<16xi32>
    %add3A_795 = arith.addi %get3A_793, %add3A_794 : vector<16xi32>
    %swap3A_796 = arith.constant 736 : index
    %swap3A_797 = tpu.vector_load %arg11[%swap3A_796] {strides = array<i32>} : memref<1536xi32, #tpu.memory_space<vmem>>, vector<16xi32>,
    %swap3A_798 = vector.shape_cast %swap3A_797 : vector<16xi32> to vector<16xi32>
    %swap3A_799 = vector.shape_cast %add3A_795 : vector<16xi32> to vector<16xi32>
    tpu.vector_store %arg11[%swap3A_796], %swap3A_799 {strides = array<i32>} : memref<1536xi32, #tpu.memory_space<vmem>>, vector<16xi32>,
    %get3A_800 = arith.constant 240 : index
    %get3A_801 = tpu.vector_load %arg7[%get3A_800] {strides = array<i32>} : memref<512xi32, #tpu.memory_space<vmem>>, vector<16xi32>,
    %get3A_802 = vector.shape_cast %get3A_801 : vector<16xi32> to vector<16xi32>
    %add3A_803 = vector.broadcast %mul3A_664 : i32 to vector<16xi32>
    %add3A_804 = arith.addi %get3A_802, %add3A_803 : vector<16xi32>
    %swap3A_805 = arith.constant 752 : index
    %swap3A_806 = tpu.vector_load %arg11[%swap3A_805] {strides = array<i32>} : memref<1536xi32, #tpu.memory_space<vmem>>, vector<16xi32>,
    %swap3A_807 = vector.shape_cast %swap3A_806 : vector<16xi32> to vector<16xi32>
    %swap3A_808 = vector.shape_cast %add3A_804 : vector<16xi32> to vector<16xi32>
    tpu.vector_store %arg11[%swap3A_805], %swap3A_808 {strides = array<i32>} : memref<1536xi32, #tpu.memory_space<vmem>>, vector<16xi32>,
    %get3A_809 = arith.constant 256 : index
    %get3A_810 = tpu.vector_load %arg7[%get3A_809] {strides = array<i32>} : memref<512xi32, #tpu.memory_space<vmem>>, vector<16xi32>,
    %get3A_811 = vector.shape_cast %get3A_810 : vector<16xi32> to vector<16xi32>
    %add3A_812 = vector.broadcast %mul3A_664 : i32 to vector<16xi32>
    %add3A_813 = arith.addi %get3A_811, %add3A_812 : vector<16xi32>
    %swap3A_814 = arith.constant 768 : index
    %swap3A_815 = tpu.vector_load %arg11[%swap3A_814] {strides = array<i32>} : memref<1536xi32, #tpu.memory_space<vmem>>, vector<16xi32>,
    %swap3A_816 = vector.shape_cast %swap3A_815 : vector<16xi32> to vector<16xi32>
    %swap3A_817 = vector.shape_cast %add3A_813 : vector<16xi32> to vector<16xi32>
    tpu.vector_store %arg11[%swap3A_814], %swap3A_817 {strides = array<i32>} : memref<1536xi32, #tpu.memory_space<vmem>>, vector<16xi32>,
    %get3A_818 = arith.constant 272 : index
    %get3A_819 = tpu.vector_load %arg7[%get3A_818] {strides = array<i32>} : memref<512xi32, #tpu.memory_space<vmem>>, vector<16xi32>,
    %get3A_820 = vector.shape_cast %get3A_819 : vector<16xi32> to vector<16xi32>
    %add3A_821 = vector.broadcast %mul3A_664 : i32 to vector<16xi32>
    %add3A_822 = arith.addi %get3A_820, %add3A_821 : vector<16xi32>
    %swap3A_823 = arith.constant 784 : index
    %swap3A_824 = tpu.vector_load %arg11[%swap3A_823] {strides = array<i32>} : memref<1536xi32, #tpu.memory_space<vmem>>, vector<16xi32>,
    %swap3A_825 = vector.shape_cast %swap3A_824 : vector<16xi32> to vector<16xi32>
    %swap3A_826 = vector.shape_cast %add3A_822 : vector<16xi32> to vector<16xi32>
    tpu.vector_store %arg11[%swap3A_823], %swap3A_826 {strides = array<i32>} : memref<1536xi32, #tpu.memory_space<vmem>>, vector<16xi32>,
    %get3A_827 = arith.constant 288 : index
    %get3A_828 = tpu.vector_load %arg7[%get3A_827] {strides = array<i32>} : memref<512xi32, #tpu.memory_space<vmem>>, vector<16xi32>,
    %get3A_829 = vector.shape_cast %get3A_828 : vector<16xi32> to vector<16xi32>
    %add3A_830 = vector.broadcast %mul3A_664 : i32 to vector<16xi32>
    %add3A_831 = arith.addi %get3A_829, %add3A_830 : vector<16xi32>
    %swap3A_832 = arith.constant 800 : index
    %swap3A_833 = tpu.vector_load %arg11[%swap3A_832] {strides = array<i32>} : memref<1536xi32, #tpu.memory_space<vmem>>, vector<16xi32>,
    %swap3A_834 = vector.shape_cast %swap3A_833 : vector<16xi32> to vector<16xi32>
    %swap3A_835 = vector.shape_cast %add3A_831 : vector<16xi32> to vector<16xi32>
    tpu.vector_store %arg11[%swap3A_832], %swap3A_835 {strides = array<i32>} : memref<1536xi32, #tpu.memory_space<vmem>>, vector<16xi32>,
    %get3A_836 = arith.constant 304 : index
    %get3A_837 = tpu.vector_load %arg7[%get3A_836] {strides = array<i32>} : memref<512xi32, #tpu.memory_space<vmem>>, vector<16xi32>,
    %get3A_838 = vector.shape_cast %get3A_837 : vector<16xi32> to vector<16xi32>
    %add3A_839 = vector.broadcast %mul3A_664 : i32 to vector<16xi32>
    %add3A_840 = arith.addi %get3A_838, %add3A_839 : vector<16xi32>
    %swap3A_841 = arith.constant 816 : index
    %swap3A_842 = tpu.vector_load %arg11[%swap3A_841] {strides = array<i32>} : memref<1536xi32, #tpu.memory_space<vmem>>, vector<16xi32>,
    %swap3A_843 = vector.shape_cast %swap3A_842 : vector<16xi32> to vector<16xi32>
    %swap3A_844 = vector.shape_cast %add3A_840 : vector<16xi32> to vector<16xi32>
    tpu.vector_store %arg11[%swap3A_841], %swap3A_844 {strides = array<i32>} : memref<1536xi32, #tpu.memory_space<vmem>>, vector<16xi32>,
    %get3A_845 = arith.constant 320 : index
    %get3A_846 = tpu.vector_load %arg7[%get3A_845] {strides = array<i32>} : memref<512xi32, #tpu.memory_space<vmem>>, vector<16xi32>,
    %get3A_847 = vector.shape_cast %get3A_846 : vector<16xi32> to vector<16xi32>
    %add3A_848 = vector.broadcast %mul3A_664 : i32 to vector<16xi32>
    %add3A_849 = arith.addi %get3A_847, %add3A_848 : vector<16xi32>
    %swap3A_850 = arith.constant 832 : index
    %swap3A_851 = tpu.vector_load %arg11[%swap3A_850] {strides = array<i32>} : memref<1536xi32, #tpu.memory_space<vmem>>, vector<16xi32>,
    %swap3A_852 = vector.shape_cast %swap3A_851 : vector<16xi32> to vector<16xi32>
    %swap3A_853 = vector.shape_cast %add3A_849 : vector<16xi32> to vector<16xi32>
    tpu.vector_store %arg11[%swap3A_850], %swap3A_853 {strides = array<i32>} : memref<1536xi32, #tpu.memory_space<vmem>>, vector<16xi32>,
    %get3A_854 = arith.constant 336 : index
    %get3A_855 = tpu.vector_load %arg7[%get3A_854] {strides = array<i32>} : memref<512xi32, #tpu.memory_space<vmem>>, vector<16xi32>,
    %get3A_856 = vector.shape_cast %get3A_855 : vector<16xi32> to vector<16xi32>
    %add3A_857 = vector.broadcast %mul3A_664 : i32 to vector<16xi32>
    %add3A_858 = arith.addi %get3A_856, %add3A_857 : vector<16xi32>
    %swap3A_859 = arith.constant 848 : index
    %swap3A_860 = tpu.vector_load %arg11[%swap3A_859] {strides = array<i32>} : memref<1536xi32, #tpu.memory_space<vmem>>, vector<16xi32>,
    %swap3A_861 = vector.shape_cast %swap3A_860 : vector<16xi32> to vector<16xi32>
    %swap3A_862 = vector.shape_cast %add3A_858 : vector<16xi32> to vector<16xi32>
    tpu.vector_store %arg11[%swap3A_859], %swap3A_862 {strides = array<i32>} : memref<1536xi32, #tpu.memory_space<vmem>>, vector<16xi32>,
    %get3A_863 = arith.constant 352 : index
    %get3A_864 = tpu.vector_load %arg7[%get3A_863] {strides = array<i32>} : memref<512xi32, #tpu.memory_space<vmem>>, vector<16xi32>,
    %get3A_865 = vector.shape_cast %get3A_864 : vector<16xi32> to vector<16xi32>
    %add3A_866 = vector.broadcast %mul3A_664 : i32 to vector<16xi32>
    %add3A_867 = arith.addi %get3A_865, %add3A_866 : vector<16xi32>
    %swap3A_868 = arith.constant 864 : index
    %swap3A_869 = tpu.vector_load %arg11[%swap3A_868] {strides = array<i32>} : memref<1536xi32, #tpu.memory_space<vmem>>, vector<16xi32>,
    %swap3A_870 = vector.shape_cast %swap3A_869 : vector<16xi32> to vector<16xi32>
    %swap3A_871 = vector.shape_cast %add3A_867 : vector<16xi32> to vector<16xi32>
    tpu.vector_store %arg11[%swap3A_868], %swap3A_871 {strides = array<i32>} : memref<1536xi32, #tpu.memory_space<vmem>>, vector<16xi32>,
    %get3A_872 = arith.constant 368 : index
    %get3A_873 = tpu.vector_load %arg7[%get3A_872] {strides = array<i32>} : memref<512xi32, #tpu.memory_space<vmem>>, vector<16xi32>,
    %get3A_874 = vector.shape_cast %get3A_873 : vector<16xi32> to vector<16xi32>
    %add3A_875 = vector.broadcast %mul3A_664 : i32 to vector<16xi32>
    %add3A_876 = arith.addi %get3A_874, %add3A_875 : vector<16xi32>
    %swap3A_877 = arith.constant 880 : index
    %swap3A_878 = tpu.vector_load %arg11[%swap3A_877] {strides = array<i32>} : memref<1536xi32, #tpu.memory_space<vmem>>, vector<16xi32>,
    %swap3A_879 = vector.shape_cast %swap3A_878 : vector<16xi32> to vector<16xi32>
    %swap3A_880 = vector.shape_cast %add3A_876 : vector<16xi32> to vector<16xi32>
    tpu.vector_store %arg11[%swap3A_877], %swap3A_880 {strides = array<i32>} : memref<1536xi32, #tpu.memory_space<vmem>>, vector<16xi32>,
    %get3A_881 = arith.constant 384 : index
    %get3A_882 = tpu.vector_load %arg7[%get3A_881] {strides = array<i32>} : memref<512xi32, #tpu.memory_space<vmem>>, vector<16xi32>,
    %get3A_883 = vector.shape_cast %get3A_882 : vector<16xi32> to vector<16xi32>
    %add3A_884 = vector.broadcast %mul3A_664 : i32 to vector<16xi32>
    %add3A_885 = arith.addi %get3A_883, %add3A_884 : vector<16xi32>
    %swap3A_886 = arith.constant 896 : index
    %swap3A_887 = tpu.vector_load %arg11[%swap3A_886] {strides = array<i32>} : memref<1536xi32, #tpu.memory_space<vmem>>, vector<16xi32>,
    %swap3A_888 = vector.shape_cast %swap3A_887 : vector<16xi32> to vector<16xi32>
    %swap3A_889 = vector.shape_cast %add3A_885 : vector<16xi32> to vector<16xi32>
    tpu.vector_store %arg11[%swap3A_886], %swap3A_889 {strides = array<i32>} : memref<1536xi32, #tpu.memory_space<vmem>>, vector<16xi32>,
    %get3A_890 = arith.constant 400 : index
    %get3A_891 = tpu.vector_load %arg7[%get3A_890] {strides = array<i32>} : memref<512xi32, #tpu.memory_space<vmem>>, vector<16xi32>,
    %get3A_892 = vector.shape_cast %get3A_891 : vector<16xi32> to vector<16xi32>
    %add3A_893 = vector.broadcast %mul3A_664 : i32 to vector<16xi32>
    %add3A_894 = arith.addi %get3A_892, %add3A_893 : vector<16xi32>
    %swap3A_895 = arith.constant 912 : index
    %swap3A_896 = tpu.vector_load %arg11[%swap3A_895] {strides = array<i32>} : memref<1536xi32, #tpu.memory_space<vmem>>, vector<16xi32>,
    %swap3A_897 = vector.shape_cast %swap3A_896 : vector<16xi32> to vector<16xi32>
    %swap3A_898 = vector.shape_cast %add3A_894 : vector<16xi32> to vector<16xi32>
    tpu.vector_store %arg11[%swap3A_895], %swap3A_898 {strides = array<i32>} : memref<1536xi32, #tpu.memory_space<vmem>>, vector<16xi32>,
    %get3A_899 = arith.constant 416 : index
    %get3A_900 = tpu.vector_load %arg7[%get3A_899] {strides = array<i32>} : memref<512xi32, #tpu.memory_space<vmem>>, vector<16xi32>,
    %get3A_901 = vector.shape_cast %get3A_900 : vector<16xi32> to vector<16xi32>
    %add3A_902 = vector.broadcast %mul3A_664 : i32 to vector<16xi32>
    %add3A_903 = arith.addi %get3A_901, %add3A_902 : vector<16xi32>
    %swap3A_904 = arith.constant 928 : index
    %swap3A_905 = tpu.vector_load %arg11[%swap3A_904] {strides = array<i32>} : memref<1536xi32, #tpu.memory_space<vmem>>, vector<16xi32>,
    %swap3A_906 = vector.shape_cast %swap3A_905 : vector<16xi32> to vector<16xi32>
    %swap3A_907 = vector.shape_cast %add3A_903 : vector<16xi32> to vector<16xi32>
    tpu.vector_store %arg11[%swap3A_904], %swap3A_907 {strides = array<i32>} : memref<1536xi32, #tpu.memory_space<vmem>>, vector<16xi32>,
    %get3A_908 = arith.constant 432 : index
    %get3A_909 = tpu.vector_load %arg7[%get3A_908] {strides = array<i32>} : memref<512xi32, #tpu.memory_space<vmem>>, vector<16xi32>,
    %get3A_910 = vector.shape_cast %get3A_909 : vector<16xi32> to vector<16xi32>
    %add3A_911 = vector.broadcast %mul3A_664 : i32 to vector<16xi32>
    %add3A_912 = arith.addi %get3A_910, %add3A_911 : vector<16xi32>
    %swap3A_913 = arith.constant 944 : index
    %swap3A_914 = tpu.vector_load %arg11[%swap3A_913] {strides = array<i32>} : memref<1536xi32, #tpu.memory_space<vmem>>, vector<16xi32>,
    %swap3A_915 = vector.shape_cast %swap3A_914 : vector<16xi32> to vector<16xi32>
    %swap3A_916 = vector.shape_cast %add3A_912 : vector<16xi32> to vector<16xi32>
    tpu.vector_store %arg11[%swap3A_913], %swap3A_916 {strides = array<i32>} : memref<1536xi32, #tpu.memory_space<vmem>>, vector<16xi32>,
    %get3A_917 = arith.constant 448 : index
    %get3A_918 = tpu.vector_load %arg7[%get3A_917] {strides = array<i32>} : memref<512xi32, #tpu.memory_space<vmem>>, vector<16xi32>,
    %get3A_919 = vector.shape_cast %get3A_918 : vector<16xi32> to vector<16xi32>
    %add3A_920 = vector.broadcast %mul3A_664 : i32 to vector<16xi32>
    %add3A_921 = arith.addi %get3A_919, %add3A_920 : vector<16xi32>
    %swap3A_922 = arith.constant 960 : index
    %swap3A_923 = tpu.vector_load %arg11[%swap3A_922] {strides = array<i32>} : memref<1536xi32, #tpu.memory_space<vmem>>, vector<16xi32>,
    %swap3A_924 = vector.shape_cast %swap3A_923 : vector<16xi32> to vector<16xi32>
    %swap3A_925 = vector.shape_cast %add3A_921 : vector<16xi32> to vector<16xi32>
    tpu.vector_store %arg11[%swap3A_922], %swap3A_925 {strides = array<i32>} : memref<1536xi32, #tpu.memory_space<vmem>>, vector<16xi32>,
    %get3A_926 = arith.constant 464 : index
    %get3A_927 = tpu.vector_load %arg7[%get3A_926] {strides = array<i32>} : memref<512xi32, #tpu.memory_space<vmem>>, vector<16xi32>,
    %get3A_928 = vector.shape_cast %get3A_927 : vector<16xi32> to vector<16xi32>
    %add3A_929 = vector.broadcast %mul3A_664 : i32 to vector<16xi32>
    %add3A_930 = arith.addi %get3A_928, %add3A_929 : vector<16xi32>
    %swap3A_931 = arith.constant 976 : index
    %swap3A_932 = tpu.vector_load %arg11[%swap3A_931] {strides = array<i32>} : memref<1536xi32, #tpu.memory_space<vmem>>, vector<16xi32>,
    %swap3A_933 = vector.shape_cast %swap3A_932 : vector<16xi32> to vector<16xi32>
    %swap3A_934 = vector.shape_cast %add3A_930 : vector<16xi32> to vector<16xi32>
    tpu.vector_store %arg11[%swap3A_931], %swap3A_934 {strides = array<i32>} : memref<1536xi32, #tpu.memory_space<vmem>>, vector<16xi32>,
    %get3A_935 = arith.constant 480 : index
    %get3A_936 = tpu.vector_load %arg7[%get3A_935] {strides = array<i32>} : memref<512xi32, #tpu.memory_space<vmem>>, vector<16xi32>,
    %get3A_937 = vector.shape_cast %get3A_936 : vector<16xi32> to vector<16xi32>
    %add3A_938 = vector.broadcast %mul3A_664 : i32 to vector<16xi32>
    %add3A_939 = arith.addi %get3A_937, %add3A_938 : vector<16xi32>
    %swap3A_940 = arith.constant 992 : index
    %swap3A_941 = tpu.vector_load %arg11[%swap3A_940] {strides = array<i32>} : memref<1536xi32, #tpu.memory_space<vmem>>, vector<16xi32>,
    %swap3A_942 = vector.shape_cast %swap3A_941 : vector<16xi32> to vector<16xi32>
    %swap3A_943 = vector.shape_cast %add3A_939 : vector<16xi32> to vector<16xi32>
    tpu.vector_store %arg11[%swap3A_940], %swap3A_943 {strides = array<i32>} : memref<1536xi32, #tpu.memory_space<vmem>>, vector<16xi32>,
    %get3A_944 = arith.constant 496 : index
    %get3A_945 = tpu.vector_load %arg7[%get3A_944] {strides = array<i32>} : memref<512xi32, #tpu.memory_space<vmem>>, vector<16xi32>,
    %get3A_946 = vector.shape_cast %get3A_945 : vector<16xi32> to vector<16xi32>
    %add3A_947 = vector.broadcast %mul3A_664 : i32 to vector<16xi32>
    %add3A_948 = arith.addi %get3A_946, %add3A_947 : vector<16xi32>
    %swap3A_949 = arith.constant 1008 : index
    %swap3A_950 = tpu.vector_load %arg11[%swap3A_949] {strides = array<i32>} : memref<1536xi32, #tpu.memory_space<vmem>>, vector<16xi32>,
    %swap3A_951 = vector.shape_cast %swap3A_950 : vector<16xi32> to vector<16xi32>
    %swap3A_952 = vector.shape_cast %add3A_948 : vector<16xi32> to vector<16xi32>
    tpu.vector_store %arg11[%swap3A_949], %swap3A_952 {strides = array<i32>} : memref<1536xi32, #tpu.memory_space<vmem>>, vector<16xi32>,
    %add3A_953 = arith.constant 32 : i32
    %add3A_954 = arith.addi %add3A_953, %select_n3A : i32
    %mul3A_955 = arith.constant 50000 : i32
    %mul3A_956 = arith.muli %add3A_954, %mul3A_955 : i32
    %get3A_957 = arith.constant 0 : index
    %get3A_958 = tpu.vector_load %arg7[%get3A_957] {strides = array<i32>} : memref<512xi32, #tpu.memory_space<vmem>>, vector<16xi32>,
    %get3A_959 = vector.shape_cast %get3A_958 : vector<16xi32> to vector<16xi32>
    %add3A_960 = vector.broadcast %mul3A_956 : i32 to vector<16xi32>
    %add3A_961 = arith.addi %get3A_959, %add3A_960 : vector<16xi32>
    %swap3A_962 = arith.constant 1024 : index
    %swap3A_963 = tpu.vector_load %arg11[%swap3A_962] {strides = array<i32>} : memref<1536xi32, #tpu.memory_space<vmem>>, vector<16xi32>,
    %swap3A_964 = vector.shape_cast %swap3A_963 : vector<16xi32> to vector<16xi32>
    %swap3A_965 = vector.shape_cast %add3A_961 : vector<16xi32> to vector<16xi32>
    tpu.vector_store %arg11[%swap3A_962], %swap3A_965 {strides = array<i32>} : memref<1536xi32, #tpu.memory_space<vmem>>, vector<16xi32>,
    %get3A_966 = arith.constant 16 : index
    %get3A_967 = tpu.vector_load %arg7[%get3A_966] {strides = array<i32>} : memref<512xi32, #tpu.memory_space<vmem>>, vector<16xi32>,
    %get3A_968 = vector.shape_cast %get3A_967 : vector<16xi32> to vector<16xi32>
    %add3A_969 = vector.broadcast %mul3A_956 : i32 to vector<16xi32>
    %add3A_970 = arith.addi %get3A_968, %add3A_969 : vector<16xi32>
    %swap3A_971 = arith.constant 1040 : index
    %swap3A_972 = tpu.vector_load %arg11[%swap3A_971] {strides = array<i32>} : memref<1536xi32, #tpu.memory_space<vmem>>, vector<16xi32>,
    %swap3A_973 = vector.shape_cast %swap3A_972 : vector<16xi32> to vector<16xi32>
    %swap3A_974 = vector.shape_cast %add3A_970 : vector<16xi32> to vector<16xi32>
    tpu.vector_store %arg11[%swap3A_971], %swap3A_974 {strides = array<i32>} : memref<1536xi32, #tpu.memory_space<vmem>>, vector<16xi32>,
    %get3A_975 = arith.constant 32 : index
    %get3A_976 = tpu.vector_load %arg7[%get3A_975] {strides = array<i32>} : memref<512xi32, #tpu.memory_space<vmem>>, vector<16xi32>,
    %get3A_977 = vector.shape_cast %get3A_976 : vector<16xi32> to vector<16xi32>
    %add3A_978 = vector.broadcast %mul3A_956 : i32 to vector<16xi32>
    %add3A_979 = arith.addi %get3A_977, %add3A_978 : vector<16xi32>
    %swap3A_980 = arith.constant 1056 : index
    %swap3A_981 = tpu.vector_load %arg11[%swap3A_980] {strides = array<i32>} : memref<1536xi32, #tpu.memory_space<vmem>>, vector<16xi32>,
    %swap3A_982 = vector.shape_cast %swap3A_981 : vector<16xi32> to vector<16xi32>
    %swap3A_983 = vector.shape_cast %add3A_979 : vector<16xi32> to vector<16xi32>
    tpu.vector_store %arg11[%swap3A_980], %swap3A_983 {strides = array<i32>} : memref<1536xi32, #tpu.memory_space<vmem>>, vector<16xi32>,
    %get3A_984 = arith.constant 48 : index
    %get3A_985 = tpu.vector_load %arg7[%get3A_984] {strides = array<i32>} : memref<512xi32, #tpu.memory_space<vmem>>, vector<16xi32>,
    %get3A_986 = vector.shape_cast %get3A_985 : vector<16xi32> to vector<16xi32>
    %add3A_987 = vector.broadcast %mul3A_956 : i32 to vector<16xi32>
    %add3A_988 = arith.addi %get3A_986, %add3A_987 : vector<16xi32>
    %swap3A_989 = arith.constant 1072 : index
    %swap3A_990 = tpu.vector_load %arg11[%swap3A_989] {strides = array<i32>} : memref<1536xi32, #tpu.memory_space<vmem>>, vector<16xi32>,
    %swap3A_991 = vector.shape_cast %swap3A_990 : vector<16xi32> to vector<16xi32>
    %swap3A_992 = vector.shape_cast %add3A_988 : vector<16xi32> to vector<16xi32>
    tpu.vector_store %arg11[%swap3A_989], %swap3A_992 {strides = array<i32>} : memref<1536xi32, #tpu.memory_space<vmem>>, vector<16xi32>,
    %get3A_993 = arith.constant 64 : index
    %get3A_994 = tpu.vector_load %arg7[%get3A_993] {strides = array<i32>} : memref<512xi32, #tpu.memory_space<vmem>>, vector<16xi32>,
    %get3A_995 = vector.shape_cast %get3A_994 : vector<16xi32> to vector<16xi32>
    %add3A_996 = vector.broadcast %mul3A_956 : i32 to vector<16xi32>
    %add3A_997 = arith.addi %get3A_995, %add3A_996 : vector<16xi32>
    %swap3A_998 = arith.constant 1088 : index
    %swap3A_999 = tpu.vector_load %arg11[%swap3A_998] {strides = array<i32>} : memref<1536xi32, #tpu.memory_space<vmem>>, vector<16xi32>,
    %swap3A_1000 = vector.shape_cast %swap3A_999 : vector<16xi32> to vector<16xi32>
    %swap3A_1001 = vector.shape_cast %add3A_997 : vector<16xi32> to vector<16xi32>
    tpu.vector_store %arg11[%swap3A_998], %swap3A_1001 {strides = array<i32>} : memref<1536xi32, #tpu.memory_space<vmem>>, vector<16xi32>,
    %get3A_1002 = arith.constant 80 : index
    %get3A_1003 = tpu.vector_load %arg7[%get3A_1002] {strides = array<i32>} : memref<512xi32, #tpu.memory_space<vmem>>, vector<16xi32>,
    %get3A_1004 = vector.shape_cast %get3A_1003 : vector<16xi32> to vector<16xi32>
    %add3A_1005 = vector.broadcast %mul3A_956 : i32 to vector<16xi32>
    %add3A_1006 = arith.addi %get3A_1004, %add3A_1005 : vector<16xi32>
    %swap3A_1007 = arith.constant 1104 : index
    %swap3A_1008 = tpu.vector_load %arg11[%swap3A_1007] {strides = array<i32>} : memref<1536xi32, #tpu.memory_space<vmem>>, vector<16xi32>,
    %swap3A_1009 = vector.shape_cast %swap3A_1008 : vector<16xi32> to vector<16xi32>
    %swap3A_1010 = vector.shape_cast %add3A_1006 : vector<16xi32> to vector<16xi32>
    tpu.vector_store %arg11[%swap3A_1007], %swap3A_1010 {strides = array<i32>} : memref<1536xi32, #tpu.memory_space<vmem>>, vector<16xi32>,
    %get3A_1011 = arith.constant 96 : index
    %get3A_1012 = tpu.vector_load %arg7[%get3A_1011] {strides = array<i32>} : memref<512xi32, #tpu.memory_space<vmem>>, vector<16xi32>,
    %get3A_1013 = vector.shape_cast %get3A_1012 : vector<16xi32> to vector<16xi32>
    %add3A_1014 = vector.broadcast %mul3A_956 : i32 to vector<16xi32>
    %add3A_1015 = arith.addi %get3A_1013, %add3A_1014 : vector<16xi32>
    %swap3A_1016 = arith.constant 1120 : index
    %swap3A_1017 = tpu.vector_load %arg11[%swap3A_1016] {strides = array<i32>} : memref<1536xi32, #tpu.memory_space<vmem>>, vector<16xi32>,
    %swap3A_1018 = vector.shape_cast %swap3A_1017 : vector<16xi32> to vector<16xi32>
    %swap3A_1019 = vector.shape_cast %add3A_1015 : vector<16xi32> to vector<16xi32>
    tpu.vector_store %arg11[%swap3A_1016], %swap3A_1019 {strides = array<i32>} : memref<1536xi32, #tpu.memory_space<vmem>>, vector<16xi32>,
    %get3A_1020 = arith.constant 112 : index
    %get3A_1021 = tpu.vector_load %arg7[%get3A_1020] {strides = array<i32>} : memref<512xi32, #tpu.memory_space<vmem>>, vector<16xi32>,
    %get3A_1022 = vector.shape_cast %get3A_1021 : vector<16xi32> to vector<16xi32>
    %add3A_1023 = vector.broadcast %mul3A_956 : i32 to vector<16xi32>
    %add3A_1024 = arith.addi %get3A_1022, %add3A_1023 : vector<16xi32>
    %swap3A_1025 = arith.constant 1136 : index
    %swap3A_1026 = tpu.vector_load %arg11[%swap3A_1025] {strides = array<i32>} : memref<1536xi32, #tpu.memory_space<vmem>>, vector<16xi32>,
    %swap3A_1027 = vector.shape_cast %swap3A_1026 : vector<16xi32> to vector<16xi32>
    %swap3A_1028 = vector.shape_cast %add3A_1024 : vector<16xi32> to vector<16xi32>
    tpu.vector_store %arg11[%swap3A_1025], %swap3A_1028 {strides = array<i32>} : memref<1536xi32, #tpu.memory_space<vmem>>, vector<16xi32>,
    %get3A_1029 = arith.constant 128 : index
    %get3A_1030 = tpu.vector_load %arg7[%get3A_1029] {strides = array<i32>} : memref<512xi32, #tpu.memory_space<vmem>>, vector<16xi32>,
    %get3A_1031 = vector.shape_cast %get3A_1030 : vector<16xi32> to vector<16xi32>
    %add3A_1032 = vector.broadcast %mul3A_956 : i32 to vector<16xi32>
    %add3A_1033 = arith.addi %get3A_1031, %add3A_1032 : vector<16xi32>
    %swap3A_1034 = arith.constant 1152 : index
    %swap3A_1035 = tpu.vector_load %arg11[%swap3A_1034] {strides = array<i32>} : memref<1536xi32, #tpu.memory_space<vmem>>, vector<16xi32>,
    %swap3A_1036 = vector.shape_cast %swap3A_1035 : vector<16xi32> to vector<16xi32>
    %swap3A_1037 = vector.shape_cast %add3A_1033 : vector<16xi32> to vector<16xi32>
    tpu.vector_store %arg11[%swap3A_1034], %swap3A_1037 {strides = array<i32>} : memref<1536xi32, #tpu.memory_space<vmem>>, vector<16xi32>,
    %get3A_1038 = arith.constant 144 : index
    %get3A_1039 = tpu.vector_load %arg7[%get3A_1038] {strides = array<i32>} : memref<512xi32, #tpu.memory_space<vmem>>, vector<16xi32>,
    %get3A_1040 = vector.shape_cast %get3A_1039 : vector<16xi32> to vector<16xi32>
    %add3A_1041 = vector.broadcast %mul3A_956 : i32 to vector<16xi32>
    %add3A_1042 = arith.addi %get3A_1040, %add3A_1041 : vector<16xi32>
    %swap3A_1043 = arith.constant 1168 : index
    %swap3A_1044 = tpu.vector_load %arg11[%swap3A_1043] {strides = array<i32>} : memref<1536xi32, #tpu.memory_space<vmem>>, vector<16xi32>,
    %swap3A_1045 = vector.shape_cast %swap3A_1044 : vector<16xi32> to vector<16xi32>
    %swap3A_1046 = vector.shape_cast %add3A_1042 : vector<16xi32> to vector<16xi32>
    tpu.vector_store %arg11[%swap3A_1043], %swap3A_1046 {strides = array<i32>} : memref<1536xi32, #tpu.memory_space<vmem>>, vector<16xi32>,
    %get3A_1047 = arith.constant 160 : index
    %get3A_1048 = tpu.vector_load %arg7[%get3A_1047] {strides = array<i32>} : memref<512xi32, #tpu.memory_space<vmem>>, vector<16xi32>,
    %get3A_1049 = vector.shape_cast %get3A_1048 : vector<16xi32> to vector<16xi32>
    %add3A_1050 = vector.broadcast %mul3A_956 : i32 to vector<16xi32>
    %add3A_1051 = arith.addi %get3A_1049, %add3A_1050 : vector<16xi32>
    %swap3A_1052 = arith.constant 1184 : index
    %swap3A_1053 = tpu.vector_load %arg11[%swap3A_1052] {strides = array<i32>} : memref<1536xi32, #tpu.memory_space<vmem>>, vector<16xi32>,
    %swap3A_1054 = vector.shape_cast %swap3A_1053 : vector<16xi32> to vector<16xi32>
    %swap3A_1055 = vector.shape_cast %add3A_1051 : vector<16xi32> to vector<16xi32>
    tpu.vector_store %arg11[%swap3A_1052], %swap3A_1055 {strides = array<i32>} : memref<1536xi32, #tpu.memory_space<vmem>>, vector<16xi32>,
    %get3A_1056 = arith.constant 176 : index
    %get3A_1057 = tpu.vector_load %arg7[%get3A_1056] {strides = array<i32>} : memref<512xi32, #tpu.memory_space<vmem>>, vector<16xi32>,
    %get3A_1058 = vector.shape_cast %get3A_1057 : vector<16xi32> to vector<16xi32>
    %add3A_1059 = vector.broadcast %mul3A_956 : i32 to vector<16xi32>
    %add3A_1060 = arith.addi %get3A_1058, %add3A_1059 : vector<16xi32>
    %swap3A_1061 = arith.constant 1200 : index
    %swap3A_1062 = tpu.vector_load %arg11[%swap3A_1061] {strides = array<i32>} : memref<1536xi32, #tpu.memory_space<vmem>>, vector<16xi32>,
    %swap3A_1063 = vector.shape_cast %swap3A_1062 : vector<16xi32> to vector<16xi32>
    %swap3A_1064 = vector.shape_cast %add3A_1060 : vector<16xi32> to vector<16xi32>
    tpu.vector_store %arg11[%swap3A_1061], %swap3A_1064 {strides = array<i32>} : memref<1536xi32, #tpu.memory_space<vmem>>, vector<16xi32>,
    %get3A_1065 = arith.constant 192 : index
    %get3A_1066 = tpu.vector_load %arg7[%get3A_1065] {strides = array<i32>} : memref<512xi32, #tpu.memory_space<vmem>>, vector<16xi32>,
    %get3A_1067 = vector.shape_cast %get3A_1066 : vector<16xi32> to vector<16xi32>
    %add3A_1068 = vector.broadcast %mul3A_956 : i32 to vector<16xi32>
    %add3A_1069 = arith.addi %get3A_1067, %add3A_1068 : vector<16xi32>
    %swap3A_1070 = arith.constant 1216 : index
    %swap3A_1071 = tpu.vector_load %arg11[%swap3A_1070] {strides = array<i32>} : memref<1536xi32, #tpu.memory_space<vmem>>, vector<16xi32>,
    %swap3A_1072 = vector.shape_cast %swap3A_1071 : vector<16xi32> to vector<16xi32>
    %swap3A_1073 = vector.shape_cast %add3A_1069 : vector<16xi32> to vector<16xi32>
    tpu.vector_store %arg11[%swap3A_1070], %swap3A_1073 {strides = array<i32>} : memref<1536xi32, #tpu.memory_space<vmem>>, vector<16xi32>,
    %get3A_1074 = arith.constant 208 : index
    %get3A_1075 = tpu.vector_load %arg7[%get3A_1074] {strides = array<i32>} : memref<512xi32, #tpu.memory_space<vmem>>, vector<16xi32>,
    %get3A_1076 = vector.shape_cast %get3A_1075 : vector<16xi32> to vector<16xi32>
    %add3A_1077 = vector.broadcast %mul3A_956 : i32 to vector<16xi32>
    %add3A_1078 = arith.addi %get3A_1076, %add3A_1077 : vector<16xi32>
    %swap3A_1079 = arith.constant 1232 : index
    %swap3A_1080 = tpu.vector_load %arg11[%swap3A_1079] {strides = array<i32>} : memref<1536xi32, #tpu.memory_space<vmem>>, vector<16xi32>,
    %swap3A_1081 = vector.shape_cast %swap3A_1080 : vector<16xi32> to vector<16xi32>
    %swap3A_1082 = vector.shape_cast %add3A_1078 : vector<16xi32> to vector<16xi32>
    tpu.vector_store %arg11[%swap3A_1079], %swap3A_1082 {strides = array<i32>} : memref<1536xi32, #tpu.memory_space<vmem>>, vector<16xi32>,
    %get3A_1083 = arith.constant 224 : index
    %get3A_1084 = tpu.vector_load %arg7[%get3A_1083] {strides = array<i32>} : memref<512xi32, #tpu.memory_space<vmem>>, vector<16xi32>,
    %get3A_1085 = vector.shape_cast %get3A_1084 : vector<16xi32> to vector<16xi32>
    %add3A_1086 = vector.broadcast %mul3A_956 : i32 to vector<16xi32>
    %add3A_1087 = arith.addi %get3A_1085, %add3A_1086 : vector<16xi32>
    %swap3A_1088 = arith.constant 1248 : index
    %swap3A_1089 = tpu.vector_load %arg11[%swap3A_1088] {strides = array<i32>} : memref<1536xi32, #tpu.memory_space<vmem>>, vector<16xi32>,
    %swap3A_1090 = vector.shape_cast %swap3A_1089 : vector<16xi32> to vector<16xi32>
    %swap3A_1091 = vector.shape_cast %add3A_1087 : vector<16xi32> to vector<16xi32>
    tpu.vector_store %arg11[%swap3A_1088], %swap3A_1091 {strides = array<i32>} : memref<1536xi32, #tpu.memory_space<vmem>>, vector<16xi32>,
    %get3A_1092 = arith.constant 240 : index
    %get3A_1093 = tpu.vector_load %arg7[%get3A_1092] {strides = array<i32>} : memref<512xi32, #tpu.memory_space<vmem>>, vector<16xi32>,
    %get3A_1094 = vector.shape_cast %get3A_1093 : vector<16xi32> to vector<16xi32>
    %add3A_1095 = vector.broadcast %mul3A_956 : i32 to vector<16xi32>
    %add3A_1096 = arith.addi %get3A_1094, %add3A_1095 : vector<16xi32>
    %swap3A_1097 = arith.constant 1264 : index
    %swap3A_1098 = tpu.vector_load %arg11[%swap3A_1097] {strides = array<i32>} : memref<1536xi32, #tpu.memory_space<vmem>>, vector<16xi32>,
    %swap3A_1099 = vector.shape_cast %swap3A_1098 : vector<16xi32> to vector<16xi32>
    %swap3A_1100 = vector.shape_cast %add3A_1096 : vector<16xi32> to vector<16xi32>
    tpu.vector_store %arg11[%swap3A_1097], %swap3A_1100 {strides = array<i32>} : memref<1536xi32, #tpu.memory_space<vmem>>, vector<16xi32>,
    %get3A_1101 = arith.constant 256 : index
    %get3A_1102 = tpu.vector_load %arg7[%get3A_1101] {strides = array<i32>} : memref<512xi32, #tpu.memory_space<vmem>>, vector<16xi32>,
    %get3A_1103 = vector.shape_cast %get3A_1102 : vector<16xi32> to vector<16xi32>
    %add3A_1104 = vector.broadcast %mul3A_956 : i32 to vector<16xi32>
    %add3A_1105 = arith.addi %get3A_1103, %add3A_1104 : vector<16xi32>
    %swap3A_1106 = arith.constant 1280 : index
    %swap3A_1107 = tpu.vector_load %arg11[%swap3A_1106] {strides = array<i32>} : memref<1536xi32, #tpu.memory_space<vmem>>, vector<16xi32>,
    %swap3A_1108 = vector.shape_cast %swap3A_1107 : vector<16xi32> to vector<16xi32>
    %swap3A_1109 = vector.shape_cast %add3A_1105 : vector<16xi32> to vector<16xi32>
    tpu.vector_store %arg11[%swap3A_1106], %swap3A_1109 {strides = array<i32>} : memref<1536xi32, #tpu.memory_space<vmem>>, vector<16xi32>,
    %get3A_1110 = arith.constant 272 : index
    %get3A_1111 = tpu.vector_load %arg7[%get3A_1110] {strides = array<i32>} : memref<512xi32, #tpu.memory_space<vmem>>, vector<16xi32>,
    %get3A_1112 = vector.shape_cast %get3A_1111 : vector<16xi32> to vector<16xi32>
    %add3A_1113 = vector.broadcast %mul3A_956 : i32 to vector<16xi32>
    %add3A_1114 = arith.addi %get3A_1112, %add3A_1113 : vector<16xi32>
    %swap3A_1115 = arith.constant 1296 : index
    %swap3A_1116 = tpu.vector_load %arg11[%swap3A_1115] {strides = array<i32>} : memref<1536xi32, #tpu.memory_space<vmem>>, vector<16xi32>,
    %swap3A_1117 = vector.shape_cast %swap3A_1116 : vector<16xi32> to vector<16xi32>
    %swap3A_1118 = vector.shape_cast %add3A_1114 : vector<16xi32> to vector<16xi32>
    tpu.vector_store %arg11[%swap3A_1115], %swap3A_1118 {strides = array<i32>} : memref<1536xi32, #tpu.memory_space<vmem>>, vector<16xi32>,
    %get3A_1119 = arith.constant 288 : index
    %get3A_1120 = tpu.vector_load %arg7[%get3A_1119] {strides = array<i32>} : memref<512xi32, #tpu.memory_space<vmem>>, vector<16xi32>,
    %get3A_1121 = vector.shape_cast %get3A_1120 : vector<16xi32> to vector<16xi32>
    %add3A_1122 = vector.broadcast %mul3A_956 : i32 to vector<16xi32>
    %add3A_1123 = arith.addi %get3A_1121, %add3A_1122 : vector<16xi32>
    %swap3A_1124 = arith.constant 1312 : index
    %swap3A_1125 = tpu.vector_load %arg11[%swap3A_1124] {strides = array<i32>} : memref<1536xi32, #tpu.memory_space<vmem>>, vector<16xi32>,
    %swap3A_1126 = vector.shape_cast %swap3A_1125 : vector<16xi32> to vector<16xi32>
    %swap3A_1127 = vector.shape_cast %add3A_1123 : vector<16xi32> to vector<16xi32>
    tpu.vector_store %arg11[%swap3A_1124], %swap3A_1127 {strides = array<i32>} : memref<1536xi32, #tpu.memory_space<vmem>>, vector<16xi32>,
    %get3A_1128 = arith.constant 304 : index
    %get3A_1129 = tpu.vector_load %arg7[%get3A_1128] {strides = array<i32>} : memref<512xi32, #tpu.memory_space<vmem>>, vector<16xi32>,
    %get3A_1130 = vector.shape_cast %get3A_1129 : vector<16xi32> to vector<16xi32>
    %add3A_1131 = vector.broadcast %mul3A_956 : i32 to vector<16xi32>
    %add3A_1132 = arith.addi %get3A_1130, %add3A_1131 : vector<16xi32>
    %swap3A_1133 = arith.constant 1328 : index
    %swap3A_1134 = tpu.vector_load %arg11[%swap3A_1133] {strides = array<i32>} : memref<1536xi32, #tpu.memory_space<vmem>>, vector<16xi32>,
    %swap3A_1135 = vector.shape_cast %swap3A_1134 : vector<16xi32> to vector<16xi32>
    %swap3A_1136 = vector.shape_cast %add3A_1132 : vector<16xi32> to vector<16xi32>
    tpu.vector_store %arg11[%swap3A_1133], %swap3A_1136 {strides = array<i32>} : memref<1536xi32, #tpu.memory_space<vmem>>, vector<16xi32>,
    %get3A_1137 = arith.constant 320 : index
    %get3A_1138 = tpu.vector_load %arg7[%get3A_1137] {strides = array<i32>} : memref<512xi32, #tpu.memory_space<vmem>>, vector<16xi32>,
    %get3A_1139 = vector.shape_cast %get3A_1138 : vector<16xi32> to vector<16xi32>
    %add3A_1140 = vector.broadcast %mul3A_956 : i32 to vector<16xi32>
    %add3A_1141 = arith.addi %get3A_1139, %add3A_1140 : vector<16xi32>
    %swap3A_1142 = arith.constant 1344 : index
    %swap3A_1143 = tpu.vector_load %arg11[%swap3A_1142] {strides = array<i32>} : memref<1536xi32, #tpu.memory_space<vmem>>, vector<16xi32>,
    %swap3A_1144 = vector.shape_cast %swap3A_1143 : vector<16xi32> to vector<16xi32>
    %swap3A_1145 = vector.shape_cast %add3A_1141 : vector<16xi32> to vector<16xi32>
    tpu.vector_store %arg11[%swap3A_1142], %swap3A_1145 {strides = array<i32>} : memref<1536xi32, #tpu.memory_space<vmem>>, vector<16xi32>,
    %get3A_1146 = arith.constant 336 : index
    %get3A_1147 = tpu.vector_load %arg7[%get3A_1146] {strides = array<i32>} : memref<512xi32, #tpu.memory_space<vmem>>, vector<16xi32>,
    %get3A_1148 = vector.shape_cast %get3A_1147 : vector<16xi32> to vector<16xi32>
    %add3A_1149 = vector.broadcast %mul3A_956 : i32 to vector<16xi32>
    %add3A_1150 = arith.addi %get3A_1148, %add3A_1149 : vector<16xi32>
    %swap3A_1151 = arith.constant 1360 : index
    %swap3A_1152 = tpu.vector_load %arg11[%swap3A_1151] {strides = array<i32>} : memref<1536xi32, #tpu.memory_space<vmem>>, vector<16xi32>,
    %swap3A_1153 = vector.shape_cast %swap3A_1152 : vector<16xi32> to vector<16xi32>
    %swap3A_1154 = vector.shape_cast %add3A_1150 : vector<16xi32> to vector<16xi32>
    tpu.vector_store %arg11[%swap3A_1151], %swap3A_1154 {strides = array<i32>} : memref<1536xi32, #tpu.memory_space<vmem>>, vector<16xi32>,
    %get3A_1155 = arith.constant 352 : index
    %get3A_1156 = tpu.vector_load %arg7[%get3A_1155] {strides = array<i32>} : memref<512xi32, #tpu.memory_space<vmem>>, vector<16xi32>,
    %get3A_1157 = vector.shape_cast %get3A_1156 : vector<16xi32> to vector<16xi32>
    %add3A_1158 = vector.broadcast %mul3A_956 : i32 to vector<16xi32>
    %add3A_1159 = arith.addi %get3A_1157, %add3A_1158 : vector<16xi32>
    %swap3A_1160 = arith.constant 1376 : index
    %swap3A_1161 = tpu.vector_load %arg11[%swap3A_1160] {strides = array<i32>} : memref<1536xi32, #tpu.memory_space<vmem>>, vector<16xi32>,
    %swap3A_1162 = vector.shape_cast %swap3A_1161 : vector<16xi32> to vector<16xi32>
    %swap3A_1163 = vector.shape_cast %add3A_1159 : vector<16xi32> to vector<16xi32>
    tpu.vector_store %arg11[%swap3A_1160], %swap3A_1163 {strides = array<i32>} : memref<1536xi32, #tpu.memory_space<vmem>>, vector<16xi32>,
    %get3A_1164 = arith.constant 368 : index
    %get3A_1165 = tpu.vector_load %arg7[%get3A_1164] {strides = array<i32>} : memref<512xi32, #tpu.memory_space<vmem>>, vector<16xi32>,
    %get3A_1166 = vector.shape_cast %get3A_1165 : vector<16xi32> to vector<16xi32>
    %add3A_1167 = vector.broadcast %mul3A_956 : i32 to vector<16xi32>
    %add3A_1168 = arith.addi %get3A_1166, %add3A_1167 : vector<16xi32>
    %swap3A_1169 = arith.constant 1392 : index
    %swap3A_1170 = tpu.vector_load %arg11[%swap3A_1169] {strides = array<i32>} : memref<1536xi32, #tpu.memory_space<vmem>>, vector<16xi32>,
    %swap3A_1171 = vector.shape_cast %swap3A_1170 : vector<16xi32> to vector<16xi32>
    %swap3A_1172 = vector.shape_cast %add3A_1168 : vector<16xi32> to vector<16xi32>
    tpu.vector_store %arg11[%swap3A_1169], %swap3A_1172 {strides = array<i32>} : memref<1536xi32, #tpu.memory_space<vmem>>, vector<16xi32>,
    %get3A_1173 = arith.constant 384 : index
    %get3A_1174 = tpu.vector_load %arg7[%get3A_1173] {strides = array<i32>} : memref<512xi32, #tpu.memory_space<vmem>>, vector<16xi32>,
    %get3A_1175 = vector.shape_cast %get3A_1174 : vector<16xi32> to vector<16xi32>
    %add3A_1176 = vector.broadcast %mul3A_956 : i32 to vector<16xi32>
    %add3A_1177 = arith.addi %get3A_1175, %add3A_1176 : vector<16xi32>
    %swap3A_1178 = arith.constant 1408 : index
    %swap3A_1179 = tpu.vector_load %arg11[%swap3A_1178] {strides = array<i32>} : memref<1536xi32, #tpu.memory_space<vmem>>, vector<16xi32>,
    %swap3A_1180 = vector.shape_cast %swap3A_1179 : vector<16xi32> to vector<16xi32>
    %swap3A_1181 = vector.shape_cast %add3A_1177 : vector<16xi32> to vector<16xi32>
    tpu.vector_store %arg11[%swap3A_1178], %swap3A_1181 {strides = array<i32>} : memref<1536xi32, #tpu.memory_space<vmem>>, vector<16xi32>,
    %get3A_1182 = arith.constant 400 : index
    %get3A_1183 = tpu.vector_load %arg7[%get3A_1182] {strides = array<i32>} : memref<512xi32, #tpu.memory_space<vmem>>, vector<16xi32>,
    %get3A_1184 = vector.shape_cast %get3A_1183 : vector<16xi32> to vector<16xi32>
    %add3A_1185 = vector.broadcast %mul3A_956 : i32 to vector<16xi32>
    %add3A_1186 = arith.addi %get3A_1184, %add3A_1185 : vector<16xi32>
    %swap3A_1187 = arith.constant 1424 : index
    %swap3A_1188 = tpu.vector_load %arg11[%swap3A_1187] {strides = array<i32>} : memref<1536xi32, #tpu.memory_space<vmem>>, vector<16xi32>,
    %swap3A_1189 = vector.shape_cast %swap3A_1188 : vector<16xi32> to vector<16xi32>
    %swap3A_1190 = vector.shape_cast %add3A_1186 : vector<16xi32> to vector<16xi32>
    tpu.vector_store %arg11[%swap3A_1187], %swap3A_1190 {strides = array<i32>} : memref<1536xi32, #tpu.memory_space<vmem>>, vector<16xi32>,
    %get3A_1191 = arith.constant 416 : index
    %get3A_1192 = tpu.vector_load %arg7[%get3A_1191] {strides = array<i32>} : memref<512xi32, #tpu.memory_space<vmem>>, vector<16xi32>,
    %get3A_1193 = vector.shape_cast %get3A_1192 : vector<16xi32> to vector<16xi32>
    %add3A_1194 = vector.broadcast %mul3A_956 : i32 to vector<16xi32>
    %add3A_1195 = arith.addi %get3A_1193, %add3A_1194 : vector<16xi32>
    %swap3A_1196 = arith.constant 1440 : index
    %swap3A_1197 = tpu.vector_load %arg11[%swap3A_1196] {strides = array<i32>} : memref<1536xi32, #tpu.memory_space<vmem>>, vector<16xi32>,
    %swap3A_1198 = vector.shape_cast %swap3A_1197 : vector<16xi32> to vector<16xi32>
    %swap3A_1199 = vector.shape_cast %add3A_1195 : vector<16xi32> to vector<16xi32>
    tpu.vector_store %arg11[%swap3A_1196], %swap3A_1199 {strides = array<i32>} : memref<1536xi32, #tpu.memory_space<vmem>>, vector<16xi32>,
    %get3A_1200 = arith.constant 432 : index
    %get3A_1201 = tpu.vector_load %arg7[%get3A_1200] {strides = array<i32>} : memref<512xi32, #tpu.memory_space<vmem>>, vector<16xi32>,
    %get3A_1202 = vector.shape_cast %get3A_1201 : vector<16xi32> to vector<16xi32>
    %add3A_1203 = vector.broadcast %mul3A_956 : i32 to vector<16xi32>
    %add3A_1204 = arith.addi %get3A_1202, %add3A_1203 : vector<16xi32>
    %swap3A_1205 = arith.constant 1456 : index
    %swap3A_1206 = tpu.vector_load %arg11[%swap3A_1205] {strides = array<i32>} : memref<1536xi32, #tpu.memory_space<vmem>>, vector<16xi32>,
    %swap3A_1207 = vector.shape_cast %swap3A_1206 : vector<16xi32> to vector<16xi32>
    %swap3A_1208 = vector.shape_cast %add3A_1204 : vector<16xi32> to vector<16xi32>
    tpu.vector_store %arg11[%swap3A_1205], %swap3A_1208 {strides = array<i32>} : memref<1536xi32, #tpu.memory_space<vmem>>, vector<16xi32>,
    %get3A_1209 = arith.constant 448 : index
    %get3A_1210 = tpu.vector_load %arg7[%get3A_1209] {strides = array<i32>} : memref<512xi32, #tpu.memory_space<vmem>>, vector<16xi32>,
    %get3A_1211 = vector.shape_cast %get3A_1210 : vector<16xi32> to vector<16xi32>
    %add3A_1212 = vector.broadcast %mul3A_956 : i32 to vector<16xi32>
    %add3A_1213 = arith.addi %get3A_1211, %add3A_1212 : vector<16xi32>
    %swap3A_1214 = arith.constant 1472 : index
    %swap3A_1215 = tpu.vector_load %arg11[%swap3A_1214] {strides = array<i32>} : memref<1536xi32, #tpu.memory_space<vmem>>, vector<16xi32>,
    %swap3A_1216 = vector.shape_cast %swap3A_1215 : vector<16xi32> to vector<16xi32>
    %swap3A_1217 = vector.shape_cast %add3A_1213 : vector<16xi32> to vector<16xi32>
    tpu.vector_store %arg11[%swap3A_1214], %swap3A_1217 {strides = array<i32>} : memref<1536xi32, #tpu.memory_space<vmem>>, vector<16xi32>,
    %get3A_1218 = arith.constant 464 : index
    %get3A_1219 = tpu.vector_load %arg7[%get3A_1218] {strides = array<i32>} : memref<512xi32, #tpu.memory_space<vmem>>, vector<16xi32>,
    %get3A_1220 = vector.shape_cast %get3A_1219 : vector<16xi32> to vector<16xi32>
    %add3A_1221 = vector.broadcast %mul3A_956 : i32 to vector<16xi32>
    %add3A_1222 = arith.addi %get3A_1220, %add3A_1221 : vector<16xi32>
    %swap3A_1223 = arith.constant 1488 : index
    %swap3A_1224 = tpu.vector_load %arg11[%swap3A_1223] {strides = array<i32>} : memref<1536xi32, #tpu.memory_space<vmem>>, vector<16xi32>,
    %swap3A_1225 = vector.shape_cast %swap3A_1224 : vector<16xi32> to vector<16xi32>
    %swap3A_1226 = vector.shape_cast %add3A_1222 : vector<16xi32> to vector<16xi32>
    tpu.vector_store %arg11[%swap3A_1223], %swap3A_1226 {strides = array<i32>} : memref<1536xi32, #tpu.memory_space<vmem>>, vector<16xi32>,
    %get3A_1227 = arith.constant 480 : index
    %get3A_1228 = tpu.vector_load %arg7[%get3A_1227] {strides = array<i32>} : memref<512xi32, #tpu.memory_space<vmem>>, vector<16xi32>,
    %get3A_1229 = vector.shape_cast %get3A_1228 : vector<16xi32> to vector<16xi32>
    %add3A_1230 = vector.broadcast %mul3A_956 : i32 to vector<16xi32>
    %add3A_1231 = arith.addi %get3A_1229, %add3A_1230 : vector<16xi32>
    %swap3A_1232 = arith.constant 1504 : index
    %swap3A_1233 = tpu.vector_load %arg11[%swap3A_1232] {strides = array<i32>} : memref<1536xi32, #tpu.memory_space<vmem>>, vector<16xi32>,
    %swap3A_1234 = vector.shape_cast %swap3A_1233 : vector<16xi32> to vector<16xi32>
    %swap3A_1235 = vector.shape_cast %add3A_1231 : vector<16xi32> to vector<16xi32>
    tpu.vector_store %arg11[%swap3A_1232], %swap3A_1235 {strides = array<i32>} : memref<1536xi32, #tpu.memory_space<vmem>>, vector<16xi32>,
    %get3A_1236 = arith.constant 496 : index
    %get3A_1237 = tpu.vector_load %arg7[%get3A_1236] {strides = array<i32>} : memref<512xi32, #tpu.memory_space<vmem>>, vector<16xi32>,
    %get3A_1238 = vector.shape_cast %get3A_1237 : vector<16xi32> to vector<16xi32>
    %add3A_1239 = vector.broadcast %mul3A_956 : i32 to vector<16xi32>
    %add3A_1240 = arith.addi %get3A_1238, %add3A_1239 : vector<16xi32>
    %swap3A_1241 = arith.constant 1520 : index
    %swap3A_1242 = tpu.vector_load %arg11[%swap3A_1241] {strides = array<i32>} : memref<1536xi32, #tpu.memory_space<vmem>>, vector<16xi32>,
    %swap3A_1243 = vector.shape_cast %swap3A_1242 : vector<16xi32> to vector<16xi32>
    %swap3A_1244 = vector.shape_cast %add3A_1240 : vector<16xi32> to vector<16xi32>
    tpu.vector_store %arg11[%swap3A_1241], %swap3A_1244 {strides = array<i32>} : memref<1536xi32, #tpu.memory_space<vmem>>, vector<16xi32>,
    %dma_start3A = arith.constant 0 : i32
    %dma_start3A_1245 = tpu.memref_slice %arg3[%dma_start3A] : memref<800000xi32, #tpu.memory_space<hbm>> -> memref<800000xi32, #tpu.memory_space<hbm>>
    tpu.enqueue_indirect_dma source(%dma_start3A_1245 : memref<800000xi32, #tpu.memory_space<hbm>>) target(%arg9 : memref<512xi32, #tpu.memory_space<vmem>>) offsets(%arg8 : memref<512xi32, #tpu.memory_space<vmem>>) semaphore(%arg14 : memref<!tpu.dma_semaphore, #tpu.memory_space<semaphore_mem>>)
    %dma_start3A_1246 = arith.constant 0 : i32
    %dma_start3A_1247 = tpu.memref_slice %arg4[%dma_start3A_1246] : memref<2400000xf32, #tpu.memory_space<hbm>> -> memref<2400000xf32, #tpu.memory_space<hbm>>
    tpu.enqueue_indirect_dma source(%dma_start3A_1247 : memref<2400000xf32, #tpu.memory_space<hbm>>) target(%arg12 : memref<1536xf32, #tpu.memory_space<vmem>>) offsets(%arg11 : memref<1536xi32, #tpu.memory_space<vmem>>) semaphore(%arg15 : memref<!tpu.dma_semaphore, #tpu.memory_space<semaphore_mem>>)
    %dma_start3A_1248 = arith.constant 0 : i32
    %dma_start3A_1249 = tpu.memref_slice %arg5[%dma_start3A_1248] : memref<2400000xf32, #tpu.memory_space<hbm>> -> memref<2400000xf32, #tpu.memory_space<hbm>>
    tpu.enqueue_indirect_dma source(%dma_start3A_1249 : memref<2400000xf32, #tpu.memory_space<hbm>>) target(%arg13 : memref<1536xf32, #tpu.memory_space<vmem>>) offsets(%arg11 : memref<1536xi32, #tpu.memory_space<vmem>>) semaphore(%arg16 : memref<!tpu.dma_semaphore, #tpu.memory_space<semaphore_mem>>)
    %mul3A_1250 = arith.constant 1024 : i32
    %mul3A_1251 = arith.muli %select_n3A, %mul3A_1250 : i32
    %sub3A_1252 = arith.subi %mul3A_2, %mul3A_1251 : i32
    %dma_wait3A = arith.constant 0 : i32
    %dma_wait3A_1253 = tpu.memref_slice %arg3[%dma_wait3A] : memref<800000xi32, #tpu.memory_space<hbm>> -> memref<800000xi32, #tpu.memory_space<hbm>>
    tpu.wait_indirect_dma semaphore(%arg14 : memref<!tpu.dma_semaphore, #tpu.memory_space<semaphore_mem>>) src(%dma_wait3A_1253 : memref<800000xi32, #tpu.memory_space<hbm>>) dst(%arg9 : memref<512xi32, #tpu.memory_space<vmem>>)
    %get3A_1254 = arith.constant 0 : index
    %get3A_1255 = tpu.vector_load %arg9[%get3A_1254] {strides = array<i32>} : memref<512xi32, #tpu.memory_space<vmem>>, vector<16xi32>,
    %get3A_1256 = vector.shape_cast %get3A_1255 : vector<16xi32> to vector<16xi32>
    %convert_element_type3A = arith.sitofp %get3A_1256 : vector<16xi32> to vector<16xf32>
    %swap3A_1257 = arith.constant 0 : index
    %swap3A_1258 = tpu.vector_load %arg10[%swap3A_1257] {strides = array<i32>} : memref<512xf32, #tpu.memory_space<vmem>>, vector<16xf32>,
    %swap3A_1259 = vector.shape_cast %swap3A_1258 : vector<16xf32> to vector<16xf32>
    %swap3A_1260 = vector.shape_cast %convert_element_type3A : vector<16xf32> to vector<16xf32>
    tpu.vector_store %arg10[%swap3A_1257], %swap3A_1260 {strides = array<i32>} : memref<512xf32, #tpu.memory_space<vmem>>, vector<16xf32>,
    %get3A_1261 = arith.constant 16 : index
    %get3A_1262 = tpu.vector_load %arg9[%get3A_1261] {strides = array<i32>} : memref<512xi32, #tpu.memory_space<vmem>>, vector<16xi32>,
    %get3A_1263 = vector.shape_cast %get3A_1262 : vector<16xi32> to vector<16xi32>
    %convert_element_type3A_1264 = arith.sitofp %get3A_1263 : vector<16xi32> to vector<16xf32>
    %swap3A_1265 = arith.constant 16 : index
    %swap3A_1266 = tpu.vector_load %arg10[%swap3A_1265] {strides = array<i32>} : memref<512xf32, #tpu.memory_space<vmem>>, vector<16xf32>,
    %swap3A_1267 = vector.shape_cast %swap3A_1266 : vector<16xf32> to vector<16xf32>
    %swap3A_1268 = vector.shape_cast %convert_element_type3A_1264 : vector<16xf32> to vector<16xf32>
    tpu.vector_store %arg10[%swap3A_1265], %swap3A_1268 {strides = array<i32>} : memref<512xf32, #tpu.memory_space<vmem>>, vector<16xf32>,
    %get3A_1269 = arith.constant 32 : index
    %get3A_1270 = tpu.vector_load %arg9[%get3A_1269] {strides = array<i32>} : memref<512xi32, #tpu.memory_space<vmem>>, vector<16xi32>,
    %get3A_1271 = vector.shape_cast %get3A_1270 : vector<16xi32> to vector<16xi32>
    %convert_element_type3A_1272 = arith.sitofp %get3A_1271 : vector<16xi32> to vector<16xf32>
    %swap3A_1273 = arith.constant 32 : index
    %swap3A_1274 = tpu.vector_load %arg10[%swap3A_1273] {strides = array<i32>} : memref<512xf32, #tpu.memory_space<vmem>>, vector<16xf32>,
    %swap3A_1275 = vector.shape_cast %swap3A_1274 : vector<16xf32> to vector<16xf32>
    %swap3A_1276 = vector.shape_cast %convert_element_type3A_1272 : vector<16xf32> to vector<16xf32>
    tpu.vector_store %arg10[%swap3A_1273], %swap3A_1276 {strides = array<i32>} : memref<512xf32, #tpu.memory_space<vmem>>, vector<16xf32>,
    %get3A_1277 = arith.constant 48 : index
    %get3A_1278 = tpu.vector_load %arg9[%get3A_1277] {strides = array<i32>} : memref<512xi32, #tpu.memory_space<vmem>>, vector<16xi32>,
    %get3A_1279 = vector.shape_cast %get3A_1278 : vector<16xi32> to vector<16xi32>
    %convert_element_type3A_1280 = arith.sitofp %get3A_1279 : vector<16xi32> to vector<16xf32>
    %swap3A_1281 = arith.constant 48 : index
    %swap3A_1282 = tpu.vector_load %arg10[%swap3A_1281] {strides = array<i32>} : memref<512xf32, #tpu.memory_space<vmem>>, vector<16xf32>,
    %swap3A_1283 = vector.shape_cast %swap3A_1282 : vector<16xf32> to vector<16xf32>
    %swap3A_1284 = vector.shape_cast %convert_element_type3A_1280 : vector<16xf32> to vector<16xf32>
    tpu.vector_store %arg10[%swap3A_1281], %swap3A_1284 {strides = array<i32>} : memref<512xf32, #tpu.memory_space<vmem>>, vector<16xf32>,
    %get3A_1285 = arith.constant 64 : index
    %get3A_1286 = tpu.vector_load %arg9[%get3A_1285] {strides = array<i32>} : memref<512xi32, #tpu.memory_space<vmem>>, vector<16xi32>,
    %get3A_1287 = vector.shape_cast %get3A_1286 : vector<16xi32> to vector<16xi32>
    %convert_element_type3A_1288 = arith.sitofp %get3A_1287 : vector<16xi32> to vector<16xf32>
    %swap3A_1289 = arith.constant 64 : index
    %swap3A_1290 = tpu.vector_load %arg10[%swap3A_1289] {strides = array<i32>} : memref<512xf32, #tpu.memory_space<vmem>>, vector<16xf32>,
    %swap3A_1291 = vector.shape_cast %swap3A_1290 : vector<16xf32> to vector<16xf32>
    %swap3A_1292 = vector.shape_cast %convert_element_type3A_1288 : vector<16xf32> to vector<16xf32>
    tpu.vector_store %arg10[%swap3A_1289], %swap3A_1292 {strides = array<i32>} : memref<512xf32, #tpu.memory_space<vmem>>, vector<16xf32>,
    %get3A_1293 = arith.constant 80 : index
    %get3A_1294 = tpu.vector_load %arg9[%get3A_1293] {strides = array<i32>} : memref<512xi32, #tpu.memory_space<vmem>>, vector<16xi32>,
    %get3A_1295 = vector.shape_cast %get3A_1294 : vector<16xi32> to vector<16xi32>
    %convert_element_type3A_1296 = arith.sitofp %get3A_1295 : vector<16xi32> to vector<16xf32>
    %swap3A_1297 = arith.constant 80 : index
    %swap3A_1298 = tpu.vector_load %arg10[%swap3A_1297] {strides = array<i32>} : memref<512xf32, #tpu.memory_space<vmem>>, vector<16xf32>,
    %swap3A_1299 = vector.shape_cast %swap3A_1298 : vector<16xf32> to vector<16xf32>
    %swap3A_1300 = vector.shape_cast %convert_element_type3A_1296 : vector<16xf32> to vector<16xf32>
    tpu.vector_store %arg10[%swap3A_1297], %swap3A_1300 {strides = array<i32>} : memref<512xf32, #tpu.memory_space<vmem>>, vector<16xf32>,
    %get3A_1301 = arith.constant 96 : index
    %get3A_1302 = tpu.vector_load %arg9[%get3A_1301] {strides = array<i32>} : memref<512xi32, #tpu.memory_space<vmem>>, vector<16xi32>,
    %get3A_1303 = vector.shape_cast %get3A_1302 : vector<16xi32> to vector<16xi32>
    %convert_element_type3A_1304 = arith.sitofp %get3A_1303 : vector<16xi32> to vector<16xf32>
    %swap3A_1305 = arith.constant 96 : index
    %swap3A_1306 = tpu.vector_load %arg10[%swap3A_1305] {strides = array<i32>} : memref<512xf32, #tpu.memory_space<vmem>>, vector<16xf32>,
    %swap3A_1307 = vector.shape_cast %swap3A_1306 : vector<16xf32> to vector<16xf32>
    %swap3A_1308 = vector.shape_cast %convert_element_type3A_1304 : vector<16xf32> to vector<16xf32>
    tpu.vector_store %arg10[%swap3A_1305], %swap3A_1308 {strides = array<i32>} : memref<512xf32, #tpu.memory_space<vmem>>, vector<16xf32>,
    %get3A_1309 = arith.constant 112 : index
    %get3A_1310 = tpu.vector_load %arg9[%get3A_1309] {strides = array<i32>} : memref<512xi32, #tpu.memory_space<vmem>>, vector<16xi32>,
    %get3A_1311 = vector.shape_cast %get3A_1310 : vector<16xi32> to vector<16xi32>
    %convert_element_type3A_1312 = arith.sitofp %get3A_1311 : vector<16xi32> to vector<16xf32>
    %swap3A_1313 = arith.constant 112 : index
    %swap3A_1314 = tpu.vector_load %arg10[%swap3A_1313] {strides = array<i32>} : memref<512xf32, #tpu.memory_space<vmem>>, vector<16xf32>,
    %swap3A_1315 = vector.shape_cast %swap3A_1314 : vector<16xf32> to vector<16xf32>
    %swap3A_1316 = vector.shape_cast %convert_element_type3A_1312 : vector<16xf32> to vector<16xf32>
    tpu.vector_store %arg10[%swap3A_1313], %swap3A_1316 {strides = array<i32>} : memref<512xf32, #tpu.memory_space<vmem>>, vector<16xf32>,
    %get3A_1317 = arith.constant 128 : index
    %get3A_1318 = tpu.vector_load %arg9[%get3A_1317] {strides = array<i32>} : memref<512xi32, #tpu.memory_space<vmem>>, vector<16xi32>,
    %get3A_1319 = vector.shape_cast %get3A_1318 : vector<16xi32> to vector<16xi32>
    %convert_element_type3A_1320 = arith.sitofp %get3A_1319 : vector<16xi32> to vector<16xf32>
    %swap3A_1321 = arith.constant 128 : index
    %swap3A_1322 = tpu.vector_load %arg10[%swap3A_1321] {strides = array<i32>} : memref<512xf32, #tpu.memory_space<vmem>>, vector<16xf32>,
    %swap3A_1323 = vector.shape_cast %swap3A_1322 : vector<16xf32> to vector<16xf32>
    %swap3A_1324 = vector.shape_cast %convert_element_type3A_1320 : vector<16xf32> to vector<16xf32>
    tpu.vector_store %arg10[%swap3A_1321], %swap3A_1324 {strides = array<i32>} : memref<512xf32, #tpu.memory_space<vmem>>, vector<16xf32>,
    %get3A_1325 = arith.constant 144 : index
    %get3A_1326 = tpu.vector_load %arg9[%get3A_1325] {strides = array<i32>} : memref<512xi32, #tpu.memory_space<vmem>>, vector<16xi32>,
    %get3A_1327 = vector.shape_cast %get3A_1326 : vector<16xi32> to vector<16xi32>
    %convert_element_type3A_1328 = arith.sitofp %get3A_1327 : vector<16xi32> to vector<16xf32>
    %swap3A_1329 = arith.constant 144 : index
    %swap3A_1330 = tpu.vector_load %arg10[%swap3A_1329] {strides = array<i32>} : memref<512xf32, #tpu.memory_space<vmem>>, vector<16xf32>,
    %swap3A_1331 = vector.shape_cast %swap3A_1330 : vector<16xf32> to vector<16xf32>
    %swap3A_1332 = vector.shape_cast %convert_element_type3A_1328 : vector<16xf32> to vector<16xf32>
    tpu.vector_store %arg10[%swap3A_1329], %swap3A_1332 {strides = array<i32>} : memref<512xf32, #tpu.memory_space<vmem>>, vector<16xf32>,
    %get3A_1333 = arith.constant 160 : index
    %get3A_1334 = tpu.vector_load %arg9[%get3A_1333] {strides = array<i32>} : memref<512xi32, #tpu.memory_space<vmem>>, vector<16xi32>,
    %get3A_1335 = vector.shape_cast %get3A_1334 : vector<16xi32> to vector<16xi32>
    %convert_element_type3A_1336 = arith.sitofp %get3A_1335 : vector<16xi32> to vector<16xf32>
    %swap3A_1337 = arith.constant 160 : index
    %swap3A_1338 = tpu.vector_load %arg10[%swap3A_1337] {strides = array<i32>} : memref<512xf32, #tpu.memory_space<vmem>>, vector<16xf32>,
    %swap3A_1339 = vector.shape_cast %swap3A_1338 : vector<16xf32> to vector<16xf32>
    %swap3A_1340 = vector.shape_cast %convert_element_type3A_1336 : vector<16xf32> to vector<16xf32>
    tpu.vector_store %arg10[%swap3A_1337], %swap3A_1340 {strides = array<i32>} : memref<512xf32, #tpu.memory_space<vmem>>, vector<16xf32>,
    %get3A_1341 = arith.constant 176 : index
    %get3A_1342 = tpu.vector_load %arg9[%get3A_1341] {strides = array<i32>} : memref<512xi32, #tpu.memory_space<vmem>>, vector<16xi32>,
    %get3A_1343 = vector.shape_cast %get3A_1342 : vector<16xi32> to vector<16xi32>
    %convert_element_type3A_1344 = arith.sitofp %get3A_1343 : vector<16xi32> to vector<16xf32>
    %swap3A_1345 = arith.constant 176 : index
    %swap3A_1346 = tpu.vector_load %arg10[%swap3A_1345] {strides = array<i32>} : memref<512xf32, #tpu.memory_space<vmem>>, vector<16xf32>,
    %swap3A_1347 = vector.shape_cast %swap3A_1346 : vector<16xf32> to vector<16xf32>
    %swap3A_1348 = vector.shape_cast %convert_element_type3A_1344 : vector<16xf32> to vector<16xf32>
    tpu.vector_store %arg10[%swap3A_1345], %swap3A_1348 {strides = array<i32>} : memref<512xf32, #tpu.memory_space<vmem>>, vector<16xf32>,
    %get3A_1349 = arith.constant 192 : index
    %get3A_1350 = tpu.vector_load %arg9[%get3A_1349] {strides = array<i32>} : memref<512xi32, #tpu.memory_space<vmem>>, vector<16xi32>,
    %get3A_1351 = vector.shape_cast %get3A_1350 : vector<16xi32> to vector<16xi32>
    %convert_element_type3A_1352 = arith.sitofp %get3A_1351 : vector<16xi32> to vector<16xf32>
    %swap3A_1353 = arith.constant 192 : index
    %swap3A_1354 = tpu.vector_load %arg10[%swap3A_1353] {strides = array<i32>} : memref<512xf32, #tpu.memory_space<vmem>>, vector<16xf32>,
    %swap3A_1355 = vector.shape_cast %swap3A_1354 : vector<16xf32> to vector<16xf32>
    %swap3A_1356 = vector.shape_cast %convert_element_type3A_1352 : vector<16xf32> to vector<16xf32>
    tpu.vector_store %arg10[%swap3A_1353], %swap3A_1356 {strides = array<i32>} : memref<512xf32, #tpu.memory_space<vmem>>, vector<16xf32>,
    %get3A_1357 = arith.constant 208 : index
    %get3A_1358 = tpu.vector_load %arg9[%get3A_1357] {strides = array<i32>} : memref<512xi32, #tpu.memory_space<vmem>>, vector<16xi32>,
    %get3A_1359 = vector.shape_cast %get3A_1358 : vector<16xi32> to vector<16xi32>
    %convert_element_type3A_1360 = arith.sitofp %get3A_1359 : vector<16xi32> to vector<16xf32>
    %swap3A_1361 = arith.constant 208 : index
    %swap3A_1362 = tpu.vector_load %arg10[%swap3A_1361] {strides = array<i32>} : memref<512xf32, #tpu.memory_space<vmem>>, vector<16xf32>,
    %swap3A_1363 = vector.shape_cast %swap3A_1362 : vector<16xf32> to vector<16xf32>
    %swap3A_1364 = vector.shape_cast %convert_element_type3A_1360 : vector<16xf32> to vector<16xf32>
    tpu.vector_store %arg10[%swap3A_1361], %swap3A_1364 {strides = array<i32>} : memref<512xf32, #tpu.memory_space<vmem>>, vector<16xf32>,
    %get3A_1365 = arith.constant 224 : index
    %get3A_1366 = tpu.vector_load %arg9[%get3A_1365] {strides = array<i32>} : memref<512xi32, #tpu.memory_space<vmem>>, vector<16xi32>,
    %get3A_1367 = vector.shape_cast %get3A_1366 : vector<16xi32> to vector<16xi32>
    %convert_element_type3A_1368 = arith.sitofp %get3A_1367 : vector<16xi32> to vector<16xf32>
    %swap3A_1369 = arith.constant 224 : index
    %swap3A_1370 = tpu.vector_load %arg10[%swap3A_1369] {strides = array<i32>} : memref<512xf32, #tpu.memory_space<vmem>>, vector<16xf32>,
    %swap3A_1371 = vector.shape_cast %swap3A_1370 : vector<16xf32> to vector<16xf32>
    %swap3A_1372 = vector.shape_cast %convert_element_type3A_1368 : vector<16xf32> to vector<16xf32>
    tpu.vector_store %arg10[%swap3A_1369], %swap3A_1372 {strides = array<i32>} : memref<512xf32, #tpu.memory_space<vmem>>, vector<16xf32>,
    %get3A_1373 = arith.constant 240 : index
    %get3A_1374 = tpu.vector_load %arg9[%get3A_1373] {strides = array<i32>} : memref<512xi32, #tpu.memory_space<vmem>>, vector<16xi32>,
    %get3A_1375 = vector.shape_cast %get3A_1374 : vector<16xi32> to vector<16xi32>
    %convert_element_type3A_1376 = arith.sitofp %get3A_1375 : vector<16xi32> to vector<16xf32>
    %swap3A_1377 = arith.constant 240 : index
    %swap3A_1378 = tpu.vector_load %arg10[%swap3A_1377] {strides = array<i32>} : memref<512xf32, #tpu.memory_space<vmem>>, vector<16xf32>,
    %swap3A_1379 = vector.shape_cast %swap3A_1378 : vector<16xf32> to vector<16xf32>
    %swap3A_1380 = vector.shape_cast %convert_element_type3A_1376 : vector<16xf32> to vector<16xf32>
    tpu.vector_store %arg10[%swap3A_1377], %swap3A_1380 {strides = array<i32>} : memref<512xf32, #tpu.memory_space<vmem>>, vector<16xf32>,
    %get3A_1381 = arith.constant 256 : index
    %get3A_1382 = tpu.vector_load %arg9[%get3A_1381] {strides = array<i32>} : memref<512xi32, #tpu.memory_space<vmem>>, vector<16xi32>,
    %get3A_1383 = vector.shape_cast %get3A_1382 : vector<16xi32> to vector<16xi32>
    %convert_element_type3A_1384 = arith.sitofp %get3A_1383 : vector<16xi32> to vector<16xf32>
    %swap3A_1385 = arith.constant 256 : index
    %swap3A_1386 = tpu.vector_load %arg10[%swap3A_1385] {strides = array<i32>} : memref<512xf32, #tpu.memory_space<vmem>>, vector<16xf32>,
    %swap3A_1387 = vector.shape_cast %swap3A_1386 : vector<16xf32> to vector<16xf32>
    %swap3A_1388 = vector.shape_cast %convert_element_type3A_1384 : vector<16xf32> to vector<16xf32>
    tpu.vector_store %arg10[%swap3A_1385], %swap3A_1388 {strides = array<i32>} : memref<512xf32, #tpu.memory_space<vmem>>, vector<16xf32>,
    %get3A_1389 = arith.constant 272 : index
    %get3A_1390 = tpu.vector_load %arg9[%get3A_1389] {strides = array<i32>} : memref<512xi32, #tpu.memory_space<vmem>>, vector<16xi32>,
    %get3A_1391 = vector.shape_cast %get3A_1390 : vector<16xi32> to vector<16xi32>
    %convert_element_type3A_1392 = arith.sitofp %get3A_1391 : vector<16xi32> to vector<16xf32>
    %swap3A_1393 = arith.constant 272 : index
    %swap3A_1394 = tpu.vector_load %arg10[%swap3A_1393] {strides = array<i32>} : memref<512xf32, #tpu.memory_space<vmem>>, vector<16xf32>,
    %swap3A_1395 = vector.shape_cast %swap3A_1394 : vector<16xf32> to vector<16xf32>
    %swap3A_1396 = vector.shape_cast %convert_element_type3A_1392 : vector<16xf32> to vector<16xf32>
    tpu.vector_store %arg10[%swap3A_1393], %swap3A_1396 {strides = array<i32>} : memref<512xf32, #tpu.memory_space<vmem>>, vector<16xf32>,
    %get3A_1397 = arith.constant 288 : index
    %get3A_1398 = tpu.vector_load %arg9[%get3A_1397] {strides = array<i32>} : memref<512xi32, #tpu.memory_space<vmem>>, vector<16xi32>,
    %get3A_1399 = vector.shape_cast %get3A_1398 : vector<16xi32> to vector<16xi32>
    %convert_element_type3A_1400 = arith.sitofp %get3A_1399 : vector<16xi32> to vector<16xf32>
    %swap3A_1401 = arith.constant 288 : index
    %swap3A_1402 = tpu.vector_load %arg10[%swap3A_1401] {strides = array<i32>} : memref<512xf32, #tpu.memory_space<vmem>>, vector<16xf32>,
    %swap3A_1403 = vector.shape_cast %swap3A_1402 : vector<16xf32> to vector<16xf32>
    %swap3A_1404 = vector.shape_cast %convert_element_type3A_1400 : vector<16xf32> to vector<16xf32>
    tpu.vector_store %arg10[%swap3A_1401], %swap3A_1404 {strides = array<i32>} : memref<512xf32, #tpu.memory_space<vmem>>, vector<16xf32>,
    %get3A_1405 = arith.constant 304 : index
    %get3A_1406 = tpu.vector_load %arg9[%get3A_1405] {strides = array<i32>} : memref<512xi32, #tpu.memory_space<vmem>>, vector<16xi32>,
    %get3A_1407 = vector.shape_cast %get3A_1406 : vector<16xi32> to vector<16xi32>
    %convert_element_type3A_1408 = arith.sitofp %get3A_1407 : vector<16xi32> to vector<16xf32>
    %swap3A_1409 = arith.constant 304 : index
    %swap3A_1410 = tpu.vector_load %arg10[%swap3A_1409] {strides = array<i32>} : memref<512xf32, #tpu.memory_space<vmem>>, vector<16xf32>,
    %swap3A_1411 = vector.shape_cast %swap3A_1410 : vector<16xf32> to vector<16xf32>
    %swap3A_1412 = vector.shape_cast %convert_element_type3A_1408 : vector<16xf32> to vector<16xf32>
    tpu.vector_store %arg10[%swap3A_1409], %swap3A_1412 {strides = array<i32>} : memref<512xf32, #tpu.memory_space<vmem>>, vector<16xf32>,
    %get3A_1413 = arith.constant 320 : index
    %get3A_1414 = tpu.vector_load %arg9[%get3A_1413] {strides = array<i32>} : memref<512xi32, #tpu.memory_space<vmem>>, vector<16xi32>,
    %get3A_1415 = vector.shape_cast %get3A_1414 : vector<16xi32> to vector<16xi32>
    %convert_element_type3A_1416 = arith.sitofp %get3A_1415 : vector<16xi32> to vector<16xf32>
    %swap3A_1417 = arith.constant 320 : index
    %swap3A_1418 = tpu.vector_load %arg10[%swap3A_1417] {strides = array<i32>} : memref<512xf32, #tpu.memory_space<vmem>>, vector<16xf32>,
    %swap3A_1419 = vector.shape_cast %swap3A_1418 : vector<16xf32> to vector<16xf32>
    %swap3A_1420 = vector.shape_cast %convert_element_type3A_1416 : vector<16xf32> to vector<16xf32>
    tpu.vector_store %arg10[%swap3A_1417], %swap3A_1420 {strides = array<i32>} : memref<512xf32, #tpu.memory_space<vmem>>, vector<16xf32>,
    %get3A_1421 = arith.constant 336 : index
    %get3A_1422 = tpu.vector_load %arg9[%get3A_1421] {strides = array<i32>} : memref<512xi32, #tpu.memory_space<vmem>>, vector<16xi32>,
    %get3A_1423 = vector.shape_cast %get3A_1422 : vector<16xi32> to vector<16xi32>
    %convert_element_type3A_1424 = arith.sitofp %get3A_1423 : vector<16xi32> to vector<16xf32>
    %swap3A_1425 = arith.constant 336 : index
    %swap3A_1426 = tpu.vector_load %arg10[%swap3A_1425] {strides = array<i32>} : memref<512xf32, #tpu.memory_space<vmem>>, vector<16xf32>,
    %swap3A_1427 = vector.shape_cast %swap3A_1426 : vector<16xf32> to vector<16xf32>
    %swap3A_1428 = vector.shape_cast %convert_element_type3A_1424 : vector<16xf32> to vector<16xf32>
    tpu.vector_store %arg10[%swap3A_1425], %swap3A_1428 {strides = array<i32>} : memref<512xf32, #tpu.memory_space<vmem>>, vector<16xf32>,
    %get3A_1429 = arith.constant 352 : index
    %get3A_1430 = tpu.vector_load %arg9[%get3A_1429] {strides = array<i32>} : memref<512xi32, #tpu.memory_space<vmem>>, vector<16xi32>,
    %get3A_1431 = vector.shape_cast %get3A_1430 : vector<16xi32> to vector<16xi32>
    %convert_element_type3A_1432 = arith.sitofp %get3A_1431 : vector<16xi32> to vector<16xf32>
    %swap3A_1433 = arith.constant 352 : index
    %swap3A_1434 = tpu.vector_load %arg10[%swap3A_1433] {strides = array<i32>} : memref<512xf32, #tpu.memory_space<vmem>>, vector<16xf32>,
    %swap3A_1435 = vector.shape_cast %swap3A_1434 : vector<16xf32> to vector<16xf32>
    %swap3A_1436 = vector.shape_cast %convert_element_type3A_1432 : vector<16xf32> to vector<16xf32>
    tpu.vector_store %arg10[%swap3A_1433], %swap3A_1436 {strides = array<i32>} : memref<512xf32, #tpu.memory_space<vmem>>, vector<16xf32>,
    %get3A_1437 = arith.constant 368 : index
    %get3A_1438 = tpu.vector_load %arg9[%get3A_1437] {strides = array<i32>} : memref<512xi32, #tpu.memory_space<vmem>>, vector<16xi32>,
    %get3A_1439 = vector.shape_cast %get3A_1438 : vector<16xi32> to vector<16xi32>
    %convert_element_type3A_1440 = arith.sitofp %get3A_1439 : vector<16xi32> to vector<16xf32>
    %swap3A_1441 = arith.constant 368 : index
    %swap3A_1442 = tpu.vector_load %arg10[%swap3A_1441] {strides = array<i32>} : memref<512xf32, #tpu.memory_space<vmem>>, vector<16xf32>,
    %swap3A_1443 = vector.shape_cast %swap3A_1442 : vector<16xf32> to vector<16xf32>
    %swap3A_1444 = vector.shape_cast %convert_element_type3A_1440 : vector<16xf32> to vector<16xf32>
    tpu.vector_store %arg10[%swap3A_1441], %swap3A_1444 {strides = array<i32>} : memref<512xf32, #tpu.memory_space<vmem>>, vector<16xf32>,
    %get3A_1445 = arith.constant 384 : index
    %get3A_1446 = tpu.vector_load %arg9[%get3A_1445] {strides = array<i32>} : memref<512xi32, #tpu.memory_space<vmem>>, vector<16xi32>,
    %get3A_1447 = vector.shape_cast %get3A_1446 : vector<16xi32> to vector<16xi32>
    %convert_element_type3A_1448 = arith.sitofp %get3A_1447 : vector<16xi32> to vector<16xf32>
    %swap3A_1449 = arith.constant 384 : index
    %swap3A_1450 = tpu.vector_load %arg10[%swap3A_1449] {strides = array<i32>} : memref<512xf32, #tpu.memory_space<vmem>>, vector<16xf32>,
    %swap3A_1451 = vector.shape_cast %swap3A_1450 : vector<16xf32> to vector<16xf32>
    %swap3A_1452 = vector.shape_cast %convert_element_type3A_1448 : vector<16xf32> to vector<16xf32>
    tpu.vector_store %arg10[%swap3A_1449], %swap3A_1452 {strides = array<i32>} : memref<512xf32, #tpu.memory_space<vmem>>, vector<16xf32>,
    %get3A_1453 = arith.constant 400 : index
    %get3A_1454 = tpu.vector_load %arg9[%get3A_1453] {strides = array<i32>} : memref<512xi32, #tpu.memory_space<vmem>>, vector<16xi32>,
    %get3A_1455 = vector.shape_cast %get3A_1454 : vector<16xi32> to vector<16xi32>
    %convert_element_type3A_1456 = arith.sitofp %get3A_1455 : vector<16xi32> to vector<16xf32>
    %swap3A_1457 = arith.constant 400 : index
    %swap3A_1458 = tpu.vector_load %arg10[%swap3A_1457] {strides = array<i32>} : memref<512xf32, #tpu.memory_space<vmem>>, vector<16xf32>,
    %swap3A_1459 = vector.shape_cast %swap3A_1458 : vector<16xf32> to vector<16xf32>
    %swap3A_1460 = vector.shape_cast %convert_element_type3A_1456 : vector<16xf32> to vector<16xf32>
    tpu.vector_store %arg10[%swap3A_1457], %swap3A_1460 {strides = array<i32>} : memref<512xf32, #tpu.memory_space<vmem>>, vector<16xf32>,
    %get3A_1461 = arith.constant 416 : index
    %get3A_1462 = tpu.vector_load %arg9[%get3A_1461] {strides = array<i32>} : memref<512xi32, #tpu.memory_space<vmem>>, vector<16xi32>,
    %get3A_1463 = vector.shape_cast %get3A_1462 : vector<16xi32> to vector<16xi32>
    %convert_element_type3A_1464 = arith.sitofp %get3A_1463 : vector<16xi32> to vector<16xf32>
    %swap3A_1465 = arith.constant 416 : index
    %swap3A_1466 = tpu.vector_load %arg10[%swap3A_1465] {strides = array<i32>} : memref<512xf32, #tpu.memory_space<vmem>>, vector<16xf32>,
    %swap3A_1467 = vector.shape_cast %swap3A_1466 : vector<16xf32> to vector<16xf32>
    %swap3A_1468 = vector.shape_cast %convert_element_type3A_1464 : vector<16xf32> to vector<16xf32>
    tpu.vector_store %arg10[%swap3A_1465], %swap3A_1468 {strides = array<i32>} : memref<512xf32, #tpu.memory_space<vmem>>, vector<16xf32>,
    %get3A_1469 = arith.constant 432 : index
    %get3A_1470 = tpu.vector_load %arg9[%get3A_1469] {strides = array<i32>} : memref<512xi32, #tpu.memory_space<vmem>>, vector<16xi32>,
    %get3A_1471 = vector.shape_cast %get3A_1470 : vector<16xi32> to vector<16xi32>
    %convert_element_type3A_1472 = arith.sitofp %get3A_1471 : vector<16xi32> to vector<16xf32>
    %swap3A_1473 = arith.constant 432 : index
    %swap3A_1474 = tpu.vector_load %arg10[%swap3A_1473] {strides = array<i32>} : memref<512xf32, #tpu.memory_space<vmem>>, vector<16xf32>,
    %swap3A_1475 = vector.shape_cast %swap3A_1474 : vector<16xf32> to vector<16xf32>
    %swap3A_1476 = vector.shape_cast %convert_element_type3A_1472 : vector<16xf32> to vector<16xf32>
    tpu.vector_store %arg10[%swap3A_1473], %swap3A_1476 {strides = array<i32>} : memref<512xf32, #tpu.memory_space<vmem>>, vector<16xf32>,
    %get3A_1477 = arith.constant 448 : index
    %get3A_1478 = tpu.vector_load %arg9[%get3A_1477] {strides = array<i32>} : memref<512xi32, #tpu.memory_space<vmem>>, vector<16xi32>,
    %get3A_1479 = vector.shape_cast %get3A_1478 : vector<16xi32> to vector<16xi32>
    %convert_element_type3A_1480 = arith.sitofp %get3A_1479 : vector<16xi32> to vector<16xf32>
    %swap3A_1481 = arith.constant 448 : index
    %swap3A_1482 = tpu.vector_load %arg10[%swap3A_1481] {strides = array<i32>} : memref<512xf32, #tpu.memory_space<vmem>>, vector<16xf32>,
    %swap3A_1483 = vector.shape_cast %swap3A_1482 : vector<16xf32> to vector<16xf32>
    %swap3A_1484 = vector.shape_cast %convert_element_type3A_1480 : vector<16xf32> to vector<16xf32>
    tpu.vector_store %arg10[%swap3A_1481], %swap3A_1484 {strides = array<i32>} : memref<512xf32, #tpu.memory_space<vmem>>, vector<16xf32>,
    %get3A_1485 = arith.constant 464 : index
    %get3A_1486 = tpu.vector_load %arg9[%get3A_1485] {strides = array<i32>} : memref<512xi32, #tpu.memory_space<vmem>>, vector<16xi32>,
    %get3A_1487 = vector.shape_cast %get3A_1486 : vector<16xi32> to vector<16xi32>
    %convert_element_type3A_1488 = arith.sitofp %get3A_1487 : vector<16xi32> to vector<16xf32>
    %swap3A_1489 = arith.constant 464 : index
    %swap3A_1490 = tpu.vector_load %arg10[%swap3A_1489] {strides = array<i32>} : memref<512xf32, #tpu.memory_space<vmem>>, vector<16xf32>,
    %swap3A_1491 = vector.shape_cast %swap3A_1490 : vector<16xf32> to vector<16xf32>
    %swap3A_1492 = vector.shape_cast %convert_element_type3A_1488 : vector<16xf32> to vector<16xf32>
    tpu.vector_store %arg10[%swap3A_1489], %swap3A_1492 {strides = array<i32>} : memref<512xf32, #tpu.memory_space<vmem>>, vector<16xf32>,
    %get3A_1493 = arith.constant 480 : index
    %get3A_1494 = tpu.vector_load %arg9[%get3A_1493] {strides = array<i32>} : memref<512xi32, #tpu.memory_space<vmem>>, vector<16xi32>,
    %get3A_1495 = vector.shape_cast %get3A_1494 : vector<16xi32> to vector<16xi32>
    %convert_element_type3A_1496 = arith.sitofp %get3A_1495 : vector<16xi32> to vector<16xf32>
    %swap3A_1497 = arith.constant 480 : index
    %swap3A_1498 = tpu.vector_load %arg10[%swap3A_1497] {strides = array<i32>} : memref<512xf32, #tpu.memory_space<vmem>>, vector<16xf32>,
    %swap3A_1499 = vector.shape_cast %swap3A_1498 : vector<16xf32> to vector<16xf32>
    %swap3A_1500 = vector.shape_cast %convert_element_type3A_1496 : vector<16xf32> to vector<16xf32>
    tpu.vector_store %arg10[%swap3A_1497], %swap3A_1500 {strides = array<i32>} : memref<512xf32, #tpu.memory_space<vmem>>, vector<16xf32>,
    %get3A_1501 = arith.constant 496 : index
    %get3A_1502 = tpu.vector_load %arg9[%get3A_1501] {strides = array<i32>} : memref<512xi32, #tpu.memory_space<vmem>>, vector<16xi32>,
    %get3A_1503 = vector.shape_cast %get3A_1502 : vector<16xi32> to vector<16xi32>
    %convert_element_type3A_1504 = arith.sitofp %get3A_1503 : vector<16xi32> to vector<16xf32>
    %swap3A_1505 = arith.constant 496 : index
    %swap3A_1506 = tpu.vector_load %arg10[%swap3A_1505] {strides = array<i32>} : memref<512xf32, #tpu.memory_space<vmem>>, vector<16xf32>,
    %swap3A_1507 = vector.shape_cast %swap3A_1506 : vector<16xf32> to vector<16xf32>
    %swap3A_1508 = vector.shape_cast %convert_element_type3A_1504 : vector<16xf32> to vector<16xf32>
    tpu.vector_store %arg10[%swap3A_1505], %swap3A_1508 {strides = array<i32>} : memref<512xf32, #tpu.memory_space<vmem>>, vector<16xf32>,
    %mul3A_1509 = arith.constant 4 : i32
    %mul3A_1510 = arith.muli %select_n3A, %mul3A_1509 : i32
    %add3A_1511 = arith.constant 3 : i32
    %add3A_1512 = arith.addi %mul3A_1510, %add3A_1511 : i32
    %mul3A_1513 = arith.constant 1024 : i32
    %mul3A_1514 = arith.muli %add3A_1512, %mul3A_1513 : i32
    %add3A_1515 = arith.addi %mul3A_1514, %sub3A_1252 : i32
    "tpu.region"() ({
      %run_scoped3A = tpu.sem_alloc : memref<!tpu.dma_semaphore, #tpu.memory_space<semaphore_mem>>
      %dma_start3A_2597 = tpu.memref_slice %arg6[%add3A_1515] : memref<65536xf32, #tpu.memory_space<hbm>> -> memref<512xf32, #tpu.memory_space<hbm>>
      %dma_start3A_2598 = tpu.memref_slice %arg6[%add3A_1515] : memref<65536xf32, #tpu.memory_space<hbm>> -> memref<512xf32, #tpu.memory_space<hbm>>
      tpu.enqueue_dma source(%arg10 : memref<512xf32, #tpu.memory_space<vmem>>) target(%dma_start3A_2598 : memref<512xf32, #tpu.memory_space<hbm>>) target_semaphore(%run_scoped3A : memref<!tpu.dma_semaphore, #tpu.memory_space<semaphore_mem>>)
      %dma_wait3A_2599 = tpu.memref_slice %arg6[%add3A_1515] : memref<65536xf32, #tpu.memory_space<hbm>> -> memref<512xf32, #tpu.memory_space<hbm>>
      %dma_wait3A_2600 = tpu.memref_slice %arg6[%add3A_1515] : memref<65536xf32, #tpu.memory_space<hbm>> -> memref<512xf32, #tpu.memory_space<hbm>>
      tpu.wait_dma2 semaphore(%run_scoped3A : memref<!tpu.dma_semaphore, #tpu.memory_space<semaphore_mem>>) src(%arg10 : memref<512xf32, #tpu.memory_space<vmem>>) dst(%dma_wait3A_2600 : memref<512xf32, #tpu.memory_space<hbm>>)
      tpu.yield
    }) : () -> ()
    %dma_wait3A_1516 = arith.constant 0 : i32
    %dma_wait3A_1517 = tpu.memref_slice %arg4[%dma_wait3A_1516] : memref<2400000xf32, #tpu.memory_space<hbm>> -> memref<2400000xf32, #tpu.memory_space<hbm>>
    tpu.wait_indirect_dma semaphore(%arg15 : memref<!tpu.dma_semaphore, #tpu.memory_space<semaphore_mem>>) src(%dma_wait3A_1517 : memref<2400000xf32, #tpu.memory_space<hbm>>) dst(%arg12 : memref<1536xf32, #tpu.memory_space<vmem>>)
    %dma_wait3A_1518 = arith.constant 0 : i32
    %dma_wait3A_1519 = tpu.memref_slice %arg5[%dma_wait3A_1518] : memref<2400000xf32, #tpu.memory_space<hbm>> -> memref<2400000xf32, #tpu.memory_space<hbm>>
    tpu.wait_indirect_dma semaphore(%arg16 : memref<!tpu.dma_semaphore, #tpu.memory_space<semaphore_mem>>) src(%dma_wait3A_1519 : memref<2400000xf32, #tpu.memory_space<hbm>>) dst(%arg13 : memref<1536xf32, #tpu.memory_space<vmem>>)
    %get3A_1520 = arith.constant 0 : index
    %get3A_1521 = tpu.vector_load %arg12[%get3A_1520] {strides = array<i32>} : memref<1536xf32, #tpu.memory_space<vmem>>, vector<16xf32>,
    %get3A_1522 = vector.shape_cast %get3A_1521 : vector<16xf32> to vector<16xf32>
    %get3A_1523 = arith.constant 0 : index
    %get3A_1524 = tpu.vector_load %arg13[%get3A_1523] {strides = array<i32>} : memref<1536xf32, #tpu.memory_space<vmem>>, vector<16xf32>,
    %get3A_1525 = vector.shape_cast %get3A_1524 : vector<16xf32> to vector<16xf32>
    %add3A_1526 = arith.addf %get3A_1522, %get3A_1525 : vector<16xf32>
    %swap3A_1527 = arith.constant 0 : index
    %swap3A_1528 = tpu.vector_load %arg12[%swap3A_1527] {strides = array<i32>} : memref<1536xf32, #tpu.memory_space<vmem>>, vector<16xf32>,
    %swap3A_1529 = vector.shape_cast %swap3A_1528 : vector<16xf32> to vector<16xf32>
    %swap3A_1530 = vector.shape_cast %add3A_1526 : vector<16xf32> to vector<16xf32>
    tpu.vector_store %arg12[%swap3A_1527], %swap3A_1530 {strides = array<i32>} : memref<1536xf32, #tpu.memory_space<vmem>>, vector<16xf32>,
    %get3A_1531 = arith.constant 16 : index
    %get3A_1532 = tpu.vector_load %arg12[%get3A_1531] {strides = array<i32>} : memref<1536xf32, #tpu.memory_space<vmem>>, vector<16xf32>,
    %get3A_1533 = vector.shape_cast %get3A_1532 : vector<16xf32> to vector<16xf32>
    %get3A_1534 = arith.constant 16 : index
    %get3A_1535 = tpu.vector_load %arg13[%get3A_1534] {strides = array<i32>} : memref<1536xf32, #tpu.memory_space<vmem>>, vector<16xf32>,
    %get3A_1536 = vector.shape_cast %get3A_1535 : vector<16xf32> to vector<16xf32>
    %add3A_1537 = arith.addf %get3A_1533, %get3A_1536 : vector<16xf32>
    %swap3A_1538 = arith.constant 16 : index
    %swap3A_1539 = tpu.vector_load %arg12[%swap3A_1538] {strides = array<i32>} : memref<1536xf32, #tpu.memory_space<vmem>>, vector<16xf32>,
    %swap3A_1540 = vector.shape_cast %swap3A_1539 : vector<16xf32> to vector<16xf32>
    %swap3A_1541 = vector.shape_cast %add3A_1537 : vector<16xf32> to vector<16xf32>
    tpu.vector_store %arg12[%swap3A_1538], %swap3A_1541 {strides = array<i32>} : memref<1536xf32, #tpu.memory_space<vmem>>, vector<16xf32>,
    %get3A_1542 = arith.constant 32 : index
    %get3A_1543 = tpu.vector_load %arg12[%get3A_1542] {strides = array<i32>} : memref<1536xf32, #tpu.memory_space<vmem>>, vector<16xf32>,
    %get3A_1544 = vector.shape_cast %get3A_1543 : vector<16xf32> to vector<16xf32>
    %get3A_1545 = arith.constant 32 : index
    %get3A_1546 = tpu.vector_load %arg13[%get3A_1545] {strides = array<i32>} : memref<1536xf32, #tpu.memory_space<vmem>>, vector<16xf32>,
    %get3A_1547 = vector.shape_cast %get3A_1546 : vector<16xf32> to vector<16xf32>
    %add3A_1548 = arith.addf %get3A_1544, %get3A_1547 : vector<16xf32>
    %swap3A_1549 = arith.constant 32 : index
    %swap3A_1550 = tpu.vector_load %arg12[%swap3A_1549] {strides = array<i32>} : memref<1536xf32, #tpu.memory_space<vmem>>, vector<16xf32>,
    %swap3A_1551 = vector.shape_cast %swap3A_1550 : vector<16xf32> to vector<16xf32>
    %swap3A_1552 = vector.shape_cast %add3A_1548 : vector<16xf32> to vector<16xf32>
    tpu.vector_store %arg12[%swap3A_1549], %swap3A_1552 {strides = array<i32>} : memref<1536xf32, #tpu.memory_space<vmem>>, vector<16xf32>,
    %get3A_1553 = arith.constant 48 : index
    %get3A_1554 = tpu.vector_load %arg12[%get3A_1553] {strides = array<i32>} : memref<1536xf32, #tpu.memory_space<vmem>>, vector<16xf32>,
    %get3A_1555 = vector.shape_cast %get3A_1554 : vector<16xf32> to vector<16xf32>
    %get3A_1556 = arith.constant 48 : index
    %get3A_1557 = tpu.vector_load %arg13[%get3A_1556] {strides = array<i32>} : memref<1536xf32, #tpu.memory_space<vmem>>, vector<16xf32>,
    %get3A_1558 = vector.shape_cast %get3A_1557 : vector<16xf32> to vector<16xf32>
    %add3A_1559 = arith.addf %get3A_1555, %get3A_1558 : vector<16xf32>
    %swap3A_1560 = arith.constant 48 : index
    %swap3A_1561 = tpu.vector_load %arg12[%swap3A_1560] {strides = array<i32>} : memref<1536xf32, #tpu.memory_space<vmem>>, vector<16xf32>,
    %swap3A_1562 = vector.shape_cast %swap3A_1561 : vector<16xf32> to vector<16xf32>
    %swap3A_1563 = vector.shape_cast %add3A_1559 : vector<16xf32> to vector<16xf32>
    tpu.vector_store %arg12[%swap3A_1560], %swap3A_1563 {strides = array<i32>} : memref<1536xf32, #tpu.memory_space<vmem>>, vector<16xf32>,
    %get3A_1564 = arith.constant 64 : index
    %get3A_1565 = tpu.vector_load %arg12[%get3A_1564] {strides = array<i32>} : memref<1536xf32, #tpu.memory_space<vmem>>, vector<16xf32>,
    %get3A_1566 = vector.shape_cast %get3A_1565 : vector<16xf32> to vector<16xf32>
    %get3A_1567 = arith.constant 64 : index
    %get3A_1568 = tpu.vector_load %arg13[%get3A_1567] {strides = array<i32>} : memref<1536xf32, #tpu.memory_space<vmem>>, vector<16xf32>,
    %get3A_1569 = vector.shape_cast %get3A_1568 : vector<16xf32> to vector<16xf32>
    %add3A_1570 = arith.addf %get3A_1566, %get3A_1569 : vector<16xf32>
    %swap3A_1571 = arith.constant 64 : index
    %swap3A_1572 = tpu.vector_load %arg12[%swap3A_1571] {strides = array<i32>} : memref<1536xf32, #tpu.memory_space<vmem>>, vector<16xf32>,
    %swap3A_1573 = vector.shape_cast %swap3A_1572 : vector<16xf32> to vector<16xf32>
    %swap3A_1574 = vector.shape_cast %add3A_1570 : vector<16xf32> to vector<16xf32>
    tpu.vector_store %arg12[%swap3A_1571], %swap3A_1574 {strides = array<i32>} : memref<1536xf32, #tpu.memory_space<vmem>>, vector<16xf32>,
    %get3A_1575 = arith.constant 80 : index
    %get3A_1576 = tpu.vector_load %arg12[%get3A_1575] {strides = array<i32>} : memref<1536xf32, #tpu.memory_space<vmem>>, vector<16xf32>,
    %get3A_1577 = vector.shape_cast %get3A_1576 : vector<16xf32> to vector<16xf32>
    %get3A_1578 = arith.constant 80 : index
    %get3A_1579 = tpu.vector_load %arg13[%get3A_1578] {strides = array<i32>} : memref<1536xf32, #tpu.memory_space<vmem>>, vector<16xf32>,
    %get3A_1580 = vector.shape_cast %get3A_1579 : vector<16xf32> to vector<16xf32>
    %add3A_1581 = arith.addf %get3A_1577, %get3A_1580 : vector<16xf32>
    %swap3A_1582 = arith.constant 80 : index
    %swap3A_1583 = tpu.vector_load %arg12[%swap3A_1582] {strides = array<i32>} : memref<1536xf32, #tpu.memory_space<vmem>>, vector<16xf32>,
    %swap3A_1584 = vector.shape_cast %swap3A_1583 : vector<16xf32> to vector<16xf32>
    %swap3A_1585 = vector.shape_cast %add3A_1581 : vector<16xf32> to vector<16xf32>
    tpu.vector_store %arg12[%swap3A_1582], %swap3A_1585 {strides = array<i32>} : memref<1536xf32, #tpu.memory_space<vmem>>, vector<16xf32>,
    %get3A_1586 = arith.constant 96 : index
    %get3A_1587 = tpu.vector_load %arg12[%get3A_1586] {strides = array<i32>} : memref<1536xf32, #tpu.memory_space<vmem>>, vector<16xf32>,
    %get3A_1588 = vector.shape_cast %get3A_1587 : vector<16xf32> to vector<16xf32>
    %get3A_1589 = arith.constant 96 : index
    %get3A_1590 = tpu.vector_load %arg13[%get3A_1589] {strides = array<i32>} : memref<1536xf32, #tpu.memory_space<vmem>>, vector<16xf32>,
    %get3A_1591 = vector.shape_cast %get3A_1590 : vector<16xf32> to vector<16xf32>
    %add3A_1592 = arith.addf %get3A_1588, %get3A_1591 : vector<16xf32>
    %swap3A_1593 = arith.constant 96 : index
    %swap3A_1594 = tpu.vector_load %arg12[%swap3A_1593] {strides = array<i32>} : memref<1536xf32, #tpu.memory_space<vmem>>, vector<16xf32>,
    %swap3A_1595 = vector.shape_cast %swap3A_1594 : vector<16xf32> to vector<16xf32>
    %swap3A_1596 = vector.shape_cast %add3A_1592 : vector<16xf32> to vector<16xf32>
    tpu.vector_store %arg12[%swap3A_1593], %swap3A_1596 {strides = array<i32>} : memref<1536xf32, #tpu.memory_space<vmem>>, vector<16xf32>,
    %get3A_1597 = arith.constant 112 : index
    %get3A_1598 = tpu.vector_load %arg12[%get3A_1597] {strides = array<i32>} : memref<1536xf32, #tpu.memory_space<vmem>>, vector<16xf32>,
    %get3A_1599 = vector.shape_cast %get3A_1598 : vector<16xf32> to vector<16xf32>
    %get3A_1600 = arith.constant 112 : index
    %get3A_1601 = tpu.vector_load %arg13[%get3A_1600] {strides = array<i32>} : memref<1536xf32, #tpu.memory_space<vmem>>, vector<16xf32>,
    %get3A_1602 = vector.shape_cast %get3A_1601 : vector<16xf32> to vector<16xf32>
    %add3A_1603 = arith.addf %get3A_1599, %get3A_1602 : vector<16xf32>
    %swap3A_1604 = arith.constant 112 : index
    %swap3A_1605 = tpu.vector_load %arg12[%swap3A_1604] {strides = array<i32>} : memref<1536xf32, #tpu.memory_space<vmem>>, vector<16xf32>,
    %swap3A_1606 = vector.shape_cast %swap3A_1605 : vector<16xf32> to vector<16xf32>
    %swap3A_1607 = vector.shape_cast %add3A_1603 : vector<16xf32> to vector<16xf32>
    tpu.vector_store %arg12[%swap3A_1604], %swap3A_1607 {strides = array<i32>} : memref<1536xf32, #tpu.memory_space<vmem>>, vector<16xf32>,
    %get3A_1608 = arith.constant 128 : index
    %get3A_1609 = tpu.vector_load %arg12[%get3A_1608] {strides = array<i32>} : memref<1536xf32, #tpu.memory_space<vmem>>, vector<16xf32>,
    %get3A_1610 = vector.shape_cast %get3A_1609 : vector<16xf32> to vector<16xf32>
    %get3A_1611 = arith.constant 128 : index
    %get3A_1612 = tpu.vector_load %arg13[%get3A_1611] {strides = array<i32>} : memref<1536xf32, #tpu.memory_space<vmem>>, vector<16xf32>,
    %get3A_1613 = vector.shape_cast %get3A_1612 : vector<16xf32> to vector<16xf32>
    %add3A_1614 = arith.addf %get3A_1610, %get3A_1613 : vector<16xf32>
    %swap3A_1615 = arith.constant 128 : index
    %swap3A_1616 = tpu.vector_load %arg12[%swap3A_1615] {strides = array<i32>} : memref<1536xf32, #tpu.memory_space<vmem>>, vector<16xf32>,
    %swap3A_1617 = vector.shape_cast %swap3A_1616 : vector<16xf32> to vector<16xf32>
    %swap3A_1618 = vector.shape_cast %add3A_1614 : vector<16xf32> to vector<16xf32>
    tpu.vector_store %arg12[%swap3A_1615], %swap3A_1618 {strides = array<i32>} : memref<1536xf32, #tpu.memory_space<vmem>>, vector<16xf32>,
    %get3A_1619 = arith.constant 144 : index
    %get3A_1620 = tpu.vector_load %arg12[%get3A_1619] {strides = array<i32>} : memref<1536xf32, #tpu.memory_space<vmem>>, vector<16xf32>,
    %get3A_1621 = vector.shape_cast %get3A_1620 : vector<16xf32> to vector<16xf32>
    %get3A_1622 = arith.constant 144 : index
    %get3A_1623 = tpu.vector_load %arg13[%get3A_1622] {strides = array<i32>} : memref<1536xf32, #tpu.memory_space<vmem>>, vector<16xf32>,
    %get3A_1624 = vector.shape_cast %get3A_1623 : vector<16xf32> to vector<16xf32>
    %add3A_1625 = arith.addf %get3A_1621, %get3A_1624 : vector<16xf32>
    %swap3A_1626 = arith.constant 144 : index
    %swap3A_1627 = tpu.vector_load %arg12[%swap3A_1626] {strides = array<i32>} : memref<1536xf32, #tpu.memory_space<vmem>>, vector<16xf32>,
    %swap3A_1628 = vector.shape_cast %swap3A_1627 : vector<16xf32> to vector<16xf32>
    %swap3A_1629 = vector.shape_cast %add3A_1625 : vector<16xf32> to vector<16xf32>
    tpu.vector_store %arg12[%swap3A_1626], %swap3A_1629 {strides = array<i32>} : memref<1536xf32, #tpu.memory_space<vmem>>, vector<16xf32>,
    %get3A_1630 = arith.constant 160 : index
    %get3A_1631 = tpu.vector_load %arg12[%get3A_1630] {strides = array<i32>} : memref<1536xf32, #tpu.memory_space<vmem>>, vector<16xf32>,
    %get3A_1632 = vector.shape_cast %get3A_1631 : vector<16xf32> to vector<16xf32>
    %get3A_1633 = arith.constant 160 : index
    %get3A_1634 = tpu.vector_load %arg13[%get3A_1633] {strides = array<i32>} : memref<1536xf32, #tpu.memory_space<vmem>>, vector<16xf32>,
    %get3A_1635 = vector.shape_cast %get3A_1634 : vector<16xf32> to vector<16xf32>
    %add3A_1636 = arith.addf %get3A_1632, %get3A_1635 : vector<16xf32>
    %swap3A_1637 = arith.constant 160 : index
    %swap3A_1638 = tpu.vector_load %arg12[%swap3A_1637] {strides = array<i32>} : memref<1536xf32, #tpu.memory_space<vmem>>, vector<16xf32>,
    %swap3A_1639 = vector.shape_cast %swap3A_1638 : vector<16xf32> to vector<16xf32>
    %swap3A_1640 = vector.shape_cast %add3A_1636 : vector<16xf32> to vector<16xf32>
    tpu.vector_store %arg12[%swap3A_1637], %swap3A_1640 {strides = array<i32>} : memref<1536xf32, #tpu.memory_space<vmem>>, vector<16xf32>,
    %get3A_1641 = arith.constant 176 : index
    %get3A_1642 = tpu.vector_load %arg12[%get3A_1641] {strides = array<i32>} : memref<1536xf32, #tpu.memory_space<vmem>>, vector<16xf32>,
    %get3A_1643 = vector.shape_cast %get3A_1642 : vector<16xf32> to vector<16xf32>
    %get3A_1644 = arith.constant 176 : index
    %get3A_1645 = tpu.vector_load %arg13[%get3A_1644] {strides = array<i32>} : memref<1536xf32, #tpu.memory_space<vmem>>, vector<16xf32>,
    %get3A_1646 = vector.shape_cast %get3A_1645 : vector<16xf32> to vector<16xf32>
    %add3A_1647 = arith.addf %get3A_1643, %get3A_1646 : vector<16xf32>
    %swap3A_1648 = arith.constant 176 : index
    %swap3A_1649 = tpu.vector_load %arg12[%swap3A_1648] {strides = array<i32>} : memref<1536xf32, #tpu.memory_space<vmem>>, vector<16xf32>,
    %swap3A_1650 = vector.shape_cast %swap3A_1649 : vector<16xf32> to vector<16xf32>
    %swap3A_1651 = vector.shape_cast %add3A_1647 : vector<16xf32> to vector<16xf32>
    tpu.vector_store %arg12[%swap3A_1648], %swap3A_1651 {strides = array<i32>} : memref<1536xf32, #tpu.memory_space<vmem>>, vector<16xf32>,
    %get3A_1652 = arith.constant 192 : index
    %get3A_1653 = tpu.vector_load %arg12[%get3A_1652] {strides = array<i32>} : memref<1536xf32, #tpu.memory_space<vmem>>, vector<16xf32>,
    %get3A_1654 = vector.shape_cast %get3A_1653 : vector<16xf32> to vector<16xf32>
    %get3A_1655 = arith.constant 192 : index
    %get3A_1656 = tpu.vector_load %arg13[%get3A_1655] {strides = array<i32>} : memref<1536xf32, #tpu.memory_space<vmem>>, vector<16xf32>,
    %get3A_1657 = vector.shape_cast %get3A_1656 : vector<16xf32> to vector<16xf32>
    %add3A_1658 = arith.addf %get3A_1654, %get3A_1657 : vector<16xf32>
    %swap3A_1659 = arith.constant 192 : index
    %swap3A_1660 = tpu.vector_load %arg12[%swap3A_1659] {strides = array<i32>} : memref<1536xf32, #tpu.memory_space<vmem>>, vector<16xf32>,
    %swap3A_1661 = vector.shape_cast %swap3A_1660 : vector<16xf32> to vector<16xf32>
    %swap3A_1662 = vector.shape_cast %add3A_1658 : vector<16xf32> to vector<16xf32>
    tpu.vector_store %arg12[%swap3A_1659], %swap3A_1662 {strides = array<i32>} : memref<1536xf32, #tpu.memory_space<vmem>>, vector<16xf32>,
    %get3A_1663 = arith.constant 208 : index
    %get3A_1664 = tpu.vector_load %arg12[%get3A_1663] {strides = array<i32>} : memref<1536xf32, #tpu.memory_space<vmem>>, vector<16xf32>,
    %get3A_1665 = vector.shape_cast %get3A_1664 : vector<16xf32> to vector<16xf32>
    %get3A_1666 = arith.constant 208 : index
    %get3A_1667 = tpu.vector_load %arg13[%get3A_1666] {strides = array<i32>} : memref<1536xf32, #tpu.memory_space<vmem>>, vector<16xf32>,
    %get3A_1668 = vector.shape_cast %get3A_1667 : vector<16xf32> to vector<16xf32>
    %add3A_1669 = arith.addf %get3A_1665, %get3A_1668 : vector<16xf32>
    %swap3A_1670 = arith.constant 208 : index
    %swap3A_1671 = tpu.vector_load %arg12[%swap3A_1670] {strides = array<i32>} : memref<1536xf32, #tpu.memory_space<vmem>>, vector<16xf32>,
    %swap3A_1672 = vector.shape_cast %swap3A_1671 : vector<16xf32> to vector<16xf32>
    %swap3A_1673 = vector.shape_cast %add3A_1669 : vector<16xf32> to vector<16xf32>
    tpu.vector_store %arg12[%swap3A_1670], %swap3A_1673 {strides = array<i32>} : memref<1536xf32, #tpu.memory_space<vmem>>, vector<16xf32>,
    %get3A_1674 = arith.constant 224 : index
    %get3A_1675 = tpu.vector_load %arg12[%get3A_1674] {strides = array<i32>} : memref<1536xf32, #tpu.memory_space<vmem>>, vector<16xf32>,
    %get3A_1676 = vector.shape_cast %get3A_1675 : vector<16xf32> to vector<16xf32>
    %get3A_1677 = arith.constant 224 : index
    %get3A_1678 = tpu.vector_load %arg13[%get3A_1677] {strides = array<i32>} : memref<1536xf32, #tpu.memory_space<vmem>>, vector<16xf32>,
    %get3A_1679 = vector.shape_cast %get3A_1678 : vector<16xf32> to vector<16xf32>
    %add3A_1680 = arith.addf %get3A_1676, %get3A_1679 : vector<16xf32>
    %swap3A_1681 = arith.constant 224 : index
    %swap3A_1682 = tpu.vector_load %arg12[%swap3A_1681] {strides = array<i32>} : memref<1536xf32, #tpu.memory_space<vmem>>, vector<16xf32>,
    %swap3A_1683 = vector.shape_cast %swap3A_1682 : vector<16xf32> to vector<16xf32>
    %swap3A_1684 = vector.shape_cast %add3A_1680 : vector<16xf32> to vector<16xf32>
    tpu.vector_store %arg12[%swap3A_1681], %swap3A_1684 {strides = array<i32>} : memref<1536xf32, #tpu.memory_space<vmem>>, vector<16xf32>,
    %get3A_1685 = arith.constant 240 : index
    %get3A_1686 = tpu.vector_load %arg12[%get3A_1685] {strides = array<i32>} : memref<1536xf32, #tpu.memory_space<vmem>>, vector<16xf32>,
    %get3A_1687 = vector.shape_cast %get3A_1686 : vector<16xf32> to vector<16xf32>
    %get3A_1688 = arith.constant 240 : index
    %get3A_1689 = tpu.vector_load %arg13[%get3A_1688] {strides = array<i32>} : memref<1536xf32, #tpu.memory_space<vmem>>, vector<16xf32>,
    %get3A_1690 = vector.shape_cast %get3A_1689 : vector<16xf32> to vector<16xf32>
    %add3A_1691 = arith.addf %get3A_1687, %get3A_1690 : vector<16xf32>
    %swap3A_1692 = arith.constant 240 : index
    %swap3A_1693 = tpu.vector_load %arg12[%swap3A_1692] {strides = array<i32>} : memref<1536xf32, #tpu.memory_space<vmem>>, vector<16xf32>,
    %swap3A_1694 = vector.shape_cast %swap3A_1693 : vector<16xf32> to vector<16xf32>
    %swap3A_1695 = vector.shape_cast %add3A_1691 : vector<16xf32> to vector<16xf32>
    tpu.vector_store %arg12[%swap3A_1692], %swap3A_1695 {strides = array<i32>} : memref<1536xf32, #tpu.memory_space<vmem>>, vector<16xf32>,
    %get3A_1696 = arith.constant 256 : index
    %get3A_1697 = tpu.vector_load %arg12[%get3A_1696] {strides = array<i32>} : memref<1536xf32, #tpu.memory_space<vmem>>, vector<16xf32>,
    %get3A_1698 = vector.shape_cast %get3A_1697 : vector<16xf32> to vector<16xf32>
    %get3A_1699 = arith.constant 256 : index
    %get3A_1700 = tpu.vector_load %arg13[%get3A_1699] {strides = array<i32>} : memref<1536xf32, #tpu.memory_space<vmem>>, vector<16xf32>,
    %get3A_1701 = vector.shape_cast %get3A_1700 : vector<16xf32> to vector<16xf32>
    %add3A_1702 = arith.addf %get3A_1698, %get3A_1701 : vector<16xf32>
    %swap3A_1703 = arith.constant 256 : index
    %swap3A_1704 = tpu.vector_load %arg12[%swap3A_1703] {strides = array<i32>} : memref<1536xf32, #tpu.memory_space<vmem>>, vector<16xf32>,
    %swap3A_1705 = vector.shape_cast %swap3A_1704 : vector<16xf32> to vector<16xf32>
    %swap3A_1706 = vector.shape_cast %add3A_1702 : vector<16xf32> to vector<16xf32>
    tpu.vector_store %arg12[%swap3A_1703], %swap3A_1706 {strides = array<i32>} : memref<1536xf32, #tpu.memory_space<vmem>>, vector<16xf32>,
    %get3A_1707 = arith.constant 272 : index
    %get3A_1708 = tpu.vector_load %arg12[%get3A_1707] {strides = array<i32>} : memref<1536xf32, #tpu.memory_space<vmem>>, vector<16xf32>,
    %get3A_1709 = vector.shape_cast %get3A_1708 : vector<16xf32> to vector<16xf32>
    %get3A_1710 = arith.constant 272 : index
    %get3A_1711 = tpu.vector_load %arg13[%get3A_1710] {strides = array<i32>} : memref<1536xf32, #tpu.memory_space<vmem>>, vector<16xf32>,
    %get3A_1712 = vector.shape_cast %get3A_1711 : vector<16xf32> to vector<16xf32>
    %add3A_1713 = arith.addf %get3A_1709, %get3A_1712 : vector<16xf32>
    %swap3A_1714 = arith.constant 272 : index
    %swap3A_1715 = tpu.vector_load %arg12[%swap3A_1714] {strides = array<i32>} : memref<1536xf32, #tpu.memory_space<vmem>>, vector<16xf32>,
    %swap3A_1716 = vector.shape_cast %swap3A_1715 : vector<16xf32> to vector<16xf32>
    %swap3A_1717 = vector.shape_cast %add3A_1713 : vector<16xf32> to vector<16xf32>
    tpu.vector_store %arg12[%swap3A_1714], %swap3A_1717 {strides = array<i32>} : memref<1536xf32, #tpu.memory_space<vmem>>, vector<16xf32>,
    %get3A_1718 = arith.constant 288 : index
    %get3A_1719 = tpu.vector_load %arg12[%get3A_1718] {strides = array<i32>} : memref<1536xf32, #tpu.memory_space<vmem>>, vector<16xf32>,
    %get3A_1720 = vector.shape_cast %get3A_1719 : vector<16xf32> to vector<16xf32>
    %get3A_1721 = arith.constant 288 : index
    %get3A_1722 = tpu.vector_load %arg13[%get3A_1721] {strides = array<i32>} : memref<1536xf32, #tpu.memory_space<vmem>>, vector<16xf32>,
    %get3A_1723 = vector.shape_cast %get3A_1722 : vector<16xf32> to vector<16xf32>
    %add3A_1724 = arith.addf %get3A_1720, %get3A_1723 : vector<16xf32>
    %swap3A_1725 = arith.constant 288 : index
    %swap3A_1726 = tpu.vector_load %arg12[%swap3A_1725] {strides = array<i32>} : memref<1536xf32, #tpu.memory_space<vmem>>, vector<16xf32>,
    %swap3A_1727 = vector.shape_cast %swap3A_1726 : vector<16xf32> to vector<16xf32>
    %swap3A_1728 = vector.shape_cast %add3A_1724 : vector<16xf32> to vector<16xf32>
    tpu.vector_store %arg12[%swap3A_1725], %swap3A_1728 {strides = array<i32>} : memref<1536xf32, #tpu.memory_space<vmem>>, vector<16xf32>,
    %get3A_1729 = arith.constant 304 : index
    %get3A_1730 = tpu.vector_load %arg12[%get3A_1729] {strides = array<i32>} : memref<1536xf32, #tpu.memory_space<vmem>>, vector<16xf32>,
    %get3A_1731 = vector.shape_cast %get3A_1730 : vector<16xf32> to vector<16xf32>
    %get3A_1732 = arith.constant 304 : index
    %get3A_1733 = tpu.vector_load %arg13[%get3A_1732] {strides = array<i32>} : memref<1536xf32, #tpu.memory_space<vmem>>, vector<16xf32>,
    %get3A_1734 = vector.shape_cast %get3A_1733 : vector<16xf32> to vector<16xf32>
    %add3A_1735 = arith.addf %get3A_1731, %get3A_1734 : vector<16xf32>
    %swap3A_1736 = arith.constant 304 : index
    %swap3A_1737 = tpu.vector_load %arg12[%swap3A_1736] {strides = array<i32>} : memref<1536xf32, #tpu.memory_space<vmem>>, vector<16xf32>,
    %swap3A_1738 = vector.shape_cast %swap3A_1737 : vector<16xf32> to vector<16xf32>
    %swap3A_1739 = vector.shape_cast %add3A_1735 : vector<16xf32> to vector<16xf32>
    tpu.vector_store %arg12[%swap3A_1736], %swap3A_1739 {strides = array<i32>} : memref<1536xf32, #tpu.memory_space<vmem>>, vector<16xf32>,
    %get3A_1740 = arith.constant 320 : index
    %get3A_1741 = tpu.vector_load %arg12[%get3A_1740] {strides = array<i32>} : memref<1536xf32, #tpu.memory_space<vmem>>, vector<16xf32>,
    %get3A_1742 = vector.shape_cast %get3A_1741 : vector<16xf32> to vector<16xf32>
    %get3A_1743 = arith.constant 320 : index
    %get3A_1744 = tpu.vector_load %arg13[%get3A_1743] {strides = array<i32>} : memref<1536xf32, #tpu.memory_space<vmem>>, vector<16xf32>,
    %get3A_1745 = vector.shape_cast %get3A_1744 : vector<16xf32> to vector<16xf32>
    %add3A_1746 = arith.addf %get3A_1742, %get3A_1745 : vector<16xf32>
    %swap3A_1747 = arith.constant 320 : index
    %swap3A_1748 = tpu.vector_load %arg12[%swap3A_1747] {strides = array<i32>} : memref<1536xf32, #tpu.memory_space<vmem>>, vector<16xf32>,
    %swap3A_1749 = vector.shape_cast %swap3A_1748 : vector<16xf32> to vector<16xf32>
    %swap3A_1750 = vector.shape_cast %add3A_1746 : vector<16xf32> to vector<16xf32>
    tpu.vector_store %arg12[%swap3A_1747], %swap3A_1750 {strides = array<i32>} : memref<1536xf32, #tpu.memory_space<vmem>>, vector<16xf32>,
    %get3A_1751 = arith.constant 336 : index
    %get3A_1752 = tpu.vector_load %arg12[%get3A_1751] {strides = array<i32>} : memref<1536xf32, #tpu.memory_space<vmem>>, vector<16xf32>,
    %get3A_1753 = vector.shape_cast %get3A_1752 : vector<16xf32> to vector<16xf32>
    %get3A_1754 = arith.constant 336 : index
    %get3A_1755 = tpu.vector_load %arg13[%get3A_1754] {strides = array<i32>} : memref<1536xf32, #tpu.memory_space<vmem>>, vector<16xf32>,
    %get3A_1756 = vector.shape_cast %get3A_1755 : vector<16xf32> to vector<16xf32>
    %add3A_1757 = arith.addf %get3A_1753, %get3A_1756 : vector<16xf32>
    %swap3A_1758 = arith.constant 336 : index
    %swap3A_1759 = tpu.vector_load %arg12[%swap3A_1758] {strides = array<i32>} : memref<1536xf32, #tpu.memory_space<vmem>>, vector<16xf32>,
    %swap3A_1760 = vector.shape_cast %swap3A_1759 : vector<16xf32> to vector<16xf32>
    %swap3A_1761 = vector.shape_cast %add3A_1757 : vector<16xf32> to vector<16xf32>
    tpu.vector_store %arg12[%swap3A_1758], %swap3A_1761 {strides = array<i32>} : memref<1536xf32, #tpu.memory_space<vmem>>, vector<16xf32>,
    %get3A_1762 = arith.constant 352 : index
    %get3A_1763 = tpu.vector_load %arg12[%get3A_1762] {strides = array<i32>} : memref<1536xf32, #tpu.memory_space<vmem>>, vector<16xf32>,
    %get3A_1764 = vector.shape_cast %get3A_1763 : vector<16xf32> to vector<16xf32>
    %get3A_1765 = arith.constant 352 : index
    %get3A_1766 = tpu.vector_load %arg13[%get3A_1765] {strides = array<i32>} : memref<1536xf32, #tpu.memory_space<vmem>>, vector<16xf32>,
    %get3A_1767 = vector.shape_cast %get3A_1766 : vector<16xf32> to vector<16xf32>
    %add3A_1768 = arith.addf %get3A_1764, %get3A_1767 : vector<16xf32>
    %swap3A_1769 = arith.constant 352 : index
    %swap3A_1770 = tpu.vector_load %arg12[%swap3A_1769] {strides = array<i32>} : memref<1536xf32, #tpu.memory_space<vmem>>, vector<16xf32>,
    %swap3A_1771 = vector.shape_cast %swap3A_1770 : vector<16xf32> to vector<16xf32>
    %swap3A_1772 = vector.shape_cast %add3A_1768 : vector<16xf32> to vector<16xf32>
    tpu.vector_store %arg12[%swap3A_1769], %swap3A_1772 {strides = array<i32>} : memref<1536xf32, #tpu.memory_space<vmem>>, vector<16xf32>,
    %get3A_1773 = arith.constant 368 : index
    %get3A_1774 = tpu.vector_load %arg12[%get3A_1773] {strides = array<i32>} : memref<1536xf32, #tpu.memory_space<vmem>>, vector<16xf32>,
    %get3A_1775 = vector.shape_cast %get3A_1774 : vector<16xf32> to vector<16xf32>
    %get3A_1776 = arith.constant 368 : index
    %get3A_1777 = tpu.vector_load %arg13[%get3A_1776] {strides = array<i32>} : memref<1536xf32, #tpu.memory_space<vmem>>, vector<16xf32>,
    %get3A_1778 = vector.shape_cast %get3A_1777 : vector<16xf32> to vector<16xf32>
    %add3A_1779 = arith.addf %get3A_1775, %get3A_1778 : vector<16xf32>
    %swap3A_1780 = arith.constant 368 : index
    %swap3A_1781 = tpu.vector_load %arg12[%swap3A_1780] {strides = array<i32>} : memref<1536xf32, #tpu.memory_space<vmem>>, vector<16xf32>,
    %swap3A_1782 = vector.shape_cast %swap3A_1781 : vector<16xf32> to vector<16xf32>
    %swap3A_1783 = vector.shape_cast %add3A_1779 : vector<16xf32> to vector<16xf32>
    tpu.vector_store %arg12[%swap3A_1780], %swap3A_1783 {strides = array<i32>} : memref<1536xf32, #tpu.memory_space<vmem>>, vector<16xf32>,
    %get3A_1784 = arith.constant 384 : index
    %get3A_1785 = tpu.vector_load %arg12[%get3A_1784] {strides = array<i32>} : memref<1536xf32, #tpu.memory_space<vmem>>, vector<16xf32>,
    %get3A_1786 = vector.shape_cast %get3A_1785 : vector<16xf32> to vector<16xf32>
    %get3A_1787 = arith.constant 384 : index
    %get3A_1788 = tpu.vector_load %arg13[%get3A_1787] {strides = array<i32>} : memref<1536xf32, #tpu.memory_space<vmem>>, vector<16xf32>,
    %get3A_1789 = vector.shape_cast %get3A_1788 : vector<16xf32> to vector<16xf32>
    %add3A_1790 = arith.addf %get3A_1786, %get3A_1789 : vector<16xf32>
    %swap3A_1791 = arith.constant 384 : index
    %swap3A_1792 = tpu.vector_load %arg12[%swap3A_1791] {strides = array<i32>} : memref<1536xf32, #tpu.memory_space<vmem>>, vector<16xf32>,
    %swap3A_1793 = vector.shape_cast %swap3A_1792 : vector<16xf32> to vector<16xf32>
    %swap3A_1794 = vector.shape_cast %add3A_1790 : vector<16xf32> to vector<16xf32>
    tpu.vector_store %arg12[%swap3A_1791], %swap3A_1794 {strides = array<i32>} : memref<1536xf32, #tpu.memory_space<vmem>>, vector<16xf32>,
    %get3A_1795 = arith.constant 400 : index
    %get3A_1796 = tpu.vector_load %arg12[%get3A_1795] {strides = array<i32>} : memref<1536xf32, #tpu.memory_space<vmem>>, vector<16xf32>,
    %get3A_1797 = vector.shape_cast %get3A_1796 : vector<16xf32> to vector<16xf32>
    %get3A_1798 = arith.constant 400 : index
    %get3A_1799 = tpu.vector_load %arg13[%get3A_1798] {strides = array<i32>} : memref<1536xf32, #tpu.memory_space<vmem>>, vector<16xf32>,
    %get3A_1800 = vector.shape_cast %get3A_1799 : vector<16xf32> to vector<16xf32>
    %add3A_1801 = arith.addf %get3A_1797, %get3A_1800 : vector<16xf32>
    %swap3A_1802 = arith.constant 400 : index
    %swap3A_1803 = tpu.vector_load %arg12[%swap3A_1802] {strides = array<i32>} : memref<1536xf32, #tpu.memory_space<vmem>>, vector<16xf32>,
    %swap3A_1804 = vector.shape_cast %swap3A_1803 : vector<16xf32> to vector<16xf32>
    %swap3A_1805 = vector.shape_cast %add3A_1801 : vector<16xf32> to vector<16xf32>
    tpu.vector_store %arg12[%swap3A_1802], %swap3A_1805 {strides = array<i32>} : memref<1536xf32, #tpu.memory_space<vmem>>, vector<16xf32>,
    %get3A_1806 = arith.constant 416 : index
    %get3A_1807 = tpu.vector_load %arg12[%get3A_1806] {strides = array<i32>} : memref<1536xf32, #tpu.memory_space<vmem>>, vector<16xf32>,
    %get3A_1808 = vector.shape_cast %get3A_1807 : vector<16xf32> to vector<16xf32>
    %get3A_1809 = arith.constant 416 : index
    %get3A_1810 = tpu.vector_load %arg13[%get3A_1809] {strides = array<i32>} : memref<1536xf32, #tpu.memory_space<vmem>>, vector<16xf32>,
    %get3A_1811 = vector.shape_cast %get3A_1810 : vector<16xf32> to vector<16xf32>
    %add3A_1812 = arith.addf %get3A_1808, %get3A_1811 : vector<16xf32>
    %swap3A_1813 = arith.constant 416 : index
    %swap3A_1814 = tpu.vector_load %arg12[%swap3A_1813] {strides = array<i32>} : memref<1536xf32, #tpu.memory_space<vmem>>, vector<16xf32>,
    %swap3A_1815 = vector.shape_cast %swap3A_1814 : vector<16xf32> to vector<16xf32>
    %swap3A_1816 = vector.shape_cast %add3A_1812 : vector<16xf32> to vector<16xf32>
    tpu.vector_store %arg12[%swap3A_1813], %swap3A_1816 {strides = array<i32>} : memref<1536xf32, #tpu.memory_space<vmem>>, vector<16xf32>,
    %get3A_1817 = arith.constant 432 : index
    %get3A_1818 = tpu.vector_load %arg12[%get3A_1817] {strides = array<i32>} : memref<1536xf32, #tpu.memory_space<vmem>>, vector<16xf32>,
    %get3A_1819 = vector.shape_cast %get3A_1818 : vector<16xf32> to vector<16xf32>
    %get3A_1820 = arith.constant 432 : index
    %get3A_1821 = tpu.vector_load %arg13[%get3A_1820] {strides = array<i32>} : memref<1536xf32, #tpu.memory_space<vmem>>, vector<16xf32>,
    %get3A_1822 = vector.shape_cast %get3A_1821 : vector<16xf32> to vector<16xf32>
    %add3A_1823 = arith.addf %get3A_1819, %get3A_1822 : vector<16xf32>
    %swap3A_1824 = arith.constant 432 : index
    %swap3A_1825 = tpu.vector_load %arg12[%swap3A_1824] {strides = array<i32>} : memref<1536xf32, #tpu.memory_space<vmem>>, vector<16xf32>,
    %swap3A_1826 = vector.shape_cast %swap3A_1825 : vector<16xf32> to vector<16xf32>
    %swap3A_1827 = vector.shape_cast %add3A_1823 : vector<16xf32> to vector<16xf32>
    tpu.vector_store %arg12[%swap3A_1824], %swap3A_1827 {strides = array<i32>} : memref<1536xf32, #tpu.memory_space<vmem>>, vector<16xf32>,
    %get3A_1828 = arith.constant 448 : index
    %get3A_1829 = tpu.vector_load %arg12[%get3A_1828] {strides = array<i32>} : memref<1536xf32, #tpu.memory_space<vmem>>, vector<16xf32>,
    %get3A_1830 = vector.shape_cast %get3A_1829 : vector<16xf32> to vector<16xf32>
    %get3A_1831 = arith.constant 448 : index
    %get3A_1832 = tpu.vector_load %arg13[%get3A_1831] {strides = array<i32>} : memref<1536xf32, #tpu.memory_space<vmem>>, vector<16xf32>,
    %get3A_1833 = vector.shape_cast %get3A_1832 : vector<16xf32> to vector<16xf32>
    %add3A_1834 = arith.addf %get3A_1830, %get3A_1833 : vector<16xf32>
    %swap3A_1835 = arith.constant 448 : index
    %swap3A_1836 = tpu.vector_load %arg12[%swap3A_1835] {strides = array<i32>} : memref<1536xf32, #tpu.memory_space<vmem>>, vector<16xf32>,
    %swap3A_1837 = vector.shape_cast %swap3A_1836 : vector<16xf32> to vector<16xf32>
    %swap3A_1838 = vector.shape_cast %add3A_1834 : vector<16xf32> to vector<16xf32>
    tpu.vector_store %arg12[%swap3A_1835], %swap3A_1838 {strides = array<i32>} : memref<1536xf32, #tpu.memory_space<vmem>>, vector<16xf32>,
    %get3A_1839 = arith.constant 464 : index
    %get3A_1840 = tpu.vector_load %arg12[%get3A_1839] {strides = array<i32>} : memref<1536xf32, #tpu.memory_space<vmem>>, vector<16xf32>,
    %get3A_1841 = vector.shape_cast %get3A_1840 : vector<16xf32> to vector<16xf32>
    %get3A_1842 = arith.constant 464 : index
    %get3A_1843 = tpu.vector_load %arg13[%get3A_1842] {strides = array<i32>} : memref<1536xf32, #tpu.memory_space<vmem>>, vector<16xf32>,
    %get3A_1844 = vector.shape_cast %get3A_1843 : vector<16xf32> to vector<16xf32>
    %add3A_1845 = arith.addf %get3A_1841, %get3A_1844 : vector<16xf32>
    %swap3A_1846 = arith.constant 464 : index
    %swap3A_1847 = tpu.vector_load %arg12[%swap3A_1846] {strides = array<i32>} : memref<1536xf32, #tpu.memory_space<vmem>>, vector<16xf32>,
    %swap3A_1848 = vector.shape_cast %swap3A_1847 : vector<16xf32> to vector<16xf32>
    %swap3A_1849 = vector.shape_cast %add3A_1845 : vector<16xf32> to vector<16xf32>
    tpu.vector_store %arg12[%swap3A_1846], %swap3A_1849 {strides = array<i32>} : memref<1536xf32, #tpu.memory_space<vmem>>, vector<16xf32>,
    %get3A_1850 = arith.constant 480 : index
    %get3A_1851 = tpu.vector_load %arg12[%get3A_1850] {strides = array<i32>} : memref<1536xf32, #tpu.memory_space<vmem>>, vector<16xf32>,
    %get3A_1852 = vector.shape_cast %get3A_1851 : vector<16xf32> to vector<16xf32>
    %get3A_1853 = arith.constant 480 : index
    %get3A_1854 = tpu.vector_load %arg13[%get3A_1853] {strides = array<i32>} : memref<1536xf32, #tpu.memory_space<vmem>>, vector<16xf32>,
    %get3A_1855 = vector.shape_cast %get3A_1854 : vector<16xf32> to vector<16xf32>
    %add3A_1856 = arith.addf %get3A_1852, %get3A_1855 : vector<16xf32>
    %swap3A_1857 = arith.constant 480 : index
    %swap3A_1858 = tpu.vector_load %arg12[%swap3A_1857] {strides = array<i32>} : memref<1536xf32, #tpu.memory_space<vmem>>, vector<16xf32>,
    %swap3A_1859 = vector.shape_cast %swap3A_1858 : vector<16xf32> to vector<16xf32>
    %swap3A_1860 = vector.shape_cast %add3A_1856 : vector<16xf32> to vector<16xf32>
    tpu.vector_store %arg12[%swap3A_1857], %swap3A_1860 {strides = array<i32>} : memref<1536xf32, #tpu.memory_space<vmem>>, vector<16xf32>,
    %get3A_1861 = arith.constant 496 : index
    %get3A_1862 = tpu.vector_load %arg12[%get3A_1861] {strides = array<i32>} : memref<1536xf32, #tpu.memory_space<vmem>>, vector<16xf32>,
    %get3A_1863 = vector.shape_cast %get3A_1862 : vector<16xf32> to vector<16xf32>
    %get3A_1864 = arith.constant 496 : index
    %get3A_1865 = tpu.vector_load %arg13[%get3A_1864] {strides = array<i32>} : memref<1536xf32, #tpu.memory_space<vmem>>, vector<16xf32>,
    %get3A_1866 = vector.shape_cast %get3A_1865 : vector<16xf32> to vector<16xf32>
    %add3A_1867 = arith.addf %get3A_1863, %get3A_1866 : vector<16xf32>
    %swap3A_1868 = arith.constant 496 : index
    %swap3A_1869 = tpu.vector_load %arg12[%swap3A_1868] {strides = array<i32>} : memref<1536xf32, #tpu.memory_space<vmem>>, vector<16xf32>,
    %swap3A_1870 = vector.shape_cast %swap3A_1869 : vector<16xf32> to vector<16xf32>
    %swap3A_1871 = vector.shape_cast %add3A_1867 : vector<16xf32> to vector<16xf32>
    tpu.vector_store %arg12[%swap3A_1868], %swap3A_1871 {strides = array<i32>} : memref<1536xf32, #tpu.memory_space<vmem>>, vector<16xf32>,
    %get3A_1872 = arith.constant 512 : index
    %get3A_1873 = tpu.vector_load %arg12[%get3A_1872] {strides = array<i32>} : memref<1536xf32, #tpu.memory_space<vmem>>, vector<16xf32>,
    %get3A_1874 = vector.shape_cast %get3A_1873 : vector<16xf32> to vector<16xf32>
    %get3A_1875 = arith.constant 512 : index
    %get3A_1876 = tpu.vector_load %arg13[%get3A_1875] {strides = array<i32>} : memref<1536xf32, #tpu.memory_space<vmem>>, vector<16xf32>,
    %get3A_1877 = vector.shape_cast %get3A_1876 : vector<16xf32> to vector<16xf32>
    %add3A_1878 = arith.addf %get3A_1874, %get3A_1877 : vector<16xf32>
    %swap3A_1879 = arith.constant 512 : index
    %swap3A_1880 = tpu.vector_load %arg12[%swap3A_1879] {strides = array<i32>} : memref<1536xf32, #tpu.memory_space<vmem>>, vector<16xf32>,
    %swap3A_1881 = vector.shape_cast %swap3A_1880 : vector<16xf32> to vector<16xf32>
    %swap3A_1882 = vector.shape_cast %add3A_1878 : vector<16xf32> to vector<16xf32>
    tpu.vector_store %arg12[%swap3A_1879], %swap3A_1882 {strides = array<i32>} : memref<1536xf32, #tpu.memory_space<vmem>>, vector<16xf32>,
    %get3A_1883 = arith.constant 528 : index
    %get3A_1884 = tpu.vector_load %arg12[%get3A_1883] {strides = array<i32>} : memref<1536xf32, #tpu.memory_space<vmem>>, vector<16xf32>,
    %get3A_1885 = vector.shape_cast %get3A_1884 : vector<16xf32> to vector<16xf32>
    %get3A_1886 = arith.constant 528 : index
    %get3A_1887 = tpu.vector_load %arg13[%get3A_1886] {strides = array<i32>} : memref<1536xf32, #tpu.memory_space<vmem>>, vector<16xf32>,
    %get3A_1888 = vector.shape_cast %get3A_1887 : vector<16xf32> to vector<16xf32>
    %add3A_1889 = arith.addf %get3A_1885, %get3A_1888 : vector<16xf32>
    %swap3A_1890 = arith.constant 528 : index
    %swap3A_1891 = tpu.vector_load %arg12[%swap3A_1890] {strides = array<i32>} : memref<1536xf32, #tpu.memory_space<vmem>>, vector<16xf32>,
    %swap3A_1892 = vector.shape_cast %swap3A_1891 : vector<16xf32> to vector<16xf32>
    %swap3A_1893 = vector.shape_cast %add3A_1889 : vector<16xf32> to vector<16xf32>
    tpu.vector_store %arg12[%swap3A_1890], %swap3A_1893 {strides = array<i32>} : memref<1536xf32, #tpu.memory_space<vmem>>, vector<16xf32>,
    %get3A_1894 = arith.constant 544 : index
    %get3A_1895 = tpu.vector_load %arg12[%get3A_1894] {strides = array<i32>} : memref<1536xf32, #tpu.memory_space<vmem>>, vector<16xf32>,
    %get3A_1896 = vector.shape_cast %get3A_1895 : vector<16xf32> to vector<16xf32>
    %get3A_1897 = arith.constant 544 : index
    %get3A_1898 = tpu.vector_load %arg13[%get3A_1897] {strides = array<i32>} : memref<1536xf32, #tpu.memory_space<vmem>>, vector<16xf32>,
    %get3A_1899 = vector.shape_cast %get3A_1898 : vector<16xf32> to vector<16xf32>
    %add3A_1900 = arith.addf %get3A_1896, %get3A_1899 : vector<16xf32>
    %swap3A_1901 = arith.constant 544 : index
    %swap3A_1902 = tpu.vector_load %arg12[%swap3A_1901] {strides = array<i32>} : memref<1536xf32, #tpu.memory_space<vmem>>, vector<16xf32>,
    %swap3A_1903 = vector.shape_cast %swap3A_1902 : vector<16xf32> to vector<16xf32>
    %swap3A_1904 = vector.shape_cast %add3A_1900 : vector<16xf32> to vector<16xf32>
    tpu.vector_store %arg12[%swap3A_1901], %swap3A_1904 {strides = array<i32>} : memref<1536xf32, #tpu.memory_space<vmem>>, vector<16xf32>,
    %get3A_1905 = arith.constant 560 : index
    %get3A_1906 = tpu.vector_load %arg12[%get3A_1905] {strides = array<i32>} : memref<1536xf32, #tpu.memory_space<vmem>>, vector<16xf32>,
    %get3A_1907 = vector.shape_cast %get3A_1906 : vector<16xf32> to vector<16xf32>
    %get3A_1908 = arith.constant 560 : index
    %get3A_1909 = tpu.vector_load %arg13[%get3A_1908] {strides = array<i32>} : memref<1536xf32, #tpu.memory_space<vmem>>, vector<16xf32>,
    %get3A_1910 = vector.shape_cast %get3A_1909 : vector<16xf32> to vector<16xf32>
    %add3A_1911 = arith.addf %get3A_1907, %get3A_1910 : vector<16xf32>
    %swap3A_1912 = arith.constant 560 : index
    %swap3A_1913 = tpu.vector_load %arg12[%swap3A_1912] {strides = array<i32>} : memref<1536xf32, #tpu.memory_space<vmem>>, vector<16xf32>,
    %swap3A_1914 = vector.shape_cast %swap3A_1913 : vector<16xf32> to vector<16xf32>
    %swap3A_1915 = vector.shape_cast %add3A_1911 : vector<16xf32> to vector<16xf32>
    tpu.vector_store %arg12[%swap3A_1912], %swap3A_1915 {strides = array<i32>} : memref<1536xf32, #tpu.memory_space<vmem>>, vector<16xf32>,
    %get3A_1916 = arith.constant 576 : index
    %get3A_1917 = tpu.vector_load %arg12[%get3A_1916] {strides = array<i32>} : memref<1536xf32, #tpu.memory_space<vmem>>, vector<16xf32>,
    %get3A_1918 = vector.shape_cast %get3A_1917 : vector<16xf32> to vector<16xf32>
    %get3A_1919 = arith.constant 576 : index
    %get3A_1920 = tpu.vector_load %arg13[%get3A_1919] {strides = array<i32>} : memref<1536xf32, #tpu.memory_space<vmem>>, vector<16xf32>,
    %get3A_1921 = vector.shape_cast %get3A_1920 : vector<16xf32> to vector<16xf32>
    %add3A_1922 = arith.addf %get3A_1918, %get3A_1921 : vector<16xf32>
    %swap3A_1923 = arith.constant 576 : index
    %swap3A_1924 = tpu.vector_load %arg12[%swap3A_1923] {strides = array<i32>} : memref<1536xf32, #tpu.memory_space<vmem>>, vector<16xf32>,
    %swap3A_1925 = vector.shape_cast %swap3A_1924 : vector<16xf32> to vector<16xf32>
    %swap3A_1926 = vector.shape_cast %add3A_1922 : vector<16xf32> to vector<16xf32>
    tpu.vector_store %arg12[%swap3A_1923], %swap3A_1926 {strides = array<i32>} : memref<1536xf32, #tpu.memory_space<vmem>>, vector<16xf32>,
    %get3A_1927 = arith.constant 592 : index
    %get3A_1928 = tpu.vector_load %arg12[%get3A_1927] {strides = array<i32>} : memref<1536xf32, #tpu.memory_space<vmem>>, vector<16xf32>,
    %get3A_1929 = vector.shape_cast %get3A_1928 : vector<16xf32> to vector<16xf32>
    %get3A_1930 = arith.constant 592 : index
    %get3A_1931 = tpu.vector_load %arg13[%get3A_1930] {strides = array<i32>} : memref<1536xf32, #tpu.memory_space<vmem>>, vector<16xf32>,
    %get3A_1932 = vector.shape_cast %get3A_1931 : vector<16xf32> to vector<16xf32>
    %add3A_1933 = arith.addf %get3A_1929, %get3A_1932 : vector<16xf32>
    %swap3A_1934 = arith.constant 592 : index
    %swap3A_1935 = tpu.vector_load %arg12[%swap3A_1934] {strides = array<i32>} : memref<1536xf32, #tpu.memory_space<vmem>>, vector<16xf32>,
    %swap3A_1936 = vector.shape_cast %swap3A_1935 : vector<16xf32> to vector<16xf32>
    %swap3A_1937 = vector.shape_cast %add3A_1933 : vector<16xf32> to vector<16xf32>
    tpu.vector_store %arg12[%swap3A_1934], %swap3A_1937 {strides = array<i32>} : memref<1536xf32, #tpu.memory_space<vmem>>, vector<16xf32>,
    %get3A_1938 = arith.constant 608 : index
    %get3A_1939 = tpu.vector_load %arg12[%get3A_1938] {strides = array<i32>} : memref<1536xf32, #tpu.memory_space<vmem>>, vector<16xf32>,
    %get3A_1940 = vector.shape_cast %get3A_1939 : vector<16xf32> to vector<16xf32>
    %get3A_1941 = arith.constant 608 : index
    %get3A_1942 = tpu.vector_load %arg13[%get3A_1941] {strides = array<i32>} : memref<1536xf32, #tpu.memory_space<vmem>>, vector<16xf32>,
    %get3A_1943 = vector.shape_cast %get3A_1942 : vector<16xf32> to vector<16xf32>
    %add3A_1944 = arith.addf %get3A_1940, %get3A_1943 : vector<16xf32>
    %swap3A_1945 = arith.constant 608 : index
    %swap3A_1946 = tpu.vector_load %arg12[%swap3A_1945] {strides = array<i32>} : memref<1536xf32, #tpu.memory_space<vmem>>, vector<16xf32>,
    %swap3A_1947 = vector.shape_cast %swap3A_1946 : vector<16xf32> to vector<16xf32>
    %swap3A_1948 = vector.shape_cast %add3A_1944 : vector<16xf32> to vector<16xf32>
    tpu.vector_store %arg12[%swap3A_1945], %swap3A_1948 {strides = array<i32>} : memref<1536xf32, #tpu.memory_space<vmem>>, vector<16xf32>,
    %get3A_1949 = arith.constant 624 : index
    %get3A_1950 = tpu.vector_load %arg12[%get3A_1949] {strides = array<i32>} : memref<1536xf32, #tpu.memory_space<vmem>>, vector<16xf32>,
    %get3A_1951 = vector.shape_cast %get3A_1950 : vector<16xf32> to vector<16xf32>
    %get3A_1952 = arith.constant 624 : index
    %get3A_1953 = tpu.vector_load %arg13[%get3A_1952] {strides = array<i32>} : memref<1536xf32, #tpu.memory_space<vmem>>, vector<16xf32>,
    %get3A_1954 = vector.shape_cast %get3A_1953 : vector<16xf32> to vector<16xf32>
    %add3A_1955 = arith.addf %get3A_1951, %get3A_1954 : vector<16xf32>
    %swap3A_1956 = arith.constant 624 : index
    %swap3A_1957 = tpu.vector_load %arg12[%swap3A_1956] {strides = array<i32>} : memref<1536xf32, #tpu.memory_space<vmem>>, vector<16xf32>,
    %swap3A_1958 = vector.shape_cast %swap3A_1957 : vector<16xf32> to vector<16xf32>
    %swap3A_1959 = vector.shape_cast %add3A_1955 : vector<16xf32> to vector<16xf32>
    tpu.vector_store %arg12[%swap3A_1956], %swap3A_1959 {strides = array<i32>} : memref<1536xf32, #tpu.memory_space<vmem>>, vector<16xf32>,
    %get3A_1960 = arith.constant 640 : index
    %get3A_1961 = tpu.vector_load %arg12[%get3A_1960] {strides = array<i32>} : memref<1536xf32, #tpu.memory_space<vmem>>, vector<16xf32>,
    %get3A_1962 = vector.shape_cast %get3A_1961 : vector<16xf32> to vector<16xf32>
    %get3A_1963 = arith.constant 640 : index
    %get3A_1964 = tpu.vector_load %arg13[%get3A_1963] {strides = array<i32>} : memref<1536xf32, #tpu.memory_space<vmem>>, vector<16xf32>,
    %get3A_1965 = vector.shape_cast %get3A_1964 : vector<16xf32> to vector<16xf32>
    %add3A_1966 = arith.addf %get3A_1962, %get3A_1965 : vector<16xf32>
    %swap3A_1967 = arith.constant 640 : index
    %swap3A_1968 = tpu.vector_load %arg12[%swap3A_1967] {strides = array<i32>} : memref<1536xf32, #tpu.memory_space<vmem>>, vector<16xf32>,
    %swap3A_1969 = vector.shape_cast %swap3A_1968 : vector<16xf32> to vector<16xf32>
    %swap3A_1970 = vector.shape_cast %add3A_1966 : vector<16xf32> to vector<16xf32>
    tpu.vector_store %arg12[%swap3A_1967], %swap3A_1970 {strides = array<i32>} : memref<1536xf32, #tpu.memory_space<vmem>>, vector<16xf32>,
    %get3A_1971 = arith.constant 656 : index
    %get3A_1972 = tpu.vector_load %arg12[%get3A_1971] {strides = array<i32>} : memref<1536xf32, #tpu.memory_space<vmem>>, vector<16xf32>,
    %get3A_1973 = vector.shape_cast %get3A_1972 : vector<16xf32> to vector<16xf32>
    %get3A_1974 = arith.constant 656 : index
    %get3A_1975 = tpu.vector_load %arg13[%get3A_1974] {strides = array<i32>} : memref<1536xf32, #tpu.memory_space<vmem>>, vector<16xf32>,
    %get3A_1976 = vector.shape_cast %get3A_1975 : vector<16xf32> to vector<16xf32>
    %add3A_1977 = arith.addf %get3A_1973, %get3A_1976 : vector<16xf32>
    %swap3A_1978 = arith.constant 656 : index
    %swap3A_1979 = tpu.vector_load %arg12[%swap3A_1978] {strides = array<i32>} : memref<1536xf32, #tpu.memory_space<vmem>>, vector<16xf32>,
    %swap3A_1980 = vector.shape_cast %swap3A_1979 : vector<16xf32> to vector<16xf32>
    %swap3A_1981 = vector.shape_cast %add3A_1977 : vector<16xf32> to vector<16xf32>
    tpu.vector_store %arg12[%swap3A_1978], %swap3A_1981 {strides = array<i32>} : memref<1536xf32, #tpu.memory_space<vmem>>, vector<16xf32>,
    %get3A_1982 = arith.constant 672 : index
    %get3A_1983 = tpu.vector_load %arg12[%get3A_1982] {strides = array<i32>} : memref<1536xf32, #tpu.memory_space<vmem>>, vector<16xf32>,
    %get3A_1984 = vector.shape_cast %get3A_1983 : vector<16xf32> to vector<16xf32>
    %get3A_1985 = arith.constant 672 : index
    %get3A_1986 = tpu.vector_load %arg13[%get3A_1985] {strides = array<i32>} : memref<1536xf32, #tpu.memory_space<vmem>>, vector<16xf32>,
    %get3A_1987 = vector.shape_cast %get3A_1986 : vector<16xf32> to vector<16xf32>
    %add3A_1988 = arith.addf %get3A_1984, %get3A_1987 : vector<16xf32>
    %swap3A_1989 = arith.constant 672 : index
    %swap3A_1990 = tpu.vector_load %arg12[%swap3A_1989] {strides = array<i32>} : memref<1536xf32, #tpu.memory_space<vmem>>, vector<16xf32>,
    %swap3A_1991 = vector.shape_cast %swap3A_1990 : vector<16xf32> to vector<16xf32>
    %swap3A_1992 = vector.shape_cast %add3A_1988 : vector<16xf32> to vector<16xf32>
    tpu.vector_store %arg12[%swap3A_1989], %swap3A_1992 {strides = array<i32>} : memref<1536xf32, #tpu.memory_space<vmem>>, vector<16xf32>,
    %get3A_1993 = arith.constant 688 : index
    %get3A_1994 = tpu.vector_load %arg12[%get3A_1993] {strides = array<i32>} : memref<1536xf32, #tpu.memory_space<vmem>>, vector<16xf32>,
    %get3A_1995 = vector.shape_cast %get3A_1994 : vector<16xf32> to vector<16xf32>
    %get3A_1996 = arith.constant 688 : index
    %get3A_1997 = tpu.vector_load %arg13[%get3A_1996] {strides = array<i32>} : memref<1536xf32, #tpu.memory_space<vmem>>, vector<16xf32>,
    %get3A_1998 = vector.shape_cast %get3A_1997 : vector<16xf32> to vector<16xf32>
    %add3A_1999 = arith.addf %get3A_1995, %get3A_1998 : vector<16xf32>
    %swap3A_2000 = arith.constant 688 : index
    %swap3A_2001 = tpu.vector_load %arg12[%swap3A_2000] {strides = array<i32>} : memref<1536xf32, #tpu.memory_space<vmem>>, vector<16xf32>,
    %swap3A_2002 = vector.shape_cast %swap3A_2001 : vector<16xf32> to vector<16xf32>
    %swap3A_2003 = vector.shape_cast %add3A_1999 : vector<16xf32> to vector<16xf32>
    tpu.vector_store %arg12[%swap3A_2000], %swap3A_2003 {strides = array<i32>} : memref<1536xf32, #tpu.memory_space<vmem>>, vector<16xf32>,
    %get3A_2004 = arith.constant 704 : index
    %get3A_2005 = tpu.vector_load %arg12[%get3A_2004] {strides = array<i32>} : memref<1536xf32, #tpu.memory_space<vmem>>, vector<16xf32>,
    %get3A_2006 = vector.shape_cast %get3A_2005 : vector<16xf32> to vector<16xf32>
    %get3A_2007 = arith.constant 704 : index
    %get3A_2008 = tpu.vector_load %arg13[%get3A_2007] {strides = array<i32>} : memref<1536xf32, #tpu.memory_space<vmem>>, vector<16xf32>,
    %get3A_2009 = vector.shape_cast %get3A_2008 : vector<16xf32> to vector<16xf32>
    %add3A_2010 = arith.addf %get3A_2006, %get3A_2009 : vector<16xf32>
    %swap3A_2011 = arith.constant 704 : index
    %swap3A_2012 = tpu.vector_load %arg12[%swap3A_2011] {strides = array<i32>} : memref<1536xf32, #tpu.memory_space<vmem>>, vector<16xf32>,
    %swap3A_2013 = vector.shape_cast %swap3A_2012 : vector<16xf32> to vector<16xf32>
    %swap3A_2014 = vector.shape_cast %add3A_2010 : vector<16xf32> to vector<16xf32>
    tpu.vector_store %arg12[%swap3A_2011], %swap3A_2014 {strides = array<i32>} : memref<1536xf32, #tpu.memory_space<vmem>>, vector<16xf32>,
    %get3A_2015 = arith.constant 720 : index
    %get3A_2016 = tpu.vector_load %arg12[%get3A_2015] {strides = array<i32>} : memref<1536xf32, #tpu.memory_space<vmem>>, vector<16xf32>,
    %get3A_2017 = vector.shape_cast %get3A_2016 : vector<16xf32> to vector<16xf32>
    %get3A_2018 = arith.constant 720 : index
    %get3A_2019 = tpu.vector_load %arg13[%get3A_2018] {strides = array<i32>} : memref<1536xf32, #tpu.memory_space<vmem>>, vector<16xf32>,
    %get3A_2020 = vector.shape_cast %get3A_2019 : vector<16xf32> to vector<16xf32>
    %add3A_2021 = arith.addf %get3A_2017, %get3A_2020 : vector<16xf32>
    %swap3A_2022 = arith.constant 720 : index
    %swap3A_2023 = tpu.vector_load %arg12[%swap3A_2022] {strides = array<i32>} : memref<1536xf32, #tpu.memory_space<vmem>>, vector<16xf32>,
    %swap3A_2024 = vector.shape_cast %swap3A_2023 : vector<16xf32> to vector<16xf32>
    %swap3A_2025 = vector.shape_cast %add3A_2021 : vector<16xf32> to vector<16xf32>
    tpu.vector_store %arg12[%swap3A_2022], %swap3A_2025 {strides = array<i32>} : memref<1536xf32, #tpu.memory_space<vmem>>, vector<16xf32>,
    %get3A_2026 = arith.constant 736 : index
    %get3A_2027 = tpu.vector_load %arg12[%get3A_2026] {strides = array<i32>} : memref<1536xf32, #tpu.memory_space<vmem>>, vector<16xf32>,
    %get3A_2028 = vector.shape_cast %get3A_2027 : vector<16xf32> to vector<16xf32>
    %get3A_2029 = arith.constant 736 : index
    %get3A_2030 = tpu.vector_load %arg13[%get3A_2029] {strides = array<i32>} : memref<1536xf32, #tpu.memory_space<vmem>>, vector<16xf32>,
    %get3A_2031 = vector.shape_cast %get3A_2030 : vector<16xf32> to vector<16xf32>
    %add3A_2032 = arith.addf %get3A_2028, %get3A_2031 : vector<16xf32>
    %swap3A_2033 = arith.constant 736 : index
    %swap3A_2034 = tpu.vector_load %arg12[%swap3A_2033] {strides = array<i32>} : memref<1536xf32, #tpu.memory_space<vmem>>, vector<16xf32>,
    %swap3A_2035 = vector.shape_cast %swap3A_2034 : vector<16xf32> to vector<16xf32>
    %swap3A_2036 = vector.shape_cast %add3A_2032 : vector<16xf32> to vector<16xf32>
    tpu.vector_store %arg12[%swap3A_2033], %swap3A_2036 {strides = array<i32>} : memref<1536xf32, #tpu.memory_space<vmem>>, vector<16xf32>,
    %get3A_2037 = arith.constant 752 : index
    %get3A_2038 = tpu.vector_load %arg12[%get3A_2037] {strides = array<i32>} : memref<1536xf32, #tpu.memory_space<vmem>>, vector<16xf32>,
    %get3A_2039 = vector.shape_cast %get3A_2038 : vector<16xf32> to vector<16xf32>
    %get3A_2040 = arith.constant 752 : index
    %get3A_2041 = tpu.vector_load %arg13[%get3A_2040] {strides = array<i32>} : memref<1536xf32, #tpu.memory_space<vmem>>, vector<16xf32>,
    %get3A_2042 = vector.shape_cast %get3A_2041 : vector<16xf32> to vector<16xf32>
    %add3A_2043 = arith.addf %get3A_2039, %get3A_2042 : vector<16xf32>
    %swap3A_2044 = arith.constant 752 : index
    %swap3A_2045 = tpu.vector_load %arg12[%swap3A_2044] {strides = array<i32>} : memref<1536xf32, #tpu.memory_space<vmem>>, vector<16xf32>,
    %swap3A_2046 = vector.shape_cast %swap3A_2045 : vector<16xf32> to vector<16xf32>
    %swap3A_2047 = vector.shape_cast %add3A_2043 : vector<16xf32> to vector<16xf32>
    tpu.vector_store %arg12[%swap3A_2044], %swap3A_2047 {strides = array<i32>} : memref<1536xf32, #tpu.memory_space<vmem>>, vector<16xf32>,
    %get3A_2048 = arith.constant 768 : index
    %get3A_2049 = tpu.vector_load %arg12[%get3A_2048] {strides = array<i32>} : memref<1536xf32, #tpu.memory_space<vmem>>, vector<16xf32>,
    %get3A_2050 = vector.shape_cast %get3A_2049 : vector<16xf32> to vector<16xf32>
    %get3A_2051 = arith.constant 768 : index
    %get3A_2052 = tpu.vector_load %arg13[%get3A_2051] {strides = array<i32>} : memref<1536xf32, #tpu.memory_space<vmem>>, vector<16xf32>,
    %get3A_2053 = vector.shape_cast %get3A_2052 : vector<16xf32> to vector<16xf32>
    %add3A_2054 = arith.addf %get3A_2050, %get3A_2053 : vector<16xf32>
    %swap3A_2055 = arith.constant 768 : index
    %swap3A_2056 = tpu.vector_load %arg12[%swap3A_2055] {strides = array<i32>} : memref<1536xf32, #tpu.memory_space<vmem>>, vector<16xf32>,
    %swap3A_2057 = vector.shape_cast %swap3A_2056 : vector<16xf32> to vector<16xf32>
    %swap3A_2058 = vector.shape_cast %add3A_2054 : vector<16xf32> to vector<16xf32>
    tpu.vector_store %arg12[%swap3A_2055], %swap3A_2058 {strides = array<i32>} : memref<1536xf32, #tpu.memory_space<vmem>>, vector<16xf32>,
    %get3A_2059 = arith.constant 784 : index
    %get3A_2060 = tpu.vector_load %arg12[%get3A_2059] {strides = array<i32>} : memref<1536xf32, #tpu.memory_space<vmem>>, vector<16xf32>,
    %get3A_2061 = vector.shape_cast %get3A_2060 : vector<16xf32> to vector<16xf32>
    %get3A_2062 = arith.constant 784 : index
    %get3A_2063 = tpu.vector_load %arg13[%get3A_2062] {strides = array<i32>} : memref<1536xf32, #tpu.memory_space<vmem>>, vector<16xf32>,
    %get3A_2064 = vector.shape_cast %get3A_2063 : vector<16xf32> to vector<16xf32>
    %add3A_2065 = arith.addf %get3A_2061, %get3A_2064 : vector<16xf32>
    %swap3A_2066 = arith.constant 784 : index
    %swap3A_2067 = tpu.vector_load %arg12[%swap3A_2066] {strides = array<i32>} : memref<1536xf32, #tpu.memory_space<vmem>>, vector<16xf32>,
    %swap3A_2068 = vector.shape_cast %swap3A_2067 : vector<16xf32> to vector<16xf32>
    %swap3A_2069 = vector.shape_cast %add3A_2065 : vector<16xf32> to vector<16xf32>
    tpu.vector_store %arg12[%swap3A_2066], %swap3A_2069 {strides = array<i32>} : memref<1536xf32, #tpu.memory_space<vmem>>, vector<16xf32>,
    %get3A_2070 = arith.constant 800 : index
    %get3A_2071 = tpu.vector_load %arg12[%get3A_2070] {strides = array<i32>} : memref<1536xf32, #tpu.memory_space<vmem>>, vector<16xf32>,
    %get3A_2072 = vector.shape_cast %get3A_2071 : vector<16xf32> to vector<16xf32>
    %get3A_2073 = arith.constant 800 : index
    %get3A_2074 = tpu.vector_load %arg13[%get3A_2073] {strides = array<i32>} : memref<1536xf32, #tpu.memory_space<vmem>>, vector<16xf32>,
    %get3A_2075 = vector.shape_cast %get3A_2074 : vector<16xf32> to vector<16xf32>
    %add3A_2076 = arith.addf %get3A_2072, %get3A_2075 : vector<16xf32>
    %swap3A_2077 = arith.constant 800 : index
    %swap3A_2078 = tpu.vector_load %arg12[%swap3A_2077] {strides = array<i32>} : memref<1536xf32, #tpu.memory_space<vmem>>, vector<16xf32>,
    %swap3A_2079 = vector.shape_cast %swap3A_2078 : vector<16xf32> to vector<16xf32>
    %swap3A_2080 = vector.shape_cast %add3A_2076 : vector<16xf32> to vector<16xf32>
    tpu.vector_store %arg12[%swap3A_2077], %swap3A_2080 {strides = array<i32>} : memref<1536xf32, #tpu.memory_space<vmem>>, vector<16xf32>,
    %get3A_2081 = arith.constant 816 : index
    %get3A_2082 = tpu.vector_load %arg12[%get3A_2081] {strides = array<i32>} : memref<1536xf32, #tpu.memory_space<vmem>>, vector<16xf32>,
    %get3A_2083 = vector.shape_cast %get3A_2082 : vector<16xf32> to vector<16xf32>
    %get3A_2084 = arith.constant 816 : index
    %get3A_2085 = tpu.vector_load %arg13[%get3A_2084] {strides = array<i32>} : memref<1536xf32, #tpu.memory_space<vmem>>, vector<16xf32>,
    %get3A_2086 = vector.shape_cast %get3A_2085 : vector<16xf32> to vector<16xf32>
    %add3A_2087 = arith.addf %get3A_2083, %get3A_2086 : vector<16xf32>
    %swap3A_2088 = arith.constant 816 : index
    %swap3A_2089 = tpu.vector_load %arg12[%swap3A_2088] {strides = array<i32>} : memref<1536xf32, #tpu.memory_space<vmem>>, vector<16xf32>,
    %swap3A_2090 = vector.shape_cast %swap3A_2089 : vector<16xf32> to vector<16xf32>
    %swap3A_2091 = vector.shape_cast %add3A_2087 : vector<16xf32> to vector<16xf32>
    tpu.vector_store %arg12[%swap3A_2088], %swap3A_2091 {strides = array<i32>} : memref<1536xf32, #tpu.memory_space<vmem>>, vector<16xf32>,
    %get3A_2092 = arith.constant 832 : index
    %get3A_2093 = tpu.vector_load %arg12[%get3A_2092] {strides = array<i32>} : memref<1536xf32, #tpu.memory_space<vmem>>, vector<16xf32>,
    %get3A_2094 = vector.shape_cast %get3A_2093 : vector<16xf32> to vector<16xf32>
    %get3A_2095 = arith.constant 832 : index
    %get3A_2096 = tpu.vector_load %arg13[%get3A_2095] {strides = array<i32>} : memref<1536xf32, #tpu.memory_space<vmem>>, vector<16xf32>,
    %get3A_2097 = vector.shape_cast %get3A_2096 : vector<16xf32> to vector<16xf32>
    %add3A_2098 = arith.addf %get3A_2094, %get3A_2097 : vector<16xf32>
    %swap3A_2099 = arith.constant 832 : index
    %swap3A_2100 = tpu.vector_load %arg12[%swap3A_2099] {strides = array<i32>} : memref<1536xf32, #tpu.memory_space<vmem>>, vector<16xf32>,
    %swap3A_2101 = vector.shape_cast %swap3A_2100 : vector<16xf32> to vector<16xf32>
    %swap3A_2102 = vector.shape_cast %add3A_2098 : vector<16xf32> to vector<16xf32>
    tpu.vector_store %arg12[%swap3A_2099], %swap3A_2102 {strides = array<i32>} : memref<1536xf32, #tpu.memory_space<vmem>>, vector<16xf32>,
    %get3A_2103 = arith.constant 848 : index
    %get3A_2104 = tpu.vector_load %arg12[%get3A_2103] {strides = array<i32>} : memref<1536xf32, #tpu.memory_space<vmem>>, vector<16xf32>,
    %get3A_2105 = vector.shape_cast %get3A_2104 : vector<16xf32> to vector<16xf32>
    %get3A_2106 = arith.constant 848 : index
    %get3A_2107 = tpu.vector_load %arg13[%get3A_2106] {strides = array<i32>} : memref<1536xf32, #tpu.memory_space<vmem>>, vector<16xf32>,
    %get3A_2108 = vector.shape_cast %get3A_2107 : vector<16xf32> to vector<16xf32>
    %add3A_2109 = arith.addf %get3A_2105, %get3A_2108 : vector<16xf32>
    %swap3A_2110 = arith.constant 848 : index
    %swap3A_2111 = tpu.vector_load %arg12[%swap3A_2110] {strides = array<i32>} : memref<1536xf32, #tpu.memory_space<vmem>>, vector<16xf32>,
    %swap3A_2112 = vector.shape_cast %swap3A_2111 : vector<16xf32> to vector<16xf32>
    %swap3A_2113 = vector.shape_cast %add3A_2109 : vector<16xf32> to vector<16xf32>
    tpu.vector_store %arg12[%swap3A_2110], %swap3A_2113 {strides = array<i32>} : memref<1536xf32, #tpu.memory_space<vmem>>, vector<16xf32>,
    %get3A_2114 = arith.constant 864 : index
    %get3A_2115 = tpu.vector_load %arg12[%get3A_2114] {strides = array<i32>} : memref<1536xf32, #tpu.memory_space<vmem>>, vector<16xf32>,
    %get3A_2116 = vector.shape_cast %get3A_2115 : vector<16xf32> to vector<16xf32>
    %get3A_2117 = arith.constant 864 : index
    %get3A_2118 = tpu.vector_load %arg13[%get3A_2117] {strides = array<i32>} : memref<1536xf32, #tpu.memory_space<vmem>>, vector<16xf32>,
    %get3A_2119 = vector.shape_cast %get3A_2118 : vector<16xf32> to vector<16xf32>
    %add3A_2120 = arith.addf %get3A_2116, %get3A_2119 : vector<16xf32>
    %swap3A_2121 = arith.constant 864 : index
    %swap3A_2122 = tpu.vector_load %arg12[%swap3A_2121] {strides = array<i32>} : memref<1536xf32, #tpu.memory_space<vmem>>, vector<16xf32>,
    %swap3A_2123 = vector.shape_cast %swap3A_2122 : vector<16xf32> to vector<16xf32>
    %swap3A_2124 = vector.shape_cast %add3A_2120 : vector<16xf32> to vector<16xf32>
    tpu.vector_store %arg12[%swap3A_2121], %swap3A_2124 {strides = array<i32>} : memref<1536xf32, #tpu.memory_space<vmem>>, vector<16xf32>,
    %get3A_2125 = arith.constant 880 : index
    %get3A_2126 = tpu.vector_load %arg12[%get3A_2125] {strides = array<i32>} : memref<1536xf32, #tpu.memory_space<vmem>>, vector<16xf32>,
    %get3A_2127 = vector.shape_cast %get3A_2126 : vector<16xf32> to vector<16xf32>
    %get3A_2128 = arith.constant 880 : index
    %get3A_2129 = tpu.vector_load %arg13[%get3A_2128] {strides = array<i32>} : memref<1536xf32, #tpu.memory_space<vmem>>, vector<16xf32>,
    %get3A_2130 = vector.shape_cast %get3A_2129 : vector<16xf32> to vector<16xf32>
    %add3A_2131 = arith.addf %get3A_2127, %get3A_2130 : vector<16xf32>
    %swap3A_2132 = arith.constant 880 : index
    %swap3A_2133 = tpu.vector_load %arg12[%swap3A_2132] {strides = array<i32>} : memref<1536xf32, #tpu.memory_space<vmem>>, vector<16xf32>,
    %swap3A_2134 = vector.shape_cast %swap3A_2133 : vector<16xf32> to vector<16xf32>
    %swap3A_2135 = vector.shape_cast %add3A_2131 : vector<16xf32> to vector<16xf32>
    tpu.vector_store %arg12[%swap3A_2132], %swap3A_2135 {strides = array<i32>} : memref<1536xf32, #tpu.memory_space<vmem>>, vector<16xf32>,
    %get3A_2136 = arith.constant 896 : index
    %get3A_2137 = tpu.vector_load %arg12[%get3A_2136] {strides = array<i32>} : memref<1536xf32, #tpu.memory_space<vmem>>, vector<16xf32>,
    %get3A_2138 = vector.shape_cast %get3A_2137 : vector<16xf32> to vector<16xf32>
    %get3A_2139 = arith.constant 896 : index
    %get3A_2140 = tpu.vector_load %arg13[%get3A_2139] {strides = array<i32>} : memref<1536xf32, #tpu.memory_space<vmem>>, vector<16xf32>,
    %get3A_2141 = vector.shape_cast %get3A_2140 : vector<16xf32> to vector<16xf32>
    %add3A_2142 = arith.addf %get3A_2138, %get3A_2141 : vector<16xf32>
    %swap3A_2143 = arith.constant 896 : index
    %swap3A_2144 = tpu.vector_load %arg12[%swap3A_2143] {strides = array<i32>} : memref<1536xf32, #tpu.memory_space<vmem>>, vector<16xf32>,
    %swap3A_2145 = vector.shape_cast %swap3A_2144 : vector<16xf32> to vector<16xf32>
    %swap3A_2146 = vector.shape_cast %add3A_2142 : vector<16xf32> to vector<16xf32>
    tpu.vector_store %arg12[%swap3A_2143], %swap3A_2146 {strides = array<i32>} : memref<1536xf32, #tpu.memory_space<vmem>>, vector<16xf32>,
    %get3A_2147 = arith.constant 912 : index
    %get3A_2148 = tpu.vector_load %arg12[%get3A_2147] {strides = array<i32>} : memref<1536xf32, #tpu.memory_space<vmem>>, vector<16xf32>,
    %get3A_2149 = vector.shape_cast %get3A_2148 : vector<16xf32> to vector<16xf32>
    %get3A_2150 = arith.constant 912 : index
    %get3A_2151 = tpu.vector_load %arg13[%get3A_2150] {strides = array<i32>} : memref<1536xf32, #tpu.memory_space<vmem>>, vector<16xf32>,
    %get3A_2152 = vector.shape_cast %get3A_2151 : vector<16xf32> to vector<16xf32>
    %add3A_2153 = arith.addf %get3A_2149, %get3A_2152 : vector<16xf32>
    %swap3A_2154 = arith.constant 912 : index
    %swap3A_2155 = tpu.vector_load %arg12[%swap3A_2154] {strides = array<i32>} : memref<1536xf32, #tpu.memory_space<vmem>>, vector<16xf32>,
    %swap3A_2156 = vector.shape_cast %swap3A_2155 : vector<16xf32> to vector<16xf32>
    %swap3A_2157 = vector.shape_cast %add3A_2153 : vector<16xf32> to vector<16xf32>
    tpu.vector_store %arg12[%swap3A_2154], %swap3A_2157 {strides = array<i32>} : memref<1536xf32, #tpu.memory_space<vmem>>, vector<16xf32>,
    %get3A_2158 = arith.constant 928 : index
    %get3A_2159 = tpu.vector_load %arg12[%get3A_2158] {strides = array<i32>} : memref<1536xf32, #tpu.memory_space<vmem>>, vector<16xf32>,
    %get3A_2160 = vector.shape_cast %get3A_2159 : vector<16xf32> to vector<16xf32>
    %get3A_2161 = arith.constant 928 : index
    %get3A_2162 = tpu.vector_load %arg13[%get3A_2161] {strides = array<i32>} : memref<1536xf32, #tpu.memory_space<vmem>>, vector<16xf32>,
    %get3A_2163 = vector.shape_cast %get3A_2162 : vector<16xf32> to vector<16xf32>
    %add3A_2164 = arith.addf %get3A_2160, %get3A_2163 : vector<16xf32>
    %swap3A_2165 = arith.constant 928 : index
    %swap3A_2166 = tpu.vector_load %arg12[%swap3A_2165] {strides = array<i32>} : memref<1536xf32, #tpu.memory_space<vmem>>, vector<16xf32>,
    %swap3A_2167 = vector.shape_cast %swap3A_2166 : vector<16xf32> to vector<16xf32>
    %swap3A_2168 = vector.shape_cast %add3A_2164 : vector<16xf32> to vector<16xf32>
    tpu.vector_store %arg12[%swap3A_2165], %swap3A_2168 {strides = array<i32>} : memref<1536xf32, #tpu.memory_space<vmem>>, vector<16xf32>,
    %get3A_2169 = arith.constant 944 : index
    %get3A_2170 = tpu.vector_load %arg12[%get3A_2169] {strides = array<i32>} : memref<1536xf32, #tpu.memory_space<vmem>>, vector<16xf32>,
    %get3A_2171 = vector.shape_cast %get3A_2170 : vector<16xf32> to vector<16xf32>
    %get3A_2172 = arith.constant 944 : index
    %get3A_2173 = tpu.vector_load %arg13[%get3A_2172] {strides = array<i32>} : memref<1536xf32, #tpu.memory_space<vmem>>, vector<16xf32>,
    %get3A_2174 = vector.shape_cast %get3A_2173 : vector<16xf32> to vector<16xf32>
    %add3A_2175 = arith.addf %get3A_2171, %get3A_2174 : vector<16xf32>
    %swap3A_2176 = arith.constant 944 : index
    %swap3A_2177 = tpu.vector_load %arg12[%swap3A_2176] {strides = array<i32>} : memref<1536xf32, #tpu.memory_space<vmem>>, vector<16xf32>,
    %swap3A_2178 = vector.shape_cast %swap3A_2177 : vector<16xf32> to vector<16xf32>
    %swap3A_2179 = vector.shape_cast %add3A_2175 : vector<16xf32> to vector<16xf32>
    tpu.vector_store %arg12[%swap3A_2176], %swap3A_2179 {strides = array<i32>} : memref<1536xf32, #tpu.memory_space<vmem>>, vector<16xf32>,
    %get3A_2180 = arith.constant 960 : index
    %get3A_2181 = tpu.vector_load %arg12[%get3A_2180] {strides = array<i32>} : memref<1536xf32, #tpu.memory_space<vmem>>, vector<16xf32>,
    %get3A_2182 = vector.shape_cast %get3A_2181 : vector<16xf32> to vector<16xf32>
    %get3A_2183 = arith.constant 960 : index
    %get3A_2184 = tpu.vector_load %arg13[%get3A_2183] {strides = array<i32>} : memref<1536xf32, #tpu.memory_space<vmem>>, vector<16xf32>,
    %get3A_2185 = vector.shape_cast %get3A_2184 : vector<16xf32> to vector<16xf32>
    %add3A_2186 = arith.addf %get3A_2182, %get3A_2185 : vector<16xf32>
    %swap3A_2187 = arith.constant 960 : index
    %swap3A_2188 = tpu.vector_load %arg12[%swap3A_2187] {strides = array<i32>} : memref<1536xf32, #tpu.memory_space<vmem>>, vector<16xf32>,
    %swap3A_2189 = vector.shape_cast %swap3A_2188 : vector<16xf32> to vector<16xf32>
    %swap3A_2190 = vector.shape_cast %add3A_2186 : vector<16xf32> to vector<16xf32>
    tpu.vector_store %arg12[%swap3A_2187], %swap3A_2190 {strides = array<i32>} : memref<1536xf32, #tpu.memory_space<vmem>>, vector<16xf32>,
    %get3A_2191 = arith.constant 976 : index
    %get3A_2192 = tpu.vector_load %arg12[%get3A_2191] {strides = array<i32>} : memref<1536xf32, #tpu.memory_space<vmem>>, vector<16xf32>,
    %get3A_2193 = vector.shape_cast %get3A_2192 : vector<16xf32> to vector<16xf32>
    %get3A_2194 = arith.constant 976 : index
    %get3A_2195 = tpu.vector_load %arg13[%get3A_2194] {strides = array<i32>} : memref<1536xf32, #tpu.memory_space<vmem>>, vector<16xf32>,
    %get3A_2196 = vector.shape_cast %get3A_2195 : vector<16xf32> to vector<16xf32>
    %add3A_2197 = arith.addf %get3A_2193, %get3A_2196 : vector<16xf32>
    %swap3A_2198 = arith.constant 976 : index
    %swap3A_2199 = tpu.vector_load %arg12[%swap3A_2198] {strides = array<i32>} : memref<1536xf32, #tpu.memory_space<vmem>>, vector<16xf32>,
    %swap3A_2200 = vector.shape_cast %swap3A_2199 : vector<16xf32> to vector<16xf32>
    %swap3A_2201 = vector.shape_cast %add3A_2197 : vector<16xf32> to vector<16xf32>
    tpu.vector_store %arg12[%swap3A_2198], %swap3A_2201 {strides = array<i32>} : memref<1536xf32, #tpu.memory_space<vmem>>, vector<16xf32>,
    %get3A_2202 = arith.constant 992 : index
    %get3A_2203 = tpu.vector_load %arg12[%get3A_2202] {strides = array<i32>} : memref<1536xf32, #tpu.memory_space<vmem>>, vector<16xf32>,
    %get3A_2204 = vector.shape_cast %get3A_2203 : vector<16xf32> to vector<16xf32>
    %get3A_2205 = arith.constant 992 : index
    %get3A_2206 = tpu.vector_load %arg13[%get3A_2205] {strides = array<i32>} : memref<1536xf32, #tpu.memory_space<vmem>>, vector<16xf32>,
    %get3A_2207 = vector.shape_cast %get3A_2206 : vector<16xf32> to vector<16xf32>
    %add3A_2208 = arith.addf %get3A_2204, %get3A_2207 : vector<16xf32>
    %swap3A_2209 = arith.constant 992 : index
    %swap3A_2210 = tpu.vector_load %arg12[%swap3A_2209] {strides = array<i32>} : memref<1536xf32, #tpu.memory_space<vmem>>, vector<16xf32>,
    %swap3A_2211 = vector.shape_cast %swap3A_2210 : vector<16xf32> to vector<16xf32>
    %swap3A_2212 = vector.shape_cast %add3A_2208 : vector<16xf32> to vector<16xf32>
    tpu.vector_store %arg12[%swap3A_2209], %swap3A_2212 {strides = array<i32>} : memref<1536xf32, #tpu.memory_space<vmem>>, vector<16xf32>,
    %get3A_2213 = arith.constant 1008 : index
    %get3A_2214 = tpu.vector_load %arg12[%get3A_2213] {strides = array<i32>} : memref<1536xf32, #tpu.memory_space<vmem>>, vector<16xf32>,
    %get3A_2215 = vector.shape_cast %get3A_2214 : vector<16xf32> to vector<16xf32>
    %get3A_2216 = arith.constant 1008 : index
    %get3A_2217 = tpu.vector_load %arg13[%get3A_2216] {strides = array<i32>} : memref<1536xf32, #tpu.memory_space<vmem>>, vector<16xf32>,
    %get3A_2218 = vector.shape_cast %get3A_2217 : vector<16xf32> to vector<16xf32>
    %add3A_2219 = arith.addf %get3A_2215, %get3A_2218 : vector<16xf32>
    %swap3A_2220 = arith.constant 1008 : index
    %swap3A_2221 = tpu.vector_load %arg12[%swap3A_2220] {strides = array<i32>} : memref<1536xf32, #tpu.memory_space<vmem>>, vector<16xf32>,
    %swap3A_2222 = vector.shape_cast %swap3A_2221 : vector<16xf32> to vector<16xf32>
    %swap3A_2223 = vector.shape_cast %add3A_2219 : vector<16xf32> to vector<16xf32>
    tpu.vector_store %arg12[%swap3A_2220], %swap3A_2223 {strides = array<i32>} : memref<1536xf32, #tpu.memory_space<vmem>>, vector<16xf32>,
    %get3A_2224 = arith.constant 1024 : index
    %get3A_2225 = tpu.vector_load %arg12[%get3A_2224] {strides = array<i32>} : memref<1536xf32, #tpu.memory_space<vmem>>, vector<16xf32>,
    %get3A_2226 = vector.shape_cast %get3A_2225 : vector<16xf32> to vector<16xf32>
    %get3A_2227 = arith.constant 1024 : index
    %get3A_2228 = tpu.vector_load %arg13[%get3A_2227] {strides = array<i32>} : memref<1536xf32, #tpu.memory_space<vmem>>, vector<16xf32>,
    %get3A_2229 = vector.shape_cast %get3A_2228 : vector<16xf32> to vector<16xf32>
    %add3A_2230 = arith.addf %get3A_2226, %get3A_2229 : vector<16xf32>
    %swap3A_2231 = arith.constant 1024 : index
    %swap3A_2232 = tpu.vector_load %arg12[%swap3A_2231] {strides = array<i32>} : memref<1536xf32, #tpu.memory_space<vmem>>, vector<16xf32>,
    %swap3A_2233 = vector.shape_cast %swap3A_2232 : vector<16xf32> to vector<16xf32>
    %swap3A_2234 = vector.shape_cast %add3A_2230 : vector<16xf32> to vector<16xf32>
    tpu.vector_store %arg12[%swap3A_2231], %swap3A_2234 {strides = array<i32>} : memref<1536xf32, #tpu.memory_space<vmem>>, vector<16xf32>,
    %get3A_2235 = arith.constant 1040 : index
    %get3A_2236 = tpu.vector_load %arg12[%get3A_2235] {strides = array<i32>} : memref<1536xf32, #tpu.memory_space<vmem>>, vector<16xf32>,
    %get3A_2237 = vector.shape_cast %get3A_2236 : vector<16xf32> to vector<16xf32>
    %get3A_2238 = arith.constant 1040 : index
    %get3A_2239 = tpu.vector_load %arg13[%get3A_2238] {strides = array<i32>} : memref<1536xf32, #tpu.memory_space<vmem>>, vector<16xf32>,
    %get3A_2240 = vector.shape_cast %get3A_2239 : vector<16xf32> to vector<16xf32>
    %add3A_2241 = arith.addf %get3A_2237, %get3A_2240 : vector<16xf32>
    %swap3A_2242 = arith.constant 1040 : index
    %swap3A_2243 = tpu.vector_load %arg12[%swap3A_2242] {strides = array<i32>} : memref<1536xf32, #tpu.memory_space<vmem>>, vector<16xf32>,
    %swap3A_2244 = vector.shape_cast %swap3A_2243 : vector<16xf32> to vector<16xf32>
    %swap3A_2245 = vector.shape_cast %add3A_2241 : vector<16xf32> to vector<16xf32>
    tpu.vector_store %arg12[%swap3A_2242], %swap3A_2245 {strides = array<i32>} : memref<1536xf32, #tpu.memory_space<vmem>>, vector<16xf32>,
    %get3A_2246 = arith.constant 1056 : index
    %get3A_2247 = tpu.vector_load %arg12[%get3A_2246] {strides = array<i32>} : memref<1536xf32, #tpu.memory_space<vmem>>, vector<16xf32>,
    %get3A_2248 = vector.shape_cast %get3A_2247 : vector<16xf32> to vector<16xf32>
    %get3A_2249 = arith.constant 1056 : index
    %get3A_2250 = tpu.vector_load %arg13[%get3A_2249] {strides = array<i32>} : memref<1536xf32, #tpu.memory_space<vmem>>, vector<16xf32>,
    %get3A_2251 = vector.shape_cast %get3A_2250 : vector<16xf32> to vector<16xf32>
    %add3A_2252 = arith.addf %get3A_2248, %get3A_2251 : vector<16xf32>
    %swap3A_2253 = arith.constant 1056 : index
    %swap3A_2254 = tpu.vector_load %arg12[%swap3A_2253] {strides = array<i32>} : memref<1536xf32, #tpu.memory_space<vmem>>, vector<16xf32>,
    %swap3A_2255 = vector.shape_cast %swap3A_2254 : vector<16xf32> to vector<16xf32>
    %swap3A_2256 = vector.shape_cast %add3A_2252 : vector<16xf32> to vector<16xf32>
    tpu.vector_store %arg12[%swap3A_2253], %swap3A_2256 {strides = array<i32>} : memref<1536xf32, #tpu.memory_space<vmem>>, vector<16xf32>,
    %get3A_2257 = arith.constant 1072 : index
    %get3A_2258 = tpu.vector_load %arg12[%get3A_2257] {strides = array<i32>} : memref<1536xf32, #tpu.memory_space<vmem>>, vector<16xf32>,
    %get3A_2259 = vector.shape_cast %get3A_2258 : vector<16xf32> to vector<16xf32>
    %get3A_2260 = arith.constant 1072 : index
    %get3A_2261 = tpu.vector_load %arg13[%get3A_2260] {strides = array<i32>} : memref<1536xf32, #tpu.memory_space<vmem>>, vector<16xf32>,
    %get3A_2262 = vector.shape_cast %get3A_2261 : vector<16xf32> to vector<16xf32>
    %add3A_2263 = arith.addf %get3A_2259, %get3A_2262 : vector<16xf32>
    %swap3A_2264 = arith.constant 1072 : index
    %swap3A_2265 = tpu.vector_load %arg12[%swap3A_2264] {strides = array<i32>} : memref<1536xf32, #tpu.memory_space<vmem>>, vector<16xf32>,
    %swap3A_2266 = vector.shape_cast %swap3A_2265 : vector<16xf32> to vector<16xf32>
    %swap3A_2267 = vector.shape_cast %add3A_2263 : vector<16xf32> to vector<16xf32>
    tpu.vector_store %arg12[%swap3A_2264], %swap3A_2267 {strides = array<i32>} : memref<1536xf32, #tpu.memory_space<vmem>>, vector<16xf32>,
    %get3A_2268 = arith.constant 1088 : index
    %get3A_2269 = tpu.vector_load %arg12[%get3A_2268] {strides = array<i32>} : memref<1536xf32, #tpu.memory_space<vmem>>, vector<16xf32>,
    %get3A_2270 = vector.shape_cast %get3A_2269 : vector<16xf32> to vector<16xf32>
    %get3A_2271 = arith.constant 1088 : index
    %get3A_2272 = tpu.vector_load %arg13[%get3A_2271] {strides = array<i32>} : memref<1536xf32, #tpu.memory_space<vmem>>, vector<16xf32>,
    %get3A_2273 = vector.shape_cast %get3A_2272 : vector<16xf32> to vector<16xf32>
    %add3A_2274 = arith.addf %get3A_2270, %get3A_2273 : vector<16xf32>
    %swap3A_2275 = arith.constant 1088 : index
    %swap3A_2276 = tpu.vector_load %arg12[%swap3A_2275] {strides = array<i32>} : memref<1536xf32, #tpu.memory_space<vmem>>, vector<16xf32>,
    %swap3A_2277 = vector.shape_cast %swap3A_2276 : vector<16xf32> to vector<16xf32>
    %swap3A_2278 = vector.shape_cast %add3A_2274 : vector<16xf32> to vector<16xf32>
    tpu.vector_store %arg12[%swap3A_2275], %swap3A_2278 {strides = array<i32>} : memref<1536xf32, #tpu.memory_space<vmem>>, vector<16xf32>,
    %get3A_2279 = arith.constant 1104 : index
    %get3A_2280 = tpu.vector_load %arg12[%get3A_2279] {strides = array<i32>} : memref<1536xf32, #tpu.memory_space<vmem>>, vector<16xf32>,
    %get3A_2281 = vector.shape_cast %get3A_2280 : vector<16xf32> to vector<16xf32>
    %get3A_2282 = arith.constant 1104 : index
    %get3A_2283 = tpu.vector_load %arg13[%get3A_2282] {strides = array<i32>} : memref<1536xf32, #tpu.memory_space<vmem>>, vector<16xf32>,
    %get3A_2284 = vector.shape_cast %get3A_2283 : vector<16xf32> to vector<16xf32>
    %add3A_2285 = arith.addf %get3A_2281, %get3A_2284 : vector<16xf32>
    %swap3A_2286 = arith.constant 1104 : index
    %swap3A_2287 = tpu.vector_load %arg12[%swap3A_2286] {strides = array<i32>} : memref<1536xf32, #tpu.memory_space<vmem>>, vector<16xf32>,
    %swap3A_2288 = vector.shape_cast %swap3A_2287 : vector<16xf32> to vector<16xf32>
    %swap3A_2289 = vector.shape_cast %add3A_2285 : vector<16xf32> to vector<16xf32>
    tpu.vector_store %arg12[%swap3A_2286], %swap3A_2289 {strides = array<i32>} : memref<1536xf32, #tpu.memory_space<vmem>>, vector<16xf32>,
    %get3A_2290 = arith.constant 1120 : index
    %get3A_2291 = tpu.vector_load %arg12[%get3A_2290] {strides = array<i32>} : memref<1536xf32, #tpu.memory_space<vmem>>, vector<16xf32>,
    %get3A_2292 = vector.shape_cast %get3A_2291 : vector<16xf32> to vector<16xf32>
    %get3A_2293 = arith.constant 1120 : index
    %get3A_2294 = tpu.vector_load %arg13[%get3A_2293] {strides = array<i32>} : memref<1536xf32, #tpu.memory_space<vmem>>, vector<16xf32>,
    %get3A_2295 = vector.shape_cast %get3A_2294 : vector<16xf32> to vector<16xf32>
    %add3A_2296 = arith.addf %get3A_2292, %get3A_2295 : vector<16xf32>
    %swap3A_2297 = arith.constant 1120 : index
    %swap3A_2298 = tpu.vector_load %arg12[%swap3A_2297] {strides = array<i32>} : memref<1536xf32, #tpu.memory_space<vmem>>, vector<16xf32>,
    %swap3A_2299 = vector.shape_cast %swap3A_2298 : vector<16xf32> to vector<16xf32>
    %swap3A_2300 = vector.shape_cast %add3A_2296 : vector<16xf32> to vector<16xf32>
    tpu.vector_store %arg12[%swap3A_2297], %swap3A_2300 {strides = array<i32>} : memref<1536xf32, #tpu.memory_space<vmem>>, vector<16xf32>,
    %get3A_2301 = arith.constant 1136 : index
    %get3A_2302 = tpu.vector_load %arg12[%get3A_2301] {strides = array<i32>} : memref<1536xf32, #tpu.memory_space<vmem>>, vector<16xf32>,
    %get3A_2303 = vector.shape_cast %get3A_2302 : vector<16xf32> to vector<16xf32>
    %get3A_2304 = arith.constant 1136 : index
    %get3A_2305 = tpu.vector_load %arg13[%get3A_2304] {strides = array<i32>} : memref<1536xf32, #tpu.memory_space<vmem>>, vector<16xf32>,
    %get3A_2306 = vector.shape_cast %get3A_2305 : vector<16xf32> to vector<16xf32>
    %add3A_2307 = arith.addf %get3A_2303, %get3A_2306 : vector<16xf32>
    %swap3A_2308 = arith.constant 1136 : index
    %swap3A_2309 = tpu.vector_load %arg12[%swap3A_2308] {strides = array<i32>} : memref<1536xf32, #tpu.memory_space<vmem>>, vector<16xf32>,
    %swap3A_2310 = vector.shape_cast %swap3A_2309 : vector<16xf32> to vector<16xf32>
    %swap3A_2311 = vector.shape_cast %add3A_2307 : vector<16xf32> to vector<16xf32>
    tpu.vector_store %arg12[%swap3A_2308], %swap3A_2311 {strides = array<i32>} : memref<1536xf32, #tpu.memory_space<vmem>>, vector<16xf32>,
    %get3A_2312 = arith.constant 1152 : index
    %get3A_2313 = tpu.vector_load %arg12[%get3A_2312] {strides = array<i32>} : memref<1536xf32, #tpu.memory_space<vmem>>, vector<16xf32>,
    %get3A_2314 = vector.shape_cast %get3A_2313 : vector<16xf32> to vector<16xf32>
    %get3A_2315 = arith.constant 1152 : index
    %get3A_2316 = tpu.vector_load %arg13[%get3A_2315] {strides = array<i32>} : memref<1536xf32, #tpu.memory_space<vmem>>, vector<16xf32>,
    %get3A_2317 = vector.shape_cast %get3A_2316 : vector<16xf32> to vector<16xf32>
    %add3A_2318 = arith.addf %get3A_2314, %get3A_2317 : vector<16xf32>
    %swap3A_2319 = arith.constant 1152 : index
    %swap3A_2320 = tpu.vector_load %arg12[%swap3A_2319] {strides = array<i32>} : memref<1536xf32, #tpu.memory_space<vmem>>, vector<16xf32>,
    %swap3A_2321 = vector.shape_cast %swap3A_2320 : vector<16xf32> to vector<16xf32>
    %swap3A_2322 = vector.shape_cast %add3A_2318 : vector<16xf32> to vector<16xf32>
    tpu.vector_store %arg12[%swap3A_2319], %swap3A_2322 {strides = array<i32>} : memref<1536xf32, #tpu.memory_space<vmem>>, vector<16xf32>,
    %get3A_2323 = arith.constant 1168 : index
    %get3A_2324 = tpu.vector_load %arg12[%get3A_2323] {strides = array<i32>} : memref<1536xf32, #tpu.memory_space<vmem>>, vector<16xf32>,
    %get3A_2325 = vector.shape_cast %get3A_2324 : vector<16xf32> to vector<16xf32>
    %get3A_2326 = arith.constant 1168 : index
    %get3A_2327 = tpu.vector_load %arg13[%get3A_2326] {strides = array<i32>} : memref<1536xf32, #tpu.memory_space<vmem>>, vector<16xf32>,
    %get3A_2328 = vector.shape_cast %get3A_2327 : vector<16xf32> to vector<16xf32>
    %add3A_2329 = arith.addf %get3A_2325, %get3A_2328 : vector<16xf32>
    %swap3A_2330 = arith.constant 1168 : index
    %swap3A_2331 = tpu.vector_load %arg12[%swap3A_2330] {strides = array<i32>} : memref<1536xf32, #tpu.memory_space<vmem>>, vector<16xf32>,
    %swap3A_2332 = vector.shape_cast %swap3A_2331 : vector<16xf32> to vector<16xf32>
    %swap3A_2333 = vector.shape_cast %add3A_2329 : vector<16xf32> to vector<16xf32>
    tpu.vector_store %arg12[%swap3A_2330], %swap3A_2333 {strides = array<i32>} : memref<1536xf32, #tpu.memory_space<vmem>>, vector<16xf32>,
    %get3A_2334 = arith.constant 1184 : index
    %get3A_2335 = tpu.vector_load %arg12[%get3A_2334] {strides = array<i32>} : memref<1536xf32, #tpu.memory_space<vmem>>, vector<16xf32>,
    %get3A_2336 = vector.shape_cast %get3A_2335 : vector<16xf32> to vector<16xf32>
    %get3A_2337 = arith.constant 1184 : index
    %get3A_2338 = tpu.vector_load %arg13[%get3A_2337] {strides = array<i32>} : memref<1536xf32, #tpu.memory_space<vmem>>, vector<16xf32>,
    %get3A_2339 = vector.shape_cast %get3A_2338 : vector<16xf32> to vector<16xf32>
    %add3A_2340 = arith.addf %get3A_2336, %get3A_2339 : vector<16xf32>
    %swap3A_2341 = arith.constant 1184 : index
    %swap3A_2342 = tpu.vector_load %arg12[%swap3A_2341] {strides = array<i32>} : memref<1536xf32, #tpu.memory_space<vmem>>, vector<16xf32>,
    %swap3A_2343 = vector.shape_cast %swap3A_2342 : vector<16xf32> to vector<16xf32>
    %swap3A_2344 = vector.shape_cast %add3A_2340 : vector<16xf32> to vector<16xf32>
    tpu.vector_store %arg12[%swap3A_2341], %swap3A_2344 {strides = array<i32>} : memref<1536xf32, #tpu.memory_space<vmem>>, vector<16xf32>,
    %get3A_2345 = arith.constant 1200 : index
    %get3A_2346 = tpu.vector_load %arg12[%get3A_2345] {strides = array<i32>} : memref<1536xf32, #tpu.memory_space<vmem>>, vector<16xf32>,
    %get3A_2347 = vector.shape_cast %get3A_2346 : vector<16xf32> to vector<16xf32>
    %get3A_2348 = arith.constant 1200 : index
    %get3A_2349 = tpu.vector_load %arg13[%get3A_2348] {strides = array<i32>} : memref<1536xf32, #tpu.memory_space<vmem>>, vector<16xf32>,
    %get3A_2350 = vector.shape_cast %get3A_2349 : vector<16xf32> to vector<16xf32>
    %add3A_2351 = arith.addf %get3A_2347, %get3A_2350 : vector<16xf32>
    %swap3A_2352 = arith.constant 1200 : index
    %swap3A_2353 = tpu.vector_load %arg12[%swap3A_2352] {strides = array<i32>} : memref<1536xf32, #tpu.memory_space<vmem>>, vector<16xf32>,
    %swap3A_2354 = vector.shape_cast %swap3A_2353 : vector<16xf32> to vector<16xf32>
    %swap3A_2355 = vector.shape_cast %add3A_2351 : vector<16xf32> to vector<16xf32>
    tpu.vector_store %arg12[%swap3A_2352], %swap3A_2355 {strides = array<i32>} : memref<1536xf32, #tpu.memory_space<vmem>>, vector<16xf32>,
    %get3A_2356 = arith.constant 1216 : index
    %get3A_2357 = tpu.vector_load %arg12[%get3A_2356] {strides = array<i32>} : memref<1536xf32, #tpu.memory_space<vmem>>, vector<16xf32>,
    %get3A_2358 = vector.shape_cast %get3A_2357 : vector<16xf32> to vector<16xf32>
    %get3A_2359 = arith.constant 1216 : index
    %get3A_2360 = tpu.vector_load %arg13[%get3A_2359] {strides = array<i32>} : memref<1536xf32, #tpu.memory_space<vmem>>, vector<16xf32>,
    %get3A_2361 = vector.shape_cast %get3A_2360 : vector<16xf32> to vector<16xf32>
    %add3A_2362 = arith.addf %get3A_2358, %get3A_2361 : vector<16xf32>
    %swap3A_2363 = arith.constant 1216 : index
    %swap3A_2364 = tpu.vector_load %arg12[%swap3A_2363] {strides = array<i32>} : memref<1536xf32, #tpu.memory_space<vmem>>, vector<16xf32>,
    %swap3A_2365 = vector.shape_cast %swap3A_2364 : vector<16xf32> to vector<16xf32>
    %swap3A_2366 = vector.shape_cast %add3A_2362 : vector<16xf32> to vector<16xf32>
    tpu.vector_store %arg12[%swap3A_2363], %swap3A_2366 {strides = array<i32>} : memref<1536xf32, #tpu.memory_space<vmem>>, vector<16xf32>,
    %get3A_2367 = arith.constant 1232 : index
    %get3A_2368 = tpu.vector_load %arg12[%get3A_2367] {strides = array<i32>} : memref<1536xf32, #tpu.memory_space<vmem>>, vector<16xf32>,
    %get3A_2369 = vector.shape_cast %get3A_2368 : vector<16xf32> to vector<16xf32>
    %get3A_2370 = arith.constant 1232 : index
    %get3A_2371 = tpu.vector_load %arg13[%get3A_2370] {strides = array<i32>} : memref<1536xf32, #tpu.memory_space<vmem>>, vector<16xf32>,
    %get3A_2372 = vector.shape_cast %get3A_2371 : vector<16xf32> to vector<16xf32>
    %add3A_2373 = arith.addf %get3A_2369, %get3A_2372 : vector<16xf32>
    %swap3A_2374 = arith.constant 1232 : index
    %swap3A_2375 = tpu.vector_load %arg12[%swap3A_2374] {strides = array<i32>} : memref<1536xf32, #tpu.memory_space<vmem>>, vector<16xf32>,
    %swap3A_2376 = vector.shape_cast %swap3A_2375 : vector<16xf32> to vector<16xf32>
    %swap3A_2377 = vector.shape_cast %add3A_2373 : vector<16xf32> to vector<16xf32>
    tpu.vector_store %arg12[%swap3A_2374], %swap3A_2377 {strides = array<i32>} : memref<1536xf32, #tpu.memory_space<vmem>>, vector<16xf32>,
    %get3A_2378 = arith.constant 1248 : index
    %get3A_2379 = tpu.vector_load %arg12[%get3A_2378] {strides = array<i32>} : memref<1536xf32, #tpu.memory_space<vmem>>, vector<16xf32>,
    %get3A_2380 = vector.shape_cast %get3A_2379 : vector<16xf32> to vector<16xf32>
    %get3A_2381 = arith.constant 1248 : index
    %get3A_2382 = tpu.vector_load %arg13[%get3A_2381] {strides = array<i32>} : memref<1536xf32, #tpu.memory_space<vmem>>, vector<16xf32>,
    %get3A_2383 = vector.shape_cast %get3A_2382 : vector<16xf32> to vector<16xf32>
    %add3A_2384 = arith.addf %get3A_2380, %get3A_2383 : vector<16xf32>
    %swap3A_2385 = arith.constant 1248 : index
    %swap3A_2386 = tpu.vector_load %arg12[%swap3A_2385] {strides = array<i32>} : memref<1536xf32, #tpu.memory_space<vmem>>, vector<16xf32>,
    %swap3A_2387 = vector.shape_cast %swap3A_2386 : vector<16xf32> to vector<16xf32>
    %swap3A_2388 = vector.shape_cast %add3A_2384 : vector<16xf32> to vector<16xf32>
    tpu.vector_store %arg12[%swap3A_2385], %swap3A_2388 {strides = array<i32>} : memref<1536xf32, #tpu.memory_space<vmem>>, vector<16xf32>,
    %get3A_2389 = arith.constant 1264 : index
    %get3A_2390 = tpu.vector_load %arg12[%get3A_2389] {strides = array<i32>} : memref<1536xf32, #tpu.memory_space<vmem>>, vector<16xf32>,
    %get3A_2391 = vector.shape_cast %get3A_2390 : vector<16xf32> to vector<16xf32>
    %get3A_2392 = arith.constant 1264 : index
    %get3A_2393 = tpu.vector_load %arg13[%get3A_2392] {strides = array<i32>} : memref<1536xf32, #tpu.memory_space<vmem>>, vector<16xf32>,
    %get3A_2394 = vector.shape_cast %get3A_2393 : vector<16xf32> to vector<16xf32>
    %add3A_2395 = arith.addf %get3A_2391, %get3A_2394 : vector<16xf32>
    %swap3A_2396 = arith.constant 1264 : index
    %swap3A_2397 = tpu.vector_load %arg12[%swap3A_2396] {strides = array<i32>} : memref<1536xf32, #tpu.memory_space<vmem>>, vector<16xf32>,
    %swap3A_2398 = vector.shape_cast %swap3A_2397 : vector<16xf32> to vector<16xf32>
    %swap3A_2399 = vector.shape_cast %add3A_2395 : vector<16xf32> to vector<16xf32>
    tpu.vector_store %arg12[%swap3A_2396], %swap3A_2399 {strides = array<i32>} : memref<1536xf32, #tpu.memory_space<vmem>>, vector<16xf32>,
    %get3A_2400 = arith.constant 1280 : index
    %get3A_2401 = tpu.vector_load %arg12[%get3A_2400] {strides = array<i32>} : memref<1536xf32, #tpu.memory_space<vmem>>, vector<16xf32>,
    %get3A_2402 = vector.shape_cast %get3A_2401 : vector<16xf32> to vector<16xf32>
    %get3A_2403 = arith.constant 1280 : index
    %get3A_2404 = tpu.vector_load %arg13[%get3A_2403] {strides = array<i32>} : memref<1536xf32, #tpu.memory_space<vmem>>, vector<16xf32>,
    %get3A_2405 = vector.shape_cast %get3A_2404 : vector<16xf32> to vector<16xf32>
    %add3A_2406 = arith.addf %get3A_2402, %get3A_2405 : vector<16xf32>
    %swap3A_2407 = arith.constant 1280 : index
    %swap3A_2408 = tpu.vector_load %arg12[%swap3A_2407] {strides = array<i32>} : memref<1536xf32, #tpu.memory_space<vmem>>, vector<16xf32>,
    %swap3A_2409 = vector.shape_cast %swap3A_2408 : vector<16xf32> to vector<16xf32>
    %swap3A_2410 = vector.shape_cast %add3A_2406 : vector<16xf32> to vector<16xf32>
    tpu.vector_store %arg12[%swap3A_2407], %swap3A_2410 {strides = array<i32>} : memref<1536xf32, #tpu.memory_space<vmem>>, vector<16xf32>,
    %get3A_2411 = arith.constant 1296 : index
    %get3A_2412 = tpu.vector_load %arg12[%get3A_2411] {strides = array<i32>} : memref<1536xf32, #tpu.memory_space<vmem>>, vector<16xf32>,
    %get3A_2413 = vector.shape_cast %get3A_2412 : vector<16xf32> to vector<16xf32>
    %get3A_2414 = arith.constant 1296 : index
    %get3A_2415 = tpu.vector_load %arg13[%get3A_2414] {strides = array<i32>} : memref<1536xf32, #tpu.memory_space<vmem>>, vector<16xf32>,
    %get3A_2416 = vector.shape_cast %get3A_2415 : vector<16xf32> to vector<16xf32>
    %add3A_2417 = arith.addf %get3A_2413, %get3A_2416 : vector<16xf32>
    %swap3A_2418 = arith.constant 1296 : index
    %swap3A_2419 = tpu.vector_load %arg12[%swap3A_2418] {strides = array<i32>} : memref<1536xf32, #tpu.memory_space<vmem>>, vector<16xf32>,
    %swap3A_2420 = vector.shape_cast %swap3A_2419 : vector<16xf32> to vector<16xf32>
    %swap3A_2421 = vector.shape_cast %add3A_2417 : vector<16xf32> to vector<16xf32>
    tpu.vector_store %arg12[%swap3A_2418], %swap3A_2421 {strides = array<i32>} : memref<1536xf32, #tpu.memory_space<vmem>>, vector<16xf32>,
    %get3A_2422 = arith.constant 1312 : index
    %get3A_2423 = tpu.vector_load %arg12[%get3A_2422] {strides = array<i32>} : memref<1536xf32, #tpu.memory_space<vmem>>, vector<16xf32>,
    %get3A_2424 = vector.shape_cast %get3A_2423 : vector<16xf32> to vector<16xf32>
    %get3A_2425 = arith.constant 1312 : index
    %get3A_2426 = tpu.vector_load %arg13[%get3A_2425] {strides = array<i32>} : memref<1536xf32, #tpu.memory_space<vmem>>, vector<16xf32>,
    %get3A_2427 = vector.shape_cast %get3A_2426 : vector<16xf32> to vector<16xf32>
    %add3A_2428 = arith.addf %get3A_2424, %get3A_2427 : vector<16xf32>
    %swap3A_2429 = arith.constant 1312 : index
    %swap3A_2430 = tpu.vector_load %arg12[%swap3A_2429] {strides = array<i32>} : memref<1536xf32, #tpu.memory_space<vmem>>, vector<16xf32>,
    %swap3A_2431 = vector.shape_cast %swap3A_2430 : vector<16xf32> to vector<16xf32>
    %swap3A_2432 = vector.shape_cast %add3A_2428 : vector<16xf32> to vector<16xf32>
    tpu.vector_store %arg12[%swap3A_2429], %swap3A_2432 {strides = array<i32>} : memref<1536xf32, #tpu.memory_space<vmem>>, vector<16xf32>,
    %get3A_2433 = arith.constant 1328 : index
    %get3A_2434 = tpu.vector_load %arg12[%get3A_2433] {strides = array<i32>} : memref<1536xf32, #tpu.memory_space<vmem>>, vector<16xf32>,
    %get3A_2435 = vector.shape_cast %get3A_2434 : vector<16xf32> to vector<16xf32>
    %get3A_2436 = arith.constant 1328 : index
    %get3A_2437 = tpu.vector_load %arg13[%get3A_2436] {strides = array<i32>} : memref<1536xf32, #tpu.memory_space<vmem>>, vector<16xf32>,
    %get3A_2438 = vector.shape_cast %get3A_2437 : vector<16xf32> to vector<16xf32>
    %add3A_2439 = arith.addf %get3A_2435, %get3A_2438 : vector<16xf32>
    %swap3A_2440 = arith.constant 1328 : index
    %swap3A_2441 = tpu.vector_load %arg12[%swap3A_2440] {strides = array<i32>} : memref<1536xf32, #tpu.memory_space<vmem>>, vector<16xf32>,
    %swap3A_2442 = vector.shape_cast %swap3A_2441 : vector<16xf32> to vector<16xf32>
    %swap3A_2443 = vector.shape_cast %add3A_2439 : vector<16xf32> to vector<16xf32>
    tpu.vector_store %arg12[%swap3A_2440], %swap3A_2443 {strides = array<i32>} : memref<1536xf32, #tpu.memory_space<vmem>>, vector<16xf32>,
    %get3A_2444 = arith.constant 1344 : index
    %get3A_2445 = tpu.vector_load %arg12[%get3A_2444] {strides = array<i32>} : memref<1536xf32, #tpu.memory_space<vmem>>, vector<16xf32>,
    %get3A_2446 = vector.shape_cast %get3A_2445 : vector<16xf32> to vector<16xf32>
    %get3A_2447 = arith.constant 1344 : index
    %get3A_2448 = tpu.vector_load %arg13[%get3A_2447] {strides = array<i32>} : memref<1536xf32, #tpu.memory_space<vmem>>, vector<16xf32>,
    %get3A_2449 = vector.shape_cast %get3A_2448 : vector<16xf32> to vector<16xf32>
    %add3A_2450 = arith.addf %get3A_2446, %get3A_2449 : vector<16xf32>
    %swap3A_2451 = arith.constant 1344 : index
    %swap3A_2452 = tpu.vector_load %arg12[%swap3A_2451] {strides = array<i32>} : memref<1536xf32, #tpu.memory_space<vmem>>, vector<16xf32>,
    %swap3A_2453 = vector.shape_cast %swap3A_2452 : vector<16xf32> to vector<16xf32>
    %swap3A_2454 = vector.shape_cast %add3A_2450 : vector<16xf32> to vector<16xf32>
    tpu.vector_store %arg12[%swap3A_2451], %swap3A_2454 {strides = array<i32>} : memref<1536xf32, #tpu.memory_space<vmem>>, vector<16xf32>,
    %get3A_2455 = arith.constant 1360 : index
    %get3A_2456 = tpu.vector_load %arg12[%get3A_2455] {strides = array<i32>} : memref<1536xf32, #tpu.memory_space<vmem>>, vector<16xf32>,
    %get3A_2457 = vector.shape_cast %get3A_2456 : vector<16xf32> to vector<16xf32>
    %get3A_2458 = arith.constant 1360 : index
    %get3A_2459 = tpu.vector_load %arg13[%get3A_2458] {strides = array<i32>} : memref<1536xf32, #tpu.memory_space<vmem>>, vector<16xf32>,
    %get3A_2460 = vector.shape_cast %get3A_2459 : vector<16xf32> to vector<16xf32>
    %add3A_2461 = arith.addf %get3A_2457, %get3A_2460 : vector<16xf32>
    %swap3A_2462 = arith.constant 1360 : index
    %swap3A_2463 = tpu.vector_load %arg12[%swap3A_2462] {strides = array<i32>} : memref<1536xf32, #tpu.memory_space<vmem>>, vector<16xf32>,
    %swap3A_2464 = vector.shape_cast %swap3A_2463 : vector<16xf32> to vector<16xf32>
    %swap3A_2465 = vector.shape_cast %add3A_2461 : vector<16xf32> to vector<16xf32>
    tpu.vector_store %arg12[%swap3A_2462], %swap3A_2465 {strides = array<i32>} : memref<1536xf32, #tpu.memory_space<vmem>>, vector<16xf32>,
    %get3A_2466 = arith.constant 1376 : index
    %get3A_2467 = tpu.vector_load %arg12[%get3A_2466] {strides = array<i32>} : memref<1536xf32, #tpu.memory_space<vmem>>, vector<16xf32>,
    %get3A_2468 = vector.shape_cast %get3A_2467 : vector<16xf32> to vector<16xf32>
    %get3A_2469 = arith.constant 1376 : index
    %get3A_2470 = tpu.vector_load %arg13[%get3A_2469] {strides = array<i32>} : memref<1536xf32, #tpu.memory_space<vmem>>, vector<16xf32>,
    %get3A_2471 = vector.shape_cast %get3A_2470 : vector<16xf32> to vector<16xf32>
    %add3A_2472 = arith.addf %get3A_2468, %get3A_2471 : vector<16xf32>
    %swap3A_2473 = arith.constant 1376 : index
    %swap3A_2474 = tpu.vector_load %arg12[%swap3A_2473] {strides = array<i32>} : memref<1536xf32, #tpu.memory_space<vmem>>, vector<16xf32>,
    %swap3A_2475 = vector.shape_cast %swap3A_2474 : vector<16xf32> to vector<16xf32>
    %swap3A_2476 = vector.shape_cast %add3A_2472 : vector<16xf32> to vector<16xf32>
    tpu.vector_store %arg12[%swap3A_2473], %swap3A_2476 {strides = array<i32>} : memref<1536xf32, #tpu.memory_space<vmem>>, vector<16xf32>,
    %get3A_2477 = arith.constant 1392 : index
    %get3A_2478 = tpu.vector_load %arg12[%get3A_2477] {strides = array<i32>} : memref<1536xf32, #tpu.memory_space<vmem>>, vector<16xf32>,
    %get3A_2479 = vector.shape_cast %get3A_2478 : vector<16xf32> to vector<16xf32>
    %get3A_2480 = arith.constant 1392 : index
    %get3A_2481 = tpu.vector_load %arg13[%get3A_2480] {strides = array<i32>} : memref<1536xf32, #tpu.memory_space<vmem>>, vector<16xf32>,
    %get3A_2482 = vector.shape_cast %get3A_2481 : vector<16xf32> to vector<16xf32>
    %add3A_2483 = arith.addf %get3A_2479, %get3A_2482 : vector<16xf32>
    %swap3A_2484 = arith.constant 1392 : index
    %swap3A_2485 = tpu.vector_load %arg12[%swap3A_2484] {strides = array<i32>} : memref<1536xf32, #tpu.memory_space<vmem>>, vector<16xf32>,
    %swap3A_2486 = vector.shape_cast %swap3A_2485 : vector<16xf32> to vector<16xf32>
    %swap3A_2487 = vector.shape_cast %add3A_2483 : vector<16xf32> to vector<16xf32>
    tpu.vector_store %arg12[%swap3A_2484], %swap3A_2487 {strides = array<i32>} : memref<1536xf32, #tpu.memory_space<vmem>>, vector<16xf32>,
    %get3A_2488 = arith.constant 1408 : index
    %get3A_2489 = tpu.vector_load %arg12[%get3A_2488] {strides = array<i32>} : memref<1536xf32, #tpu.memory_space<vmem>>, vector<16xf32>,
    %get3A_2490 = vector.shape_cast %get3A_2489 : vector<16xf32> to vector<16xf32>
    %get3A_2491 = arith.constant 1408 : index
    %get3A_2492 = tpu.vector_load %arg13[%get3A_2491] {strides = array<i32>} : memref<1536xf32, #tpu.memory_space<vmem>>, vector<16xf32>,
    %get3A_2493 = vector.shape_cast %get3A_2492 : vector<16xf32> to vector<16xf32>
    %add3A_2494 = arith.addf %get3A_2490, %get3A_2493 : vector<16xf32>
    %swap3A_2495 = arith.constant 1408 : index
    %swap3A_2496 = tpu.vector_load %arg12[%swap3A_2495] {strides = array<i32>} : memref<1536xf32, #tpu.memory_space<vmem>>, vector<16xf32>,
    %swap3A_2497 = vector.shape_cast %swap3A_2496 : vector<16xf32> to vector<16xf32>
    %swap3A_2498 = vector.shape_cast %add3A_2494 : vector<16xf32> to vector<16xf32>
    tpu.vector_store %arg12[%swap3A_2495], %swap3A_2498 {strides = array<i32>} : memref<1536xf32, #tpu.memory_space<vmem>>, vector<16xf32>,
    %get3A_2499 = arith.constant 1424 : index
    %get3A_2500 = tpu.vector_load %arg12[%get3A_2499] {strides = array<i32>} : memref<1536xf32, #tpu.memory_space<vmem>>, vector<16xf32>,
    %get3A_2501 = vector.shape_cast %get3A_2500 : vector<16xf32> to vector<16xf32>
    %get3A_2502 = arith.constant 1424 : index
    %get3A_2503 = tpu.vector_load %arg13[%get3A_2502] {strides = array<i32>} : memref<1536xf32, #tpu.memory_space<vmem>>, vector<16xf32>,
    %get3A_2504 = vector.shape_cast %get3A_2503 : vector<16xf32> to vector<16xf32>
    %add3A_2505 = arith.addf %get3A_2501, %get3A_2504 : vector<16xf32>
    %swap3A_2506 = arith.constant 1424 : index
    %swap3A_2507 = tpu.vector_load %arg12[%swap3A_2506] {strides = array<i32>} : memref<1536xf32, #tpu.memory_space<vmem>>, vector<16xf32>,
    %swap3A_2508 = vector.shape_cast %swap3A_2507 : vector<16xf32> to vector<16xf32>
    %swap3A_2509 = vector.shape_cast %add3A_2505 : vector<16xf32> to vector<16xf32>
    tpu.vector_store %arg12[%swap3A_2506], %swap3A_2509 {strides = array<i32>} : memref<1536xf32, #tpu.memory_space<vmem>>, vector<16xf32>,
    %get3A_2510 = arith.constant 1440 : index
    %get3A_2511 = tpu.vector_load %arg12[%get3A_2510] {strides = array<i32>} : memref<1536xf32, #tpu.memory_space<vmem>>, vector<16xf32>,
    %get3A_2512 = vector.shape_cast %get3A_2511 : vector<16xf32> to vector<16xf32>
    %get3A_2513 = arith.constant 1440 : index
    %get3A_2514 = tpu.vector_load %arg13[%get3A_2513] {strides = array<i32>} : memref<1536xf32, #tpu.memory_space<vmem>>, vector<16xf32>,
    %get3A_2515 = vector.shape_cast %get3A_2514 : vector<16xf32> to vector<16xf32>
    %add3A_2516 = arith.addf %get3A_2512, %get3A_2515 : vector<16xf32>
    %swap3A_2517 = arith.constant 1440 : index
    %swap3A_2518 = tpu.vector_load %arg12[%swap3A_2517] {strides = array<i32>} : memref<1536xf32, #tpu.memory_space<vmem>>, vector<16xf32>,
    %swap3A_2519 = vector.shape_cast %swap3A_2518 : vector<16xf32> to vector<16xf32>
    %swap3A_2520 = vector.shape_cast %add3A_2516 : vector<16xf32> to vector<16xf32>
    tpu.vector_store %arg12[%swap3A_2517], %swap3A_2520 {strides = array<i32>} : memref<1536xf32, #tpu.memory_space<vmem>>, vector<16xf32>,
    %get3A_2521 = arith.constant 1456 : index
    %get3A_2522 = tpu.vector_load %arg12[%get3A_2521] {strides = array<i32>} : memref<1536xf32, #tpu.memory_space<vmem>>, vector<16xf32>,
    %get3A_2523 = vector.shape_cast %get3A_2522 : vector<16xf32> to vector<16xf32>
    %get3A_2524 = arith.constant 1456 : index
    %get3A_2525 = tpu.vector_load %arg13[%get3A_2524] {strides = array<i32>} : memref<1536xf32, #tpu.memory_space<vmem>>, vector<16xf32>,
    %get3A_2526 = vector.shape_cast %get3A_2525 : vector<16xf32> to vector<16xf32>
    %add3A_2527 = arith.addf %get3A_2523, %get3A_2526 : vector<16xf32>
    %swap3A_2528 = arith.constant 1456 : index
    %swap3A_2529 = tpu.vector_load %arg12[%swap3A_2528] {strides = array<i32>} : memref<1536xf32, #tpu.memory_space<vmem>>, vector<16xf32>,
    %swap3A_2530 = vector.shape_cast %swap3A_2529 : vector<16xf32> to vector<16xf32>
    %swap3A_2531 = vector.shape_cast %add3A_2527 : vector<16xf32> to vector<16xf32>
    tpu.vector_store %arg12[%swap3A_2528], %swap3A_2531 {strides = array<i32>} : memref<1536xf32, #tpu.memory_space<vmem>>, vector<16xf32>,
    %get3A_2532 = arith.constant 1472 : index
    %get3A_2533 = tpu.vector_load %arg12[%get3A_2532] {strides = array<i32>} : memref<1536xf32, #tpu.memory_space<vmem>>, vector<16xf32>,
    %get3A_2534 = vector.shape_cast %get3A_2533 : vector<16xf32> to vector<16xf32>
    %get3A_2535 = arith.constant 1472 : index
    %get3A_2536 = tpu.vector_load %arg13[%get3A_2535] {strides = array<i32>} : memref<1536xf32, #tpu.memory_space<vmem>>, vector<16xf32>,
    %get3A_2537 = vector.shape_cast %get3A_2536 : vector<16xf32> to vector<16xf32>
    %add3A_2538 = arith.addf %get3A_2534, %get3A_2537 : vector<16xf32>
    %swap3A_2539 = arith.constant 1472 : index
    %swap3A_2540 = tpu.vector_load %arg12[%swap3A_2539] {strides = array<i32>} : memref<1536xf32, #tpu.memory_space<vmem>>, vector<16xf32>,
    %swap3A_2541 = vector.shape_cast %swap3A_2540 : vector<16xf32> to vector<16xf32>
    %swap3A_2542 = vector.shape_cast %add3A_2538 : vector<16xf32> to vector<16xf32>
    tpu.vector_store %arg12[%swap3A_2539], %swap3A_2542 {strides = array<i32>} : memref<1536xf32, #tpu.memory_space<vmem>>, vector<16xf32>,
    %get3A_2543 = arith.constant 1488 : index
    %get3A_2544 = tpu.vector_load %arg12[%get3A_2543] {strides = array<i32>} : memref<1536xf32, #tpu.memory_space<vmem>>, vector<16xf32>,
    %get3A_2545 = vector.shape_cast %get3A_2544 : vector<16xf32> to vector<16xf32>
    %get3A_2546 = arith.constant 1488 : index
    %get3A_2547 = tpu.vector_load %arg13[%get3A_2546] {strides = array<i32>} : memref<1536xf32, #tpu.memory_space<vmem>>, vector<16xf32>,
    %get3A_2548 = vector.shape_cast %get3A_2547 : vector<16xf32> to vector<16xf32>
    %add3A_2549 = arith.addf %get3A_2545, %get3A_2548 : vector<16xf32>
    %swap3A_2550 = arith.constant 1488 : index
    %swap3A_2551 = tpu.vector_load %arg12[%swap3A_2550] {strides = array<i32>} : memref<1536xf32, #tpu.memory_space<vmem>>, vector<16xf32>,
    %swap3A_2552 = vector.shape_cast %swap3A_2551 : vector<16xf32> to vector<16xf32>
    %swap3A_2553 = vector.shape_cast %add3A_2549 : vector<16xf32> to vector<16xf32>
    tpu.vector_store %arg12[%swap3A_2550], %swap3A_2553 {strides = array<i32>} : memref<1536xf32, #tpu.memory_space<vmem>>, vector<16xf32>,
    %get3A_2554 = arith.constant 1504 : index
    %get3A_2555 = tpu.vector_load %arg12[%get3A_2554] {strides = array<i32>} : memref<1536xf32, #tpu.memory_space<vmem>>, vector<16xf32>,
    %get3A_2556 = vector.shape_cast %get3A_2555 : vector<16xf32> to vector<16xf32>
    %get3A_2557 = arith.constant 1504 : index
    %get3A_2558 = tpu.vector_load %arg13[%get3A_2557] {strides = array<i32>} : memref<1536xf32, #tpu.memory_space<vmem>>, vector<16xf32>,
    %get3A_2559 = vector.shape_cast %get3A_2558 : vector<16xf32> to vector<16xf32>
    %add3A_2560 = arith.addf %get3A_2556, %get3A_2559 : vector<16xf32>
    %swap3A_2561 = arith.constant 1504 : index
    %swap3A_2562 = tpu.vector_load %arg12[%swap3A_2561] {strides = array<i32>} : memref<1536xf32, #tpu.memory_space<vmem>>, vector<16xf32>,
    %swap3A_2563 = vector.shape_cast %swap3A_2562 : vector<16xf32> to vector<16xf32>
    %swap3A_2564 = vector.shape_cast %add3A_2560 : vector<16xf32> to vector<16xf32>
    tpu.vector_store %arg12[%swap3A_2561], %swap3A_2564 {strides = array<i32>} : memref<1536xf32, #tpu.memory_space<vmem>>, vector<16xf32>,
    %get3A_2565 = arith.constant 1520 : index
    %get3A_2566 = tpu.vector_load %arg12[%get3A_2565] {strides = array<i32>} : memref<1536xf32, #tpu.memory_space<vmem>>, vector<16xf32>,
    %get3A_2567 = vector.shape_cast %get3A_2566 : vector<16xf32> to vector<16xf32>
    %get3A_2568 = arith.constant 1520 : index
    %get3A_2569 = tpu.vector_load %arg13[%get3A_2568] {strides = array<i32>} : memref<1536xf32, #tpu.memory_space<vmem>>, vector<16xf32>,
    %get3A_2570 = vector.shape_cast %get3A_2569 : vector<16xf32> to vector<16xf32>
    %add3A_2571 = arith.addf %get3A_2567, %get3A_2570 : vector<16xf32>
    %swap3A_2572 = arith.constant 1520 : index
    %swap3A_2573 = tpu.vector_load %arg12[%swap3A_2572] {strides = array<i32>} : memref<1536xf32, #tpu.memory_space<vmem>>, vector<16xf32>,
    %swap3A_2574 = vector.shape_cast %swap3A_2573 : vector<16xf32> to vector<16xf32>
    %swap3A_2575 = vector.shape_cast %add3A_2571 : vector<16xf32> to vector<16xf32>
    tpu.vector_store %arg12[%swap3A_2572], %swap3A_2575 {strides = array<i32>} : memref<1536xf32, #tpu.memory_space<vmem>>, vector<16xf32>,
    %mul3A_2576 = arith.constant 4 : i32
    %mul3A_2577 = arith.muli %select_n3A, %mul3A_2576 : i32
    %add3A_2578 = arith.constant 0 : i32
    %add3A_2579 = arith.addi %mul3A_2577, %add3A_2578 : i32
    %mul3A_2580 = arith.constant 1024 : i32
    %mul3A_2581 = arith.muli %add3A_2579, %mul3A_2580 : i32
    %add3A_2582 = arith.addi %mul3A_2581, %sub3A_1252 : i32
    "tpu.region"() ({
      %run_scoped3A = tpu.sem_alloc : memref<!tpu.dma_semaphore, #tpu.memory_space<semaphore_mem>>
      %dma_start3A_2597 = arith.constant 0 : i32
      %dma_start3A_2598 = tpu.memref_slice %arg12[%dma_start3A_2597] : memref<1536xf32, #tpu.memory_space<vmem>> -> memref<512xf32, #tpu.memory_space<vmem>>
      %dma_start3A_2599 = tpu.memref_slice %arg6[%add3A_2582] : memref<65536xf32, #tpu.memory_space<hbm>> -> memref<512xf32, #tpu.memory_space<hbm>>
      %dma_start3A_2600 = tpu.memref_slice %arg6[%add3A_2582] : memref<65536xf32, #tpu.memory_space<hbm>> -> memref<512xf32, #tpu.memory_space<hbm>>
      %dma_start3A_2601 = arith.constant 0 : i32
      %dma_start3A_2602 = tpu.memref_slice %arg12[%dma_start3A_2601] : memref<1536xf32, #tpu.memory_space<vmem>> -> memref<512xf32, #tpu.memory_space<vmem>>
      tpu.enqueue_dma source(%dma_start3A_2602 : memref<512xf32, #tpu.memory_space<vmem>>) target(%dma_start3A_2600 : memref<512xf32, #tpu.memory_space<hbm>>) target_semaphore(%run_scoped3A : memref<!tpu.dma_semaphore, #tpu.memory_space<semaphore_mem>>)
      %dma_wait3A_2603 = arith.constant 0 : i32
      %dma_wait3A_2604 = tpu.memref_slice %arg12[%dma_wait3A_2603] : memref<1536xf32, #tpu.memory_space<vmem>> -> memref<512xf32, #tpu.memory_space<vmem>>
      %dma_wait3A_2605 = tpu.memref_slice %arg6[%add3A_2582] : memref<65536xf32, #tpu.memory_space<hbm>> -> memref<512xf32, #tpu.memory_space<hbm>>
      %dma_wait3A_2606 = tpu.memref_slice %arg6[%add3A_2582] : memref<65536xf32, #tpu.memory_space<hbm>> -> memref<512xf32, #tpu.memory_space<hbm>>
      %dma_wait3A_2607 = arith.constant 0 : i32
      %dma_wait3A_2608 = tpu.memref_slice %arg12[%dma_wait3A_2607] : memref<1536xf32, #tpu.memory_space<vmem>> -> memref<512xf32, #tpu.memory_space<vmem>>
      tpu.wait_dma2 semaphore(%run_scoped3A : memref<!tpu.dma_semaphore, #tpu.memory_space<semaphore_mem>>) src(%dma_wait3A_2608 : memref<512xf32, #tpu.memory_space<vmem>>) dst(%dma_wait3A_2606 : memref<512xf32, #tpu.memory_space<hbm>>)
      tpu.yield
    }) : () -> ()
    %mul3A_2583 = arith.constant 4 : i32
    %mul3A_2584 = arith.muli %select_n3A, %mul3A_2583 : i32
    %add3A_2585 = arith.constant 1 : i32
    %add3A_2586 = arith.addi %mul3A_2584, %add3A_2585 : i32
    %mul3A_2587 = arith.constant 1024 : i32
    %mul3A_2588 = arith.muli %add3A_2586, %mul3A_2587 : i32
    %add3A_2589 = arith.addi %mul3A_2588, %sub3A_1252 : i32
    "tpu.region"() ({
      %run_scoped3A = tpu.sem_alloc : memref<!tpu.dma_semaphore, #tpu.memory_space<semaphore_mem>>
      %dma_start3A_2597 = arith.constant 512 : i32
      %dma_start3A_2598 = tpu.memref_slice %arg12[%dma_start3A_2597] : memref<1536xf32, #tpu.memory_space<vmem>> -> memref<512xf32, #tpu.memory_space<vmem>>
      %dma_start3A_2599 = tpu.memref_slice %arg6[%add3A_2589] : memref<65536xf32, #tpu.memory_space<hbm>> -> memref<512xf32, #tpu.memory_space<hbm>>
      %dma_start3A_2600 = tpu.memref_slice %arg6[%add3A_2589] : memref<65536xf32, #tpu.memory_space<hbm>> -> memref<512xf32, #tpu.memory_space<hbm>>
      %dma_start3A_2601 = arith.constant 512 : i32
      %dma_start3A_2602 = tpu.memref_slice %arg12[%dma_start3A_2601] : memref<1536xf32, #tpu.memory_space<vmem>> -> memref<512xf32, #tpu.memory_space<vmem>>
      tpu.enqueue_dma source(%dma_start3A_2602 : memref<512xf32, #tpu.memory_space<vmem>>) target(%dma_start3A_2600 : memref<512xf32, #tpu.memory_space<hbm>>) target_semaphore(%run_scoped3A : memref<!tpu.dma_semaphore, #tpu.memory_space<semaphore_mem>>)
      %dma_wait3A_2603 = arith.constant 512 : i32
      %dma_wait3A_2604 = tpu.memref_slice %arg12[%dma_wait3A_2603] : memref<1536xf32, #tpu.memory_space<vmem>> -> memref<512xf32, #tpu.memory_space<vmem>>
      %dma_wait3A_2605 = tpu.memref_slice %arg6[%add3A_2589] : memref<65536xf32, #tpu.memory_space<hbm>> -> memref<512xf32, #tpu.memory_space<hbm>>
      %dma_wait3A_2606 = tpu.memref_slice %arg6[%add3A_2589] : memref<65536xf32, #tpu.memory_space<hbm>> -> memref<512xf32, #tpu.memory_space<hbm>>
      %dma_wait3A_2607 = arith.constant 512 : i32
      %dma_wait3A_2608 = tpu.memref_slice %arg12[%dma_wait3A_2607] : memref<1536xf32, #tpu.memory_space<vmem>> -> memref<512xf32, #tpu.memory_space<vmem>>
      tpu.wait_dma2 semaphore(%run_scoped3A : memref<!tpu.dma_semaphore, #tpu.memory_space<semaphore_mem>>) src(%dma_wait3A_2608 : memref<512xf32, #tpu.memory_space<vmem>>) dst(%dma_wait3A_2606 : memref<512xf32, #tpu.memory_space<hbm>>)
      tpu.yield
    }) : () -> ()
    %mul3A_2590 = arith.constant 4 : i32
    %mul3A_2591 = arith.muli %select_n3A, %mul3A_2590 : i32
    %add3A_2592 = arith.constant 2 : i32
    %add3A_2593 = arith.addi %mul3A_2591, %add3A_2592 : i32
    %mul3A_2594 = arith.constant 1024 : i32
    %mul3A_2595 = arith.muli %add3A_2593, %mul3A_2594 : i32
    %add3A_2596 = arith.addi %mul3A_2595, %sub3A_1252 : i32
    "tpu.region"() ({
      %run_scoped3A = tpu.sem_alloc : memref<!tpu.dma_semaphore, #tpu.memory_space<semaphore_mem>>
      %dma_start3A_2597 = arith.constant 1024 : i32
      %dma_start3A_2598 = tpu.memref_slice %arg12[%dma_start3A_2597] : memref<1536xf32, #tpu.memory_space<vmem>> -> memref<512xf32, #tpu.memory_space<vmem>>
      %dma_start3A_2599 = tpu.memref_slice %arg6[%add3A_2596] : memref<65536xf32, #tpu.memory_space<hbm>> -> memref<512xf32, #tpu.memory_space<hbm>>
      %dma_start3A_2600 = tpu.memref_slice %arg6[%add3A_2596] : memref<65536xf32, #tpu.memory_space<hbm>> -> memref<512xf32, #tpu.memory_space<hbm>>
      %dma_start3A_2601 = arith.constant 1024 : i32
      %dma_start3A_2602 = tpu.memref_slice %arg12[%dma_start3A_2601] : memref<1536xf32, #tpu.memory_space<vmem>> -> memref<512xf32, #tpu.memory_space<vmem>>
      tpu.enqueue_dma source(%dma_start3A_2602 : memref<512xf32, #tpu.memory_space<vmem>>) target(%dma_start3A_2600 : memref<512xf32, #tpu.memory_space<hbm>>) target_semaphore(%run_scoped3A : memref<!tpu.dma_semaphore, #tpu.memory_space<semaphore_mem>>)
      %dma_wait3A_2603 = arith.constant 1024 : i32
      %dma_wait3A_2604 = tpu.memref_slice %arg12[%dma_wait3A_2603] : memref<1536xf32, #tpu.memory_space<vmem>> -> memref<512xf32, #tpu.memory_space<vmem>>
      %dma_wait3A_2605 = tpu.memref_slice %arg6[%add3A_2596] : memref<65536xf32, #tpu.memory_space<hbm>> -> memref<512xf32, #tpu.memory_space<hbm>>
      %dma_wait3A_2606 = tpu.memref_slice %arg6[%add3A_2596] : memref<65536xf32, #tpu.memory_space<hbm>> -> memref<512xf32, #tpu.memory_space<hbm>>
      %dma_wait3A_2607 = arith.constant 1024 : i32
      %dma_wait3A_2608 = tpu.memref_slice %arg12[%dma_wait3A_2607] : memref<1536xf32, #tpu.memory_space<vmem>> -> memref<512xf32, #tpu.memory_space<vmem>>
      tpu.wait_dma2 semaphore(%run_scoped3A : memref<!tpu.dma_semaphore, #tpu.memory_space<semaphore_mem>>) src(%dma_wait3A_2608 : memref<512xf32, #tpu.memory_space<vmem>>) dst(%dma_wait3A_2606 : memref<512xf32, #tpu.memory_space<hbm>>)
      tpu.yield
    }) : () -> ()
    return
  }
}

module attributes {stable_mosaic.version = 14 : i64} {
  func.func @_ce_body(%arg0: i32, %arg1: memref<20x16x8192xf32, #tpu.memory_space<vmem>>, %arg2: memref<16x8192xi32, #tpu.memory_space<vmem>>, %arg3: memref<1x1xf32, #tpu.memory_space<smem>>) attributes {dimension_semantics = [#tpu.dimension_semantics<arbitrary>], iteration_bounds = array<i64: 7>, scalar_prefetch = 0 : i64, scratch_operands = 0 : i64, tpu.core_type = #tpu.core_type<tc>, window_params = [{transform_indices = @transform_0, window_bounds = array<i64: 20, 16, 8192>}, {transform_indices = @transform_1, window_bounds = array<i64: 16, 8192>}, {transform_indices = @transform_2, window_bounds = array<i64: 1, 1>}]} {
    %get3A = arith.constant 0 : index
    %get3A_0 = arith.constant 0 : index
    %get3A_1 = vector.load %arg2[%get3A, %get3A_0] : memref<16x8192xi32, #tpu.memory_space<vmem>>, vector<16x8192xi32>
    %eq3A = arith.constant 0 : i32
    %eq3A_2 = arith.cmpi eq, %arg0, %eq3A : i32
    %convert_element_type3A = arith.extui %eq3A_2 : i1 to i32
    %cond3A = arith.constant 0 : i32
    %cond3A_3 = arith.cmpi ne, %convert_element_type3A, %cond3A : i32
    scf.if %cond3A_3 {
      %swap3A = arith.constant 0.000000e+00 : f32
      %swap3A_13 = arith.constant 0 : index
      %swap3A_14 = arith.constant 0 : index
      %swap3A_15 = memref.load %arg3[%swap3A_13, %swap3A_14] : memref<1x1xf32, #tpu.memory_space<smem>>
      memref.store %swap3A, %arg3[%swap3A_13, %swap3A_14] : memref<1x1xf32, #tpu.memory_space<smem>>
    } else {
    }
    %lt3A = arith.constant 6 : i32
    %lt3A_4 = arith.cmpi slt, %arg0, %lt3A : i32
    %convert_element_type3A_5 = arith.extui %lt3A_4 : i1 to i32
    %cond3A_6 = arith.constant 0 : i32
    %cond3A_7 = arith.cmpi ne, %convert_element_type3A_5, %cond3A_6 : i32
    scf.if %cond3A_7 {
      %get3A_13 = arith.constant 0 : index
      %get3A_14 = arith.constant 0 : index
      %get3A_15 = memref.load %arg3[%get3A_13, %get3A_14] : memref<1x1xf32, #tpu.memory_space<smem>>
      %get3A_16 = arith.constant 0 : index
      %get3A_17 = arith.constant 0 : index
      %get3A_18 = arith.constant 0 : index
      %get3A_19 = vector.load %arg1[%get3A_16, %get3A_17, %get3A_18] : memref<20x16x8192xf32, #tpu.memory_space<vmem>>, vector<20x16x8192xf32>
      %exp3A = math.exp %get3A_19 : vector<20x16x8192xf32>
      %reduce_sum3A = arith.constant dense<0.000000e+00> : vector<16x8192xf32>
      %reduce_sum3A_20 = vector.multi_reduction <add>, %exp3A, %reduce_sum3A [0] : vector<20x16x8192xf32> to vector<16x8192xf32>
      %broadcast_in_dim3A = vector.shape_cast %reduce_sum3A_20 : vector<16x8192xf32> to vector<1x16x8192xf32>
      %log3A = math.log %broadcast_in_dim3A : vector<1x16x8192xf32>
      %iota3A = tpu.iota {dimensions = array<i32: 0>} : vector<20x16x8192xi32>
      %broadcast_in_dim3A_21 = vector.shape_cast %get3A_1 : vector<16x8192xi32> to vector<1x16x8192xi32>
      %eq3A_22 = vector.broadcast %broadcast_in_dim3A_21 : vector<1x16x8192xi32> to vector<20x16x8192xi32>
      %eq3A_23 = arith.cmpi eq, %iota3A, %eq3A_22 : vector<20x16x8192xi32>
      %jit3A = arith.constant 0.000000e+00 : f32
      %broadcast_in_dim3A_24 = vector.broadcast %jit3A : f32 to vector<20x16x8192xf32>
      %select_n3A = arith.select %eq3A_23, %get3A_19, %broadcast_in_dim3A_24 : vector<20x16x8192xi1>, vector<20x16x8192xf32>
      %reduce_sum3A_25 = vector.shape_cast %log3A : vector<1x16x8192xf32> to vector<1x1x16x8192xf32>
      %reduce_sum3A_26 = arith.constant dense<0.000000e+00> : vector<1xf32>
      %reduce_sum3A_27 = vector.multi_reduction <add>, %reduce_sum3A_25, %reduce_sum3A_26 [1, 2, 3] : vector<1x1x16x8192xf32> to vector<1xf32>
      %reduce_sum3A_28 = vector.shape_cast %reduce_sum3A_27 : vector<1xf32> to vector<1x1x1x1xf32>
      %reduce_sum3A_29 = vector.extract %reduce_sum3A_28[0, 0, 0, 0] : f32 from vector<1x1x1x1xf32>
      %reduce_sum3A_30 = vector.shape_cast %select_n3A : vector<20x16x8192xf32> to vector<1x20x16x8192xf32>
      %reduce_sum3A_31 = arith.constant dense<0.000000e+00> : vector<1xf32>
      %reduce_sum3A_32 = vector.multi_reduction <add>, %reduce_sum3A_30, %reduce_sum3A_31 [1, 2, 3] : vector<1x20x16x8192xf32> to vector<1xf32>
      %reduce_sum3A_33 = vector.shape_cast %reduce_sum3A_32 : vector<1xf32> to vector<1x1x1x1xf32>
      %reduce_sum3A_34 = vector.extract %reduce_sum3A_33[0, 0, 0, 0] : f32 from vector<1x1x1x1xf32>
      %sub3A = arith.subf %reduce_sum3A_29, %reduce_sum3A_34 : f32
      %add3A = arith.addf %get3A_15, %sub3A : f32
      %swap3A = arith.constant 0 : index
      %swap3A_35 = arith.constant 0 : index
      %swap3A_36 = memref.load %arg3[%swap3A, %swap3A_35] : memref<1x1xf32, #tpu.memory_space<smem>>
      memref.store %add3A, %arg3[%swap3A, %swap3A_35] : memref<1x1xf32, #tpu.memory_space<smem>>
    } else {
    }
    %eq3A_8 = arith.constant 6 : i32
    %eq3A_9 = arith.cmpi eq, %arg0, %eq3A_8 : i32
    %convert_element_type3A_10 = arith.extui %eq3A_9 : i1 to i32
    %cond3A_11 = arith.constant 0 : i32
    %cond3A_12 = arith.cmpi ne, %convert_element_type3A_10, %cond3A_11 : i32
    scf.if %cond3A_12 {
      %get3A_13 = arith.constant 0 : index
      %get3A_14 = arith.constant 0 : index
      %get3A_15 = arith.constant 0 : index
      %get3A_16 = vector.load %arg1[%get3A_13, %get3A_14, %get3A_15] : memref<20x16x8192xf32, #tpu.memory_space<vmem>>, vector<20x16x848xf32>
      %slice3A = vector.extract_strided_slice %get3A_1 {offsets = [0, 0], sizes = [16, 848], strides = [1, 1]} : vector<16x8192xi32> to vector<16x848xi32>
      %exp3A = math.exp %get3A_16 : vector<20x16x848xf32>
      %reduce_sum3A = arith.constant dense<0.000000e+00> : vector<16x848xf32>
      %reduce_sum3A_17 = vector.multi_reduction <add>, %exp3A, %reduce_sum3A [0] : vector<20x16x848xf32> to vector<16x848xf32>
      %broadcast_in_dim3A = vector.shape_cast %reduce_sum3A_17 : vector<16x848xf32> to vector<1x16x848xf32>
      %log3A = math.log %broadcast_in_dim3A : vector<1x16x848xf32>
      %iota3A = tpu.iota {dimensions = array<i32: 0>} : vector<20x16x848xi32>
      %broadcast_in_dim3A_18 = vector.shape_cast %slice3A : vector<16x848xi32> to vector<1x16x848xi32>
      %eq3A_19 = vector.broadcast %broadcast_in_dim3A_18 : vector<1x16x848xi32> to vector<20x16x848xi32>
      %eq3A_20 = arith.cmpi eq, %iota3A, %eq3A_19 : vector<20x16x848xi32>
      %jit3A = arith.constant 0.000000e+00 : f32
      %broadcast_in_dim3A_21 = vector.broadcast %jit3A : f32 to vector<20x16x848xf32>
      %select_n3A = arith.select %eq3A_20, %get3A_16, %broadcast_in_dim3A_21 : vector<20x16x848xi1>, vector<20x16x848xf32>
      %reduce_sum3A_22 = vector.shape_cast %log3A : vector<1x16x848xf32> to vector<1x1x16x848xf32>
      %reduce_sum3A_23 = arith.constant dense<0.000000e+00> : vector<1xf32>
      %reduce_sum3A_24 = vector.multi_reduction <add>, %reduce_sum3A_22, %reduce_sum3A_23 [1, 2, 3] : vector<1x1x16x848xf32> to vector<1xf32>
      %reduce_sum3A_25 = vector.shape_cast %reduce_sum3A_24 : vector<1xf32> to vector<1x1x1x1xf32>
      %reduce_sum3A_26 = vector.extract %reduce_sum3A_25[0, 0, 0, 0] : f32 from vector<1x1x1x1xf32>
      %reduce_sum3A_27 = vector.shape_cast %select_n3A : vector<20x16x848xf32> to vector<1x20x16x848xf32>
      %reduce_sum3A_28 = arith.constant dense<0.000000e+00> : vector<1xf32>
      %reduce_sum3A_29 = vector.multi_reduction <add>, %reduce_sum3A_27, %reduce_sum3A_28 [1, 2, 3] : vector<1x20x16x848xf32> to vector<1xf32>
      %reduce_sum3A_30 = vector.shape_cast %reduce_sum3A_29 : vector<1xf32> to vector<1x1x1x1xf32>
      %reduce_sum3A_31 = vector.extract %reduce_sum3A_30[0, 0, 0, 0] : f32 from vector<1x1x1x1xf32>
      %sub3A = arith.subf %reduce_sum3A_26, %reduce_sum3A_31 : f32
      %get3A_32 = arith.constant 0 : index
      %get3A_33 = arith.constant 0 : index
      %get3A_34 = memref.load %arg3[%get3A_32, %get3A_33] : memref<1x1xf32, #tpu.memory_space<smem>>
      %add3A = arith.addf %get3A_34, %sub3A : f32
      %div3A = arith.constant 8.000000e+05 : f32
      %div3A_35 = arith.divf %add3A, %div3A : f32
      %swap3A = arith.constant 0 : index
      %swap3A_36 = arith.constant 0 : index
      %swap3A_37 = memref.load %arg3[%swap3A, %swap3A_36] : memref<1x1xf32, #tpu.memory_space<smem>>
      memref.store %div3A_35, %arg3[%swap3A, %swap3A_36] : memref<1x1xf32, #tpu.memory_space<smem>>
    } else {
    }
    return
  }
  func.func @transform_0(%arg0: i32) -> (i32, i32, i32) {
    %c0_i32 = arith.constant 0 : i32
    %c0_i32_0 = arith.constant 0 : i32
    %c0_i32_1 = arith.constant 0 : i32
    return %c0_i32, %c0_i32_0, %arg0 : i32, i32, i32
  }
  func.func @transform_1(%arg0: i32) -> (i32, i32) {
    %c0_i32 = arith.constant 0 : i32
    %c0_i32_0 = arith.constant 0 : i32
    return %c0_i32, %arg0 : i32, i32
  }
  func.func @transform_2(%arg0: i32) -> (i32, i32) {
    %c0_i32 = arith.constant 0 : i32
    %c0_i32_0 = arith.constant 0 : i32
    %c0_i32_1 = arith.constant 0 : i32
    return %c0_i32, %c0_i32_0 : i32, i32
  }
}

module attributes {stable_mosaic.version = 14 : i64} {
  func.func @_votes_body(%arg0: memref<16x3x1024xf32, #tpu.memory_space<vmem>>, %arg1: memref<16x3x1024xf32, #tpu.memory_space<vmem>>, %arg2: memref<16x3x1024xf32, #tpu.memory_space<vmem>>, %arg3: memref<16x3x1024xf32, #tpu.memory_space<vmem>>, %arg4: memref<16x4x1024xf32, #tpu.memory_space<vmem>>, %arg5: memref<1x1xf32, #tpu.memory_space<smem>>) attributes {dimension_semantics = [], scalar_prefetch = 0 : i64, scratch_operands = 0 : i64, tpu.core_type = #tpu.core_type<tc>} {
    %get3A = arith.constant 0 : index
    %get3A_0 = arith.constant 3 : index
    %get3A_1 = arith.constant 0 : index
    %get3A_2 = vector.load %arg4[%get3A, %get3A_0, %get3A_1] : memref<16x4x1024xf32, #tpu.memory_space<vmem>>, vector<16x1x1024xf32>
    %get3A_3 = vector.shape_cast %get3A_2 : vector<16x1x1024xf32> to vector<16x1024xf32>
    %get3A_4 = arith.constant 0 : index
    %get3A_5 = arith.constant 0 : index
    %get3A_6 = arith.constant 0 : index
    %get3A_7 = vector.load %arg4[%get3A_4, %get3A_5, %get3A_6] : memref<16x4x1024xf32, #tpu.memory_space<vmem>>, vector<16x3x1024xf32>
    %sub3A = arith.constant 1.000000e+00 : f32
    %sub3A_8 = vector.broadcast %sub3A : f32 to vector<16x1024xf32>
    %sub3A_9 = arith.subf %sub3A_8, %get3A_3 : vector<16x1024xf32>
    %reduce_sum3A = arith.constant dense<0.000000e+00> : vector<16xf32>
    %reduce_sum3A_10 = vector.multi_reduction <add>, %get3A_3, %reduce_sum3A [1] : vector<16x1024xf32> to vector<16xf32>
    %broadcast_in_dim3A = vector.shape_cast %reduce_sum3A_10 : vector<16xf32> to vector<16x1xf32>
    %reduce_sum3A_11 = arith.constant dense<0.000000e+00> : vector<16xf32>
    %reduce_sum3A_12 = vector.multi_reduction <add>, %sub3A_9, %reduce_sum3A_11 [1] : vector<16x1024xf32> to vector<16xf32>
    %broadcast_in_dim3A_13 = vector.shape_cast %reduce_sum3A_12 : vector<16xf32> to vector<16x1xf32>
    %add3A = arith.constant 9.99999974E-6 : f32
    %add3A_14 = vector.broadcast %add3A : f32 to vector<16x1xf32>
    %add3A_15 = arith.addf %broadcast_in_dim3A_13, %add3A_14 : vector<16x1xf32>
    %iota3A = tpu.iota {dimensions = array<i32: 1>} : vector<16x3x1024xi32>
    %eq3A = arith.constant 2 : i32
    %eq3A_16 = vector.broadcast %eq3A : i32 to vector<16x3x1024xi32>
    %eq3A_17 = arith.cmpi eq, %iota3A, %eq3A_16 : vector<16x3x1024xi32>
    %convert_element_type3A = arith.extui %eq3A_17 : vector<16x3x1024xi1> to vector<16x3x1024xi32>
    %convert_element_type3A_18 = arith.sitofp %convert_element_type3A : vector<16x3x1024xi32> to vector<16x3x1024xf32>
    %get3A_19 = arith.constant 0 : index
    %get3A_20 = arith.constant 0 : index
    %get3A_21 = arith.constant 0 : index
    %get3A_22 = vector.load %arg0[%get3A_19, %get3A_20, %get3A_21] : memref<16x3x1024xf32, #tpu.memory_space<vmem>>, vector<16x3x1024xf32>
    %sub3A_23 = arith.subf %get3A_22, %get3A_7 : vector<16x3x1024xf32>
    %abs3A = math.absf %sub3A_23 : vector<16x3x1024xf32>
    %reduce_sum3A_24 = arith.constant dense<0.000000e+00> : vector<16x1024xf32>
    %reduce_sum3A_25 = vector.multi_reduction <add>, %abs3A, %reduce_sum3A_24 [1] : vector<16x3x1024xf32> to vector<16x1024xf32>
    %add3A_26 = arith.addf %get3A_22, %convert_element_type3A_18 : vector<16x3x1024xf32>
    %abs3A_27 = math.absf %add3A_26 : vector<16x3x1024xf32>
    %reduce_sum3A_28 = arith.constant dense<0.000000e+00> : vector<16x1024xf32>
    %reduce_sum3A_29 = vector.multi_reduction <add>, %abs3A_27, %reduce_sum3A_28 [1] : vector<16x3x1024xf32> to vector<16x1024xf32>
    %mul3A = arith.mulf %get3A_3, %reduce_sum3A_25 : vector<16x1024xf32>
    %reduce_sum3A_30 = arith.constant dense<0.000000e+00> : vector<16xf32>
    %reduce_sum3A_31 = vector.multi_reduction <add>, %mul3A, %reduce_sum3A_30 [1] : vector<16x1024xf32> to vector<16xf32>
    %broadcast_in_dim3A_32 = vector.shape_cast %reduce_sum3A_31 : vector<16xf32> to vector<16x1xf32>
    %mul3A_33 = arith.mulf %sub3A_9, %reduce_sum3A_29 : vector<16x1024xf32>
    %reduce_sum3A_34 = arith.constant dense<0.000000e+00> : vector<16xf32>
    %reduce_sum3A_35 = vector.multi_reduction <add>, %mul3A_33, %reduce_sum3A_34 [1] : vector<16x1024xf32> to vector<16xf32>
    %broadcast_in_dim3A_36 = vector.shape_cast %reduce_sum3A_35 : vector<16xf32> to vector<16x1xf32>
    %div3A = arith.divf %broadcast_in_dim3A_32, %broadcast_in_dim3A : vector<16x1xf32>
    %div3A_37 = arith.divf %broadcast_in_dim3A_36, %add3A_15 : vector<16x1xf32>
    %add3A_38 = arith.addf %div3A, %div3A_37 : vector<16x1xf32>
    %reduce_sum3A_39 = vector.shape_cast %add3A_38 : vector<16x1xf32> to vector<1x16x1xf32>
    %reduce_sum3A_40 = arith.constant dense<0.000000e+00> : vector<1xf32>
    %reduce_sum3A_41 = vector.multi_reduction <add>, %reduce_sum3A_39, %reduce_sum3A_40 [1, 2] : vector<1x16x1xf32> to vector<1xf32>
    %reduce_sum3A_42 = vector.shape_cast %reduce_sum3A_41 : vector<1xf32> to vector<1x1x1xf32>
    %reduce_sum3A_43 = vector.extract %reduce_sum3A_42[0, 0, 0] : f32 from vector<1x1x1xf32>
    %add3A_44 = arith.constant 0.000000e+00 : f32
    %add3A_45 = arith.addf %add3A_44, %reduce_sum3A_43 : f32
    %get3A_46 = arith.constant 0 : index
    %get3A_47 = arith.constant 0 : index
    %get3A_48 = arith.constant 0 : index
    %get3A_49 = vector.load %arg1[%get3A_46, %get3A_47, %get3A_48] : memref<16x3x1024xf32, #tpu.memory_space<vmem>>, vector<16x3x1024xf32>
    %sub3A_50 = arith.subf %get3A_49, %get3A_7 : vector<16x3x1024xf32>
    %abs3A_51 = math.absf %sub3A_50 : vector<16x3x1024xf32>
    %reduce_sum3A_52 = arith.constant dense<0.000000e+00> : vector<16x1024xf32>
    %reduce_sum3A_53 = vector.multi_reduction <add>, %abs3A_51, %reduce_sum3A_52 [1] : vector<16x3x1024xf32> to vector<16x1024xf32>
    %add3A_54 = arith.addf %get3A_49, %convert_element_type3A_18 : vector<16x3x1024xf32>
    %abs3A_55 = math.absf %add3A_54 : vector<16x3x1024xf32>
    %reduce_sum3A_56 = arith.constant dense<0.000000e+00> : vector<16x1024xf32>
    %reduce_sum3A_57 = vector.multi_reduction <add>, %abs3A_55, %reduce_sum3A_56 [1] : vector<16x3x1024xf32> to vector<16x1024xf32>
    %mul3A_58 = arith.mulf %get3A_3, %reduce_sum3A_53 : vector<16x1024xf32>
    %reduce_sum3A_59 = arith.constant dense<0.000000e+00> : vector<16xf32>
    %reduce_sum3A_60 = vector.multi_reduction <add>, %mul3A_58, %reduce_sum3A_59 [1] : vector<16x1024xf32> to vector<16xf32>
    %broadcast_in_dim3A_61 = vector.shape_cast %reduce_sum3A_60 : vector<16xf32> to vector<16x1xf32>
    %mul3A_62 = arith.mulf %sub3A_9, %reduce_sum3A_57 : vector<16x1024xf32>
    %reduce_sum3A_63 = arith.constant dense<0.000000e+00> : vector<16xf32>
    %reduce_sum3A_64 = vector.multi_reduction <add>, %mul3A_62, %reduce_sum3A_63 [1] : vector<16x1024xf32> to vector<16xf32>
    %broadcast_in_dim3A_65 = vector.shape_cast %reduce_sum3A_64 : vector<16xf32> to vector<16x1xf32>
    %div3A_66 = arith.divf %broadcast_in_dim3A_61, %broadcast_in_dim3A : vector<16x1xf32>
    %div3A_67 = arith.divf %broadcast_in_dim3A_65, %add3A_15 : vector<16x1xf32>
    %add3A_68 = arith.addf %div3A_66, %div3A_67 : vector<16x1xf32>
    %reduce_sum3A_69 = vector.shape_cast %add3A_68 : vector<16x1xf32> to vector<1x16x1xf32>
    %reduce_sum3A_70 = arith.constant dense<0.000000e+00> : vector<1xf32>
    %reduce_sum3A_71 = vector.multi_reduction <add>, %reduce_sum3A_69, %reduce_sum3A_70 [1, 2] : vector<1x16x1xf32> to vector<1xf32>
    %reduce_sum3A_72 = vector.shape_cast %reduce_sum3A_71 : vector<1xf32> to vector<1x1x1xf32>
    %reduce_sum3A_73 = vector.extract %reduce_sum3A_72[0, 0, 0] : f32 from vector<1x1x1xf32>
    %add3A_74 = arith.addf %add3A_45, %reduce_sum3A_73 : f32
    %get3A_75 = arith.constant 0 : index
    %get3A_76 = arith.constant 0 : index
    %get3A_77 = arith.constant 0 : index
    %get3A_78 = vector.load %arg2[%get3A_75, %get3A_76, %get3A_77] : memref<16x3x1024xf32, #tpu.memory_space<vmem>>, vector<16x3x1024xf32>
    %sub3A_79 = arith.subf %get3A_78, %get3A_7 : vector<16x3x1024xf32>
    %abs3A_80 = math.absf %sub3A_79 : vector<16x3x1024xf32>
    %reduce_sum3A_81 = arith.constant dense<0.000000e+00> : vector<16x1024xf32>
    %reduce_sum3A_82 = vector.multi_reduction <add>, %abs3A_80, %reduce_sum3A_81 [1] : vector<16x3x1024xf32> to vector<16x1024xf32>
    %add3A_83 = arith.addf %get3A_78, %convert_element_type3A_18 : vector<16x3x1024xf32>
    %abs3A_84 = math.absf %add3A_83 : vector<16x3x1024xf32>
    %reduce_sum3A_85 = arith.constant dense<0.000000e+00> : vector<16x1024xf32>
    %reduce_sum3A_86 = vector.multi_reduction <add>, %abs3A_84, %reduce_sum3A_85 [1] : vector<16x3x1024xf32> to vector<16x1024xf32>
    %mul3A_87 = arith.mulf %get3A_3, %reduce_sum3A_82 : vector<16x1024xf32>
    %reduce_sum3A_88 = arith.constant dense<0.000000e+00> : vector<16xf32>
    %reduce_sum3A_89 = vector.multi_reduction <add>, %mul3A_87, %reduce_sum3A_88 [1] : vector<16x1024xf32> to vector<16xf32>
    %broadcast_in_dim3A_90 = vector.shape_cast %reduce_sum3A_89 : vector<16xf32> to vector<16x1xf32>
    %mul3A_91 = arith.mulf %sub3A_9, %reduce_sum3A_86 : vector<16x1024xf32>
    %reduce_sum3A_92 = arith.constant dense<0.000000e+00> : vector<16xf32>
    %reduce_sum3A_93 = vector.multi_reduction <add>, %mul3A_91, %reduce_sum3A_92 [1] : vector<16x1024xf32> to vector<16xf32>
    %broadcast_in_dim3A_94 = vector.shape_cast %reduce_sum3A_93 : vector<16xf32> to vector<16x1xf32>
    %div3A_95 = arith.divf %broadcast_in_dim3A_90, %broadcast_in_dim3A : vector<16x1xf32>
    %div3A_96 = arith.divf %broadcast_in_dim3A_94, %add3A_15 : vector<16x1xf32>
    %add3A_97 = arith.addf %div3A_95, %div3A_96 : vector<16x1xf32>
    %reduce_sum3A_98 = vector.shape_cast %add3A_97 : vector<16x1xf32> to vector<1x16x1xf32>
    %reduce_sum3A_99 = arith.constant dense<0.000000e+00> : vector<1xf32>
    %reduce_sum3A_100 = vector.multi_reduction <add>, %reduce_sum3A_98, %reduce_sum3A_99 [1, 2] : vector<1x16x1xf32> to vector<1xf32>
    %reduce_sum3A_101 = vector.shape_cast %reduce_sum3A_100 : vector<1xf32> to vector<1x1x1xf32>
    %reduce_sum3A_102 = vector.extract %reduce_sum3A_101[0, 0, 0] : f32 from vector<1x1x1xf32>
    %add3A_103 = arith.addf %add3A_74, %reduce_sum3A_102 : f32
    %get3A_104 = arith.constant 0 : index
    %get3A_105 = arith.constant 0 : index
    %get3A_106 = arith.constant 0 : index
    %get3A_107 = vector.load %arg3[%get3A_104, %get3A_105, %get3A_106] : memref<16x3x1024xf32, #tpu.memory_space<vmem>>, vector<16x3x1024xf32>
    %sub3A_108 = arith.subf %get3A_107, %get3A_7 : vector<16x3x1024xf32>
    %abs3A_109 = math.absf %sub3A_108 : vector<16x3x1024xf32>
    %reduce_sum3A_110 = arith.constant dense<0.000000e+00> : vector<16x1024xf32>
    %reduce_sum3A_111 = vector.multi_reduction <add>, %abs3A_109, %reduce_sum3A_110 [1] : vector<16x3x1024xf32> to vector<16x1024xf32>
    %add3A_112 = arith.addf %get3A_107, %convert_element_type3A_18 : vector<16x3x1024xf32>
    %abs3A_113 = math.absf %add3A_112 : vector<16x3x1024xf32>
    %reduce_sum3A_114 = arith.constant dense<0.000000e+00> : vector<16x1024xf32>
    %reduce_sum3A_115 = vector.multi_reduction <add>, %abs3A_113, %reduce_sum3A_114 [1] : vector<16x3x1024xf32> to vector<16x1024xf32>
    %mul3A_116 = arith.mulf %get3A_3, %reduce_sum3A_111 : vector<16x1024xf32>
    %reduce_sum3A_117 = arith.constant dense<0.000000e+00> : vector<16xf32>
    %reduce_sum3A_118 = vector.multi_reduction <add>, %mul3A_116, %reduce_sum3A_117 [1] : vector<16x1024xf32> to vector<16xf32>
    %broadcast_in_dim3A_119 = vector.shape_cast %reduce_sum3A_118 : vector<16xf32> to vector<16x1xf32>
    %mul3A_120 = arith.mulf %sub3A_9, %reduce_sum3A_115 : vector<16x1024xf32>
    %reduce_sum3A_121 = arith.constant dense<0.000000e+00> : vector<16xf32>
    %reduce_sum3A_122 = vector.multi_reduction <add>, %mul3A_120, %reduce_sum3A_121 [1] : vector<16x1024xf32> to vector<16xf32>
    %broadcast_in_dim3A_123 = vector.shape_cast %reduce_sum3A_122 : vector<16xf32> to vector<16x1xf32>
    %div3A_124 = arith.divf %broadcast_in_dim3A_119, %broadcast_in_dim3A : vector<16x1xf32>
    %div3A_125 = arith.divf %broadcast_in_dim3A_123, %add3A_15 : vector<16x1xf32>
    %add3A_126 = arith.addf %div3A_124, %div3A_125 : vector<16x1xf32>
    %reduce_sum3A_127 = vector.shape_cast %add3A_126 : vector<16x1xf32> to vector<1x16x1xf32>
    %reduce_sum3A_128 = arith.constant dense<0.000000e+00> : vector<1xf32>
    %reduce_sum3A_129 = vector.multi_reduction <add>, %reduce_sum3A_127, %reduce_sum3A_128 [1, 2] : vector<1x16x1xf32> to vector<1xf32>
    %reduce_sum3A_130 = vector.shape_cast %reduce_sum3A_129 : vector<1xf32> to vector<1x1x1xf32>
    %reduce_sum3A_131 = vector.extract %reduce_sum3A_130[0, 0, 0] : f32 from vector<1x1x1xf32>
    %add3A_132 = arith.addf %add3A_103, %reduce_sum3A_131 : f32
    %div3A_133 = arith.constant 1.600000e+01 : f32
    %div3A_134 = arith.divf %add3A_132, %div3A_133 : f32
    %swap3A = arith.constant 0 : index
    %swap3A_135 = arith.constant 0 : index
    %swap3A_136 = memref.load %arg5[%swap3A, %swap3A_135] : memref<1x1xf32, #tpu.memory_space<smem>>
    memref.store %div3A_134, %arg5[%swap3A, %swap3A_135] : memref<1x1xf32, #tpu.memory_space<smem>>
    return
  }
}

</mosaic_0001>

<sc_bundles>
// kernel: kernel.5.cloned.1.call-start
scs
__scs_entry_jumppad:
0x0: {  	(pc) =	sbr.rel $0x88, $3  }
0x1: {  	(tag) =	ssettag $0x0;
	lr =	simm.s32 $0x1  }
0x2: {  	[smem:$0x3F97] =	sst lr;
	_ =	strace $0xD0000000  }
0x3: {  	_ = 	snop  }
0x4: {  	_ = 	snop  }
0x5: {  	_ = 	snop  }
0x6: {  	_ = 	snop  }
0x7: {  	_ = 	snop  }
__scs_overlays_trampoline_lowered:
0x8: {  	[smem:$0x3FA6] =	sst s0  }
0x9: {  	[smem:$0x3FA7] =	sst s1  }
0xa: {  	[smem:$0x3FA8] =	sst s2  }
0xb: {  	[smem:$0x3FA9] =	sst s3  }
0xc: {  	[smem:$0x3FAA] =	sst s4  }
0xd: {  	[smem:$0x3FAB] =	sst s5  }
0xe: {  	[smem:$0x3FAC] =	sst s6  }
0xf: {  	[smem:$0x3FAD] =	sst s7  }
0x10: {  	[smem:$0x3FAE] =	sst s8  }
0x11: {  	[smem:$0x3FAF] =	sst s9;
	s0 =	simm.s32 @!p0 $0x0  }
0x12: {  	s1 =	sld [smem:$0x3F95];
	s0 =	simm.s32 @p0 $0x1  }
0x13: {  	[smem:$0x3FB0] =	sst s0;
	s0 =	simm.s32 @!p1 $0x0  }
0x14: {  	s2 =	sld [smem:$0x3F94];
	s0 =	simm.s32 @p1 $0x1  }
0x15: {  	[smem:$0x3FB1] =	sst s0;
	s0 =	simm.s32 @!p2 $0x0  }
0x16: {  	s3 =	sld [smem:$0x3FDB];
	s0 =	simm.s32 @p2 $0x1  }
0x17: {  	s4 =	simm.s32 $0x1BF5;
	[smem:$0x3FB3] =	sst s0  }
0x18: {  	s0 =	sld [smem:$0x3F96];
	_ =	swait.ge [sflag:s4], $0x0  }
0x19: {  	s7 =	sld [smem:$0x3F97]  }
0x1a: {  	s8 =	sadd.s32 $0xFFFFE003, lr  }
0x1b: {  	s9 =	sadd.s32 $0xFFFFFEF7, lr;
	s5 =	simm.s32 $0xFFFFFFFF;
	p2 =	slt.u32 s8, $0xFFFFF086  }
0x1c: {  	p1 =	slt.u32 s9, $0xF7A;
	s5 =	simm.s32 @!p2 $0x0  }
0x1d: {  	s5 =	simm.s32 @p1 $0x1;
	p0 =	seq.s32 s7, s2  }
0x1e: {  	s7 =	smul.u32 @!p0 $0xF7A, s2;
	p2 =	seq.s32 @!p0 s5, $0x0  }
0x1f: {  	s9 =	smul.u32 $0xF7A, s1;
	s8 =	simm.s32 @!p0 $0x1BF5;
	p2 =	por !p2, p0  }
0x20: {  	[sflag:s8] =	ssyncset.s32 @!p0 $0xFFFFF086;
	s6 =	sadd.s32 @!p0 s3, s7;
	s7 =	simm.s32 @!p0 $0x108  }
0x21: {  	s3 =	sadd.s32 s3, s9;
	s6 =	sadd.s32 @!p0 $0x88, s6;
	s7 =	simm.s32 @p2 $0x1082  }
0x22: {  	[simem:s7], [sflag:s8] =	dma.local @!p0 [hbm:s6], $0xF7A  }
0x23: {  	s9 =	sor.u32 $0xD0000000, s2;
	s6 =	simm.s32 $0x108;
	_ =	swait.ge @!p0 [sflag:s8], $0x0  }
0x24: {  	s3 =	sadd.s32 $0x88, s3;
	s6 =	simm.s32 @!p1 $0x1082;
	[sflag:s4] =	ssyncset.s32 $0xFFFFF086  }
0x25: {  	[simem:s6], [sflag:s4] =	dma.local [hbm:s3], $0xF7A  }
0x26: {  	[smem:$0x3F97] =	sst s1;
	(tag) =	ssettag s2;
	_ =	strace s9  }
0x27: {  	s1 =	sld [smem:$0x3FA7]  }
0x28: {  	s2 =	sld [smem:$0x3FA8]  }
0x29: {  	s4 =	sld [smem:$0x3FAA]  }
0x2a: {  	p0 =	seq.s32 s5, $0x0;
	s5 =	sld [smem:$0x3FAB]  }
0x2b: {  	s6 =	sld [smem:$0x3FAC]  }
0x2c: {  	s7 =	sld [smem:$0x3FAD]  }
0x2d: {  	s3 =	simm.s32 $0x108;
	s8 =	sld [smem:$0x3FAE]  }
0x2e: {  	s3 =	simm.s32 @!p0 $0x1082;
	s9 =	sld [smem:$0x3FAF]  }
0x2f: {  	lr =	sadd.s32 s0, s3;
	s0 =	sld [smem:$0x3FA6]  }
0x30: {  	s3 =	sld [smem:$0x3FA9]  }
0x31: {  	[smem:$0x3FB2] =	sst s10  }
0x32: {  	s10 =	sld [smem:$0x3FB0];
	_ =	sdelay $0x3  }
0x33: {  	p0 =	seq.s32 s10, $0x1;
	s10 =	sld [smem:$0x3FB2];
	_ =	sdelay $0x3  }
0x34: {  	[smem:$0x3FB2] =	sst s10  }
0x35: {  	s10 =	sld [smem:$0x3FB1];
	_ =	sdelay $0x3  }
0x36: {  	p1 =	seq.s32 s10, $0x1;
	s10 =	sld [smem:$0x3FB2];
	_ =	sdelay $0x3  }
0x37: {  	[smem:$0x3FB2] =	sst s10  }
0x38: {  	s10 =	sld [smem:$0x3FB3]  }
0x39: {  	_ = 	snop;
	(pc) =	sbr.ind lr, $3  }
0x3a: {  	_ = 	snop  }
0x3b: {  	_ = 	snop  }
0x3c: {  	p2 =	seq.s32 s10, $0x1;
	s10 =	sld [smem:$0x3FB2]  }
0x3d: {  	_ =	shalt  }
0x3e: {  	_ =	shalt  }
0x3f: {  	_ =	shalt  }
0x40: {  	_ =	shalt  }
0x41: {  	_ =	shalt  }
0x42: {  	_ =	shalt  }
0x43: {  	_ =	shalt  }
0x44: {  	_ =	shalt  }
0x45: {  	_ =	shalt  }
0x46: {  	_ =	shalt  }
0x47: {  	_ =	shalt  }
0x48: {  	_ =	shalt  }
0x49: {  	_ =	shalt  }
0x4a: {  	_ =	shalt  }
0x4b: {  	_ =	shalt  }
0x4c: {  	_ =	shalt  }
0x4d: {  	_ =	shalt  }
0x4e: {  	_ =	shalt  }
0x4f: {  	_ =	shalt  }
0x50: {  	_ =	shalt  }
0x51: {  	_ =	shalt  }
0x52: {  	_ =	shalt  }
0x53: {  	_ =	shalt  }
0x54: {  	_ =	shalt  }
0x55: {  	_ =	shalt  }
0x56: {  	_ =	shalt  }
0x57: {  	_ =	shalt  }
0x58: {  	_ =	shalt  }
0x59: {  	_ =	shalt  }
0x5a: {  	_ =	shalt  }
0x5b: {  	_ =	shalt  }
0x5c: {  	_ =	shalt  }
0x5d: {  	_ =	shalt  }
0x5e: {  	_ =	shalt  }
0x5f: {  	_ =	shalt  }
0x60: {  	_ =	shalt  }
0x61: {  	_ =	shalt  }
0x62: {  	_ =	shalt  }
0x63: {  	_ =	shalt  }
0x64: {  	_ =	shalt  }
0x65: {  	_ =	shalt  }
0x66: {  	_ =	shalt  }
0x67: {  	_ =	shalt  }
0x68: {  	_ =	shalt  }
0x69: {  	_ =	shalt  }
0x6a: {  	_ =	shalt  }
0x6b: {  	_ =	shalt  }
0x6c: {  	_ =	shalt  }
0x6d: {  	_ =	shalt  }
0x6e: {  	_ =	shalt  }
0x6f: {  	_ =	shalt  }
0x70: {  	_ =	shalt  }
0x71: {  	_ =	shalt  }
0x72: {  	_ =	shalt  }
0x73: {  	_ =	shalt  }
0x74: {  	_ =	shalt  }
0x75: {  	_ =	shalt  }
0x76: {  	_ =	shalt  }
0x77: {  	_ =	shalt  }
0x78: {  	_ =	shalt  }
0x79: {  	_ =	shalt  }
0x7a: {  	_ =	shalt  }
0x7b: {  	_ =	shalt  }
0x7c: {  	_ =	shalt  }
0x7d: {  	_ =	shalt  }
0x7e: {  	_ =	shalt  }
0x7f: {  	_ =	shalt  }
0x80: {  	_ =	shalt  }
0x81: {  	_ =	shalt  }
0x82: {  	_ =	shalt  }
0x83: {  	_ =	shalt  }
0x84: {  	_ =	shalt  }
0x85: {  	_ =	shalt  }
0x86: {  	_ =	shalt  }
0x87: {  	_ =	shalt  }
.Lfunc_end0:
.L_simem_size_0:
called_computation_lowered:
.L_overlay_start_0:
0x88: {  	s2 =	sld [smem:$0x3FD9]  }
0x89: {  	s3 =	sld [smem:$0x3FFE];
	_ =	sdelay $0x1  }
0x8a: {  	s1 =	srdreg.scid  }
0x8b: {  	s0 =	sand.u32 $0x1, s1  }
0x8c: {  	s16 =	sshll.u32 s0, $0xA;
	s2 =	sadd.s32 s3, s2  }
0x8d: {  	s2 =	sadd.s32 s2, s16  }
0x8e: {  	[smem:$0x3FBE] =	sst s2  }
0x8f: {  	_ = 	snop  }
0x90: {  	(tm) =	ssettm $0x1  }
0x91: {  	s17 =	sld [smem:$0x3FFB];
	_ =	sdelay $0x3  }
0x92: {  	_ =	strace s17  }
0x93: {  	s2 =	sld [smem:$0x3FFC];
	_ =	sdelay $0x3  }
0x94: {  	_ =	strace s2  }
0x95: {  	s2 =	sld [smem:$0x3FFD];
	_ =	sdelay $0x3  }
0x96: {  	_ =	strace s2  }
0x97: {  	_ =	strace $0x8FFFFFFF  }
0x98: {  	s18 =	sld [smem:$0x3FDB];
	_ =	sdelay $0x1  }
0x99: {  	s19 =	simm.s32 $_scs_section_size  }
0x9a: {  	s4 =	simm.s32 $_size__tile_overlayer_lowered;
	s5 =	simm.s32 $_tile_overlayer_lowered  }
0x9b: {  	s22 =	simm.s32 $0x1BFF;
	s21 =	sshll.u32 s5, $0x1;
	s2 =	sadd.s32 s19, s18  }
0x9c: {  	s6 =	simm.s32 $0x0;
	s20 =	sshll.u32 s4, $0x1;
	s4 =	sadd.s32 s21, s2  }
0x9d: {  	[timem:s6], [sflag:s22] =	dma.local [hbm:s4], s20  }
0x9e: {  	_ =	swait.ge [sflag:s22], s20  }
0x9f: {  	s3 =	ssub.s32 $0x0, s20;
	[sflag:s22] =	ssyncset.done $0x0  }
0xa0: {  	[sflag:s22] =	ssyncadd.s32 s3;
	_ =	sdelay $0x1  }
0xa1: {  	s23 =	simm.s32 $0x1B8B  }
0xa2: {  	_ =	swait.ge [sflag:s23], $0x1  }
0xa3: {  	[sflag:s23] =	ssyncset.done $0x0  }
0xa4: {  	s25 =	simm.s32 $0x1B8E;
	s24 =	sld [smem:$0x3FFE];
	[sflag:s23] =	ssyncadd.s32 $0xFFFFFFFF  }
0xa5: {  	s26 =	simm.s32 $execute0_lowered;
	[smem:$0x3FD2] =	sst s25  }
0xa6: {  	s4 =	sshll.u32 s26, $0x1;
	_ =	strace $0x80000046;
	[dreg:$0x1] =	wrdreg $0xFFFFFFFF  }
0xa7: {  	s28 =	simm.s32 $_size_execute0_lowered;
	s2 =	sadd.s32 s2, s4;
	[dreg:$0x0] =	wrdreg $0x0  }
0xa8: {  	s4 =	sshll.u32 s28, $0x1;
	[dreg:$0x2] =	wrdreg s2  }
0xa9: {  	[dreg:$0x3] =	wrdreg s4  }
0xaa: {  	[dreg:$0x4] =	wrdreg $0xC0  }
0xab: {  	_ =	task [dreg:s6], $0x5FFFF  }
0xac: {  	[dreg:$0x1] =	wrdreg $0xFFFFFFFF  }
0xad: {  	[dreg:$0x0] =	wrdreg $0x60  }
0xae: {  	[dreg:$0x2] =	wrdreg s24  }
0xaf: {  	[dreg:$0x3] =	wrdreg $0x9  }
0xb0: {  	_ =	task.clear_ibuf [dreg:s6], $0x4FFFF;
	_ =	strace $0x90000046  }
0xb1: {  	s29 =	simm.s32 $0x9;
	_ =	strace $0x80000048  }
0xb2: {  	_ =	swait.ge [sflag:s29], $0x1  }
0xb3: {  	[sflag:s29] =	ssyncadd.s32 $0xFFFFFFFF  }
0xb4: {  	_ =	strace $0x90000048  }
0xb5: {  	_ =	sfence  }
0xb6: {  	s30 =	sld [smem:$0x0];
	_ =	sdelay $0x2  }
0xb7: {  	s31 =	sshll.u32 s1, $0xD;
	s1 =	sshrl.u32 s1, $0x2  }
0xb8: {  	s3 =	sand.u32 $0x4000, s31;
	s1 =	sadd.s32 s1, s30  }
0xb9: {  	s0 =	sor.u32 s3, s0;
	s1 =	sshll.u32 s1, $0x11  }
0xba: {  	s0 =	sor.u32 s1, s0  }
0xbb: {  	s0 =	sadd.s32 $0x8F2B, s0  }
0xbc: {  	[sflag:s0] =	ssyncadd.remote.s32 $0x1  }
0xbd: {  	_ =	sfence.sel $0xFFFF  }
0xbe: {  	[dreg:$0x0] =	wrdreg $0xFFFFFFFF;
	(pc) =	sbr.abs _section_cstart, $3  }
0xbf: {  	[dreg:$0x1] =	wrdreg $0xFFFFFFFF  }
0xc0: {  	_ =	task.clear_ibuf [dreg:s6], $0x2FFFF;
	_ =	strace $0x9FFFFFFF  }
0xc1: {  	(tm) =	ssettm $0x7FFFFFFF  }
tec
execute0_lowered:
.L_overlay_start_1:
0x0: {  	(tag) =	ssettag $0x1  }
0x1: {  	s1 =	srdreg.scid;
	s0 =	stileid.u32  }
0x2: {  	s7 =	rddreg [dreg:$0x0];
	s2 =	simm.s32 $0x0;
	s9 =	simm.s32 $0x1  }
0x3: {  	s14 =	simm.s32 $0x200;
	s15 =	simm.s32 $0x400;
	s16 =	simm.s32 $0x600  }
0x4: {  	s17 =	simm.s32 $0x800;
	s18 =	simm.s32 $0xE00;
	s6 =	sand.u32 $0x1, s1  }
0x5: {  	s19 =	simm.s32 $0x1400;
	s3 =	sshll.u32 s0, $0xA;
	s4 =	sshll.u32 s6, $0x9  }
0x6: {  	s20 =	simm.s32 $0x2;
	s1 =	rddreg [dreg:$0x1];
	s8 =	sor.u32 s4, s3  }
0x7: {  	[smem:$0x7FF] =	sst s2;
	p1 =	seq.s32 s6, $0x1;
	p0 =	seq.s32 s8, $0x0  }
0x8: {  	s5 =	sadd.s32 $0x4B600, s7;
	s11 =	sadd.s32 $0xADA00, s7;
	p0 =	por !p0, !p1  }
0x9: {  	_ =	strace $0x80000047;
	s6 =	ssub.s32 $0x2, s6;
	p0 =	por !p0, !p0  }
0xa: {  	s4 =	sadd.s32 $0x2200, s7;
	s12 =	sshrl.u32 s6, $0x1;
	s9 =	simm.s32 @!p0 $0x0  }
0xb: {  	s3 =	sshrl.u32 s8, $0x3;
	s12 =	ssub.s32 s6, s12;
	s9 =	ssub.s32 s0, s9  }
0xc: {  	s10 =	sadd.s32 s3, s7;
	s3 =	sadd.s32 $0x94A00, s7;
	s28 =	sshll.u32 s9, $0xA  }
0xd: {  	s29 =	sshll.u32 s9, $0xC;
	s21 =	smul.u32 $0xC350, s9;
	s7 =	ssub.s32 s8, s28  }
0xe: {  	s12 =	smax.u32 s12, $0x1;
	s6 =	sadd.s32 $0xAD200, s10;
	s30 =	sadd.s32 s29, s7  }
0xf: {  	s7 =	simm.s32 $0x1;
	s22 =	sadd.s32 $0xC3500, s21;
	s23 =	sadd.s32 $0x186A00, s21  }
0x10: {  	v0 =	vmov s21;
	s21 =	simm.s32 $0x3;
	s8 =	sadd.s32 $0xC00, s30;
	s31 =	sadd.s32 $0x400, s30  }
0x11: {  	s13 =	sadd.s32 $0x800, s30;
	s9 =	sshrl.u32 s30, $0x3;
	v57 =	vmov s22;
	s22 =	simm.s32 $0x1000  }
0x12: {  	v2 =	vmov s23;
	s23 =	simm.s32 $0x1200;
	s8 =	sshrl.u32 s8, $0x3;
	s10 =	sshrl.u32 s31, $0x3  }
0x13: {  	s13 =	sshrl.u32 s13, $0x3;
	s9 =	sadd.s32 s11, s9;
	s8 =	sadd.s32 s11, s8  }
0x14: {  	s10 =	sadd.s32 s11, s10;
	s11 =	sadd.s32 s11, s13;
	s13 =	simm.s32 $0x4  }
.LBB2_1:
0x15: {  	[tilespmem:s2], [sflag:$0x4] =	stream.linear.gather [hbm4b:s6+s2], $0x200, $0x38;
	[tilespmem:$0x1A00] =	vst v63  }
0x16: {  	_ =	swait.ge [sflag:s13], $0x200  }
0x17: {  	[sflag:s13] =	ssyncset.done $0x0  }
0x18: {  	[sflag:s13] =	ssyncadd.s32 $0xFFFFFE00  }
0x19: {  	v3 =	vld [tilespmem:$0x0]  }
0x1a: {  	v4 =	vld [tilespmem:$0x10]  }
0x1b: {  	v5 =	vld [tilespmem:$0x20]  }
0x1c: {  	v6 =	vld [tilespmem:$0x30]  }
0x1d: {  	v7 =	vld [tilespmem:$0x40]  }
0x1e: {  	v8 =	vld [tilespmem:$0x50];
	v3 =	vadd.s32 v0, v3  }
0x1f: {  	v17 =	vld [tilespmem:$0x60];
	[tilespmem:$0x200] =	vst v3;
	v3 =	vadd.s32 v0, v4  }
0x20: {  	v18 =	vld [tilespmem:$0x70];
	[tilespmem:$0x210] =	vst v3;
	v3 =	vadd.s32 v0, v5  }
0x21: {  	v19 =	vld [tilespmem:$0x80];
	[tilespmem:$0x220] =	vst v3;
	v3 =	vadd.s32 v0, v6  }
0x22: {  	v20 =	vld [tilespmem:$0x90];
	[tilespmem:$0x230] =	vst v3;
	v3 =	vadd.s32 v0, v7  }
0x23: {  	v21 =	vld [tilespmem:$0xA0];
	[tilespmem:$0x240] =	vst v3;
	v3 =	vadd.s32 v0, v8  }
0x24: {  	v22 =	vld [tilespmem:$0xB0];
	[tilespmem:$0x250] =	vst v3;
	v3 =	vadd.s32 v0, v17  }
0x25: {  	v23 =	vld [tilespmem:$0xC0];
	[tilespmem:$0x260] =	vst v3;
	v3 =	vadd.s32 v0, v18  }
0x26: {  	v24 =	vld [tilespmem:$0xD0];
	[tilespmem:$0x270] =	vst v3;
	v3 =	vadd.s32 v0, v19  }
0x27: {  	v25 =	vld [tilespmem:$0xE0];
	[tilespmem:$0x280] =	vst v3;
	v3 =	vadd.s32 v0, v20  }
0x28: {  	v26 =	vld [tilespmem:$0xF0];
	[tilespmem:$0x290] =	vst v3;
	v3 =	vadd.s32 v0, v21  }
0x29: {  	v27 =	vld [tilespmem:$0x100];
	[tilespmem:$0x2A0] =	vst v3;
	v3 =	vadd.s32 v0, v22  }
0x2a: {  	v28 =	vld [tilespmem:$0x110];
	[tilespmem:$0x2B0] =	vst v3;
	v3 =	vadd.s32 v0, v23  }
0x2b: {  	v29 =	vld [tilespmem:$0x120];
	[tilespmem:$0x2C0] =	vst v3;
	v3 =	vadd.s32 v0, v24  }
0x2c: {  	v30 =	vld [tilespmem:$0x130];
	[tilespmem:$0x2D0] =	vst v3;
	v3 =	vadd.s32 v0, v25  }
0x2d: {  	v31 =	vld [tilespmem:$0x140];
	[tilespmem:$0x2E0] =	vst v3;
	v3 =	vadd.s32 v0, v26  }
0x2e: {  	v32 =	vld [tilespmem:$0x150];
	[tilespmem:$0x2F0] =	vst v3;
	v3 =	vadd.s32 v0, v27  }
0x2f: {  	v33 =	vld [tilespmem:$0x160];
	[tilespmem:$0x300] =	vst v3;
	v3 =	vadd.s32 v0, v28  }
0x30: {  	v34 =	vld [tilespmem:$0x170];
	[tilespmem:$0x310] =	vst v3;
	v3 =	vadd.s32 v0, v29  }
0x31: {  	v35 =	vld [tilespmem:$0x180];
	[tilespmem:$0x320] =	vst v3;
	v3 =	vadd.s32 v0, v30  }
0x32: {  	v36 =	vld [tilespmem:$0x190];
	[tilespmem:$0x330] =	vst v3;
	v3 =	vadd.s32 v0, v31  }
0x33: {  	v37 =	vld [tilespmem:$0x1A0];
	[tilespmem:$0x340] =	vst v3;
	v3 =	vadd.s32 v0, v32  }
0x34: {  	v38 =	vld [tilespmem:$0x1B0];
	[tilespmem:$0x350] =	vst v3;
	v3 =	vadd.s32 v0, v33  }
0x35: {  	v39 =	vld [tilespmem:$0x1C0];
	[tilespmem:$0x360] =	vst v3;
	v3 =	vadd.s32 v0, v34  }
0x36: {  	v40 =	vld [tilespmem:$0x1D0];
	[tilespmem:$0x370] =	vst v3;
	v3 =	vadd.s32 v0, v35  }
0x37: {  	v41 =	vld [tilespmem:$0x1E0];
	[tilespmem:$0x380] =	vst v3;
	v3 =	vadd.s32 v0, v36  }
0x38: {  	v42 =	vld [tilespmem:$0x1F0];
	[tilespmem:$0x390] =	vst v3;
	v3 =	vadd.s32 v0, v37  }
0x39: {  	v43 =	vld [tilespmem:$0x0];
	[tilespmem:$0x3A0] =	vst v3;
	v3 =	vadd.s32 v0, v38  }
0x3a: {  	v44 =	vld [tilespmem:$0x10];
	[tilespmem:$0x3B0] =	vst v3;
	v3 =	vadd.s32 v0, v39  }
0x3b: {  	v45 =	vld [tilespmem:$0x20];
	[tilespmem:$0x3C0] =	vst v3;
	v3 =	vadd.s32 v0, v40  }
0x3c: {  	v46 =	vld [tilespmem:$0x30];
	[tilespmem:$0x3D0] =	vst v3;
	v3 =	vadd.s32 v0, v41  }
0x3d: {  	v47 =	vld [tilespmem:$0x40];
	[tilespmem:$0x3E0] =	vst v3;
	v3 =	vadd.s32 v0, v42  }
0x3e: {  	v48 =	vld [tilespmem:$0x50];
	[tilespmem:$0x3F0] =	vst v3;
	v3 =	vadd.s32 v0, v43  }
0x3f: {  	v49 =	vld [tilespmem:$0x60];
	[tilespmem:$0x800] =	vst v3;
	v3 =	vadd.s32 v0, v44  }
0x40: {  	v50 =	vld [tilespmem:$0x70];
	[tilespmem:$0x810] =	vst v3;
	v3 =	vadd.s32 v0, v45  }
0x41: {  	v51 =	vld [tilespmem:$0x80];
	[tilespmem:$0x820] =	vst v3;
	v3 =	vadd.s32 v0, v46  }
0x42: {  	v52 =	vld [tilespmem:$0x90];
	[tilespmem:$0x830] =	vst v3;
	v3 =	vadd.s32 v0, v47  }
0x43: {  	v53 =	vld [tilespmem:$0xA0];
	[tilespmem:$0x840] =	vst v3;
	v3 =	vadd.s32 v0, v48  }
0x44: {  	v54 =	vld [tilespmem:$0xB0];
	[tilespmem:$0x850] =	vst v3;
	v3 =	vadd.s32 v0, v49  }
0x45: {  	v55 =	vld [tilespmem:$0xC0];
	[tilespmem:$0x860] =	vst v3;
	v3 =	vadd.s32 v0, v50  }
0x46: {  	v56 =	vld [tilespmem:$0xD0];
	[tilespmem:$0x870] =	vst v3;
	v3 =	vadd.s32 v0, v51  }
0x47: {  	v58 =	vld [tilespmem:$0xE0];
	[tilespmem:$0x880] =	vst v3;
	v3 =	vadd.s32 v0, v52  }
0x48: {  	v59 =	vld [tilespmem:$0xF0];
	[tilespmem:$0x890] =	vst v3;
	v3 =	vadd.s32 v0, v53  }
0x49: {  	v60 =	vld [tilespmem:$0x100];
	[tilespmem:$0x8A0] =	vst v3;
	v3 =	vadd.s32 v0, v54  }
0x4a: {  	v61 =	vld [tilespmem:$0x110];
	[tilespmem:$0x8B0] =	vst v3;
	v3 =	vadd.s32 v0, v55  }
0x4b: {  	v62 =	vld [tilespmem:$0x120];
	[tilespmem:$0x8C0] =	vst v3;
	v3 =	vadd.s32 v0, v56  }
0x4c: {  	v63 =	vld [tilespmem:$0x130];
	[tilespmem:$0x8D0] =	vst v3;
	v3 =	vadd.s32 v0, v58  }
0x4d: {  	v12 =	vld [tilespmem:$0x140];
	[tilespmem:$0x8E0] =	vst v3;
	v3 =	vadd.s32 v0, v59  }
0x4e: {  	v13 =	vld [tilespmem:$0x150];
	[tilespmem:$0x8F0] =	vst v3;
	v3 =	vadd.s32 v0, v60  }
0x4f: {  	v14 =	vld [tilespmem:$0x160];
	[tilespmem:$0x900] =	vst v3;
	v3 =	vadd.s32 v0, v61  }
0x50: {  	v15 =	vld [tilespmem:$0x170];
	[tilespmem:$0x910] =	vst v3;
	v3 =	vadd.s32 v0, v62  }
0x51: {  	v16 =	vld [tilespmem:$0x180];
	[tilespmem:$0x920] =	vst v3;
	v3 =	vadd.s32 v0, v63  }
0x52: {  	v17 =	vld [tilespmem:$0x190];
	[tilespmem:$0x930] =	vst v3;
	v3 =	vadd.s32 v0, v12  }
0x53: {  	v18 =	vld [tilespmem:$0x1A0];
	[tilespmem:$0x940] =	vst v3;
	v3 =	vadd.s32 v0, v13  }
0x54: {  	v19 =	vld [tilespmem:$0x1B0];
	[tilespmem:$0x950] =	vst v3;
	v3 =	vadd.s32 v0, v14  }
0x55: {  	v20 =	vld [tilespmem:$0x1C0];
	[tilespmem:$0x960] =	vst v3;
	v3 =	vadd.s32 v0, v15  }
0x56: {  	v21 =	vld [tilespmem:$0x1D0];
	[tilespmem:$0x970] =	vst v3;
	v3 =	vadd.s32 v0, v16  }
0x57: {  	v22 =	vld [tilespmem:$0x1E0];
	[tilespmem:$0x980] =	vst v3;
	v3 =	vadd.s32 v0, v17  }
0x58: {  	v23 =	vld [tilespmem:$0x1F0];
	[tilespmem:$0x990] =	vst v3;
	v3 =	vadd.s32 v0, v18  }
0x59: {  	v24 =	vld [tilespmem:$0x0];
	[tilespmem:$0x9A0] =	vst v3;
	v3 =	vadd.s32 v0, v19  }
0x5a: {  	[tilespmem:$0x9B0] =	vst v3;
	v3 =	vadd.s32 v0, v20  }
0x5b: {  	[tilespmem:$0x9C0] =	vst v3;
	v3 =	vadd.s32 v0, v21  }
0x5c: {  	[tilespmem:$0x9D0] =	vst v3;
	v3 =	vadd.s32 v0, v22  }
0x5d: {  	[tilespmem:$0x9E0] =	vst v3;
	v3 =	vadd.s32 v0, v23  }
0x5e: {  	[tilespmem:$0x9F0] =	vst v3;
	v3 =	vadd.s32 v57, v24  }
0x5f: {  	[tilespmem:$0xA00] =	vst v3;
	v3 =	vld [tilespmem:$0x10]  }
0x60: {  	v25 =	vld [tilespmem:$0x20]  }
0x61: {  	v26 =	vld [tilespmem:$0x30]  }
0x62: {  	v27 =	vld [tilespmem:$0x40]  }
0x63: {  	v28 =	vld [tilespmem:$0x50]  }
0x64: {  	v29 =	vld [tilespmem:$0x60];
	v3 =	vadd.s32 v57, v3  }
0x65: {  	v30 =	vld [tilespmem:$0x70];
	[tilespmem:$0xA10] =	vst v3;
	v3 =	vadd.s32 v57, v25  }
0x66: {  	v31 =	vld [tilespmem:$0x80];
	[tilespmem:$0xA20] =	vst v3;
	v3 =	vadd.s32 v57, v26  }
0x67: {  	v32 =	vld [tilespmem:$0x90];
	[tilespmem:$0xA30] =	vst v3;
	v3 =	vadd.s32 v57, v27  }
0x68: {  	v33 =	vld [tilespmem:$0xA0];
	[tilespmem:$0xA40] =	vst v3;
	v3 =	vadd.s32 v57, v28  }
0x69: {  	v34 =	vld [tilespmem:$0xB0];
	[tilespmem:$0xA50] =	vst v3;
	v3 =	vadd.s32 v57, v29  }
0x6a: {  	v35 =	vld [tilespmem:$0xC0];
	[tilespmem:$0xA60] =	vst v3;
	v3 =	vadd.s32 v57, v30  }
0x6b: {  	v36 =	vld [tilespmem:$0xD0];
	[tilespmem:$0xA70] =	vst v3;
	v3 =	vadd.s32 v57, v31  }
0x6c: {  	v37 =	vld [tilespmem:$0xE0];
	[tilespmem:$0xA80] =	vst v3;
	v3 =	vadd.s32 v57, v32  }
0x6d: {  	v38 =	vld [tilespmem:$0xF0];
	[tilespmem:$0xA90] =	vst v3;
	v3 =	vadd.s32 v57, v33  }
0x6e: {  	v39 =	vld [tilespmem:$0x100];
	[tilespmem:$0xAA0] =	vst v3;
	v3 =	vadd.s32 v57, v34  }
0x6f: {  	v40 =	vld [tilespmem:$0x110];
	[tilespmem:$0xAB0] =	vst v3;
	v3 =	vadd.s32 v57, v35  }
0x70: {  	v41 =	vld [tilespmem:$0x120];
	[tilespmem:$0xAC0] =	vst v3;
	v3 =	vadd.s32 v57, v36  }
0x71: {  	v42 =	vld [tilespmem:$0x130];
	[tilespmem:$0xAD0] =	vst v3;
	v3 =	vadd.s32 v57, v37  }
0x72: {  	v43 =	vld [tilespmem:$0x140];
	[tilespmem:$0xAE0] =	vst v3;
	v3 =	vadd.s32 v57, v38  }
0x73: {  	v44 =	vld [tilespmem:$0x150];
	[tilespmem:$0xAF0] =	vst v3;
	v3 =	vadd.s32 v57, v39  }
0x74: {  	v45 =	vld [tilespmem:$0x160];
	[tilespmem:$0xB00] =	vst v3;
	v3 =	vadd.s32 v57, v40  }
0x75: {  	v46 =	vld [tilespmem:$0x170];
	[tilespmem:$0xB10] =	vst v3;
	v3 =	vadd.s32 v57, v41  }
0x76: {  	v47 =	vld [tilespmem:$0x180];
	[tilespmem:$0xB20] =	vst v3;
	v3 =	vadd.s32 v57, v42  }
0x77: {  	v48 =	vld [tilespmem:$0x190];
	[tilespmem:$0xB30] =	vst v3;
	v3 =	vadd.s32 v57, v43  }
0x78: {  	v49 =	vld [tilespmem:$0x1A0];
	[tilespmem:$0xB40] =	vst v3;
	v3 =	vadd.s32 v57, v44  }
0x79: {  	v50 =	vld [tilespmem:$0x1B0];
	[tilespmem:$0xB50] =	vst v3;
	v3 =	vadd.s32 v57, v45  }
0x7a: {  	v51 =	vld [tilespmem:$0x1C0];
	[tilespmem:$0xB60] =	vst v3;
	v3 =	vadd.s32 v57, v46  }
0x7b: {  	v52 =	vld [tilespmem:$0x1D0];
	[tilespmem:$0xB70] =	vst v3;
	v3 =	vadd.s32 v57, v47  }
0x7c: {  	v53 =	vld [tilespmem:$0x1E0];
	[tilespmem:$0xB80] =	vst v3;
	v3 =	vadd.s32 v57, v48  }
0x7d: {  	v54 =	vld [tilespmem:$0x1F0];
	[tilespmem:$0xB90] =	vst v3;
	v3 =	vadd.s32 v57, v49  }
0x7e: {  	v55 =	vld [tilespmem:$0x0];
	[tilespmem:$0xBA0] =	vst v3;
	v3 =	vadd.s32 v57, v50  }
0x7f: {  	v56 =	vld [tilespmem:$0x10];
	[tilespmem:$0xBB0] =	vst v3;
	v3 =	vadd.s32 v57, v51  }
0x80: {  	v58 =	vld [tilespmem:$0x20];
	[tilespmem:$0xBC0] =	vst v3;
	v3 =	vadd.s32 v57, v52  }
0x81: {  	v59 =	vld [tilespmem:$0x30];
	[tilespmem:$0xBD0] =	vst v3;
	v3 =	vadd.s32 v57, v53  }
0x82: {  	v60 =	vld [tilespmem:$0x40];
	[tilespmem:$0xBE0] =	vst v3;
	v3 =	vadd.s32 v57, v54  }
0x83: {  	v61 =	vld [tilespmem:$0x50];
	[tilespmem:$0xBF0] =	vst v3;
	v3 =	vadd.s32 v2, v55  }
0x84: {  	v62 =	vld [tilespmem:$0x60];
	[tilespmem:$0xC00] =	vst v3;
	v3 =	vadd.s32 v2, v56  }
0x85: {  	[tilespmem:$0xC10] =	vst v3;
	v3 =	vadd.s32 v2, v58  }
0x86: {  	v63 =	vld [tilespmem:$0x70];
	[tilespmem:$0xC20] =	vst v3;
	v3 =	vadd.s32 v2, v59  }
0x87: {  	v12 =	vld [tilespmem:$0x80];
	[tilespmem:$0xC30] =	vst v3;
	v3 =	vadd.s32 v2, v60  }
0x88: {  	v13 =	vld [tilespmem:$0x90];
	[tilespmem:$0xC40] =	vst v3;
	v3 =	vadd.s32 v2, v61  }
0x89: {  	v14 =	vld [tilespmem:$0xA0];
	[tilespmem:$0xC50] =	vst v3;
	v3 =	vadd.s32 v2, v62  }
0x8a: {  	v15 =	vld [tilespmem:$0xB0];
	[tilespmem:$0xC60] =	vst v3  }
0x8b: {  	v3 =	vadd.s32 v2, v63;
	v16 =	vld [tilespmem:$0xC0]  }
0x8c: {  	[tilespmem:$0xC70] =	vst v3;
	v3 =	vadd.s32 v2, v12;
	v17 =	vld [tilespmem:$0xD0]  }
0x8d: {  	v18 =	vld [tilespmem:$0xE0];
	[tilespmem:$0xC80] =	vst v3;
	v3 =	vadd.s32 v2, v13  }
0x8e: {  	v19 =	vld [tilespmem:$0xF0];
	[tilespmem:$0xC90] =	vst v3;
	v3 =	vadd.s32 v2, v14  }
0x8f: {  	v20 =	vld [tilespmem:$0x100];
	[tilespmem:$0xCA0] =	vst v3;
	v3 =	vadd.s32 v2, v15  }
0x90: {  	v21 =	vld [tilespmem:$0x110];
	[tilespmem:$0xCB0] =	vst v3;
	v3 =	vadd.s32 v2, v16  }
0x91: {  	v22 =	vld [tilespmem:$0x120];
	[tilespmem:$0xCC0] =	vst v3;
	v3 =	vadd.s32 v2, v17  }
0x92: {  	v23 =	vld [tilespmem:$0x130];
	[tilespmem:$0xCD0] =	vst v3;
	v3 =	vadd.s32 v2, v18  }
0x93: {  	v24 =	vld [tilespmem:$0x140];
	[tilespmem:$0xCE0] =	vst v3;
	v3 =	vadd.s32 v2, v19  }
0x94: {  	v25 =	vld [tilespmem:$0x150];
	[tilespmem:$0xCF0] =	vst v3;
	v3 =	vadd.s32 v2, v20  }
0x95: {  	v26 =	vld [tilespmem:$0x160];
	[tilespmem:$0xD00] =	vst v3;
	v3 =	vadd.s32 v2, v21  }
0x96: {  	v27 =	vld [tilespmem:$0x170];
	[tilespmem:$0xD10] =	vst v3;
	v3 =	vadd.s32 v2, v22  }
0x97: {  	v28 =	vld [tilespmem:$0x180];
	[tilespmem:$0xD20] =	vst v3;
	v3 =	vadd.s32 v2, v23  }
0x98: {  	v29 =	vld [tilespmem:$0x190];
	[tilespmem:$0xD30] =	vst v3;
	v3 =	vadd.s32 v2, v24  }
0x99: {  	v30 =	vld [tilespmem:$0x1A0];
	[tilespmem:$0xD40] =	vst v3;
	v3 =	vadd.s32 v2, v25  }
0x9a: {  	v31 =	vld [tilespmem:$0x1B0];
	[tilespmem:$0xD50] =	vst v3;
	v3 =	vadd.s32 v2, v26  }
0x9b: {  	v32 =	vld [tilespmem:$0x1C0];
	[tilespmem:$0xD60] =	vst v3;
	v3 =	vadd.s32 v2, v27  }
0x9c: {  	v33 =	vld [tilespmem:$0x1D0];
	[tilespmem:$0xD70] =	vst v3;
	v3 =	vadd.s32 v2, v28  }
0x9d: {  	v34 =	vld [tilespmem:$0x1E0];
	[tilespmem:$0xD80] =	vst v3;
	v3 =	vadd.s32 v2, v29  }
0x9e: {  	v35 =	vld [tilespmem:$0x1F0];
	[tilespmem:$0xD90] =	vst v3;
	v3 =	vadd.s32 v2, v30  }
0x9f: {  	[tilespmem:$0xDA0] =	vst v3;
	v3 =	vadd.s32 v2, v31  }
0xa0: {  	[tilespmem:$0xDB0] =	vst v3;
	v3 =	vadd.s32 v2, v32  }
0xa1: {  	[tilespmem:$0xDC0] =	vst v3;
	v3 =	vadd.s32 v2, v33  }
0xa2: {  	[tilespmem:$0xDD0] =	vst v3;
	v3 =	vadd.s32 v2, v34  }
0xa3: {  	[tilespmem:$0xDE0] =	vst v3;
	v3 =	vadd.s32 v2, v35  }
0xa4: {  	[tilespmem:$0xDF0] =	vst v3  }
0xa5: {  	[tilespmem:s15], [sflag:$0x1] =	stream.indirect.gather [hbm4b:s3+s14], $0x1, s14, s14, $0xb8;
	[tilespmem:$0x1A00] =	vst v63  }
0xa6: {  	_ = 	snop  }
0xa7: {  	[tilespmem:s18], [sflag:$0x2] =	stream.indirect.gather [hbm4b:s4+s16], $0x1, s17, s16, $0xb8;
	[tilespmem:$0x1A00] =	vst v63  }
0xa8: {  	_ = 	snop  }
0xa9: {  	[tilespmem:s19], [sflag:$0x3] =	stream.indirect.gather [hbm4b:s5+s16], $0x1, s17, s16, $0xb8;
	[tilespmem:$0x1A00] =	vst v63  }
0xaa: {  	_ =	swait.ge [sflag:s7], $0x200  }
0xab: {  	[sflag:s7] =	ssyncset.done $0x0  }
0xac: {  	[sflag:s7] =	ssyncadd.s32 $0xFFFFFE00  }
0xad: {  	v3 =	vld [tilespmem:$0x400]  }
0xae: {  	v36 =	vld [tilespmem:$0x410]  }
0xaf: {  	v38 =	vld [tilespmem:$0x430]  }
0xb0: {  	v37 =	vld [tilespmem:$0x420]  }
0xb1: {  	v40 =	vld [tilespmem:$0x450]  }
0xb2: {  	v39 =	vld [tilespmem:$0x440];
	v3 =	vcvt.s32.f32 v3  }
0xb3: {  	v41 =	vld [tilespmem:$0x470];
	v4 =	vcvt.s32.f32 v36  }
0xb4: {  	v9 =	vld [tilespmem:$0x460];
	v42 =	vcvt.s32.f32 v38;
	[tilespmem:$0x600] =	vst v3  }
0xb5: {  	v44 =	vld [tilespmem:$0x490];
	v3 =	vcvt.s32.f32 v37;
	[tilespmem:$0x610] =	vst v4  }
0xb6: {  	v43 =	vld [tilespmem:$0x480];
	v45 =	vcvt.s32.f32 v40;
	[tilespmem:$0x630] =	vst v42  }
0xb7: {  	v47 =	vld [tilespmem:$0x4B0];
	[tilespmem:$0x620] =	vst v3;
	v3 =	vcvt.s32.f32 v39  }
0xb8: {  	v46 =	vld [tilespmem:$0x4A0];
	v48 =	vcvt.s32.f32 v41;
	[tilespmem:$0x650] =	vst v45  }
0xb9: {  	v50 =	vld [tilespmem:$0x4D0];
	[tilespmem:$0x640] =	vst v3;
	v3 =	vcvt.s32.f32 v9  }
0xba: {  	v49 =	vld [tilespmem:$0x4C0];
	v51 =	vcvt.s32.f32 v44;
	[tilespmem:$0x670] =	vst v48  }
0xbb: {  	v53 =	vld [tilespmem:$0x4F0];
	[tilespmem:$0x660] =	vst v3;
	v3 =	vcvt.s32.f32 v43  }
0xbc: {  	v52 =	vld [tilespmem:$0x4E0];
	v54 =	vcvt.s32.f32 v47;
	[tilespmem:$0x690] =	vst v51  }
0xbd: {  	v56 =	vld [tilespmem:$0x510];
	[tilespmem:$0x680] =	vst v3;
	v3 =	vcvt.s32.f32 v46  }
0xbe: {  	v55 =	vld [tilespmem:$0x500];
	v58 =	vcvt.s32.f32 v50;
	[tilespmem:$0x6B0] =	vst v54  }
0xbf: {  	v60 =	vld [tilespmem:$0x530];
	[tilespmem:$0x6A0] =	vst v3;
	v3 =	vcvt.s32.f32 v49  }
0xc0: {  	v59 =	vld [tilespmem:$0x520];
	v61 =	vcvt.s32.f32 v53;
	[tilespmem:$0x6D0] =	vst v58  }
0xc1: {  	v63 =	vld [tilespmem:$0x550];
	[tilespmem:$0x6C0] =	vst v3;
	v3 =	vcvt.s32.f32 v52  }
0xc2: {  	v62 =	vld [tilespmem:$0x540];
	v12 =	vcvt.s32.f32 v56;
	[tilespmem:$0x6F0] =	vst v61  }
0xc3: {  	v14 =	vld [tilespmem:$0x570];
	[tilespmem:$0x6E0] =	vst v3;
	v3 =	vcvt.s32.f32 v55  }
0xc4: {  	v13 =	vld [tilespmem:$0x560];
	v15 =	vcvt.s32.f32 v60;
	[tilespmem:$0x710] =	vst v12  }
0xc5: {  	v17 =	vld [tilespmem:$0x590];
	[tilespmem:$0x700] =	vst v3;
	v3 =	vcvt.s32.f32 v59  }
0xc6: {  	v16 =	vld [tilespmem:$0x580];
	v18 =	vcvt.s32.f32 v63;
	[tilespmem:$0x730] =	vst v15  }
0xc7: {  	v20 =	vld [tilespmem:$0x5B0];
	[tilespmem:$0x720] =	vst v3;
	v3 =	vcvt.s32.f32 v62  }
0xc8: {  	v19 =	vld [tilespmem:$0x5A0];
	v21 =	vcvt.s32.f32 v14;
	[tilespmem:$0x750] =	vst v18  }
0xc9: {  	v23 =	vld [tilespmem:$0x5D0];
	[tilespmem:$0x740] =	vst v3;
	v3 =	vcvt.s32.f32 v13  }
0xca: {  	v22 =	vld [tilespmem:$0x5C0];
	v24 =	vcvt.s32.f32 v17;
	[tilespmem:$0x770] =	vst v21  }
0xcb: {  	v26 =	vld [tilespmem:$0x5F0];
	[tilespmem:$0x760] =	vst v3;
	v3 =	vcvt.s32.f32 v16  }
0xcc: {  	v25 =	vld [tilespmem:$0x5E0];
	v27 =	vcvt.s32.f32 v20;
	[tilespmem:$0x790] =	vst v24  }
0xcd: {  	[tilespmem:$0x780] =	vst v3;
	v3 =	vcvt.s32.f32 v19  }
0xce: {  	v28 =	vcvt.s32.f32 v23;
	[tilespmem:$0x7B0] =	vst v27  }
0xcf: {  	[tilespmem:$0x7A0] =	vst v3;
	v3 =	vcvt.s32.f32 v22  }
0xd0: {  	v29 =	vcvt.s32.f32 v26;
	[tilespmem:$0x7D0] =	vst v28  }
0xd1: {  	[tilespmem:$0x7C0] =	vst v3;
	v3 =	vcvt.s32.f32 v25  }
0xd2: {  	[tilespmem:$0x7F0] =	vst v29  }
0xd3: {  	[tilespmem:$0x7E0] =	vst v3  }
0xd4: {  	[hbm4b:s8+s2] =	stream.linear.scatter [tilespmem:s16], [sflag:$0x4], $0x200, $0x38;
	[tilespmem:$0x1A00] =	vst v63  }
0xd5: {  	_ =	swait.ge [sflag:s13], $0x200  }
0xd6: {  	[sflag:s13] =	ssyncset.done $0x0  }
0xd7: {  	[sflag:s13] =	ssyncadd.s32 $0xFFFFFE00  }
0xd8: {  	_ =	swait.ge [sflag:s20], $0x600  }
0xd9: {  	[sflag:s20] =	ssyncset.done $0x0  }
0xda: {  	[sflag:s20] =	ssyncadd.s32 $0xFFFFFA00  }
0xdb: {  	_ =	swait.ge [sflag:s21], $0x600  }
0xdc: {  	[sflag:s21] =	ssyncset.done $0x0  }
0xdd: {  	[sflag:s21] =	ssyncadd.s32 $0xFFFFFA00  }
0xde: {  	v1 =	vld [tilespmem:$0xFD0];
	_ =	sdelay $0x4  }
0xdf: {  	[tilespmem:$0x1FD70] =	vst v1;
	v1 =	vld [tilespmem:$0xFE0];
	_ =	sdelay $0x4  }
0xe0: {  	[tilespmem:$0x1FD80] =	vst v1;
	v1 =	vld [tilespmem:$0xFF0];
	_ =	sdelay $0x4  }
0xe1: {  	[tilespmem:$0x1FD90] =	vst v1;
	v1 =	vld [tilespmem:$0x15F0];
	_ =	sdelay $0x4  }
0xe2: {  	[tilespmem:$0x1FDA0] =	vst v1;
	v1 =	vld [tilespmem:$0x1000];
	_ =	sdelay $0x4  }
0xe3: {  	[tilespmem:$0x1FDB0] =	vst v1;
	v1 =	vld [tilespmem:$0x1600];
	_ =	sdelay $0x4  }
0xe4: {  	[tilespmem:$0x1FDC0] =	vst v1;
	v1 =	vld [tilespmem:$0x1010];
	_ =	sdelay $0x4  }
0xe5: {  	[tilespmem:$0x1FDD0] =	vst v1;
	v1 =	vld [tilespmem:$0x1610];
	_ =	sdelay $0x4  }
0xe6: {  	[tilespmem:$0x1FDE0] =	vst v1;
	v1 =	vld [tilespmem:$0x1020];
	_ =	sdelay $0x4  }
0xe7: {  	[tilespmem:$0x1FDF0] =	vst v1;
	v1 =	vld [tilespmem:$0x1620];
	_ =	sdelay $0x4  }
0xe8: {  	[tilespmem:$0x1FE00] =	vst v1;
	v1 =	vld [tilespmem:$0x1030];
	_ =	sdelay $0x4  }
0xe9: {  	[tilespmem:$0x1FE10] =	vst v1;
	v1 =	vld [tilespmem:$0x1630];
	_ =	sdelay $0x4  }
0xea: {  	[tilespmem:$0x1FE20] =	vst v1;
	v1 =	vld [tilespmem:$0x1040];
	_ =	sdelay $0x4  }
0xeb: {  	[tilespmem:$0x1FE30] =	vst v1;
	v1 =	vld [tilespmem:$0x1640];
	_ =	sdelay $0x4  }
0xec: {  	[tilespmem:$0x1FE40] =	vst v1;
	v1 =	vld [tilespmem:$0x1050];
	_ =	sdelay $0x4  }
0xed: {  	[tilespmem:$0x1FE50] =	vst v1;
	v1 =	vld [tilespmem:$0x1650];
	_ =	sdelay $0x4  }
0xee: {  	[tilespmem:$0x1FE60] =	vst v1;
	v1 =	vld [tilespmem:$0x1060];
	_ =	sdelay $0x4  }
0xef: {  	[tilespmem:$0x1FE70] =	vst v1;
	v1 =	vld [tilespmem:$0x1660];
	_ =	sdelay $0x4  }
0xf0: {  	[tilespmem:$0x1FE80] =	vst v1;
	v1 =	vld [tilespmem:$0x1070];
	_ =	sdelay $0x4  }
0xf1: {  	[tilespmem:$0x1FE90] =	vst v1;
	v1 =	vld [tilespmem:$0x1670];
	_ =	sdelay $0x4  }
0xf2: {  	[tilespmem:$0x1FEA0] =	vst v1;
	v1 =	vld [tilespmem:$0x1080];
	_ =	sdelay $0x4  }
0xf3: {  	[tilespmem:$0x1FEB0] =	vst v1;
	v1 =	vld [tilespmem:$0x1680];
	_ =	sdelay $0x4  }
0xf4: {  	[tilespmem:$0x1FEC0] =	vst v1;
	v1 =	vld [tilespmem:$0x1090];
	_ =	sdelay $0x4  }
0xf5: {  	[tilespmem:$0x1FED0] =	vst v1;
	v1 =	vld [tilespmem:$0x1690];
	_ =	sdelay $0x4  }
0xf6: {  	[tilespmem:$0x1FEE0] =	vst v1;
	v1 =	vld [tilespmem:$0x10A0];
	_ =	sdelay $0x4  }
0xf7: {  	[tilespmem:$0x1FEF0] =	vst v1;
	v1 =	vld [tilespmem:$0x16A0];
	_ =	sdelay $0x4  }
0xf8: {  	[tilespmem:$0x1FF00] =	vst v1;
	v1 =	vld [tilespmem:$0x10B0];
	_ =	sdelay $0x4  }
0xf9: {  	[tilespmem:$0x1FF10] =	vst v1;
	v1 =	vld [tilespmem:$0x16B0];
	_ =	sdelay $0x4  }
0xfa: {  	[tilespmem:$0x1FF20] =	vst v1;
	v1 =	vld [tilespmem:$0x10C0];
	_ =	sdelay $0x4  }
0xfb: {  	[tilespmem:$0x1FF30] =	vst v1;
	v1 =	vld [tilespmem:$0x16C0];
	_ =	sdelay $0x1  }
0xfc: {  	v5 =	vld [tilespmem:$0xE00]  }
0xfd: {  	v8 =	vld [tilespmem:$0x1400]  }
0xfe: {  	v13 =	vld [tilespmem:$0xE10]  }
0xff: {  	[tilespmem:$0x1FF40] =	vst v1;
	v1 =	vld [tilespmem:$0x10D0]  }
0x100: {  	v14 =	vld [tilespmem:$0x1410]  }
0x101: {  	v21 =	vld [tilespmem:$0xE20]  }
0x102: {  	v22 =	vld [tilespmem:$0x1420]  }
0x103: {  	v29 =	vld [tilespmem:$0xE30]  }
0x104: {  	[tilespmem:$0x1FF50] =	vst v1;
	v1 =	vld [tilespmem:$0x16D0]  }
0x105: {  	v30 =	vld [tilespmem:$0x1430]  }
0x106: {  	v37 =	vld [tilespmem:$0xE40]  }
0x107: {  	v38 =	vld [tilespmem:$0x1440]  }
0x108: {  	v45 =	vld [tilespmem:$0xE50]  }
0x109: {  	[tilespmem:$0x1FF60] =	vst v1;
	v1 =	vld [tilespmem:$0x10E0]  }
0x10a: {  	v46 =	vld [tilespmem:$0x1450]  }
0x10b: {  	v53 =	vld [tilespmem:$0xE60]  }
0x10c: {  	v54 =	vld [tilespmem:$0x1460]  }
0x10d: {  	v59 =	vld [tilespmem:$0xE70]  }
0x10e: {  	[tilespmem:$0x1FF70] =	vst v1;
	v1 =	vld [tilespmem:$0x16E0]  }
0x10f: {  	v60 =	vld [tilespmem:$0x1470]  }
0x110: {  	v61 =	vld [tilespmem:$0xE80]  }
0x111: {  	v62 =	vld [tilespmem:$0x1480]  }
0x112: {  	v63 =	vld [tilespmem:$0xE90]  }
0x113: {  	[tilespmem:$0x1FF80] =	vst v1;
	v1 =	vld [tilespmem:$0x10F0]  }
0x114: {  	v3 =	vld [tilespmem:$0x1490]  }
0x115: {  	v6 =	vld [tilespmem:$0xEA0]  }
0x116: {  	v4 =	vld [tilespmem:$0x14A0]  }
0x117: {  	v9 =	vld [tilespmem:$0xEB0]  }
0x118: {  	[tilespmem:$0x1FF90] =	vst v1;
	v1 =	vld [tilespmem:$0x16F0]  }
0x119: {  	v7 =	vld [tilespmem:$0x14B0]  }
0x11a: {  	v11 =	vld [tilespmem:$0xEC0]  }
0x11b: {  	v10 =	vld [tilespmem:$0x14C0]  }
0x11c: {  	v15 =	vld [tilespmem:$0xED0]  }
0x11d: {  	[tilespmem:$0x1FFA0] =	vst v1;
	v1 =	vld [tilespmem:$0x1100]  }
0x11e: {  	v12 =	vld [tilespmem:$0x14D0]  }
0x11f: {  	v17 =	vld [tilespmem:$0xEE0]  }
0x120: {  	v16 =	vld [tilespmem:$0x14E0]  }
0x121: {  	v19 =	vld [tilespmem:$0xEF0]  }
0x122: {  	[tilespmem:$0x1FFB0] =	vst v1;
	v1 =	vld [tilespmem:$0x1700]  }
0x123: {  	v18 =	vld [tilespmem:$0x14F0]  }
0x124: {  	v23 =	vld [tilespmem:$0xF00]  }
0x125: {  	v20 =	vld [tilespmem:$0x1500]  }
0x126: {  	v25 =	vld [tilespmem:$0xF10]  }
0x127: {  	[tilespmem:$0x1FFC0] =	vst v1;
	v1 =	vld [tilespmem:$0x1110]  }
0x128: {  	v24 =	vld [tilespmem:$0x1510]  }
0x129: {  	v27 =	vld [tilespmem:$0xF20]  }
0x12a: {  	v26 =	vld [tilespmem:$0x1520]  }
0x12b: {  	v31 =	vld [tilespmem:$0xF30]  }
0x12c: {  	[tilespmem:$0x1FFD0] =	vst v1;
	v1 =	vld [tilespmem:$0x1710]  }
0x12d: {  	v28 =	vld [tilespmem:$0x1530]  }
0x12e: {  	v33 =	vld [tilespmem:$0xF40]  }
0x12f: {  	v32 =	vld [tilespmem:$0x1540]  }
0x130: {  	v35 =	vld [tilespmem:$0xF50]  }
0x131: {  	[tilespmem:$0x1FFE0] =	vst v1;
	v1 =	vld [tilespmem:$0x1120]  }
0x132: {  	v34 =	vld [tilespmem:$0x1550]  }
0x133: {  	v39 =	vld [tilespmem:$0xF60];
	v14 =	vadd.f32 v14, v13  }
0x134: {  	v36 =	vld [tilespmem:$0x1560]  }
0x135: {  	v41 =	vld [tilespmem:$0xF70];
	v30 =	vadd.f32 v30, v29;
	[tilespmem:$0xE10] =	vst v14  }
0x136: {  	v40 =	vld [tilespmem:$0x1570];
	[tilespmem:$0x1FFF0] =	vst v1;
	v1 =	vadd.f32 v8, v5  }
0x137: {  	v43 =	vld [tilespmem:$0xF80];
	v46 =	vadd.f32 v46, v45;
	[tilespmem:$0xE30] =	vst v30  }
0x138: {  	v42 =	vld [tilespmem:$0x1580];
	[tilespmem:$0xE00] =	vst v1;
	v1 =	vadd.f32 v22, v21  }
0x139: {  	v47 =	vld [tilespmem:$0xF90];
	v3 =	vadd.f32 v3, v63;
	[tilespmem:$0xE50] =	vst v46  }
0x13a: {  	v44 =	vld [tilespmem:$0x1590];
	[tilespmem:$0xE20] =	vst v1;
	v1 =	vadd.f32 v38, v37  }
0x13b: {  	v49 =	vld [tilespmem:$0xFA0];
	[tilespmem:$0xE90] =	vst v3;
	v3 =	vadd.f32 v7, v9  }
0x13c: {  	v48 =	vld [tilespmem:$0x15A0];
	[tilespmem:$0xE40] =	vst v1;
	v1 =	vadd.f32 v54, v53  }
0x13d: {  	v51 =	vld [tilespmem:$0xFB0];
	[tilespmem:$0xEB0] =	vst v3;
	v3 =	vadd.f32 v12, v15  }
0x13e: {  	v50 =	vld [tilespmem:$0x15B0];
	[tilespmem:$0xE60] =	vst v1;
	v1 =	vadd.f32 v62, v61  }
0x13f: {  	v55 =	vld [tilespmem:$0xFC0];
	[tilespmem:$0xED0] =	vst v3;
	v3 =	vadd.f32 v18, v19  }
0x140: {  	v52 =	vld [tilespmem:$0x15C0];
	[tilespmem:$0xE80] =	vst v1;
	v1 =	vadd.f32 v4, v6  }
0x141: {  	v56 =	vld [tilespmem:$0x15D0];
	[tilespmem:$0xEF0] =	vst v3;
	v3 =	vadd.f32 v24, v25  }
0x142: {  	v58 =	vld [tilespmem:$0x15E0];
	[tilespmem:$0xEA0] =	vst v1;
	v1 =	vadd.f32 v10, v11  }
0x143: {  	v13 =	vld [tilespmem:$0x1730];
	[tilespmem:$0xF10] =	vst v3;
	v3 =	vadd.f32 v28, v31  }
0x144: {  	v29 =	vld [tilespmem:$0x1750];
	[tilespmem:$0xEC0] =	vst v1;
	v1 =	vadd.f32 v16, v17  }
0x145: {  	v45 =	vld [tilespmem:$0x1770];
	[tilespmem:$0xF30] =	vst v3;
	v3 =	vadd.f32 v34, v35  }
0x146: {  	v14 =	vld [tilespmem:$0x1140];
	[tilespmem:$0xEE0] =	vst v1;
	v1 =	vadd.f32 v20, v23  }
0x147: {  	v30 =	vld [tilespmem:$0x1160];
	[tilespmem:$0xF50] =	vst v3;
	v3 =	vadd.f32 v40, v41  }
0x148: {  	v46 =	vld [tilespmem:$0x1180];
	[tilespmem:$0xF00] =	vst v1;
	v1 =	vadd.f32 v26, v27  }
0x149: {  	v7 =	vld [tilespmem:$0x17A0];
	[tilespmem:$0xF70] =	vst v3;
	v3 =	vadd.f32 v44, v47  }
0x14a: {  	v9 =	vld [tilespmem:$0x11B0];
	[tilespmem:$0xF20] =	vst v1;
	v1 =	vadd.f32 v32, v33  }
0x14b: {  	v12 =	vld [tilespmem:$0x17C0];
	[tilespmem:$0xF90] =	vst v3;
	v3 =	vadd.f32 v50, v51  }
0x14c: {  	v15 =	vld [tilespmem:$0x11D0];
	[tilespmem:$0xF40] =	vst v1;
	v1 =	vadd.f32 v36, v39  }
0x14d: {  	v18 =	vld [tilespmem:$0x17E0];
	[tilespmem:$0xFB0] =	vst v3  }
0x14e: {  	v3 =	vld [tilespmem:$0x1FD70];
	[tilespmem:$0xF60] =	vst v1;
	v1 =	vadd.f32 v42, v43  }
0x14f: {  	v19 =	vld [tilespmem:$0x11F0]  }
0x150: {  	v24 =	vld [tilespmem:$0x1800];
	[tilespmem:$0xF80] =	vst v1;
	v1 =	vadd.f32 v48, v49  }
0x151: {  	v25 =	vld [tilespmem:$0x1210]  }
0x152: {  	v28 =	vld [tilespmem:$0x1820];
	[tilespmem:$0xFA0] =	vst v1;
	v1 =	vadd.f32 v52, v55  }
0x153: {  	v40 =	vld [tilespmem:$0x1FDA0];
	v3 =	vadd.f32 v56, v3  }
0x154: {  	[tilespmem:$0xFC0] =	vst v1;
	v1 =	vld [tilespmem:$0x1FD80]  }
0x155: {  	[tilespmem:$0xFD0] =	vst v3;
	v3 =	vld [tilespmem:$0x1FD90]  }
0x156: {  	v31 =	vld [tilespmem:$0x1230]  }
0x157: {  	v34 =	vld [tilespmem:$0x1840]  }
0x158: {  	v35 =	vld [tilespmem:$0x1250]  }
0x159: {  	v41 =	vld [tilespmem:$0x1FDC0];
	v1 =	vadd.f32 v58, v1  }
0x15a: {  	v3 =	vadd.f32 v40, v3;
	v40 =	vld [tilespmem:$0x1860]  }
0x15b: {  	[tilespmem:$0xFE0] =	vst v1;
	v1 =	vld [tilespmem:$0x1FDB0]  }
0x15c: {  	[tilespmem:$0xFF0] =	vst v3;
	v3 =	vld [tilespmem:$0x1FDD0]  }
0x15d: {  	v42 =	vld [tilespmem:$0x1FDE0]  }
0x15e: {  	v44 =	vld [tilespmem:$0x1FE20]  }
0x15f: {  	v47 =	vld [tilespmem:$0x1FE40]  }
0x160: {  	v50 =	vld [tilespmem:$0x1FEA0];
	v1 =	vadd.f32 v41, v1  }
0x161: {  	v43 =	vld [tilespmem:$0x1FE00]  }
0x162: {  	v3 =	vadd.f32 v42, v3;
	[tilespmem:$0x1000] =	vst v1;
	v1 =	vld [tilespmem:$0x1FDF0]  }
0x163: {  	v51 =	vld [tilespmem:$0x1FEC0]  }
0x164: {  	[tilespmem:$0x1010] =	vst v3;
	v3 =	vld [tilespmem:$0x1FE10]  }
0x165: {  	v60 =	vadd.f32 v60, v59;
	v56 =	vld [tilespmem:$0x1FF20]  }
0x166: {  	v59 =	vld [tilespmem:$0x1FF60]  }
0x167: {  	[tilespmem:$0xE70] =	vst v60;
	v60 =	vld [tilespmem:$0x1FF80];
	v1 =	vadd.f32 v43, v1  }
0x168: {  	v63 =	vld [tilespmem:$0x1FFE0]  }
0x169: {  	v3 =	vadd.f32 v44, v3;
	[tilespmem:$0x1020] =	vst v1;
	v1 =	vld [tilespmem:$0x1FE30]  }
0x16a: {  	v48 =	vld [tilespmem:$0x1FE60]  }
0x16b: {  	[tilespmem:$0x1030] =	vst v3;
	v3 =	vld [tilespmem:$0x1FE50]  }
0x16c: {  	v8 =	vld [tilespmem:$0x1720]  }
0x16d: {  	v5 =	vld [tilespmem:$0x1130]  }
0x16e: {  	v21 =	vld [tilespmem:$0x1740];
	v1 =	vadd.f32 v47, v1  }
0x16f: {  	v49 =	vld [tilespmem:$0x1FE80]  }
0x170: {  	v3 =	vadd.f32 v48, v3;
	[tilespmem:$0x1040] =	vst v1;
	v1 =	vld [tilespmem:$0x1FE70]  }
0x171: {  	v22 =	vld [tilespmem:$0x1150]  }
0x172: {  	[tilespmem:$0x1050] =	vst v3;
	v3 =	vld [tilespmem:$0x1FE90]  }
0x173: {  	v37 =	vld [tilespmem:$0x1760]  }
0x174: {  	v38 =	vld [tilespmem:$0x1170]  }
0x175: {  	v53 =	vld [tilespmem:$0x1780];
	v1 =	vadd.f32 v49, v1  }
0x176: {  	v54 =	vld [tilespmem:$0x1190]  }
0x177: {  	v3 =	vadd.f32 v50, v3;
	[tilespmem:$0x1060] =	vst v1;
	v1 =	vld [tilespmem:$0x1FEB0]  }
0x178: {  	v52 =	vld [tilespmem:$0x1FEE0]  }
0x179: {  	[tilespmem:$0x1070] =	vst v3;
	v3 =	vld [tilespmem:$0x1FED0]  }
0x17a: {  	v61 =	vld [tilespmem:$0x1FFA0]  }
0x17b: {  	v62 =	vld [tilespmem:$0x1FFC0]  }
0x17c: {  	v4 =	vld [tilespmem:$0x1790];
	v1 =	vadd.f32 v51, v1  }
0x17d: {  	v55 =	vld [tilespmem:$0x1FF00]  }
0x17e: {  	v3 =	vadd.f32 v52, v3;
	[tilespmem:$0x1080] =	vst v1;
	v1 =	vld [tilespmem:$0x1FEF0]  }
0x17f: {  	v6 =	vld [tilespmem:$0x11A0]  }
0x180: {  	[tilespmem:$0x1090] =	vst v3;
	v3 =	vld [tilespmem:$0x1FF10]  }
0x181: {  	v10 =	vld [tilespmem:$0x17B0]  }
0x182: {  	v11 =	vld [tilespmem:$0x11C0]  }
0x183: {  	v16 =	vld [tilespmem:$0x17D0];
	v1 =	vadd.f32 v55, v1  }
0x184: {  	v58 =	vld [tilespmem:$0x1FF40]  }
0x185: {  	v3 =	vadd.f32 v56, v3;
	[tilespmem:$0x10A0] =	vst v1;
	v1 =	vld [tilespmem:$0x1FF30]  }
0x186: {  	v17 =	vld [tilespmem:$0x11E0]  }
0x187: {  	[tilespmem:$0x10B0] =	vst v3;
	v3 =	vld [tilespmem:$0x1FF50]  }
0x188: {  	v20 =	vld [tilespmem:$0x17F0]  }
0x189: {  	v23 =	vld [tilespmem:$0x1200]  }
0x18a: {  	v26 =	vld [tilespmem:$0x1810];
	v1 =	vadd.f32 v58, v1  }
0x18b: {  	v27 =	vld [tilespmem:$0x1220]  }
0x18c: {  	v3 =	vadd.f32 v59, v3;
	[tilespmem:$0x10C0] =	vst v1;
	v1 =	vld [tilespmem:$0x1FF70]  }
0x18d: {  	v32 =	vld [tilespmem:$0x1830]  }
0x18e: {  	[tilespmem:$0x10D0] =	vst v3;
	v3 =	vld [tilespmem:$0x1FF90]  }
0x18f: {  	v33 =	vld [tilespmem:$0x1240]  }
0x190: {  	v36 =	vld [tilespmem:$0x1850]  }
0x191: {  	v39 =	vld [tilespmem:$0x1260];
	v1 =	vadd.f32 v60, v1  }
0x192: {  	v42 =	vld [tilespmem:$0x1870]  }
0x193: {  	v3 =	vadd.f32 v61, v3;
	[tilespmem:$0x10E0] =	vst v1;
	v1 =	vld [tilespmem:$0x1FFB0]  }
0x194: {  	v44 =	vld [tilespmem:$0x1880]  }
0x195: {  	[tilespmem:$0x10F0] =	vst v3;
	v3 =	vld [tilespmem:$0x1FFD0]  }
0x196: {  	v41 =	vld [tilespmem:$0x1270]  }
0x197: {  	v48 =	vld [tilespmem:$0x1890]  }
0x198: {  	v43 =	vld [tilespmem:$0x1280];
	v1 =	vadd.f32 v62, v1  }
0x199: {  	v50 =	vld [tilespmem:$0x18A0]  }
0x19a: {  	v3 =	vadd.f32 v63, v3;
	[tilespmem:$0x1100] =	vst v1;
	v1 =	vld [tilespmem:$0x1FFF0]  }
0x19b: {  	v47 =	vld [tilespmem:$0x1290]  }
0x19c: {  	v52 =	vld [tilespmem:$0x12E0];
	[tilespmem:$0x1110] =	vst v3;
	v3 =	vadd.f32 v13, v5  }
0x19d: {  	v49 =	vld [tilespmem:$0x12A0]  }
0x19e: {  	v56 =	vld [tilespmem:$0x1300];
	[tilespmem:$0x1130] =	vst v3;
	v3 =	vadd.f32 v29, v22  }
0x19f: {  	v51 =	vld [tilespmem:$0x12B0];
	v1 =	vadd.f32 v8, v1  }
0x1a0: {  	v59 =	vld [tilespmem:$0x1310];
	[tilespmem:$0x1150] =	vst v3;
	v3 =	vadd.f32 v45, v38  }
0x1a1: {  	v55 =	vld [tilespmem:$0x18F0];
	[tilespmem:$0x1120] =	vst v1;
	v1 =	vadd.f32 v21, v14  }
0x1a2: {  	v61 =	vld [tilespmem:$0x1320];
	[tilespmem:$0x1170] =	vst v3;
	v3 =	vadd.f32 v4, v54  }
0x1a3: {  	v58 =	vld [tilespmem:$0x1900];
	[tilespmem:$0x1140] =	vst v1;
	v1 =	vadd.f32 v37, v30  }
0x1a4: {  	v63 =	vld [tilespmem:$0x1330];
	[tilespmem:$0x1190] =	vst v3;
	v3 =	vadd.f32 v10, v9  }
0x1a5: {  	v5 =	vld [tilespmem:$0x12C0];
	[tilespmem:$0x1160] =	vst v1;
	v1 =	vadd.f32 v53, v46  }
0x1a6: {  	v13 =	vld [tilespmem:$0x18C0];
	[tilespmem:$0x11B0] =	vst v3;
	v3 =	vadd.f32 v16, v15  }
0x1a7: {  	v60 =	vld [tilespmem:$0x1910];
	[tilespmem:$0x1180] =	vst v1;
	v1 =	vadd.f32 v7, v6  }
0x1a8: {  	v38 =	vld [tilespmem:$0x1350];
	[tilespmem:$0x11D0] =	vst v3;
	v3 =	vadd.f32 v20, v19  }
0x1a9: {  	v45 =	vld [tilespmem:$0x1370];
	[tilespmem:$0x11A0] =	vst v1;
	v1 =	vadd.f32 v12, v11  }
0x1aa: {  	v54 =	vld [tilespmem:$0x12F0];
	[tilespmem:$0x11F0] =	vst v3;
	v3 =	vadd.f32 v26, v25  }
0x1ab: {  	v62 =	vld [tilespmem:$0x1920];
	[tilespmem:$0x11C0] =	vst v1;
	v1 =	vadd.f32 v18, v17  }
0x1ac: {  	[tilespmem:$0x1210] =	vst v3;
	v3 =	vadd.f32 v32, v31;
	v32 =	vld [tilespmem:$0x1340]  }
0x1ad: {  	v8 =	vld [tilespmem:$0x18B0];
	[tilespmem:$0x11E0] =	vst v1;
	v1 =	vadd.f32 v24, v23  }
0x1ae: {  	[tilespmem:$0x1230] =	vst v3;
	v3 =	vadd.f32 v36, v35;
	v14 =	vld [tilespmem:$0x12D0]  }
0x1af: {  	v21 =	vld [tilespmem:$0x18D0];
	[tilespmem:$0x1200] =	vst v1;
	v1 =	vadd.f32 v28, v27  }
0x1b0: {  	[tilespmem:$0x1250] =	vst v3;
	v3 =	vadd.f32 v42, v41;
	v42 =	vld [tilespmem:$0x1360]  }
0x1b1: {  	v30 =	vld [tilespmem:$0x1930];
	[tilespmem:$0x1220] =	vst v1;
	v1 =	vadd.f32 v34, v33  }
0x1b2: {  	v37 =	vld [tilespmem:$0x1940];
	[tilespmem:$0x1270] =	vst v3;
	v3 =	vadd.f32 v48, v47  }
0x1b3: {  	v47 =	vld [tilespmem:$0x1380];
	[tilespmem:$0x1240] =	vst v1;
	v1 =	vadd.f32 v40, v39  }
0x1b4: {  	v48 =	vld [tilespmem:$0x1980];
	[tilespmem:$0x1290] =	vst v3;
	v3 =	vadd.f32 v8, v51  }
0x1b5: {  	v53 =	vld [tilespmem:$0x18E0];
	[tilespmem:$0x1260] =	vst v1;
	v1 =	vadd.f32 v44, v43  }
0x1b6: {  	v46 =	vld [tilespmem:$0x1970];
	[tilespmem:$0x12B0] =	vst v3;
	v3 =	vadd.f32 v21, v14  }
0x1b7: {  	v51 =	vld [tilespmem:$0x13A0];
	[tilespmem:$0x1280] =	vst v1;
	v1 =	vadd.f32 v50, v49  }
0x1b8: {  	[tilespmem:$0x12D0] =	vst v3;
	v3 =	vadd.f32 v55, v54;
	v54 =	vld [tilespmem:$0x19B0]  }
0x1b9: {  	v55 =	vld [tilespmem:$0x13C0];
	[tilespmem:$0x12A0] =	vst v1;
	v1 =	vadd.f32 v13, v5  }
0x1ba: {  	[tilespmem:$0x12F0] =	vst v3;
	v3 =	vadd.f32 v60, v59;
	v59 =	vld [tilespmem:$0x19D0]  }
0x1bb: {  	v40 =	vld [tilespmem:$0x1950];
	[tilespmem:$0x12C0] =	vst v1;
	v1 =	vadd.f32 v53, v52  }
0x1bc: {  	v60 =	vld [tilespmem:$0x13E0]  }
0x1bd: {  	v44 =	vld [tilespmem:$0x1960];
	[tilespmem:$0x12E0] =	vst v1;
	v1 =	vadd.f32 v58, v56  }
0x1be: {  	[tilespmem:$0x1310] =	vst v3;
	v3 =	vadd.f32 v30, v63;
	v49 =	vld [tilespmem:$0x1390]  }
0x1bf: {  	v50 =	vld [tilespmem:$0x1990];
	[tilespmem:$0x1300] =	vst v1;
	v1 =	vadd.f32 v62, v61  }
0x1c0: {  	v63 =	vld [tilespmem:$0x19F0];
	[tilespmem:$0x1330] =	vst v3;
	v3 =	vadd.f32 v40, v38  }
0x1c1: {  	v53 =	vld [tilespmem:$0x13B0];
	[tilespmem:$0x1320] =	vst v1;
	v1 =	vadd.f32 v37, v32  }
0x1c2: {  	[tilespmem:$0x1350] =	vst v3;
	v3 =	vadd.f32 v46, v45;
	v52 =	vld [tilespmem:$0x19A0]  }
0x1c3: {  	v58 =	vld [tilespmem:$0x13D0];
	[tilespmem:$0x1340] =	vst v1;
	v1 =	vadd.f32 v44, v42  }
0x1c4: {  	[tilespmem:$0x1370] =	vst v3;
	v3 =	vadd.f32 v50, v49;
	v56 =	vld [tilespmem:$0x19C0]  }
0x1c5: {  	v62 =	vld [tilespmem:$0x13F0];
	[tilespmem:$0x1360] =	vst v1;
	v1 =	vadd.f32 v48, v47  }
0x1c6: {  	[tilespmem:$0x1390] =	vst v3;
	v61 =	vld [tilespmem:$0x19E0];
	v3 =	vadd.f32 v54, v53  }
0x1c7: {  	[tilespmem:$0x1380] =	vst v1;
	v1 =	vadd.f32 v52, v51  }
0x1c8: {  	[tilespmem:$0x13B0] =	vst v3;
	v3 =	vadd.f32 v59, v58  }
0x1c9: {  	[tilespmem:$0x13A0] =	vst v1;
	v1 =	vadd.f32 v56, v55  }
0x1ca: {  	[tilespmem:$0x13D0] =	vst v3;
	v3 =	vadd.f32 v63, v62  }
0x1cb: {  	[tilespmem:$0x13C0] =	vst v1;
	v1 =	vadd.f32 v61, v60  }
0x1cc: {  	[tilespmem:$0x13F0] =	vst v3  }
0x1cd: {  	[tilespmem:$0x13E0] =	vst v1  }
0x1ce: {  	[hbm4b:s9+s2] =	stream.linear.scatter [tilespmem:s18], [sflag:$0x4], $0x200, $0x38;
	[tilespmem:$0x1A00] =	vst v63  }
0x1cf: {  	_ =	swait.ge [sflag:s13], $0x200  }
0x1d0: {  	[sflag:s13] =	ssyncset.done $0x0  }
0x1d1: {  	[sflag:s13] =	ssyncadd.s32 $0xFFFFFE00  }
0x1d2: {  	[hbm4b:s10+s2] =	stream.linear.scatter [tilespmem:s22], [sflag:$0x4], $0x200, $0x38;
	[tilespmem:$0x1A00] =	vst v63  }
0x1d3: {  	_ =	swait.ge [sflag:s13], $0x200  }
0x1d4: {  	p0 =	sne.s32 s12, $0x1;
	[sflag:s13] =	ssyncset.done $0x0  }
.Ltmp0:
0x1d5: {  	[sflag:s13] =	ssyncadd.s32 $0xFFFFFE00;
	(pc) =	sbr.rel @p0 .LBB2_1-.Ltmp0, $4  }
0x1d6: {  	[hbm4b:s11+s2] =	stream.linear.scatter [tilespmem:s23], [sflag:$0x4], $0x200, $0x38;
	[tilespmem:$0x1A00] =	vst v63  }
0x1d7: {  	_ =	swait.ge [sflag:s13], $0x200  }
0x1d8: {  	[sflag:s13] =	ssyncset.done $0x0  }
0x1d9: {  	s12 =	sadd.s32 $0xFFFFFFFF, s12;
	[sflag:s13] =	ssyncadd.s32 $0xFFFFFE00  }
0x1da: {  	_ =	sfence.sel $0x180000  }
0x1db: {  	[bflag:$0x0] =	sbarrier.arrive $0xFFFF  }
0x1dc: {  	p0 =	sne.s32 s0, $0x0;
	_ =	strace $0x90000047  }
0x1dd: {  	s0 =	sadd.s32 @!p0 $0x100000, s1;
	[bflag:$0x2] =	sbarrier.arrive $0xFFFF  }
0x1de: {  	[sflag:s0] =	ssyncadd.tile.s32 @!p0 $0x1;
	_ =	shalt  }
.Lfunc_end2:
_tile_overlayer_lowered:
.L_overlay_start_2:
0x1df: {  	(tag) =	ssettag $0x2  }
0x1e0: {  	s0 =	rddreg [dreg:$0x0];
	s2 =	stileid.u32  }
0x1e1: {  	s1 =	rddreg [dreg:$0x1];
	p0 =	sne.s32 s2, $0x0  }
0x1e2: {  	s3 =	rddreg [dreg:$0x2];
	[bflag:$0x3] =	sbarrier.arrive $0xFFFF;
	s2 =	simm.s32 @!p0 $0x1C04  }
0x1e3: {  	[timem:s3], [sflag:s2] =	dma.local @!p0 [hbm:s0], s1  }
0x1e4: {  	s0 =	simm.s32 @!p0 $0x4  }
0x1e5: {  	_ =	swait.ge @!p0 [sflag:s0], s1  }
0x1e6: {  	s1 =	ssub.s32 @!p0 $0x0, s1;
	[sflag:s0] =	ssyncset.done @!p0 $0x0  }
0x1e7: {  	[sflag:s0] =	ssyncadd.s32 @!p0 s1  }
0x1e8: {  	[bflag:$0x3] =	sbarrier.arrive $0xFFFF  }
0x1e9: {  	_ =	shalt  }

</sc_bundles>
